<compile_context>
chip_gen: v7x
topology: tpu7x:2x2x1
jax: 0.10.2.dev20260603
libtpu: 0.0.44.dev20260713+nightly
codegen_flags: <defaults>
</compile_context>

<pallas_src>
import functools

import jax
import jax.numpy as jnp
from jax import lax
from jax.experimental import pallas as pl
from jax.experimental.pallas import tpu as pltpu
from jax.experimental.pallas import tpu_sc as plsc

EPS = 1e-09
J = 16384
K = 16
A = 128
NC, NS = 2, 16
NW = NC * NS
ROWS_W = J // NW
RB = 8
GN = RB * K
NBATCH = ROWS_W // RB
NCH = A // 16


def _rsqrt(x):
    i = lax.bitcast_convert_type(x, jnp.int32)
    i = 0x5F3759DF - lax.shift_right_logical(i, 1)
    y = lax.bitcast_convert_type(i, jnp.float32)
    for _ in range(3):
        y = y * (1.5 - 0.5 * x * y * y)
    return y


_MESH = plsc.VectorSubcoreMesh(
    core_axis_name="c", subcore_axis_name="s", num_cores=NC, num_subcores=NS
)


@functools.partial(
    pl.kernel,
    out_type=jax.ShapeDtypeStruct((J * K,), jnp.float32),
    mesh=_MESH,
    compiler_params=pltpu.CompilerParams(needs_layout_passes=False),
    scratch_types=[
        pltpu.VMEM((ROWS_W * K,), jnp.int32),
        pltpu.VMEM((ROWS_W, A), jnp.float32),
        pltpu.VMEM((GN, A), jnp.float32),
        pltpu.VMEM((GN, A), jnp.float32),
        pltpu.VMEM((RB * K * 16,), jnp.float32),
        pltpu.VMEM((ROWS_W * K,), jnp.float32),
        pltpu.SemaphoreType.DMA,
        pltpu.SemaphoreType.DMA,
    ],
)
def _buildk_sc(uu, idxf, out, idx_v, q_v, nb0, nb1, st_v, w_v, sem0, sem1):
    wid = lax.axis_index("s") * NC + lax.axis_index("c")
    row0 = wid * ROWS_W

    pltpu.sync_copy(idxf.at[pl.ds(row0 * K, ROWS_W * K)], idx_v)
    pltpu.sync_copy(uu.at[pl.ds(row0, ROWS_W)], q_v)

    nbs = (nb0, nb1)
    sems = (sem0, sem1)

    def gather_start(g, b):
        off = pl.multiple_of(g * GN, GN)
        pltpu.async_copy(uu.at[idx_v.at[pl.ds(off, GN)]], nbs[b], sems[b])

    def gather_wait(g, b):
        off = pl.multiple_of(g * GN, GN)
        pltpu.make_async_copy(
            uu.at[idx_v.at[pl.ds(off, GN)]], nbs[b], sems[b]
        ).wait()

    lane = lax.iota(jnp.int32, 16)

    def _treesum(vals):
        vals = list(vals)
        while len(vals) > 1:
            vals = [
                vals[j] + vals[j + 1] if j + 1 < len(vals) else vals[j]
                for j in range(0, len(vals), 2)
            ]
        return vals[0]

    def compute_batch(g, nb):
        @plsc.parallel_loop(0, RB, unroll=2)
        def _row(r):
            row = g * RB + r
            sbase = r * (K * 16)
            qc = [q_v[row, pl.ds(c * 16, 16)] for c in range(NCH)]
            for i in range(K):
                nrow = r * K + i
                sq = []
                for c in range(NCH):
                    diff = nb[nrow, pl.ds(c * 16, 16)] - qc[c]
                    sq.append(diff * diff)
                st_v[pl.ds(pl.multiple_of(sbase + i * 16, 16), 16)] = _treesum(sq)
            dsum = _treesum(
                [
                    plsc.load_gather(st_v, [sbase + lane * 16 + l])
                    for l in range(16)
                ]
            )
            msd = dsum * (1.0 / A) + EPS
            dvec = -(msd * _rsqrt(msd))
            e = jnp.exp(dvec - jnp.max(dvec))
            wv = e / jnp.sum(e)
            w_v[pl.ds(pl.multiple_of(row * K, K), K)] = wv

    gather_start(0, 0)
    gather_start(1, 1)

    @pl.loop(0, NBATCH, step=2)
    def _pair(g):
        for b in range(2):
            gg = g + b
            gather_wait(gg, b)
            compute_batch(gg, nbs[b])

            @pl.when(gg + 2 < NBATCH)
            def _():
                gather_start(gg + 2, b)

    pltpu.sync_copy(w_v, out.at[pl.ds(row0 * K, ROWS_W * K)])


def kernel(input1, input2):
    a = input1.shape[1]
    uu = input1.reshape(a, -1).T.astype(jnp.float32)
    idxf = input2.astype(jnp.int32).reshape(-1)
    w = _buildk_sc(uu, idxf)
    return w.reshape(J, K)

# --- scband reference (transcript-rebuilt; emitter-appended) ---
"""Pipeline reference for scband-build-k-25005299597348 (READ-ONLY COPY).

The authoritative reference and input builder live on the scoring server;
editing this copy changes nothing except your own understanding.
"""

import jax, jax.numpy as jnp
import numpy as np

EPS = 1e-09

def setup_inputs(seed: int = 0) -> dict:
    key = jax.random.key(seed)
    k1, k2 = jax.random.split(key)
    input1 = jax.random.normal(k1, (1, 128, 128, 128), dtype=jnp.float32)
    input2 = jax.random.randint(k2, (16384, 16), 0, 16384, dtype=jnp.int64)
    return {"input1": input1, "input2": input2}

def reference(input1, input2):
    # Faithful translation of BuildK.forward
    a, b, c = input1.shape[1], input1.shape[2], input1.shape[3]
    UU = input1.reshape(a, b * c).T            # [b*c, a]
    J = input2.shape[0]
    # Vectorized form of the per-column loop:
    # D[:, i] = -sqrt(mean((UU[0:J] - UU[input2[:, i]])**2, axis=1) + eps)
    neigh = jnp.take(UU, input2, axis=0)       # gather: [J, K, a]
    diff = UU[:J][:, None, :] - neigh          # [J, K, a]
    D = -jnp.sqrt(jnp.mean(diff ** 2, axis=2) + EPS)  # [J, K]
    W = jax.nn.softmax(D, axis=1)
    return W

if __name__ == "__main__":
    import jax
    _d = setup_inputs()
    print(jax.jit(kernel)(*tuple(_d.values())))

</pallas_src>

<mosaic_0001>
#map = affine_map<(d0, d1) -> (0, 0)>
#map1 = affine_map<(d0, d1) -> (0)>
module attributes {stable_mosaic.version = 14 : i64} {
  func.func @_buildk_sc(%arg0: i32, %arg1: i32, %arg2: memref<16384x128xf32, #tpu.memory_space<hbm>>, %arg3: memref<262144xi32, #tpu.memory_space<hbm>>, %arg4: memref<262144xf32, #tpu.memory_space<hbm>>, %arg5: memref<8192xi32, #tpu.memory_space<vmem>>, %arg6: memref<512x128xf32, #tpu.memory_space<vmem>>, %arg7: memref<128x128xf32, #tpu.memory_space<vmem>>, %arg8: memref<128x128xf32, #tpu.memory_space<vmem>>, %arg9: memref<2048xf32, #tpu.memory_space<vmem>>, %arg10: memref<8192xf32, #tpu.memory_space<vmem>>, %arg11: memref<!tpu.dma_semaphore, #tpu.memory_space<semaphore_mem>>, %arg12: memref<!tpu.dma_semaphore, #tpu.memory_space<semaphore_mem>>) attributes {dimension_semantics = [#tpu.dimension_semantics<core_parallel>, #tpu.dimension_semantics<subcore_parallel>], iteration_bounds = array<i64: 2, 16>, scalar_prefetch = 0 : i64, scratch_operands = 8 : i64, tpu.core_type = #tpu.core_type<sc_vector_subcore>, window_params = [{transform_indices = #map}, {transform_indices = #map1}, {transform_indices = #map1}]} {
    %mul3A = arith.constant 2 : i32
    %mul3A_0 = arith.muli %arg1, %mul3A : i32
    %add3A = arith.addi %mul3A_0, %arg0 : i32
    %mul3A_1 = arith.constant 512 : i32
    %mul3A_2 = arith.muli %add3A, %mul3A_1 : i32
    %mul3A_3 = arith.constant 16 : i32
    %mul3A_4 = arith.muli %mul3A_2, %mul3A_3 : i32
    "tpu.region"() ({
      %run_scoped3A = tpu.sem_alloc : memref<!tpu.dma_semaphore, #tpu.memory_space<semaphore_mem>>
      %dma_start3A_21 = tpu.memref_slice %arg3[%mul3A_4] : memref<262144xi32, #tpu.memory_space<hbm>> -> memref<8192xi32, #tpu.memory_space<hbm>>
      %dma_start3A_22 = tpu.memref_slice %arg3[%mul3A_4] : memref<262144xi32, #tpu.memory_space<hbm>> -> memref<8192xi32, #tpu.memory_space<hbm>>
      tpu.enqueue_dma source(%dma_start3A_22 : memref<8192xi32, #tpu.memory_space<hbm>>) target(%arg5 : memref<8192xi32, #tpu.memory_space<vmem>>) target_semaphore(%run_scoped3A : memref<!tpu.dma_semaphore, #tpu.memory_space<semaphore_mem>>)
      %dma_wait3A = tpu.memref_slice %arg3[%mul3A_4] : memref<262144xi32, #tpu.memory_space<hbm>> -> memref<8192xi32, #tpu.memory_space<hbm>>
      %dma_wait3A_23 = tpu.memref_slice %arg3[%mul3A_4] : memref<262144xi32, #tpu.memory_space<hbm>> -> memref<8192xi32, #tpu.memory_space<hbm>>
      tpu.wait_dma2 semaphore(%run_scoped3A : memref<!tpu.dma_semaphore, #tpu.memory_space<semaphore_mem>>) src(%dma_wait3A_23 : memref<8192xi32, #tpu.memory_space<hbm>>) dst(%arg5 : memref<8192xi32, #tpu.memory_space<vmem>>)
      tpu.yield
    }) : () -> ()
    "tpu.region"() ({
      %run_scoped3A = tpu.sem_alloc : memref<!tpu.dma_semaphore, #tpu.memory_space<semaphore_mem>>
      %dma_start3A_21 = arith.constant 0 : i32
      %dma_start3A_22 = tpu.memref_slice %arg2[%mul3A_2, %dma_start3A_21] : memref<16384x128xf32, #tpu.memory_space<hbm>> -> memref<512x128xf32, #tpu.memory_space<hbm>>
      %dma_start3A_23 = arith.constant 0 : i32
      %dma_start3A_24 = tpu.memref_slice %arg2[%mul3A_2, %dma_start3A_23] : memref<16384x128xf32, #tpu.memory_space<hbm>> -> memref<512x128xf32, #tpu.memory_space<hbm>>
      tpu.enqueue_dma source(%dma_start3A_24 : memref<512x128xf32, #tpu.memory_space<hbm>>) target(%arg6 : memref<512x128xf32, #tpu.memory_space<vmem>>) target_semaphore(%run_scoped3A : memref<!tpu.dma_semaphore, #tpu.memory_space<semaphore_mem>>)
      %dma_wait3A = arith.constant 0 : i32
      %dma_wait3A_25 = tpu.memref_slice %arg2[%mul3A_2, %dma_wait3A] : memref<16384x128xf32, #tpu.memory_space<hbm>> -> memref<512x128xf32, #tpu.memory_space<hbm>>
      %dma_wait3A_26 = arith.constant 0 : i32
      %dma_wait3A_27 = tpu.memref_slice %arg2[%mul3A_2, %dma_wait3A_26] : memref<16384x128xf32, #tpu.memory_space<hbm>> -> memref<512x128xf32, #tpu.memory_space<hbm>>
      tpu.wait_dma2 semaphore(%run_scoped3A : memref<!tpu.dma_semaphore, #tpu.memory_space<semaphore_mem>>) src(%dma_wait3A_27 : memref<512x128xf32, #tpu.memory_space<hbm>>) dst(%arg6 : memref<512x128xf32, #tpu.memory_space<vmem>>)
      tpu.yield
    }) : () -> ()
    %iota3A = tpu.iota {dimensions = array<i32: 0>} : vector<16xi32>
    %multiple_of3A = arith.constant 0 : i32
    %multiple_of3A_5 = tpu.assume_multiple %multiple_of3A, 128 : i32
    %dma_start3A = tpu.memref_slice %arg5[%multiple_of3A_5] : memref<8192xi32, #tpu.memory_space<vmem>> -> memref<128xi32, #tpu.memory_space<vmem>>
    %dma_start3A_6 = arith.constant 0 : i32
    %dma_start3A_7 = arith.constant 0 : i32
    %dma_start3A_8 = tpu.memref_slice %arg2[%dma_start3A_6, %dma_start3A_7] : memref<16384x128xf32, #tpu.memory_space<hbm>> -> memref<16384x128xf32, #tpu.memory_space<hbm>>
    tpu.enqueue_indirect_dma source(%dma_start3A_8 : memref<16384x128xf32, #tpu.memory_space<hbm>>) target(%arg7 : memref<128x128xf32, #tpu.memory_space<vmem>>) offsets(%dma_start3A : memref<128xi32, #tpu.memory_space<vmem>>) semaphore(%arg11 : memref<!tpu.dma_semaphore, #tpu.memory_space<semaphore_mem>>)
    %multiple_of3A_9 = arith.constant 128 : i32
    %multiple_of3A_10 = tpu.assume_multiple %multiple_of3A_9, 128 : i32
    %dma_start3A_11 = tpu.memref_slice %arg5[%multiple_of3A_10] : memref<8192xi32, #tpu.memory_space<vmem>> -> memref<128xi32, #tpu.memory_space<vmem>>
    %dma_start3A_12 = arith.constant 0 : i32
    %dma_start3A_13 = arith.constant 0 : i32
    %dma_start3A_14 = tpu.memref_slice %arg2[%dma_start3A_12, %dma_start3A_13] : memref<16384x128xf32, #tpu.memory_space<hbm>> -> memref<16384x128xf32, #tpu.memory_space<hbm>>
    tpu.enqueue_indirect_dma source(%dma_start3A_14 : memref<16384x128xf32, #tpu.memory_space<hbm>>) target(%arg8 : memref<128x128xf32, #tpu.memory_space<vmem>>) offsets(%dma_start3A_11 : memref<128xi32, #tpu.memory_space<vmem>>) semaphore(%arg12 : memref<!tpu.dma_semaphore, #tpu.memory_space<semaphore_mem>>)
    %scan3A = arith.constant 0 : i32
    %scan3A_15 = arith.constant 32 : i32
    %scan3A_16 = arith.addi %scan3A, %scan3A_15 : i32
    %scan3A_17 = arith.constant 1 : i32
    scf.for %scan3A_21 = %scan3A to %scan3A_16 step %scan3A_17  : i32 {
      %mul3A_22 = arith.constant 2 : i32
      %mul3A_23 = arith.muli %scan3A_21, %mul3A_22 : i32
      %add3A_24 = arith.constant 0 : i32
      %add3A_25 = arith.addi %add3A_24, %mul3A_23 : i32
      %add3A_26 = arith.constant 0 : i32
      %add3A_27 = arith.addi %add3A_25, %add3A_26 : i32
      %mul3A_28 = arith.constant 128 : i32
      %mul3A_29 = arith.muli %add3A_27, %mul3A_28 : i32
      %multiple_of3A_30 = tpu.assume_multiple %mul3A_29, 128 : i32
      %dma_wait3A = tpu.memref_slice %arg5[%multiple_of3A_30] : memref<8192xi32, #tpu.memory_space<vmem>> -> memref<128xi32, #tpu.memory_space<vmem>>
      %dma_wait3A_31 = arith.constant 0 : i32
      %dma_wait3A_32 = arith.constant 0 : i32
      %dma_wait3A_33 = tpu.memref_slice %arg2[%dma_wait3A_31, %dma_wait3A_32] : memref<16384x128xf32, #tpu.memory_space<hbm>> -> memref<16384x128xf32, #tpu.memory_space<hbm>>
      tpu.wait_indirect_dma semaphore(%arg11 : memref<!tpu.dma_semaphore, #tpu.memory_space<semaphore_mem>>) src(%dma_wait3A_33 : memref<16384x128xf32, #tpu.memory_space<hbm>>) dst(%arg7 : memref<128x128xf32, #tpu.memory_space<vmem>>)
      %parallel_loop3A = arith.constant 0 : i32
      %parallel_loop3A_34 = arith.constant 8 : i32
      %parallel_loop3A_35 = arith.constant 1 : i32
      scf.for %parallel_loop3A_59 = %parallel_loop3A to %parallel_loop3A_34 step %parallel_loop3A_35  : i32 {
        %parallel_loop3A_60 = arith.constant 8 : i32
        %parallel_loop3A_61 = arith.muli %add3A_27, %parallel_loop3A_60 : i32
        %parallel_loop3A_62 = arith.addi %parallel_loop3A_61, %parallel_loop3A_59 : i32
        %parallel_loop3A_63 = arith.constant 256 : i32
        %parallel_loop3A_64 = arith.muli %parallel_loop3A_59, %parallel_loop3A_63 : i32
        %parallel_loop3A_65 = arith.index_cast %parallel_loop3A_62 : i32 to index
        %parallel_loop3A_66 = arith.constant 0 : index
        %parallel_loop3A_67 = tpu.vector_load %arg6[%parallel_loop3A_65, %parallel_loop3A_66] {strides = array<i32>} : memref<512x128xf32, #tpu.memory_space<vmem>>, vector<16xf32>,
        %parallel_loop3A_68 = arith.index_cast %parallel_loop3A_62 : i32 to index
        %parallel_loop3A_69 = arith.constant 16 : index
        %parallel_loop3A_70 = tpu.vector_load %arg6[%parallel_loop3A_68, %parallel_loop3A_69] {strides = array<i32>} : memref<512x128xf32, #tpu.memory_space<vmem>>, vector<16xf32>,
        %parallel_loop3A_71 = arith.index_cast %parallel_loop3A_62 : i32 to index
        %parallel_loop3A_72 = arith.constant 32 : index
        %parallel_loop3A_73 = tpu.vector_load %arg6[%parallel_loop3A_71, %parallel_loop3A_72] {strides = array<i32>} : memref<512x128xf32, #tpu.memory_space<vmem>>, vector<16xf32>,
        %parallel_loop3A_74 = arith.index_cast %parallel_loop3A_62 : i32 to index
        %parallel_loop3A_75 = arith.constant 48 : index
        %parallel_loop3A_76 = tpu.vector_load %arg6[%parallel_loop3A_74, %parallel_loop3A_75] {strides = array<i32>} : memref<512x128xf32, #tpu.memory_space<vmem>>, vector<16xf32>,
        %parallel_loop3A_77 = arith.index_cast %parallel_loop3A_62 : i32 to index
        %parallel_loop3A_78 = arith.constant 64 : index
        %parallel_loop3A_79 = tpu.vector_load %arg6[%parallel_loop3A_77, %parallel_loop3A_78] {strides = array<i32>} : memref<512x128xf32, #tpu.memory_space<vmem>>, vector<16xf32>,
        %parallel_loop3A_80 = arith.index_cast %parallel_loop3A_62 : i32 to index
        %parallel_loop3A_81 = arith.constant 80 : index
        %parallel_loop3A_82 = tpu.vector_load %arg6[%parallel_loop3A_80, %parallel_loop3A_81] {strides = array<i32>} : memref<512x128xf32, #tpu.memory_space<vmem>>, vector<16xf32>,
        %parallel_loop3A_83 = arith.index_cast %parallel_loop3A_62 : i32 to index
        %parallel_loop3A_84 = arith.constant 96 : index
        %parallel_loop3A_85 = tpu.vector_load %arg6[%parallel_loop3A_83, %parallel_loop3A_84] {strides = array<i32>} : memref<512x128xf32, #tpu.memory_space<vmem>>, vector<16xf32>,
        %parallel_loop3A_86 = arith.index_cast %parallel_loop3A_62 : i32 to index
        %parallel_loop3A_87 = arith.constant 112 : index
        %parallel_loop3A_88 = tpu.vector_load %arg6[%parallel_loop3A_86, %parallel_loop3A_87] {strides = array<i32>} : memref<512x128xf32, #tpu.memory_space<vmem>>, vector<16xf32>,
        %parallel_loop3A_89 = arith.constant 16 : i32
        %parallel_loop3A_90 = arith.muli %parallel_loop3A_59, %parallel_loop3A_89 : i32
        %parallel_loop3A_91 = arith.constant 0 : i32
        %parallel_loop3A_92 = arith.addi %parallel_loop3A_90, %parallel_loop3A_91 : i32
        %parallel_loop3A_93 = arith.index_cast %parallel_loop3A_92 : i32 to index
        %parallel_loop3A_94 = arith.constant 0 : index
        %parallel_loop3A_95 = tpu.vector_load %arg7[%parallel_loop3A_93, %parallel_loop3A_94] {strides = array<i32>} : memref<128x128xf32, #tpu.memory_space<vmem>>, vector<16xf32>,
        %parallel_loop3A_96 = arith.subf %parallel_loop3A_95, %parallel_loop3A_67 : vector<16xf32>
        %parallel_loop3A_97 = arith.mulf %parallel_loop3A_96, %parallel_loop3A_96 : vector<16xf32>
        %parallel_loop3A_98 = arith.index_cast %parallel_loop3A_92 : i32 to index
        %parallel_loop3A_99 = arith.constant 16 : index
        %parallel_loop3A_100 = tpu.vector_load %arg7[%parallel_loop3A_98, %parallel_loop3A_99] {strides = array<i32>} : memref<128x128xf32, #tpu.memory_space<vmem>>, vector<16xf32>,
        %parallel_loop3A_101 = arith.subf %parallel_loop3A_100, %parallel_loop3A_70 : vector<16xf32>
        %parallel_loop3A_102 = arith.mulf %parallel_loop3A_101, %parallel_loop3A_101 : vector<16xf32>
        %parallel_loop3A_103 = arith.index_cast %parallel_loop3A_92 : i32 to index
        %parallel_loop3A_104 = arith.constant 32 : index
        %parallel_loop3A_105 = tpu.vector_load %arg7[%parallel_loop3A_103, %parallel_loop3A_104] {strides = array<i32>} : memref<128x128xf32, #tpu.memory_space<vmem>>, vector<16xf32>,
        %parallel_loop3A_106 = arith.subf %parallel_loop3A_105, %parallel_loop3A_73 : vector<16xf32>
        %parallel_loop3A_107 = arith.mulf %parallel_loop3A_106, %parallel_loop3A_106 : vector<16xf32>
        %parallel_loop3A_108 = arith.index_cast %parallel_loop3A_92 : i32 to index
        %parallel_loop3A_109 = arith.constant 48 : index
        %parallel_loop3A_110 = tpu.vector_load %arg7[%parallel_loop3A_108, %parallel_loop3A_109] {strides = array<i32>} : memref<128x128xf32, #tpu.memory_space<vmem>>, vector<16xf32>,
        %parallel_loop3A_111 = arith.subf %parallel_loop3A_110, %parallel_loop3A_76 : vector<16xf32>
        %parallel_loop3A_112 = arith.mulf %parallel_loop3A_111, %parallel_loop3A_111 : vector<16xf32>
        %parallel_loop3A_113 = arith.index_cast %parallel_loop3A_92 : i32 to index
        %parallel_loop3A_114 = arith.constant 64 : index
        %parallel_loop3A_115 = tpu.vector_load %arg7[%parallel_loop3A_113, %parallel_loop3A_114] {strides = array<i32>} : memref<128x128xf32, #tpu.memory_space<vmem>>, vector<16xf32>,
        %parallel_loop3A_116 = arith.subf %parallel_loop3A_115, %parallel_loop3A_79 : vector<16xf32>
        %parallel_loop3A_117 = arith.mulf %parallel_loop3A_116, %parallel_loop3A_116 : vector<16xf32>
        %parallel_loop3A_118 = arith.index_cast %parallel_loop3A_92 : i32 to index
        %parallel_loop3A_119 = arith.constant 80 : index
        %parallel_loop3A_120 = tpu.vector_load %arg7[%parallel_loop3A_118, %parallel_loop3A_119] {strides = array<i32>} : memref<128x128xf32, #tpu.memory_space<vmem>>, vector<16xf32>,
        %parallel_loop3A_121 = arith.subf %parallel_loop3A_120, %parallel_loop3A_82 : vector<16xf32>
        %parallel_loop3A_122 = arith.mulf %parallel_loop3A_121, %parallel_loop3A_121 : vector<16xf32>
        %parallel_loop3A_123 = arith.index_cast %parallel_loop3A_92 : i32 to index
        %parallel_loop3A_124 = arith.constant 96 : index
        %parallel_loop3A_125 = tpu.vector_load %arg7[%parallel_loop3A_123, %parallel_loop3A_124] {strides = array<i32>} : memref<128x128xf32, #tpu.memory_space<vmem>>, vector<16xf32>,
        %parallel_loop3A_126 = arith.subf %parallel_loop3A_125, %parallel_loop3A_85 : vector<16xf32>
        %parallel_loop3A_127 = arith.mulf %parallel_loop3A_126, %parallel_loop3A_126 : vector<16xf32>
        %parallel_loop3A_128 = arith.index_cast %parallel_loop3A_92 : i32 to index
        %parallel_loop3A_129 = arith.constant 112 : index
        %parallel_loop3A_130 = tpu.vector_load %arg7[%parallel_loop3A_128, %parallel_loop3A_129] {strides = array<i32>} : memref<128x128xf32, #tpu.memory_space<vmem>>, vector<16xf32>,
        %parallel_loop3A_131 = arith.subf %parallel_loop3A_130, %parallel_loop3A_88 : vector<16xf32>
        %parallel_loop3A_132 = arith.mulf %parallel_loop3A_131, %parallel_loop3A_131 : vector<16xf32>
        %parallel_loop3A_133 = arith.addf %parallel_loop3A_97, %parallel_loop3A_102 : vector<16xf32>
        %parallel_loop3A_134 = arith.addf %parallel_loop3A_107, %parallel_loop3A_112 : vector<16xf32>
        %parallel_loop3A_135 = arith.addf %parallel_loop3A_117, %parallel_loop3A_122 : vector<16xf32>
        %parallel_loop3A_136 = arith.addf %parallel_loop3A_127, %parallel_loop3A_132 : vector<16xf32>
        %parallel_loop3A_137 = arith.addf %parallel_loop3A_133, %parallel_loop3A_134 : vector<16xf32>
        %parallel_loop3A_138 = arith.addf %parallel_loop3A_135, %parallel_loop3A_136 : vector<16xf32>
        %parallel_loop3A_139 = arith.addf %parallel_loop3A_137, %parallel_loop3A_138 : vector<16xf32>
        %parallel_loop3A_140 = arith.constant 0 : i32
        %parallel_loop3A_141 = arith.addi %parallel_loop3A_64, %parallel_loop3A_140 : i32
        %parallel_loop3A_142 = tpu.assume_multiple %parallel_loop3A_141, 16 : i32
        %parallel_loop3A_143 = arith.index_cast %parallel_loop3A_142 : i32 to index
        %parallel_loop3A_144 = tpu.vector_load %arg9[%parallel_loop3A_143] {strides = array<i32>} : memref<2048xf32, #tpu.memory_space<vmem>>, vector<16xf32>,
        tpu.vector_store %arg9[%parallel_loop3A_143], %parallel_loop3A_139 {strides = array<i32>} : memref<2048xf32, #tpu.memory_space<vmem>>, vector<16xf32>,
        %parallel_loop3A_145 = arith.constant 16 : i32
        %parallel_loop3A_146 = arith.muli %parallel_loop3A_59, %parallel_loop3A_145 : i32
        %parallel_loop3A_147 = arith.constant 1 : i32
        %parallel_loop3A_148 = arith.addi %parallel_loop3A_146, %parallel_loop3A_147 : i32
        %parallel_loop3A_149 = arith.index_cast %parallel_loop3A_148 : i32 to index
        %parallel_loop3A_150 = arith.constant 0 : index
        %parallel_loop3A_151 = tpu.vector_load %arg7[%parallel_loop3A_149, %parallel_loop3A_150] {strides = array<i32>} : memref<128x128xf32, #tpu.memory_space<vmem>>, vector<16xf32>,
        %parallel_loop3A_152 = arith.subf %parallel_loop3A_151, %parallel_loop3A_67 : vector<16xf32>
        %parallel_loop3A_153 = arith.mulf %parallel_loop3A_152, %parallel_loop3A_152 : vector<16xf32>
        %parallel_loop3A_154 = arith.index_cast %parallel_loop3A_148 : i32 to index
        %parallel_loop3A_155 = arith.constant 16 : index
        %parallel_loop3A_156 = tpu.vector_load %arg7[%parallel_loop3A_154, %parallel_loop3A_155] {strides = array<i32>} : memref<128x128xf32, #tpu.memory_space<vmem>>, vector<16xf32>,
        %parallel_loop3A_157 = arith.subf %parallel_loop3A_156, %parallel_loop3A_70 : vector<16xf32>
        %parallel_loop3A_158 = arith.mulf %parallel_loop3A_157, %parallel_loop3A_157 : vector<16xf32>
        %parallel_loop3A_159 = arith.index_cast %parallel_loop3A_148 : i32 to index
        %parallel_loop3A_160 = arith.constant 32 : index
        %parallel_loop3A_161 = tpu.vector_load %arg7[%parallel_loop3A_159, %parallel_loop3A_160] {strides = array<i32>} : memref<128x128xf32, #tpu.memory_space<vmem>>, vector<16xf32>,
        %parallel_loop3A_162 = arith.subf %parallel_loop3A_161, %parallel_loop3A_73 : vector<16xf32>
        %parallel_loop3A_163 = arith.mulf %parallel_loop3A_162, %parallel_loop3A_162 : vector<16xf32>
        %parallel_loop3A_164 = arith.index_cast %parallel_loop3A_148 : i32 to index
        %parallel_loop3A_165 = arith.constant 48 : index
        %parallel_loop3A_166 = tpu.vector_load %arg7[%parallel_loop3A_164, %parallel_loop3A_165] {strides = array<i32>} : memref<128x128xf32, #tpu.memory_space<vmem>>, vector<16xf32>,
        %parallel_loop3A_167 = arith.subf %parallel_loop3A_166, %parallel_loop3A_76 : vector<16xf32>
        %parallel_loop3A_168 = arith.mulf %parallel_loop3A_167, %parallel_loop3A_167 : vector<16xf32>
        %parallel_loop3A_169 = arith.index_cast %parallel_loop3A_148 : i32 to index
        %parallel_loop3A_170 = arith.constant 64 : index
        %parallel_loop3A_171 = tpu.vector_load %arg7[%parallel_loop3A_169, %parallel_loop3A_170] {strides = array<i32>} : memref<128x128xf32, #tpu.memory_space<vmem>>, vector<16xf32>,
        %parallel_loop3A_172 = arith.subf %parallel_loop3A_171, %parallel_loop3A_79 : vector<16xf32>
        %parallel_loop3A_173 = arith.mulf %parallel_loop3A_172, %parallel_loop3A_172 : vector<16xf32>
        %parallel_loop3A_174 = arith.index_cast %parallel_loop3A_148 : i32 to index
        %parallel_loop3A_175 = arith.constant 80 : index
        %parallel_loop3A_176 = tpu.vector_load %arg7[%parallel_loop3A_174, %parallel_loop3A_175] {strides = array<i32>} : memref<128x128xf32, #tpu.memory_space<vmem>>, vector<16xf32>,
        %parallel_loop3A_177 = arith.subf %parallel_loop3A_176, %parallel_loop3A_82 : vector<16xf32>
        %parallel_loop3A_178 = arith.mulf %parallel_loop3A_177, %parallel_loop3A_177 : vector<16xf32>
        %parallel_loop3A_179 = arith.index_cast %parallel_loop3A_148 : i32 to index
        %parallel_loop3A_180 = arith.constant 96 : index
        %parallel_loop3A_181 = tpu.vector_load %arg7[%parallel_loop3A_179, %parallel_loop3A_180] {strides = array<i32>} : memref<128x128xf32, #tpu.memory_space<vmem>>, vector<16xf32>,
        %parallel_loop3A_182 = arith.subf %parallel_loop3A_181, %parallel_loop3A_85 : vector<16xf32>
        %parallel_loop3A_183 = arith.mulf %parallel_loop3A_182, %parallel_loop3A_182 : vector<16xf32>
        %parallel_loop3A_184 = arith.index_cast %parallel_loop3A_148 : i32 to index
        %parallel_loop3A_185 = arith.constant 112 : index
        %parallel_loop3A_186 = tpu.vector_load %arg7[%parallel_loop3A_184, %parallel_loop3A_185] {strides = array<i32>} : memref<128x128xf32, #tpu.memory_space<vmem>>, vector<16xf32>,
        %parallel_loop3A_187 = arith.subf %parallel_loop3A_186, %parallel_loop3A_88 : vector<16xf32>
        %parallel_loop3A_188 = arith.mulf %parallel_loop3A_187, %parallel_loop3A_187 : vector<16xf32>
        %parallel_loop3A_189 = arith.addf %parallel_loop3A_153, %parallel_loop3A_158 : vector<16xf32>
        %parallel_loop3A_190 = arith.addf %parallel_loop3A_163, %parallel_loop3A_168 : vector<16xf32>
        %parallel_loop3A_191 = arith.addf %parallel_loop3A_173, %parallel_loop3A_178 : vector<16xf32>
        %parallel_loop3A_192 = arith.addf %parallel_loop3A_183, %parallel_loop3A_188 : vector<16xf32>
        %parallel_loop3A_193 = arith.addf %parallel_loop3A_189, %parallel_loop3A_190 : vector<16xf32>
        %parallel_loop3A_194 = arith.addf %parallel_loop3A_191, %parallel_loop3A_192 : vector<16xf32>
        %parallel_loop3A_195 = arith.addf %parallel_loop3A_193, %parallel_loop3A_194 : vector<16xf32>
        %parallel_loop3A_196 = arith.constant 16 : i32
        %parallel_loop3A_197 = arith.addi %parallel_loop3A_64, %parallel_loop3A_196 : i32
        %parallel_loop3A_198 = tpu.assume_multiple %parallel_loop3A_197, 16 : i32
        %parallel_loop3A_199 = arith.index_cast %parallel_loop3A_198 : i32 to index
        %parallel_loop3A_200 = tpu.vector_load %arg9[%parallel_loop3A_199] {strides = array<i32>} : memref<2048xf32, #tpu.memory_space<vmem>>, vector<16xf32>,
        tpu.vector_store %arg9[%parallel_loop3A_199], %parallel_loop3A_195 {strides = array<i32>} : memref<2048xf32, #tpu.memory_space<vmem>>, vector<16xf32>,
        %parallel_loop3A_201 = arith.constant 16 : i32
        %parallel_loop3A_202 = arith.muli %parallel_loop3A_59, %parallel_loop3A_201 : i32
        %parallel_loop3A_203 = arith.constant 2 : i32
        %parallel_loop3A_204 = arith.addi %parallel_loop3A_202, %parallel_loop3A_203 : i32
        %parallel_loop3A_205 = arith.index_cast %parallel_loop3A_204 : i32 to index
        %parallel_loop3A_206 = arith.constant 0 : index
        %parallel_loop3A_207 = tpu.vector_load %arg7[%parallel_loop3A_205, %parallel_loop3A_206] {strides = array<i32>} : memref<128x128xf32, #tpu.memory_space<vmem>>, vector<16xf32>,
        %parallel_loop3A_208 = arith.subf %parallel_loop3A_207, %parallel_loop3A_67 : vector<16xf32>
        %parallel_loop3A_209 = arith.mulf %parallel_loop3A_208, %parallel_loop3A_208 : vector<16xf32>
        %parallel_loop3A_210 = arith.index_cast %parallel_loop3A_204 : i32 to index
        %parallel_loop3A_211 = arith.constant 16 : index
        %parallel_loop3A_212 = tpu.vector_load %arg7[%parallel_loop3A_210, %parallel_loop3A_211] {strides = array<i32>} : memref<128x128xf32, #tpu.memory_space<vmem>>, vector<16xf32>,
        %parallel_loop3A_213 = arith.subf %parallel_loop3A_212, %parallel_loop3A_70 : vector<16xf32>
        %parallel_loop3A_214 = arith.mulf %parallel_loop3A_213, %parallel_loop3A_213 : vector<16xf32>
        %parallel_loop3A_215 = arith.index_cast %parallel_loop3A_204 : i32 to index
        %parallel_loop3A_216 = arith.constant 32 : index
        %parallel_loop3A_217 = tpu.vector_load %arg7[%parallel_loop3A_215, %parallel_loop3A_216] {strides = array<i32>} : memref<128x128xf32, #tpu.memory_space<vmem>>, vector<16xf32>,
        %parallel_loop3A_218 = arith.subf %parallel_loop3A_217, %parallel_loop3A_73 : vector<16xf32>
        %parallel_loop3A_219 = arith.mulf %parallel_loop3A_218, %parallel_loop3A_218 : vector<16xf32>
        %parallel_loop3A_220 = arith.index_cast %parallel_loop3A_204 : i32 to index
        %parallel_loop3A_221 = arith.constant 48 : index
        %parallel_loop3A_222 = tpu.vector_load %arg7[%parallel_loop3A_220, %parallel_loop3A_221] {strides = array<i32>} : memref<128x128xf32, #tpu.memory_space<vmem>>, vector<16xf32>,
        %parallel_loop3A_223 = arith.subf %parallel_loop3A_222, %parallel_loop3A_76 : vector<16xf32>
        %parallel_loop3A_224 = arith.mulf %parallel_loop3A_223, %parallel_loop3A_223 : vector<16xf32>
        %parallel_loop3A_225 = arith.index_cast %parallel_loop3A_204 : i32 to index
        %parallel_loop3A_226 = arith.constant 64 : index
        %parallel_loop3A_227 = tpu.vector_load %arg7[%parallel_loop3A_225, %parallel_loop3A_226] {strides = array<i32>} : memref<128x128xf32, #tpu.memory_space<vmem>>, vector<16xf32>,
        %parallel_loop3A_228 = arith.subf %parallel_loop3A_227, %parallel_loop3A_79 : vector<16xf32>
        %parallel_loop3A_229 = arith.mulf %parallel_loop3A_228, %parallel_loop3A_228 : vector<16xf32>
        %parallel_loop3A_230 = arith.index_cast %parallel_loop3A_204 : i32 to index
        %parallel_loop3A_231 = arith.constant 80 : index
        %parallel_loop3A_232 = tpu.vector_load %arg7[%parallel_loop3A_230, %parallel_loop3A_231] {strides = array<i32>} : memref<128x128xf32, #tpu.memory_space<vmem>>, vector<16xf32>,
        %parallel_loop3A_233 = arith.subf %parallel_loop3A_232, %parallel_loop3A_82 : vector<16xf32>
        %parallel_loop3A_234 = arith.mulf %parallel_loop3A_233, %parallel_loop3A_233 : vector<16xf32>
        %parallel_loop3A_235 = arith.index_cast %parallel_loop3A_204 : i32 to index
        %parallel_loop3A_236 = arith.constant 96 : index
        %parallel_loop3A_237 = tpu.vector_load %arg7[%parallel_loop3A_235, %parallel_loop3A_236] {strides = array<i32>} : memref<128x128xf32, #tpu.memory_space<vmem>>, vector<16xf32>,
        %parallel_loop3A_238 = arith.subf %parallel_loop3A_237, %parallel_loop3A_85 : vector<16xf32>
        %parallel_loop3A_239 = arith.mulf %parallel_loop3A_238, %parallel_loop3A_238 : vector<16xf32>
        %parallel_loop3A_240 = arith.index_cast %parallel_loop3A_204 : i32 to index
        %parallel_loop3A_241 = arith.constant 112 : index
        %parallel_loop3A_242 = tpu.vector_load %arg7[%parallel_loop3A_240, %parallel_loop3A_241] {strides = array<i32>} : memref<128x128xf32, #tpu.memory_space<vmem>>, vector<16xf32>,
        %parallel_loop3A_243 = arith.subf %parallel_loop3A_242, %parallel_loop3A_88 : vector<16xf32>
        %parallel_loop3A_244 = arith.mulf %parallel_loop3A_243, %parallel_loop3A_243 : vector<16xf32>
        %parallel_loop3A_245 = arith.addf %parallel_loop3A_209, %parallel_loop3A_214 : vector<16xf32>
        %parallel_loop3A_246 = arith.addf %parallel_loop3A_219, %parallel_loop3A_224 : vector<16xf32>
        %parallel_loop3A_247 = arith.addf %parallel_loop3A_229, %parallel_loop3A_234 : vector<16xf32>
        %parallel_loop3A_248 = arith.addf %parallel_loop3A_239, %parallel_loop3A_244 : vector<16xf32>
        %parallel_loop3A_249 = arith.addf %parallel_loop3A_245, %parallel_loop3A_246 : vector<16xf32>
        %parallel_loop3A_250 = arith.addf %parallel_loop3A_247, %parallel_loop3A_248 : vector<16xf32>
        %parallel_loop3A_251 = arith.addf %parallel_loop3A_249, %parallel_loop3A_250 : vector<16xf32>
        %parallel_loop3A_252 = arith.constant 32 : i32
        %parallel_loop3A_253 = arith.addi %parallel_loop3A_64, %parallel_loop3A_252 : i32
        %parallel_loop3A_254 = tpu.assume_multiple %parallel_loop3A_253, 16 : i32
        %parallel_loop3A_255 = arith.index_cast %parallel_loop3A_254 : i32 to index
        %parallel_loop3A_256 = tpu.vector_load %arg9[%parallel_loop3A_255] {strides = array<i32>} : memref<2048xf32, #tpu.memory_space<vmem>>, vector<16xf32>,
        tpu.vector_store %arg9[%parallel_loop3A_255], %parallel_loop3A_251 {strides = array<i32>} : memref<2048xf32, #tpu.memory_space<vmem>>, vector<16xf32>,
        %parallel_loop3A_257 = arith.constant 16 : i32
        %parallel_loop3A_258 = arith.muli %parallel_loop3A_59, %parallel_loop3A_257 : i32
        %parallel_loop3A_259 = arith.constant 3 : i32
        %parallel_loop3A_260 = arith.addi %parallel_loop3A_258, %parallel_loop3A_259 : i32
        %parallel_loop3A_261 = arith.index_cast %parallel_loop3A_260 : i32 to index
        %parallel_loop3A_262 = arith.constant 0 : index
        %parallel_loop3A_263 = tpu.vector_load %arg7[%parallel_loop3A_261, %parallel_loop3A_262] {strides = array<i32>} : memref<128x128xf32, #tpu.memory_space<vmem>>, vector<16xf32>,
        %parallel_loop3A_264 = arith.subf %parallel_loop3A_263, %parallel_loop3A_67 : vector<16xf32>
        %parallel_loop3A_265 = arith.mulf %parallel_loop3A_264, %parallel_loop3A_264 : vector<16xf32>
        %parallel_loop3A_266 = arith.index_cast %parallel_loop3A_260 : i32 to index
        %parallel_loop3A_267 = arith.constant 16 : index
        %parallel_loop3A_268 = tpu.vector_load %arg7[%parallel_loop3A_266, %parallel_loop3A_267] {strides = array<i32>} : memref<128x128xf32, #tpu.memory_space<vmem>>, vector<16xf32>,
        %parallel_loop3A_269 = arith.subf %parallel_loop3A_268, %parallel_loop3A_70 : vector<16xf32>
        %parallel_loop3A_270 = arith.mulf %parallel_loop3A_269, %parallel_loop3A_269 : vector<16xf32>
        %parallel_loop3A_271 = arith.index_cast %parallel_loop3A_260 : i32 to index
        %parallel_loop3A_272 = arith.constant 32 : index
        %parallel_loop3A_273 = tpu.vector_load %arg7[%parallel_loop3A_271, %parallel_loop3A_272] {strides = array<i32>} : memref<128x128xf32, #tpu.memory_space<vmem>>, vector<16xf32>,
        %parallel_loop3A_274 = arith.subf %parallel_loop3A_273, %parallel_loop3A_73 : vector<16xf32>
        %parallel_loop3A_275 = arith.mulf %parallel_loop3A_274, %parallel_loop3A_274 : vector<16xf32>
        %parallel_loop3A_276 = arith.index_cast %parallel_loop3A_260 : i32 to index
        %parallel_loop3A_277 = arith.constant 48 : index
        %parallel_loop3A_278 = tpu.vector_load %arg7[%parallel_loop3A_276, %parallel_loop3A_277] {strides = array<i32>} : memref<128x128xf32, #tpu.memory_space<vmem>>, vector<16xf32>,
        %parallel_loop3A_279 = arith.subf %parallel_loop3A_278, %parallel_loop3A_76 : vector<16xf32>
        %parallel_loop3A_280 = arith.mulf %parallel_loop3A_279, %parallel_loop3A_279 : vector<16xf32>
        %parallel_loop3A_281 = arith.index_cast %parallel_loop3A_260 : i32 to index
        %parallel_loop3A_282 = arith.constant 64 : index
        %parallel_loop3A_283 = tpu.vector_load %arg7[%parallel_loop3A_281, %parallel_loop3A_282] {strides = array<i32>} : memref<128x128xf32, #tpu.memory_space<vmem>>, vector<16xf32>,
        %parallel_loop3A_284 = arith.subf %parallel_loop3A_283, %parallel_loop3A_79 : vector<16xf32>
        %parallel_loop3A_285 = arith.mulf %parallel_loop3A_284, %parallel_loop3A_284 : vector<16xf32>
        %parallel_loop3A_286 = arith.index_cast %parallel_loop3A_260 : i32 to index
        %parallel_loop3A_287 = arith.constant 80 : index
        %parallel_loop3A_288 = tpu.vector_load %arg7[%parallel_loop3A_286, %parallel_loop3A_287] {strides = array<i32>} : memref<128x128xf32, #tpu.memory_space<vmem>>, vector<16xf32>,
        %parallel_loop3A_289 = arith.subf %parallel_loop3A_288, %parallel_loop3A_82 : vector<16xf32>
        %parallel_loop3A_290 = arith.mulf %parallel_loop3A_289, %parallel_loop3A_289 : vector<16xf32>
        %parallel_loop3A_291 = arith.index_cast %parallel_loop3A_260 : i32 to index
        %parallel_loop3A_292 = arith.constant 96 : index
        %parallel_loop3A_293 = tpu.vector_load %arg7[%parallel_loop3A_291, %parallel_loop3A_292] {strides = array<i32>} : memref<128x128xf32, #tpu.memory_space<vmem>>, vector<16xf32>,
        %parallel_loop3A_294 = arith.subf %parallel_loop3A_293, %parallel_loop3A_85 : vector<16xf32>
        %parallel_loop3A_295 = arith.mulf %parallel_loop3A_294, %parallel_loop3A_294 : vector<16xf32>
        %parallel_loop3A_296 = arith.index_cast %parallel_loop3A_260 : i32 to index
        %parallel_loop3A_297 = arith.constant 112 : index
        %parallel_loop3A_298 = tpu.vector_load %arg7[%parallel_loop3A_296, %parallel_loop3A_297] {strides = array<i32>} : memref<128x128xf32, #tpu.memory_space<vmem>>, vector<16xf32>,
        %parallel_loop3A_299 = arith.subf %parallel_loop3A_298, %parallel_loop3A_88 : vector<16xf32>
        %parallel_loop3A_300 = arith.mulf %parallel_loop3A_299, %parallel_loop3A_299 : vector<16xf32>
        %parallel_loop3A_301 = arith.addf %parallel_loop3A_265, %parallel_loop3A_270 : vector<16xf32>
        %parallel_loop3A_302 = arith.addf %parallel_loop3A_275, %parallel_loop3A_280 : vector<16xf32>
        %parallel_loop3A_303 = arith.addf %parallel_loop3A_285, %parallel_loop3A_290 : vector<16xf32>
        %parallel_loop3A_304 = arith.addf %parallel_loop3A_295, %parallel_loop3A_300 : vector<16xf32>
        %parallel_loop3A_305 = arith.addf %parallel_loop3A_301, %parallel_loop3A_302 : vector<16xf32>
        %parallel_loop3A_306 = arith.addf %parallel_loop3A_303, %parallel_loop3A_304 : vector<16xf32>
        %parallel_loop3A_307 = arith.addf %parallel_loop3A_305, %parallel_loop3A_306 : vector<16xf32>
        %parallel_loop3A_308 = arith.constant 48 : i32
        %parallel_loop3A_309 = arith.addi %parallel_loop3A_64, %parallel_loop3A_308 : i32
        %parallel_loop3A_310 = tpu.assume_multiple %parallel_loop3A_309, 16 : i32
        %parallel_loop3A_311 = arith.index_cast %parallel_loop3A_310 : i32 to index
        %parallel_loop3A_312 = tpu.vector_load %arg9[%parallel_loop3A_311] {strides = array<i32>} : memref<2048xf32, #tpu.memory_space<vmem>>, vector<16xf32>,
        tpu.vector_store %arg9[%parallel_loop3A_311], %parallel_loop3A_307 {strides = array<i32>} : memref<2048xf32, #tpu.memory_space<vmem>>, vector<16xf32>,
        %parallel_loop3A_313 = arith.constant 16 : i32
        %parallel_loop3A_314 = arith.muli %parallel_loop3A_59, %parallel_loop3A_313 : i32
        %parallel_loop3A_315 = arith.constant 4 : i32
        %parallel_loop3A_316 = arith.addi %parallel_loop3A_314, %parallel_loop3A_315 : i32
        %parallel_loop3A_317 = arith.index_cast %parallel_loop3A_316 : i32 to index
        %parallel_loop3A_318 = arith.constant 0 : index
        %parallel_loop3A_319 = tpu.vector_load %arg7[%parallel_loop3A_317, %parallel_loop3A_318] {strides = array<i32>} : memref<128x128xf32, #tpu.memory_space<vmem>>, vector<16xf32>,
        %parallel_loop3A_320 = arith.subf %parallel_loop3A_319, %parallel_loop3A_67 : vector<16xf32>
        %parallel_loop3A_321 = arith.mulf %parallel_loop3A_320, %parallel_loop3A_320 : vector<16xf32>
        %parallel_loop3A_322 = arith.index_cast %parallel_loop3A_316 : i32 to index
        %parallel_loop3A_323 = arith.constant 16 : index
        %parallel_loop3A_324 = tpu.vector_load %arg7[%parallel_loop3A_322, %parallel_loop3A_323] {strides = array<i32>} : memref<128x128xf32, #tpu.memory_space<vmem>>, vector<16xf32>,
        %parallel_loop3A_325 = arith.subf %parallel_loop3A_324, %parallel_loop3A_70 : vector<16xf32>
        %parallel_loop3A_326 = arith.mulf %parallel_loop3A_325, %parallel_loop3A_325 : vector<16xf32>
        %parallel_loop3A_327 = arith.index_cast %parallel_loop3A_316 : i32 to index
        %parallel_loop3A_328 = arith.constant 32 : index
        %parallel_loop3A_329 = tpu.vector_load %arg7[%parallel_loop3A_327, %parallel_loop3A_328] {strides = array<i32>} : memref<128x128xf32, #tpu.memory_space<vmem>>, vector<16xf32>,
        %parallel_loop3A_330 = arith.subf %parallel_loop3A_329, %parallel_loop3A_73 : vector<16xf32>
        %parallel_loop3A_331 = arith.mulf %parallel_loop3A_330, %parallel_loop3A_330 : vector<16xf32>
        %parallel_loop3A_332 = arith.index_cast %parallel_loop3A_316 : i32 to index
        %parallel_loop3A_333 = arith.constant 48 : index
        %parallel_loop3A_334 = tpu.vector_load %arg7[%parallel_loop3A_332, %parallel_loop3A_333] {strides = array<i32>} : memref<128x128xf32, #tpu.memory_space<vmem>>, vector<16xf32>,
        %parallel_loop3A_335 = arith.subf %parallel_loop3A_334, %parallel_loop3A_76 : vector<16xf32>
        %parallel_loop3A_336 = arith.mulf %parallel_loop3A_335, %parallel_loop3A_335 : vector<16xf32>
        %parallel_loop3A_337 = arith.index_cast %parallel_loop3A_316 : i32 to index
        %parallel_loop3A_338 = arith.constant 64 : index
        %parallel_loop3A_339 = tpu.vector_load %arg7[%parallel_loop3A_337, %parallel_loop3A_338] {strides = array<i32>} : memref<128x128xf32, #tpu.memory_space<vmem>>, vector<16xf32>,
        %parallel_loop3A_340 = arith.subf %parallel_loop3A_339, %parallel_loop3A_79 : vector<16xf32>
        %parallel_loop3A_341 = arith.mulf %parallel_loop3A_340, %parallel_loop3A_340 : vector<16xf32>
        %parallel_loop3A_342 = arith.index_cast %parallel_loop3A_316 : i32 to index
        %parallel_loop3A_343 = arith.constant 80 : index
        %parallel_loop3A_344 = tpu.vector_load %arg7[%parallel_loop3A_342, %parallel_loop3A_343] {strides = array<i32>} : memref<128x128xf32, #tpu.memory_space<vmem>>, vector<16xf32>,
        %parallel_loop3A_345 = arith.subf %parallel_loop3A_344, %parallel_loop3A_82 : vector<16xf32>
        %parallel_loop3A_346 = arith.mulf %parallel_loop3A_345, %parallel_loop3A_345 : vector<16xf32>
        %parallel_loop3A_347 = arith.index_cast %parallel_loop3A_316 : i32 to index
        %parallel_loop3A_348 = arith.constant 96 : index
        %parallel_loop3A_349 = tpu.vector_load %arg7[%parallel_loop3A_347, %parallel_loop3A_348] {strides = array<i32>} : memref<128x128xf32, #tpu.memory_space<vmem>>, vector<16xf32>,
        %parallel_loop3A_350 = arith.subf %parallel_loop3A_349, %parallel_loop3A_85 : vector<16xf32>
        %parallel_loop3A_351 = arith.mulf %parallel_loop3A_350, %parallel_loop3A_350 : vector<16xf32>
        %parallel_loop3A_352 = arith.index_cast %parallel_loop3A_316 : i32 to index
        %parallel_loop3A_353 = arith.constant 112 : index
        %parallel_loop3A_354 = tpu.vector_load %arg7[%parallel_loop3A_352, %parallel_loop3A_353] {strides = array<i32>} : memref<128x128xf32, #tpu.memory_space<vmem>>, vector<16xf32>,
        %parallel_loop3A_355 = arith.subf %parallel_loop3A_354, %parallel_loop3A_88 : vector<16xf32>
        %parallel_loop3A_356 = arith.mulf %parallel_loop3A_355, %parallel_loop3A_355 : vector<16xf32>
        %parallel_loop3A_357 = arith.addf %parallel_loop3A_321, %parallel_loop3A_326 : vector<16xf32>
        %parallel_loop3A_358 = arith.addf %parallel_loop3A_331, %parallel_loop3A_336 : vector<16xf32>
        %parallel_loop3A_359 = arith.addf %parallel_loop3A_341, %parallel_loop3A_346 : vector<16xf32>
        %parallel_loop3A_360 = arith.addf %parallel_loop3A_351, %parallel_loop3A_356 : vector<16xf32>
        %parallel_loop3A_361 = arith.addf %parallel_loop3A_357, %parallel_loop3A_358 : vector<16xf32>
        %parallel_loop3A_362 = arith.addf %parallel_loop3A_359, %parallel_loop3A_360 : vector<16xf32>
        %parallel_loop3A_363 = arith.addf %parallel_loop3A_361, %parallel_loop3A_362 : vector<16xf32>
        %parallel_loop3A_364 = arith.constant 64 : i32
        %parallel_loop3A_365 = arith.addi %parallel_loop3A_64, %parallel_loop3A_364 : i32
        %parallel_loop3A_366 = tpu.assume_multiple %parallel_loop3A_365, 16 : i32
        %parallel_loop3A_367 = arith.index_cast %parallel_loop3A_366 : i32 to index
        %parallel_loop3A_368 = tpu.vector_load %arg9[%parallel_loop3A_367] {strides = array<i32>} : memref<2048xf32, #tpu.memory_space<vmem>>, vector<16xf32>,
        tpu.vector_store %arg9[%parallel_loop3A_367], %parallel_loop3A_363 {strides = array<i32>} : memref<2048xf32, #tpu.memory_space<vmem>>, vector<16xf32>,
        %parallel_loop3A_369 = arith.constant 16 : i32
        %parallel_loop3A_370 = arith.muli %parallel_loop3A_59, %parallel_loop3A_369 : i32
        %parallel_loop3A_371 = arith.constant 5 : i32
        %parallel_loop3A_372 = arith.addi %parallel_loop3A_370, %parallel_loop3A_371 : i32
        %parallel_loop3A_373 = arith.index_cast %parallel_loop3A_372 : i32 to index
        %parallel_loop3A_374 = arith.constant 0 : index
        %parallel_loop3A_375 = tpu.vector_load %arg7[%parallel_loop3A_373, %parallel_loop3A_374] {strides = array<i32>} : memref<128x128xf32, #tpu.memory_space<vmem>>, vector<16xf32>,
        %parallel_loop3A_376 = arith.subf %parallel_loop3A_375, %parallel_loop3A_67 : vector<16xf32>
        %parallel_loop3A_377 = arith.mulf %parallel_loop3A_376, %parallel_loop3A_376 : vector<16xf32>
        %parallel_loop3A_378 = arith.index_cast %parallel_loop3A_372 : i32 to index
        %parallel_loop3A_379 = arith.constant 16 : index
        %parallel_loop3A_380 = tpu.vector_load %arg7[%parallel_loop3A_378, %parallel_loop3A_379] {strides = array<i32>} : memref<128x128xf32, #tpu.memory_space<vmem>>, vector<16xf32>,
        %parallel_loop3A_381 = arith.subf %parallel_loop3A_380, %parallel_loop3A_70 : vector<16xf32>
        %parallel_loop3A_382 = arith.mulf %parallel_loop3A_381, %parallel_loop3A_381 : vector<16xf32>
        %parallel_loop3A_383 = arith.index_cast %parallel_loop3A_372 : i32 to index
        %parallel_loop3A_384 = arith.constant 32 : index
        %parallel_loop3A_385 = tpu.vector_load %arg7[%parallel_loop3A_383, %parallel_loop3A_384] {strides = array<i32>} : memref<128x128xf32, #tpu.memory_space<vmem>>, vector<16xf32>,
        %parallel_loop3A_386 = arith.subf %parallel_loop3A_385, %parallel_loop3A_73 : vector<16xf32>
        %parallel_loop3A_387 = arith.mulf %parallel_loop3A_386, %parallel_loop3A_386 : vector<16xf32>
        %parallel_loop3A_388 = arith.index_cast %parallel_loop3A_372 : i32 to index
        %parallel_loop3A_389 = arith.constant 48 : index
        %parallel_loop3A_390 = tpu.vector_load %arg7[%parallel_loop3A_388, %parallel_loop3A_389] {strides = array<i32>} : memref<128x128xf32, #tpu.memory_space<vmem>>, vector<16xf32>,
        %parallel_loop3A_391 = arith.subf %parallel_loop3A_390, %parallel_loop3A_76 : vector<16xf32>
        %parallel_loop3A_392 = arith.mulf %parallel_loop3A_391, %parallel_loop3A_391 : vector<16xf32>
        %parallel_loop3A_393 = arith.index_cast %parallel_loop3A_372 : i32 to index
        %parallel_loop3A_394 = arith.constant 64 : index
        %parallel_loop3A_395 = tpu.vector_load %arg7[%parallel_loop3A_393, %parallel_loop3A_394] {strides = array<i32>} : memref<128x128xf32, #tpu.memory_space<vmem>>, vector<16xf32>,
        %parallel_loop3A_396 = arith.subf %parallel_loop3A_395, %parallel_loop3A_79 : vector<16xf32>
        %parallel_loop3A_397 = arith.mulf %parallel_loop3A_396, %parallel_loop3A_396 : vector<16xf32>
        %parallel_loop3A_398 = arith.index_cast %parallel_loop3A_372 : i32 to index
        %parallel_loop3A_399 = arith.constant 80 : index
        %parallel_loop3A_400 = tpu.vector_load %arg7[%parallel_loop3A_398, %parallel_loop3A_399] {strides = array<i32>} : memref<128x128xf32, #tpu.memory_space<vmem>>, vector<16xf32>,
        %parallel_loop3A_401 = arith.subf %parallel_loop3A_400, %parallel_loop3A_82 : vector<16xf32>
        %parallel_loop3A_402 = arith.mulf %parallel_loop3A_401, %parallel_loop3A_401 : vector<16xf32>
        %parallel_loop3A_403 = arith.index_cast %parallel_loop3A_372 : i32 to index
        %parallel_loop3A_404 = arith.constant 96 : index
        %parallel_loop3A_405 = tpu.vector_load %arg7[%parallel_loop3A_403, %parallel_loop3A_404] {strides = array<i32>} : memref<128x128xf32, #tpu.memory_space<vmem>>, vector<16xf32>,
        %parallel_loop3A_406 = arith.subf %parallel_loop3A_405, %parallel_loop3A_85 : vector<16xf32>
        %parallel_loop3A_407 = arith.mulf %parallel_loop3A_406, %parallel_loop3A_406 : vector<16xf32>
        %parallel_loop3A_408 = arith.index_cast %parallel_loop3A_372 : i32 to index
        %parallel_loop3A_409 = arith.constant 112 : index
        %parallel_loop3A_410 = tpu.vector_load %arg7[%parallel_loop3A_408, %parallel_loop3A_409] {strides = array<i32>} : memref<128x128xf32, #tpu.memory_space<vmem>>, vector<16xf32>,
        %parallel_loop3A_411 = arith.subf %parallel_loop3A_410, %parallel_loop3A_88 : vector<16xf32>
        %parallel_loop3A_412 = arith.mulf %parallel_loop3A_411, %parallel_loop3A_411 : vector<16xf32>
        %parallel_loop3A_413 = arith.addf %parallel_loop3A_377, %parallel_loop3A_382 : vector<16xf32>
        %parallel_loop3A_414 = arith.addf %parallel_loop3A_387, %parallel_loop3A_392 : vector<16xf32>
        %parallel_loop3A_415 = arith.addf %parallel_loop3A_397, %parallel_loop3A_402 : vector<16xf32>
        %parallel_loop3A_416 = arith.addf %parallel_loop3A_407, %parallel_loop3A_412 : vector<16xf32>
        %parallel_loop3A_417 = arith.addf %parallel_loop3A_413, %parallel_loop3A_414 : vector<16xf32>
        %parallel_loop3A_418 = arith.addf %parallel_loop3A_415, %parallel_loop3A_416 : vector<16xf32>
        %parallel_loop3A_419 = arith.addf %parallel_loop3A_417, %parallel_loop3A_418 : vector<16xf32>
        %parallel_loop3A_420 = arith.constant 80 : i32
        %parallel_loop3A_421 = arith.addi %parallel_loop3A_64, %parallel_loop3A_420 : i32
        %parallel_loop3A_422 = tpu.assume_multiple %parallel_loop3A_421, 16 : i32
        %parallel_loop3A_423 = arith.index_cast %parallel_loop3A_422 : i32 to index
        %parallel_loop3A_424 = tpu.vector_load %arg9[%parallel_loop3A_423] {strides = array<i32>} : memref<2048xf32, #tpu.memory_space<vmem>>, vector<16xf32>,
        tpu.vector_store %arg9[%parallel_loop3A_423], %parallel_loop3A_419 {strides = array<i32>} : memref<2048xf32, #tpu.memory_space<vmem>>, vector<16xf32>,
        %parallel_loop3A_425 = arith.constant 16 : i32
        %parallel_loop3A_426 = arith.muli %parallel_loop3A_59, %parallel_loop3A_425 : i32
        %parallel_loop3A_427 = arith.constant 6 : i32
        %parallel_loop3A_428 = arith.addi %parallel_loop3A_426, %parallel_loop3A_427 : i32
        %parallel_loop3A_429 = arith.index_cast %parallel_loop3A_428 : i32 to index
        %parallel_loop3A_430 = arith.constant 0 : index
        %parallel_loop3A_431 = tpu.vector_load %arg7[%parallel_loop3A_429, %parallel_loop3A_430] {strides = array<i32>} : memref<128x128xf32, #tpu.memory_space<vmem>>, vector<16xf32>,
        %parallel_loop3A_432 = arith.subf %parallel_loop3A_431, %parallel_loop3A_67 : vector<16xf32>
        %parallel_loop3A_433 = arith.mulf %parallel_loop3A_432, %parallel_loop3A_432 : vector<16xf32>
        %parallel_loop3A_434 = arith.index_cast %parallel_loop3A_428 : i32 to index
        %parallel_loop3A_435 = arith.constant 16 : index
        %parallel_loop3A_436 = tpu.vector_load %arg7[%parallel_loop3A_434, %parallel_loop3A_435] {strides = array<i32>} : memref<128x128xf32, #tpu.memory_space<vmem>>, vector<16xf32>,
        %parallel_loop3A_437 = arith.subf %parallel_loop3A_436, %parallel_loop3A_70 : vector<16xf32>
        %parallel_loop3A_438 = arith.mulf %parallel_loop3A_437, %parallel_loop3A_437 : vector<16xf32>
        %parallel_loop3A_439 = arith.index_cast %parallel_loop3A_428 : i32 to index
        %parallel_loop3A_440 = arith.constant 32 : index
        %parallel_loop3A_441 = tpu.vector_load %arg7[%parallel_loop3A_439, %parallel_loop3A_440] {strides = array<i32>} : memref<128x128xf32, #tpu.memory_space<vmem>>, vector<16xf32>,
        %parallel_loop3A_442 = arith.subf %parallel_loop3A_441, %parallel_loop3A_73 : vector<16xf32>
        %parallel_loop3A_443 = arith.mulf %parallel_loop3A_442, %parallel_loop3A_442 : vector<16xf32>
        %parallel_loop3A_444 = arith.index_cast %parallel_loop3A_428 : i32 to index
        %parallel_loop3A_445 = arith.constant 48 : index
        %parallel_loop3A_446 = tpu.vector_load %arg7[%parallel_loop3A_444, %parallel_loop3A_445] {strides = array<i32>} : memref<128x128xf32, #tpu.memory_space<vmem>>, vector<16xf32>,
        %parallel_loop3A_447 = arith.subf %parallel_loop3A_446, %parallel_loop3A_76 : vector<16xf32>
        %parallel_loop3A_448 = arith.mulf %parallel_loop3A_447, %parallel_loop3A_447 : vector<16xf32>
        %parallel_loop3A_449 = arith.index_cast %parallel_loop3A_428 : i32 to index
        %parallel_loop3A_450 = arith.constant 64 : index
        %parallel_loop3A_451 = tpu.vector_load %arg7[%parallel_loop3A_449, %parallel_loop3A_450] {strides = array<i32>} : memref<128x128xf32, #tpu.memory_space<vmem>>, vector<16xf32>,
        %parallel_loop3A_452 = arith.subf %parallel_loop3A_451, %parallel_loop3A_79 : vector<16xf32>
        %parallel_loop3A_453 = arith.mulf %parallel_loop3A_452, %parallel_loop3A_452 : vector<16xf32>
        %parallel_loop3A_454 = arith.index_cast %parallel_loop3A_428 : i32 to index
        %parallel_loop3A_455 = arith.constant 80 : index
        %parallel_loop3A_456 = tpu.vector_load %arg7[%parallel_loop3A_454, %parallel_loop3A_455] {strides = array<i32>} : memref<128x128xf32, #tpu.memory_space<vmem>>, vector<16xf32>,
        %parallel_loop3A_457 = arith.subf %parallel_loop3A_456, %parallel_loop3A_82 : vector<16xf32>
        %parallel_loop3A_458 = arith.mulf %parallel_loop3A_457, %parallel_loop3A_457 : vector<16xf32>
        %parallel_loop3A_459 = arith.index_cast %parallel_loop3A_428 : i32 to index
        %parallel_loop3A_460 = arith.constant 96 : index
        %parallel_loop3A_461 = tpu.vector_load %arg7[%parallel_loop3A_459, %parallel_loop3A_460] {strides = array<i32>} : memref<128x128xf32, #tpu.memory_space<vmem>>, vector<16xf32>,
        %parallel_loop3A_462 = arith.subf %parallel_loop3A_461, %parallel_loop3A_85 : vector<16xf32>
        %parallel_loop3A_463 = arith.mulf %parallel_loop3A_462, %parallel_loop3A_462 : vector<16xf32>
        %parallel_loop3A_464 = arith.index_cast %parallel_loop3A_428 : i32 to index
        %parallel_loop3A_465 = arith.constant 112 : index
        %parallel_loop3A_466 = tpu.vector_load %arg7[%parallel_loop3A_464, %parallel_loop3A_465] {strides = array<i32>} : memref<128x128xf32, #tpu.memory_space<vmem>>, vector<16xf32>,
        %parallel_loop3A_467 = arith.subf %parallel_loop3A_466, %parallel_loop3A_88 : vector<16xf32>
        %parallel_loop3A_468 = arith.mulf %parallel_loop3A_467, %parallel_loop3A_467 : vector<16xf32>
        %parallel_loop3A_469 = arith.addf %parallel_loop3A_433, %parallel_loop3A_438 : vector<16xf32>
        %parallel_loop3A_470 = arith.addf %parallel_loop3A_443, %parallel_loop3A_448 : vector<16xf32>
        %parallel_loop3A_471 = arith.addf %parallel_loop3A_453, %parallel_loop3A_458 : vector<16xf32>
        %parallel_loop3A_472 = arith.addf %parallel_loop3A_463, %parallel_loop3A_468 : vector<16xf32>
        %parallel_loop3A_473 = arith.addf %parallel_loop3A_469, %parallel_loop3A_470 : vector<16xf32>
        %parallel_loop3A_474 = arith.addf %parallel_loop3A_471, %parallel_loop3A_472 : vector<16xf32>
        %parallel_loop3A_475 = arith.addf %parallel_loop3A_473, %parallel_loop3A_474 : vector<16xf32>
        %parallel_loop3A_476 = arith.constant 96 : i32
        %parallel_loop3A_477 = arith.addi %parallel_loop3A_64, %parallel_loop3A_476 : i32
        %parallel_loop3A_478 = tpu.assume_multiple %parallel_loop3A_477, 16 : i32
        %parallel_loop3A_479 = arith.index_cast %parallel_loop3A_478 : i32 to index
        %parallel_loop3A_480 = tpu.vector_load %arg9[%parallel_loop3A_479] {strides = array<i32>} : memref<2048xf32, #tpu.memory_space<vmem>>, vector<16xf32>,
        tpu.vector_store %arg9[%parallel_loop3A_479], %parallel_loop3A_475 {strides = array<i32>} : memref<2048xf32, #tpu.memory_space<vmem>>, vector<16xf32>,
        %parallel_loop3A_481 = arith.constant 16 : i32
        %parallel_loop3A_482 = arith.muli %parallel_loop3A_59, %parallel_loop3A_481 : i32
        %parallel_loop3A_483 = arith.constant 7 : i32
        %parallel_loop3A_484 = arith.addi %parallel_loop3A_482, %parallel_loop3A_483 : i32
        %parallel_loop3A_485 = arith.index_cast %parallel_loop3A_484 : i32 to index
        %parallel_loop3A_486 = arith.constant 0 : index
        %parallel_loop3A_487 = tpu.vector_load %arg7[%parallel_loop3A_485, %parallel_loop3A_486] {strides = array<i32>} : memref<128x128xf32, #tpu.memory_space<vmem>>, vector<16xf32>,
        %parallel_loop3A_488 = arith.subf %parallel_loop3A_487, %parallel_loop3A_67 : vector<16xf32>
        %parallel_loop3A_489 = arith.mulf %parallel_loop3A_488, %parallel_loop3A_488 : vector<16xf32>
        %parallel_loop3A_490 = arith.index_cast %parallel_loop3A_484 : i32 to index
        %parallel_loop3A_491 = arith.constant 16 : index
        %parallel_loop3A_492 = tpu.vector_load %arg7[%parallel_loop3A_490, %parallel_loop3A_491] {strides = array<i32>} : memref<128x128xf32, #tpu.memory_space<vmem>>, vector<16xf32>,
        %parallel_loop3A_493 = arith.subf %parallel_loop3A_492, %parallel_loop3A_70 : vector<16xf32>
        %parallel_loop3A_494 = arith.mulf %parallel_loop3A_493, %parallel_loop3A_493 : vector<16xf32>
        %parallel_loop3A_495 = arith.index_cast %parallel_loop3A_484 : i32 to index
        %parallel_loop3A_496 = arith.constant 32 : index
        %parallel_loop3A_497 = tpu.vector_load %arg7[%parallel_loop3A_495, %parallel_loop3A_496] {strides = array<i32>} : memref<128x128xf32, #tpu.memory_space<vmem>>, vector<16xf32>,
        %parallel_loop3A_498 = arith.subf %parallel_loop3A_497, %parallel_loop3A_73 : vector<16xf32>
        %parallel_loop3A_499 = arith.mulf %parallel_loop3A_498, %parallel_loop3A_498 : vector<16xf32>
        %parallel_loop3A_500 = arith.index_cast %parallel_loop3A_484 : i32 to index
        %parallel_loop3A_501 = arith.constant 48 : index
        %parallel_loop3A_502 = tpu.vector_load %arg7[%parallel_loop3A_500, %parallel_loop3A_501] {strides = array<i32>} : memref<128x128xf32, #tpu.memory_space<vmem>>, vector<16xf32>,
        %parallel_loop3A_503 = arith.subf %parallel_loop3A_502, %parallel_loop3A_76 : vector<16xf32>
        %parallel_loop3A_504 = arith.mulf %parallel_loop3A_503, %parallel_loop3A_503 : vector<16xf32>
        %parallel_loop3A_505 = arith.index_cast %parallel_loop3A_484 : i32 to index
        %parallel_loop3A_506 = arith.constant 64 : index
        %parallel_loop3A_507 = tpu.vector_load %arg7[%parallel_loop3A_505, %parallel_loop3A_506] {strides = array<i32>} : memref<128x128xf32, #tpu.memory_space<vmem>>, vector<16xf32>,
        %parallel_loop3A_508 = arith.subf %parallel_loop3A_507, %parallel_loop3A_79 : vector<16xf32>
        %parallel_loop3A_509 = arith.mulf %parallel_loop3A_508, %parallel_loop3A_508 : vector<16xf32>
        %parallel_loop3A_510 = arith.index_cast %parallel_loop3A_484 : i32 to index
        %parallel_loop3A_511 = arith.constant 80 : index
        %parallel_loop3A_512 = tpu.vector_load %arg7[%parallel_loop3A_510, %parallel_loop3A_511] {strides = array<i32>} : memref<128x128xf32, #tpu.memory_space<vmem>>, vector<16xf32>,
        %parallel_loop3A_513 = arith.subf %parallel_loop3A_512, %parallel_loop3A_82 : vector<16xf32>
        %parallel_loop3A_514 = arith.mulf %parallel_loop3A_513, %parallel_loop3A_513 : vector<16xf32>
        %parallel_loop3A_515 = arith.index_cast %parallel_loop3A_484 : i32 to index
        %parallel_loop3A_516 = arith.constant 96 : index
        %parallel_loop3A_517 = tpu.vector_load %arg7[%parallel_loop3A_515, %parallel_loop3A_516] {strides = array<i32>} : memref<128x128xf32, #tpu.memory_space<vmem>>, vector<16xf32>,
        %parallel_loop3A_518 = arith.subf %parallel_loop3A_517, %parallel_loop3A_85 : vector<16xf32>
        %parallel_loop3A_519 = arith.mulf %parallel_loop3A_518, %parallel_loop3A_518 : vector<16xf32>
        %parallel_loop3A_520 = arith.index_cast %parallel_loop3A_484 : i32 to index
        %parallel_loop3A_521 = arith.constant 112 : index
        %parallel_loop3A_522 = tpu.vector_load %arg7[%parallel_loop3A_520, %parallel_loop3A_521] {strides = array<i32>} : memref<128x128xf32, #tpu.memory_space<vmem>>, vector<16xf32>,
        %parallel_loop3A_523 = arith.subf %parallel_loop3A_522, %parallel_loop3A_88 : vector<16xf32>
        %parallel_loop3A_524 = arith.mulf %parallel_loop3A_523, %parallel_loop3A_523 : vector<16xf32>
        %parallel_loop3A_525 = arith.addf %parallel_loop3A_489, %parallel_loop3A_494 : vector<16xf32>
        %parallel_loop3A_526 = arith.addf %parallel_loop3A_499, %parallel_loop3A_504 : vector<16xf32>
        %parallel_loop3A_527 = arith.addf %parallel_loop3A_509, %parallel_loop3A_514 : vector<16xf32>
        %parallel_loop3A_528 = arith.addf %parallel_loop3A_519, %parallel_loop3A_524 : vector<16xf32>
        %parallel_loop3A_529 = arith.addf %parallel_loop3A_525, %parallel_loop3A_526 : vector<16xf32>
        %parallel_loop3A_530 = arith.addf %parallel_loop3A_527, %parallel_loop3A_528 : vector<16xf32>
        %parallel_loop3A_531 = arith.addf %parallel_loop3A_529, %parallel_loop3A_530 : vector<16xf32>
        %parallel_loop3A_532 = arith.constant 112 : i32
        %parallel_loop3A_533 = arith.addi %parallel_loop3A_64, %parallel_loop3A_532 : i32
        %parallel_loop3A_534 = tpu.assume_multiple %parallel_loop3A_533, 16 : i32
        %parallel_loop3A_535 = arith.index_cast %parallel_loop3A_534 : i32 to index
        %parallel_loop3A_536 = tpu.vector_load %arg9[%parallel_loop3A_535] {strides = array<i32>} : memref<2048xf32, #tpu.memory_space<vmem>>, vector<16xf32>,
        tpu.vector_store %arg9[%parallel_loop3A_535], %parallel_loop3A_531 {strides = array<i32>} : memref<2048xf32, #tpu.memory_space<vmem>>, vector<16xf32>,
        %parallel_loop3A_537 = arith.constant 16 : i32
        %parallel_loop3A_538 = arith.muli %parallel_loop3A_59, %parallel_loop3A_537 : i32
        %parallel_loop3A_539 = arith.constant 8 : i32
        %parallel_loop3A_540 = arith.addi %parallel_loop3A_538, %parallel_loop3A_539 : i32
        %parallel_loop3A_541 = arith.index_cast %parallel_loop3A_540 : i32 to index
        %parallel_loop3A_542 = arith.constant 0 : index
        %parallel_loop3A_543 = tpu.vector_load %arg7[%parallel_loop3A_541, %parallel_loop3A_542] {strides = array<i32>} : memref<128x128xf32, #tpu.memory_space<vmem>>, vector<16xf32>,
        %parallel_loop3A_544 = arith.subf %parallel_loop3A_543, %parallel_loop3A_67 : vector<16xf32>
        %parallel_loop3A_545 = arith.mulf %parallel_loop3A_544, %parallel_loop3A_544 : vector<16xf32>
        %parallel_loop3A_546 = arith.index_cast %parallel_loop3A_540 : i32 to index
        %parallel_loop3A_547 = arith.constant 16 : index
        %parallel_loop3A_548 = tpu.vector_load %arg7[%parallel_loop3A_546, %parallel_loop3A_547] {strides = array<i32>} : memref<128x128xf32, #tpu.memory_space<vmem>>, vector<16xf32>,
        %parallel_loop3A_549 = arith.subf %parallel_loop3A_548, %parallel_loop3A_70 : vector<16xf32>
        %parallel_loop3A_550 = arith.mulf %parallel_loop3A_549, %parallel_loop3A_549 : vector<16xf32>
        %parallel_loop3A_551 = arith.index_cast %parallel_loop3A_540 : i32 to index
        %parallel_loop3A_552 = arith.constant 32 : index
        %parallel_loop3A_553 = tpu.vector_load %arg7[%parallel_loop3A_551, %parallel_loop3A_552] {strides = array<i32>} : memref<128x128xf32, #tpu.memory_space<vmem>>, vector<16xf32>,
        %parallel_loop3A_554 = arith.subf %parallel_loop3A_553, %parallel_loop3A_73 : vector<16xf32>
        %parallel_loop3A_555 = arith.mulf %parallel_loop3A_554, %parallel_loop3A_554 : vector<16xf32>
        %parallel_loop3A_556 = arith.index_cast %parallel_loop3A_540 : i32 to index
        %parallel_loop3A_557 = arith.constant 48 : index
        %parallel_loop3A_558 = tpu.vector_load %arg7[%parallel_loop3A_556, %parallel_loop3A_557] {strides = array<i32>} : memref<128x128xf32, #tpu.memory_space<vmem>>, vector<16xf32>,
        %parallel_loop3A_559 = arith.subf %parallel_loop3A_558, %parallel_loop3A_76 : vector<16xf32>
        %parallel_loop3A_560 = arith.mulf %parallel_loop3A_559, %parallel_loop3A_559 : vector<16xf32>
        %parallel_loop3A_561 = arith.index_cast %parallel_loop3A_540 : i32 to index
        %parallel_loop3A_562 = arith.constant 64 : index
        %parallel_loop3A_563 = tpu.vector_load %arg7[%parallel_loop3A_561, %parallel_loop3A_562] {strides = array<i32>} : memref<128x128xf32, #tpu.memory_space<vmem>>, vector<16xf32>,
        %parallel_loop3A_564 = arith.subf %parallel_loop3A_563, %parallel_loop3A_79 : vector<16xf32>
        %parallel_loop3A_565 = arith.mulf %parallel_loop3A_564, %parallel_loop3A_564 : vector<16xf32>
        %parallel_loop3A_566 = arith.index_cast %parallel_loop3A_540 : i32 to index
        %parallel_loop3A_567 = arith.constant 80 : index
        %parallel_loop3A_568 = tpu.vector_load %arg7[%parallel_loop3A_566, %parallel_loop3A_567] {strides = array<i32>} : memref<128x128xf32, #tpu.memory_space<vmem>>, vector<16xf32>,
        %parallel_loop3A_569 = arith.subf %parallel_loop3A_568, %parallel_loop3A_82 : vector<16xf32>
        %parallel_loop3A_570 = arith.mulf %parallel_loop3A_569, %parallel_loop3A_569 : vector<16xf32>
        %parallel_loop3A_571 = arith.index_cast %parallel_loop3A_540 : i32 to index
        %parallel_loop3A_572 = arith.constant 96 : index
        %parallel_loop3A_573 = tpu.vector_load %arg7[%parallel_loop3A_571, %parallel_loop3A_572] {strides = array<i32>} : memref<128x128xf32, #tpu.memory_space<vmem>>, vector<16xf32>,
        %parallel_loop3A_574 = arith.subf %parallel_loop3A_573, %parallel_loop3A_85 : vector<16xf32>
        %parallel_loop3A_575 = arith.mulf %parallel_loop3A_574, %parallel_loop3A_574 : vector<16xf32>
        %parallel_loop3A_576 = arith.index_cast %parallel_loop3A_540 : i32 to index
        %parallel_loop3A_577 = arith.constant 112 : index
        %parallel_loop3A_578 = tpu.vector_load %arg7[%parallel_loop3A_576, %parallel_loop3A_577] {strides = array<i32>} : memref<128x128xf32, #tpu.memory_space<vmem>>, vector<16xf32>,
        %parallel_loop3A_579 = arith.subf %parallel_loop3A_578, %parallel_loop3A_88 : vector<16xf32>
        %parallel_loop3A_580 = arith.mulf %parallel_loop3A_579, %parallel_loop3A_579 : vector<16xf32>
        %parallel_loop3A_581 = arith.addf %parallel_loop3A_545, %parallel_loop3A_550 : vector<16xf32>
        %parallel_loop3A_582 = arith.addf %parallel_loop3A_555, %parallel_loop3A_560 : vector<16xf32>
        %parallel_loop3A_583 = arith.addf %parallel_loop3A_565, %parallel_loop3A_570 : vector<16xf32>
        %parallel_loop3A_584 = arith.addf %parallel_loop3A_575, %parallel_loop3A_580 : vector<16xf32>
        %parallel_loop3A_585 = arith.addf %parallel_loop3A_581, %parallel_loop3A_582 : vector<16xf32>
        %parallel_loop3A_586 = arith.addf %parallel_loop3A_583, %parallel_loop3A_584 : vector<16xf32>
        %parallel_loop3A_587 = arith.addf %parallel_loop3A_585, %parallel_loop3A_586 : vector<16xf32>
        %parallel_loop3A_588 = arith.constant 128 : i32
        %parallel_loop3A_589 = arith.addi %parallel_loop3A_64, %parallel_loop3A_588 : i32
        %parallel_loop3A_590 = tpu.assume_multiple %parallel_loop3A_589, 16 : i32
        %parallel_loop3A_591 = arith.index_cast %parallel_loop3A_590 : i32 to index
        %parallel_loop3A_592 = tpu.vector_load %arg9[%parallel_loop3A_591] {strides = array<i32>} : memref<2048xf32, #tpu.memory_space<vmem>>, vector<16xf32>,
        tpu.vector_store %arg9[%parallel_loop3A_591], %parallel_loop3A_587 {strides = array<i32>} : memref<2048xf32, #tpu.memory_space<vmem>>, vector<16xf32>,
        %parallel_loop3A_593 = arith.constant 16 : i32
        %parallel_loop3A_594 = arith.muli %parallel_loop3A_59, %parallel_loop3A_593 : i32
        %parallel_loop3A_595 = arith.constant 9 : i32
        %parallel_loop3A_596 = arith.addi %parallel_loop3A_594, %parallel_loop3A_595 : i32
        %parallel_loop3A_597 = arith.index_cast %parallel_loop3A_596 : i32 to index
        %parallel_loop3A_598 = arith.constant 0 : index
        %parallel_loop3A_599 = tpu.vector_load %arg7[%parallel_loop3A_597, %parallel_loop3A_598] {strides = array<i32>} : memref<128x128xf32, #tpu.memory_space<vmem>>, vector<16xf32>,
        %parallel_loop3A_600 = arith.subf %parallel_loop3A_599, %parallel_loop3A_67 : vector<16xf32>
        %parallel_loop3A_601 = arith.mulf %parallel_loop3A_600, %parallel_loop3A_600 : vector<16xf32>
        %parallel_loop3A_602 = arith.index_cast %parallel_loop3A_596 : i32 to index
        %parallel_loop3A_603 = arith.constant 16 : index
        %parallel_loop3A_604 = tpu.vector_load %arg7[%parallel_loop3A_602, %parallel_loop3A_603] {strides = array<i32>} : memref<128x128xf32, #tpu.memory_space<vmem>>, vector<16xf32>,
        %parallel_loop3A_605 = arith.subf %parallel_loop3A_604, %parallel_loop3A_70 : vector<16xf32>
        %parallel_loop3A_606 = arith.mulf %parallel_loop3A_605, %parallel_loop3A_605 : vector<16xf32>
        %parallel_loop3A_607 = arith.index_cast %parallel_loop3A_596 : i32 to index
        %parallel_loop3A_608 = arith.constant 32 : index
        %parallel_loop3A_609 = tpu.vector_load %arg7[%parallel_loop3A_607, %parallel_loop3A_608] {strides = array<i32>} : memref<128x128xf32, #tpu.memory_space<vmem>>, vector<16xf32>,
        %parallel_loop3A_610 = arith.subf %parallel_loop3A_609, %parallel_loop3A_73 : vector<16xf32>
        %parallel_loop3A_611 = arith.mulf %parallel_loop3A_610, %parallel_loop3A_610 : vector<16xf32>
        %parallel_loop3A_612 = arith.index_cast %parallel_loop3A_596 : i32 to index
        %parallel_loop3A_613 = arith.constant 48 : index
        %parallel_loop3A_614 = tpu.vector_load %arg7[%parallel_loop3A_612, %parallel_loop3A_613] {strides = array<i32>} : memref<128x128xf32, #tpu.memory_space<vmem>>, vector<16xf32>,
        %parallel_loop3A_615 = arith.subf %parallel_loop3A_614, %parallel_loop3A_76 : vector<16xf32>
        %parallel_loop3A_616 = arith.mulf %parallel_loop3A_615, %parallel_loop3A_615 : vector<16xf32>
        %parallel_loop3A_617 = arith.index_cast %parallel_loop3A_596 : i32 to index
        %parallel_loop3A_618 = arith.constant 64 : index
        %parallel_loop3A_619 = tpu.vector_load %arg7[%parallel_loop3A_617, %parallel_loop3A_618] {strides = array<i32>} : memref<128x128xf32, #tpu.memory_space<vmem>>, vector<16xf32>,
        %parallel_loop3A_620 = arith.subf %parallel_loop3A_619, %parallel_loop3A_79 : vector<16xf32>
        %parallel_loop3A_621 = arith.mulf %parallel_loop3A_620, %parallel_loop3A_620 : vector<16xf32>
        %parallel_loop3A_622 = arith.index_cast %parallel_loop3A_596 : i32 to index
        %parallel_loop3A_623 = arith.constant 80 : index
        %parallel_loop3A_624 = tpu.vector_load %arg7[%parallel_loop3A_622, %parallel_loop3A_623] {strides = array<i32>} : memref<128x128xf32, #tpu.memory_space<vmem>>, vector<16xf32>,
        %parallel_loop3A_625 = arith.subf %parallel_loop3A_624, %parallel_loop3A_82 : vector<16xf32>
        %parallel_loop3A_626 = arith.mulf %parallel_loop3A_625, %parallel_loop3A_625 : vector<16xf32>
        %parallel_loop3A_627 = arith.index_cast %parallel_loop3A_596 : i32 to index
        %parallel_loop3A_628 = arith.constant 96 : index
        %parallel_loop3A_629 = tpu.vector_load %arg7[%parallel_loop3A_627, %parallel_loop3A_628] {strides = array<i32>} : memref<128x128xf32, #tpu.memory_space<vmem>>, vector<16xf32>,
        %parallel_loop3A_630 = arith.subf %parallel_loop3A_629, %parallel_loop3A_85 : vector<16xf32>
        %parallel_loop3A_631 = arith.mulf %parallel_loop3A_630, %parallel_loop3A_630 : vector<16xf32>
        %parallel_loop3A_632 = arith.index_cast %parallel_loop3A_596 : i32 to index
        %parallel_loop3A_633 = arith.constant 112 : index
        %parallel_loop3A_634 = tpu.vector_load %arg7[%parallel_loop3A_632, %parallel_loop3A_633] {strides = array<i32>} : memref<128x128xf32, #tpu.memory_space<vmem>>, vector<16xf32>,
        %parallel_loop3A_635 = arith.subf %parallel_loop3A_634, %parallel_loop3A_88 : vector<16xf32>
        %parallel_loop3A_636 = arith.mulf %parallel_loop3A_635, %parallel_loop3A_635 : vector<16xf32>
        %parallel_loop3A_637 = arith.addf %parallel_loop3A_601, %parallel_loop3A_606 : vector<16xf32>
        %parallel_loop3A_638 = arith.addf %parallel_loop3A_611, %parallel_loop3A_616 : vector<16xf32>
        %parallel_loop3A_639 = arith.addf %parallel_loop3A_621, %parallel_loop3A_626 : vector<16xf32>
        %parallel_loop3A_640 = arith.addf %parallel_loop3A_631, %parallel_loop3A_636 : vector<16xf32>
        %parallel_loop3A_641 = arith.addf %parallel_loop3A_637, %parallel_loop3A_638 : vector<16xf32>
        %parallel_loop3A_642 = arith.addf %parallel_loop3A_639, %parallel_loop3A_640 : vector<16xf32>
        %parallel_loop3A_643 = arith.addf %parallel_loop3A_641, %parallel_loop3A_642 : vector<16xf32>
        %parallel_loop3A_644 = arith.constant 144 : i32
        %parallel_loop3A_645 = arith.addi %parallel_loop3A_64, %parallel_loop3A_644 : i32
        %parallel_loop3A_646 = tpu.assume_multiple %parallel_loop3A_645, 16 : i32
        %parallel_loop3A_647 = arith.index_cast %parallel_loop3A_646 : i32 to index
        %parallel_loop3A_648 = tpu.vector_load %arg9[%parallel_loop3A_647] {strides = array<i32>} : memref<2048xf32, #tpu.memory_space<vmem>>, vector<16xf32>,
        tpu.vector_store %arg9[%parallel_loop3A_647], %parallel_loop3A_643 {strides = array<i32>} : memref<2048xf32, #tpu.memory_space<vmem>>, vector<16xf32>,
        %parallel_loop3A_649 = arith.constant 16 : i32
        %parallel_loop3A_650 = arith.muli %parallel_loop3A_59, %parallel_loop3A_649 : i32
        %parallel_loop3A_651 = arith.constant 10 : i32
        %parallel_loop3A_652 = arith.addi %parallel_loop3A_650, %parallel_loop3A_651 : i32
        %parallel_loop3A_653 = arith.index_cast %parallel_loop3A_652 : i32 to index
        %parallel_loop3A_654 = arith.constant 0 : index
        %parallel_loop3A_655 = tpu.vector_load %arg7[%parallel_loop3A_653, %parallel_loop3A_654] {strides = array<i32>} : memref<128x128xf32, #tpu.memory_space<vmem>>, vector<16xf32>,
        %parallel_loop3A_656 = arith.subf %parallel_loop3A_655, %parallel_loop3A_67 : vector<16xf32>
        %parallel_loop3A_657 = arith.mulf %parallel_loop3A_656, %parallel_loop3A_656 : vector<16xf32>
        %parallel_loop3A_658 = arith.index_cast %parallel_loop3A_652 : i32 to index
        %parallel_loop3A_659 = arith.constant 16 : index
        %parallel_loop3A_660 = tpu.vector_load %arg7[%parallel_loop3A_658, %parallel_loop3A_659] {strides = array<i32>} : memref<128x128xf32, #tpu.memory_space<vmem>>, vector<16xf32>,
        %parallel_loop3A_661 = arith.subf %parallel_loop3A_660, %parallel_loop3A_70 : vector<16xf32>
        %parallel_loop3A_662 = arith.mulf %parallel_loop3A_661, %parallel_loop3A_661 : vector<16xf32>
        %parallel_loop3A_663 = arith.index_cast %parallel_loop3A_652 : i32 to index
        %parallel_loop3A_664 = arith.constant 32 : index
        %parallel_loop3A_665 = tpu.vector_load %arg7[%parallel_loop3A_663, %parallel_loop3A_664] {strides = array<i32>} : memref<128x128xf32, #tpu.memory_space<vmem>>, vector<16xf32>,
        %parallel_loop3A_666 = arith.subf %parallel_loop3A_665, %parallel_loop3A_73 : vector<16xf32>
        %parallel_loop3A_667 = arith.mulf %parallel_loop3A_666, %parallel_loop3A_666 : vector<16xf32>
        %parallel_loop3A_668 = arith.index_cast %parallel_loop3A_652 : i32 to index
        %parallel_loop3A_669 = arith.constant 48 : index
        %parallel_loop3A_670 = tpu.vector_load %arg7[%parallel_loop3A_668, %parallel_loop3A_669] {strides = array<i32>} : memref<128x128xf32, #tpu.memory_space<vmem>>, vector<16xf32>,
        %parallel_loop3A_671 = arith.subf %parallel_loop3A_670, %parallel_loop3A_76 : vector<16xf32>
        %parallel_loop3A_672 = arith.mulf %parallel_loop3A_671, %parallel_loop3A_671 : vector<16xf32>
        %parallel_loop3A_673 = arith.index_cast %parallel_loop3A_652 : i32 to index
        %parallel_loop3A_674 = arith.constant 64 : index
        %parallel_loop3A_675 = tpu.vector_load %arg7[%parallel_loop3A_673, %parallel_loop3A_674] {strides = array<i32>} : memref<128x128xf32, #tpu.memory_space<vmem>>, vector<16xf32>,
        %parallel_loop3A_676 = arith.subf %parallel_loop3A_675, %parallel_loop3A_79 : vector<16xf32>
        %parallel_loop3A_677 = arith.mulf %parallel_loop3A_676, %parallel_loop3A_676 : vector<16xf32>
        %parallel_loop3A_678 = arith.index_cast %parallel_loop3A_652 : i32 to index
        %parallel_loop3A_679 = arith.constant 80 : index
        %parallel_loop3A_680 = tpu.vector_load %arg7[%parallel_loop3A_678, %parallel_loop3A_679] {strides = array<i32>} : memref<128x128xf32, #tpu.memory_space<vmem>>, vector<16xf32>,
        %parallel_loop3A_681 = arith.subf %parallel_loop3A_680, %parallel_loop3A_82 : vector<16xf32>
        %parallel_loop3A_682 = arith.mulf %parallel_loop3A_681, %parallel_loop3A_681 : vector<16xf32>
        %parallel_loop3A_683 = arith.index_cast %parallel_loop3A_652 : i32 to index
        %parallel_loop3A_684 = arith.constant 96 : index
        %parallel_loop3A_685 = tpu.vector_load %arg7[%parallel_loop3A_683, %parallel_loop3A_684] {strides = array<i32>} : memref<128x128xf32, #tpu.memory_space<vmem>>, vector<16xf32>,
        %parallel_loop3A_686 = arith.subf %parallel_loop3A_685, %parallel_loop3A_85 : vector<16xf32>
        %parallel_loop3A_687 = arith.mulf %parallel_loop3A_686, %parallel_loop3A_686 : vector<16xf32>
        %parallel_loop3A_688 = arith.index_cast %parallel_loop3A_652 : i32 to index
        %parallel_loop3A_689 = arith.constant 112 : index
        %parallel_loop3A_690 = tpu.vector_load %arg7[%parallel_loop3A_688, %parallel_loop3A_689] {strides = array<i32>} : memref<128x128xf32, #tpu.memory_space<vmem>>, vector<16xf32>,
        %parallel_loop3A_691 = arith.subf %parallel_loop3A_690, %parallel_loop3A_88 : vector<16xf32>
        %parallel_loop3A_692 = arith.mulf %parallel_loop3A_691, %parallel_loop3A_691 : vector<16xf32>
        %parallel_loop3A_693 = arith.addf %parallel_loop3A_657, %parallel_loop3A_662 : vector<16xf32>
        %parallel_loop3A_694 = arith.addf %parallel_loop3A_667, %parallel_loop3A_672 : vector<16xf32>
        %parallel_loop3A_695 = arith.addf %parallel_loop3A_677, %parallel_loop3A_682 : vector<16xf32>
        %parallel_loop3A_696 = arith.addf %parallel_loop3A_687, %parallel_loop3A_692 : vector<16xf32>
        %parallel_loop3A_697 = arith.addf %parallel_loop3A_693, %parallel_loop3A_694 : vector<16xf32>
        %parallel_loop3A_698 = arith.addf %parallel_loop3A_695, %parallel_loop3A_696 : vector<16xf32>
        %parallel_loop3A_699 = arith.addf %parallel_loop3A_697, %parallel_loop3A_698 : vector<16xf32>
        %parallel_loop3A_700 = arith.constant 160 : i32
        %parallel_loop3A_701 = arith.addi %parallel_loop3A_64, %parallel_loop3A_700 : i32
        %parallel_loop3A_702 = tpu.assume_multiple %parallel_loop3A_701, 16 : i32
        %parallel_loop3A_703 = arith.index_cast %parallel_loop3A_702 : i32 to index
        %parallel_loop3A_704 = tpu.vector_load %arg9[%parallel_loop3A_703] {strides = array<i32>} : memref<2048xf32, #tpu.memory_space<vmem>>, vector<16xf32>,
        tpu.vector_store %arg9[%parallel_loop3A_703], %parallel_loop3A_699 {strides = array<i32>} : memref<2048xf32, #tpu.memory_space<vmem>>, vector<16xf32>,
        %parallel_loop3A_705 = arith.constant 16 : i32
        %parallel_loop3A_706 = arith.muli %parallel_loop3A_59, %parallel_loop3A_705 : i32
        %parallel_loop3A_707 = arith.constant 11 : i32
        %parallel_loop3A_708 = arith.addi %parallel_loop3A_706, %parallel_loop3A_707 : i32
        %parallel_loop3A_709 = arith.index_cast %parallel_loop3A_708 : i32 to index
        %parallel_loop3A_710 = arith.constant 0 : index
        %parallel_loop3A_711 = tpu.vector_load %arg7[%parallel_loop3A_709, %parallel_loop3A_710] {strides = array<i32>} : memref<128x128xf32, #tpu.memory_space<vmem>>, vector<16xf32>,
        %parallel_loop3A_712 = arith.subf %parallel_loop3A_711, %parallel_loop3A_67 : vector<16xf32>
        %parallel_loop3A_713 = arith.mulf %parallel_loop3A_712, %parallel_loop3A_712 : vector<16xf32>
        %parallel_loop3A_714 = arith.index_cast %parallel_loop3A_708 : i32 to index
        %parallel_loop3A_715 = arith.constant 16 : index
        %parallel_loop3A_716 = tpu.vector_load %arg7[%parallel_loop3A_714, %parallel_loop3A_715] {strides = array<i32>} : memref<128x128xf32, #tpu.memory_space<vmem>>, vector<16xf32>,
        %parallel_loop3A_717 = arith.subf %parallel_loop3A_716, %parallel_loop3A_70 : vector<16xf32>
        %parallel_loop3A_718 = arith.mulf %parallel_loop3A_717, %parallel_loop3A_717 : vector<16xf32>
        %parallel_loop3A_719 = arith.index_cast %parallel_loop3A_708 : i32 to index
        %parallel_loop3A_720 = arith.constant 32 : index
        %parallel_loop3A_721 = tpu.vector_load %arg7[%parallel_loop3A_719, %parallel_loop3A_720] {strides = array<i32>} : memref<128x128xf32, #tpu.memory_space<vmem>>, vector<16xf32>,
        %parallel_loop3A_722 = arith.subf %parallel_loop3A_721, %parallel_loop3A_73 : vector<16xf32>
        %parallel_loop3A_723 = arith.mulf %parallel_loop3A_722, %parallel_loop3A_722 : vector<16xf32>
        %parallel_loop3A_724 = arith.index_cast %parallel_loop3A_708 : i32 to index
        %parallel_loop3A_725 = arith.constant 48 : index
        %parallel_loop3A_726 = tpu.vector_load %arg7[%parallel_loop3A_724, %parallel_loop3A_725] {strides = array<i32>} : memref<128x128xf32, #tpu.memory_space<vmem>>, vector<16xf32>,
        %parallel_loop3A_727 = arith.subf %parallel_loop3A_726, %parallel_loop3A_76 : vector<16xf32>
        %parallel_loop3A_728 = arith.mulf %parallel_loop3A_727, %parallel_loop3A_727 : vector<16xf32>
        %parallel_loop3A_729 = arith.index_cast %parallel_loop3A_708 : i32 to index
        %parallel_loop3A_730 = arith.constant 64 : index
        %parallel_loop3A_731 = tpu.vector_load %arg7[%parallel_loop3A_729, %parallel_loop3A_730] {strides = array<i32>} : memref<128x128xf32, #tpu.memory_space<vmem>>, vector<16xf32>,
        %parallel_loop3A_732 = arith.subf %parallel_loop3A_731, %parallel_loop3A_79 : vector<16xf32>
        %parallel_loop3A_733 = arith.mulf %parallel_loop3A_732, %parallel_loop3A_732 : vector<16xf32>
        %parallel_loop3A_734 = arith.index_cast %parallel_loop3A_708 : i32 to index
        %parallel_loop3A_735 = arith.constant 80 : index
        %parallel_loop3A_736 = tpu.vector_load %arg7[%parallel_loop3A_734, %parallel_loop3A_735] {strides = array<i32>} : memref<128x128xf32, #tpu.memory_space<vmem>>, vector<16xf32>,
        %parallel_loop3A_737 = arith.subf %parallel_loop3A_736, %parallel_loop3A_82 : vector<16xf32>
        %parallel_loop3A_738 = arith.mulf %parallel_loop3A_737, %parallel_loop3A_737 : vector<16xf32>
        %parallel_loop3A_739 = arith.index_cast %parallel_loop3A_708 : i32 to index
        %parallel_loop3A_740 = arith.constant 96 : index
        %parallel_loop3A_741 = tpu.vector_load %arg7[%parallel_loop3A_739, %parallel_loop3A_740] {strides = array<i32>} : memref<128x128xf32, #tpu.memory_space<vmem>>, vector<16xf32>,
        %parallel_loop3A_742 = arith.subf %parallel_loop3A_741, %parallel_loop3A_85 : vector<16xf32>
        %parallel_loop3A_743 = arith.mulf %parallel_loop3A_742, %parallel_loop3A_742 : vector<16xf32>
        %parallel_loop3A_744 = arith.index_cast %parallel_loop3A_708 : i32 to index
        %parallel_loop3A_745 = arith.constant 112 : index
        %parallel_loop3A_746 = tpu.vector_load %arg7[%parallel_loop3A_744, %parallel_loop3A_745] {strides = array<i32>} : memref<128x128xf32, #tpu.memory_space<vmem>>, vector<16xf32>,
        %parallel_loop3A_747 = arith.subf %parallel_loop3A_746, %parallel_loop3A_88 : vector<16xf32>
        %parallel_loop3A_748 = arith.mulf %parallel_loop3A_747, %parallel_loop3A_747 : vector<16xf32>
        %parallel_loop3A_749 = arith.addf %parallel_loop3A_713, %parallel_loop3A_718 : vector<16xf32>
        %parallel_loop3A_750 = arith.addf %parallel_loop3A_723, %parallel_loop3A_728 : vector<16xf32>
        %parallel_loop3A_751 = arith.addf %parallel_loop3A_733, %parallel_loop3A_738 : vector<16xf32>
        %parallel_loop3A_752 = arith.addf %parallel_loop3A_743, %parallel_loop3A_748 : vector<16xf32>
        %parallel_loop3A_753 = arith.addf %parallel_loop3A_749, %parallel_loop3A_750 : vector<16xf32>
        %parallel_loop3A_754 = arith.addf %parallel_loop3A_751, %parallel_loop3A_752 : vector<16xf32>
        %parallel_loop3A_755 = arith.addf %parallel_loop3A_753, %parallel_loop3A_754 : vector<16xf32>
        %parallel_loop3A_756 = arith.constant 176 : i32
        %parallel_loop3A_757 = arith.addi %parallel_loop3A_64, %parallel_loop3A_756 : i32
        %parallel_loop3A_758 = tpu.assume_multiple %parallel_loop3A_757, 16 : i32
        %parallel_loop3A_759 = arith.index_cast %parallel_loop3A_758 : i32 to index
        %parallel_loop3A_760 = tpu.vector_load %arg9[%parallel_loop3A_759] {strides = array<i32>} : memref<2048xf32, #tpu.memory_space<vmem>>, vector<16xf32>,
        tpu.vector_store %arg9[%parallel_loop3A_759], %parallel_loop3A_755 {strides = array<i32>} : memref<2048xf32, #tpu.memory_space<vmem>>, vector<16xf32>,
        %parallel_loop3A_761 = arith.constant 16 : i32
        %parallel_loop3A_762 = arith.muli %parallel_loop3A_59, %parallel_loop3A_761 : i32
        %parallel_loop3A_763 = arith.constant 12 : i32
        %parallel_loop3A_764 = arith.addi %parallel_loop3A_762, %parallel_loop3A_763 : i32
        %parallel_loop3A_765 = arith.index_cast %parallel_loop3A_764 : i32 to index
        %parallel_loop3A_766 = arith.constant 0 : index
        %parallel_loop3A_767 = tpu.vector_load %arg7[%parallel_loop3A_765, %parallel_loop3A_766] {strides = array<i32>} : memref<128x128xf32, #tpu.memory_space<vmem>>, vector<16xf32>,
        %parallel_loop3A_768 = arith.subf %parallel_loop3A_767, %parallel_loop3A_67 : vector<16xf32>
        %parallel_loop3A_769 = arith.mulf %parallel_loop3A_768, %parallel_loop3A_768 : vector<16xf32>
        %parallel_loop3A_770 = arith.index_cast %parallel_loop3A_764 : i32 to index
        %parallel_loop3A_771 = arith.constant 16 : index
        %parallel_loop3A_772 = tpu.vector_load %arg7[%parallel_loop3A_770, %parallel_loop3A_771] {strides = array<i32>} : memref<128x128xf32, #tpu.memory_space<vmem>>, vector<16xf32>,
        %parallel_loop3A_773 = arith.subf %parallel_loop3A_772, %parallel_loop3A_70 : vector<16xf32>
        %parallel_loop3A_774 = arith.mulf %parallel_loop3A_773, %parallel_loop3A_773 : vector<16xf32>
        %parallel_loop3A_775 = arith.index_cast %parallel_loop3A_764 : i32 to index
        %parallel_loop3A_776 = arith.constant 32 : index
        %parallel_loop3A_777 = tpu.vector_load %arg7[%parallel_loop3A_775, %parallel_loop3A_776] {strides = array<i32>} : memref<128x128xf32, #tpu.memory_space<vmem>>, vector<16xf32>,
        %parallel_loop3A_778 = arith.subf %parallel_loop3A_777, %parallel_loop3A_73 : vector<16xf32>
        %parallel_loop3A_779 = arith.mulf %parallel_loop3A_778, %parallel_loop3A_778 : vector<16xf32>
        %parallel_loop3A_780 = arith.index_cast %parallel_loop3A_764 : i32 to index
        %parallel_loop3A_781 = arith.constant 48 : index
        %parallel_loop3A_782 = tpu.vector_load %arg7[%parallel_loop3A_780, %parallel_loop3A_781] {strides = array<i32>} : memref<128x128xf32, #tpu.memory_space<vmem>>, vector<16xf32>,
        %parallel_loop3A_783 = arith.subf %parallel_loop3A_782, %parallel_loop3A_76 : vector<16xf32>
        %parallel_loop3A_784 = arith.mulf %parallel_loop3A_783, %parallel_loop3A_783 : vector<16xf32>
        %parallel_loop3A_785 = arith.index_cast %parallel_loop3A_764 : i32 to index
        %parallel_loop3A_786 = arith.constant 64 : index
        %parallel_loop3A_787 = tpu.vector_load %arg7[%parallel_loop3A_785, %parallel_loop3A_786] {strides = array<i32>} : memref<128x128xf32, #tpu.memory_space<vmem>>, vector<16xf32>,
        %parallel_loop3A_788 = arith.subf %parallel_loop3A_787, %parallel_loop3A_79 : vector<16xf32>
        %parallel_loop3A_789 = arith.mulf %parallel_loop3A_788, %parallel_loop3A_788 : vector<16xf32>
        %parallel_loop3A_790 = arith.index_cast %parallel_loop3A_764 : i32 to index
        %parallel_loop3A_791 = arith.constant 80 : index
        %parallel_loop3A_792 = tpu.vector_load %arg7[%parallel_loop3A_790, %parallel_loop3A_791] {strides = array<i32>} : memref<128x128xf32, #tpu.memory_space<vmem>>, vector<16xf32>,
        %parallel_loop3A_793 = arith.subf %parallel_loop3A_792, %parallel_loop3A_82 : vector<16xf32>
        %parallel_loop3A_794 = arith.mulf %parallel_loop3A_793, %parallel_loop3A_793 : vector<16xf32>
        %parallel_loop3A_795 = arith.index_cast %parallel_loop3A_764 : i32 to index
        %parallel_loop3A_796 = arith.constant 96 : index
        %parallel_loop3A_797 = tpu.vector_load %arg7[%parallel_loop3A_795, %parallel_loop3A_796] {strides = array<i32>} : memref<128x128xf32, #tpu.memory_space<vmem>>, vector<16xf32>,
        %parallel_loop3A_798 = arith.subf %parallel_loop3A_797, %parallel_loop3A_85 : vector<16xf32>
        %parallel_loop3A_799 = arith.mulf %parallel_loop3A_798, %parallel_loop3A_798 : vector<16xf32>
        %parallel_loop3A_800 = arith.index_cast %parallel_loop3A_764 : i32 to index
        %parallel_loop3A_801 = arith.constant 112 : index
        %parallel_loop3A_802 = tpu.vector_load %arg7[%parallel_loop3A_800, %parallel_loop3A_801] {strides = array<i32>} : memref<128x128xf32, #tpu.memory_space<vmem>>, vector<16xf32>,
        %parallel_loop3A_803 = arith.subf %parallel_loop3A_802, %parallel_loop3A_88 : vector<16xf32>
        %parallel_loop3A_804 = arith.mulf %parallel_loop3A_803, %parallel_loop3A_803 : vector<16xf32>
        %parallel_loop3A_805 = arith.addf %parallel_loop3A_769, %parallel_loop3A_774 : vector<16xf32>
        %parallel_loop3A_806 = arith.addf %parallel_loop3A_779, %parallel_loop3A_784 : vector<16xf32>
        %parallel_loop3A_807 = arith.addf %parallel_loop3A_789, %parallel_loop3A_794 : vector<16xf32>
        %parallel_loop3A_808 = arith.addf %parallel_loop3A_799, %parallel_loop3A_804 : vector<16xf32>
        %parallel_loop3A_809 = arith.addf %parallel_loop3A_805, %parallel_loop3A_806 : vector<16xf32>
        %parallel_loop3A_810 = arith.addf %parallel_loop3A_807, %parallel_loop3A_808 : vector<16xf32>
        %parallel_loop3A_811 = arith.addf %parallel_loop3A_809, %parallel_loop3A_810 : vector<16xf32>
        %parallel_loop3A_812 = arith.constant 192 : i32
        %parallel_loop3A_813 = arith.addi %parallel_loop3A_64, %parallel_loop3A_812 : i32
        %parallel_loop3A_814 = tpu.assume_multiple %parallel_loop3A_813, 16 : i32
        %parallel_loop3A_815 = arith.index_cast %parallel_loop3A_814 : i32 to index
        %parallel_loop3A_816 = tpu.vector_load %arg9[%parallel_loop3A_815] {strides = array<i32>} : memref<2048xf32, #tpu.memory_space<vmem>>, vector<16xf32>,
        tpu.vector_store %arg9[%parallel_loop3A_815], %parallel_loop3A_811 {strides = array<i32>} : memref<2048xf32, #tpu.memory_space<vmem>>, vector<16xf32>,
        %parallel_loop3A_817 = arith.constant 16 : i32
        %parallel_loop3A_818 = arith.muli %parallel_loop3A_59, %parallel_loop3A_817 : i32
        %parallel_loop3A_819 = arith.constant 13 : i32
        %parallel_loop3A_820 = arith.addi %parallel_loop3A_818, %parallel_loop3A_819 : i32
        %parallel_loop3A_821 = arith.index_cast %parallel_loop3A_820 : i32 to index
        %parallel_loop3A_822 = arith.constant 0 : index
        %parallel_loop3A_823 = tpu.vector_load %arg7[%parallel_loop3A_821, %parallel_loop3A_822] {strides = array<i32>} : memref<128x128xf32, #tpu.memory_space<vmem>>, vector<16xf32>,
        %parallel_loop3A_824 = arith.subf %parallel_loop3A_823, %parallel_loop3A_67 : vector<16xf32>
        %parallel_loop3A_825 = arith.mulf %parallel_loop3A_824, %parallel_loop3A_824 : vector<16xf32>
        %parallel_loop3A_826 = arith.index_cast %parallel_loop3A_820 : i32 to index
        %parallel_loop3A_827 = arith.constant 16 : index
        %parallel_loop3A_828 = tpu.vector_load %arg7[%parallel_loop3A_826, %parallel_loop3A_827] {strides = array<i32>} : memref<128x128xf32, #tpu.memory_space<vmem>>, vector<16xf32>,
        %parallel_loop3A_829 = arith.subf %parallel_loop3A_828, %parallel_loop3A_70 : vector<16xf32>
        %parallel_loop3A_830 = arith.mulf %parallel_loop3A_829, %parallel_loop3A_829 : vector<16xf32>
        %parallel_loop3A_831 = arith.index_cast %parallel_loop3A_820 : i32 to index
        %parallel_loop3A_832 = arith.constant 32 : index
        %parallel_loop3A_833 = tpu.vector_load %arg7[%parallel_loop3A_831, %parallel_loop3A_832] {strides = array<i32>} : memref<128x128xf32, #tpu.memory_space<vmem>>, vector<16xf32>,
        %parallel_loop3A_834 = arith.subf %parallel_loop3A_833, %parallel_loop3A_73 : vector<16xf32>
        %parallel_loop3A_835 = arith.mulf %parallel_loop3A_834, %parallel_loop3A_834 : vector<16xf32>
        %parallel_loop3A_836 = arith.index_cast %parallel_loop3A_820 : i32 to index
        %parallel_loop3A_837 = arith.constant 48 : index
        %parallel_loop3A_838 = tpu.vector_load %arg7[%parallel_loop3A_836, %parallel_loop3A_837] {strides = array<i32>} : memref<128x128xf32, #tpu.memory_space<vmem>>, vector<16xf32>,
        %parallel_loop3A_839 = arith.subf %parallel_loop3A_838, %parallel_loop3A_76 : vector<16xf32>
        %parallel_loop3A_840 = arith.mulf %parallel_loop3A_839, %parallel_loop3A_839 : vector<16xf32>
        %parallel_loop3A_841 = arith.index_cast %parallel_loop3A_820 : i32 to index
        %parallel_loop3A_842 = arith.constant 64 : index
        %parallel_loop3A_843 = tpu.vector_load %arg7[%parallel_loop3A_841, %parallel_loop3A_842] {strides = array<i32>} : memref<128x128xf32, #tpu.memory_space<vmem>>, vector<16xf32>,
        %parallel_loop3A_844 = arith.subf %parallel_loop3A_843, %parallel_loop3A_79 : vector<16xf32>
        %parallel_loop3A_845 = arith.mulf %parallel_loop3A_844, %parallel_loop3A_844 : vector<16xf32>
        %parallel_loop3A_846 = arith.index_cast %parallel_loop3A_820 : i32 to index
        %parallel_loop3A_847 = arith.constant 80 : index
        %parallel_loop3A_848 = tpu.vector_load %arg7[%parallel_loop3A_846, %parallel_loop3A_847] {strides = array<i32>} : memref<128x128xf32, #tpu.memory_space<vmem>>, vector<16xf32>,
        %parallel_loop3A_849 = arith.subf %parallel_loop3A_848, %parallel_loop3A_82 : vector<16xf32>
        %parallel_loop3A_850 = arith.mulf %parallel_loop3A_849, %parallel_loop3A_849 : vector<16xf32>
        %parallel_loop3A_851 = arith.index_cast %parallel_loop3A_820 : i32 to index
        %parallel_loop3A_852 = arith.constant 96 : index
        %parallel_loop3A_853 = tpu.vector_load %arg7[%parallel_loop3A_851, %parallel_loop3A_852] {strides = array<i32>} : memref<128x128xf32, #tpu.memory_space<vmem>>, vector<16xf32>,
        %parallel_loop3A_854 = arith.subf %parallel_loop3A_853, %parallel_loop3A_85 : vector<16xf32>
        %parallel_loop3A_855 = arith.mulf %parallel_loop3A_854, %parallel_loop3A_854 : vector<16xf32>
        %parallel_loop3A_856 = arith.index_cast %parallel_loop3A_820 : i32 to index
        %parallel_loop3A_857 = arith.constant 112 : index
        %parallel_loop3A_858 = tpu.vector_load %arg7[%parallel_loop3A_856, %parallel_loop3A_857] {strides = array<i32>} : memref<128x128xf32, #tpu.memory_space<vmem>>, vector<16xf32>,
        %parallel_loop3A_859 = arith.subf %parallel_loop3A_858, %parallel_loop3A_88 : vector<16xf32>
        %parallel_loop3A_860 = arith.mulf %parallel_loop3A_859, %parallel_loop3A_859 : vector<16xf32>
        %parallel_loop3A_861 = arith.addf %parallel_loop3A_825, %parallel_loop3A_830 : vector<16xf32>
        %parallel_loop3A_862 = arith.addf %parallel_loop3A_835, %parallel_loop3A_840 : vector<16xf32>
        %parallel_loop3A_863 = arith.addf %parallel_loop3A_845, %parallel_loop3A_850 : vector<16xf32>
        %parallel_loop3A_864 = arith.addf %parallel_loop3A_855, %parallel_loop3A_860 : vector<16xf32>
        %parallel_loop3A_865 = arith.addf %parallel_loop3A_861, %parallel_loop3A_862 : vector<16xf32>
        %parallel_loop3A_866 = arith.addf %parallel_loop3A_863, %parallel_loop3A_864 : vector<16xf32>
        %parallel_loop3A_867 = arith.addf %parallel_loop3A_865, %parallel_loop3A_866 : vector<16xf32>
        %parallel_loop3A_868 = arith.constant 208 : i32
        %parallel_loop3A_869 = arith.addi %parallel_loop3A_64, %parallel_loop3A_868 : i32
        %parallel_loop3A_870 = tpu.assume_multiple %parallel_loop3A_869, 16 : i32
        %parallel_loop3A_871 = arith.index_cast %parallel_loop3A_870 : i32 to index
        %parallel_loop3A_872 = tpu.vector_load %arg9[%parallel_loop3A_871] {strides = array<i32>} : memref<2048xf32, #tpu.memory_space<vmem>>, vector<16xf32>,
        tpu.vector_store %arg9[%parallel_loop3A_871], %parallel_loop3A_867 {strides = array<i32>} : memref<2048xf32, #tpu.memory_space<vmem>>, vector<16xf32>,
        %parallel_loop3A_873 = arith.constant 16 : i32
        %parallel_loop3A_874 = arith.muli %parallel_loop3A_59, %parallel_loop3A_873 : i32
        %parallel_loop3A_875 = arith.constant 14 : i32
        %parallel_loop3A_876 = arith.addi %parallel_loop3A_874, %parallel_loop3A_875 : i32
        %parallel_loop3A_877 = arith.index_cast %parallel_loop3A_876 : i32 to index
        %parallel_loop3A_878 = arith.constant 0 : index
        %parallel_loop3A_879 = tpu.vector_load %arg7[%parallel_loop3A_877, %parallel_loop3A_878] {strides = array<i32>} : memref<128x128xf32, #tpu.memory_space<vmem>>, vector<16xf32>,
        %parallel_loop3A_880 = arith.subf %parallel_loop3A_879, %parallel_loop3A_67 : vector<16xf32>
        %parallel_loop3A_881 = arith.mulf %parallel_loop3A_880, %parallel_loop3A_880 : vector<16xf32>
        %parallel_loop3A_882 = arith.index_cast %parallel_loop3A_876 : i32 to index
        %parallel_loop3A_883 = arith.constant 16 : index
        %parallel_loop3A_884 = tpu.vector_load %arg7[%parallel_loop3A_882, %parallel_loop3A_883] {strides = array<i32>} : memref<128x128xf32, #tpu.memory_space<vmem>>, vector<16xf32>,
        %parallel_loop3A_885 = arith.subf %parallel_loop3A_884, %parallel_loop3A_70 : vector<16xf32>
        %parallel_loop3A_886 = arith.mulf %parallel_loop3A_885, %parallel_loop3A_885 : vector<16xf32>
        %parallel_loop3A_887 = arith.index_cast %parallel_loop3A_876 : i32 to index
        %parallel_loop3A_888 = arith.constant 32 : index
        %parallel_loop3A_889 = tpu.vector_load %arg7[%parallel_loop3A_887, %parallel_loop3A_888] {strides = array<i32>} : memref<128x128xf32, #tpu.memory_space<vmem>>, vector<16xf32>,
        %parallel_loop3A_890 = arith.subf %parallel_loop3A_889, %parallel_loop3A_73 : vector<16xf32>
        %parallel_loop3A_891 = arith.mulf %parallel_loop3A_890, %parallel_loop3A_890 : vector<16xf32>
        %parallel_loop3A_892 = arith.index_cast %parallel_loop3A_876 : i32 to index
        %parallel_loop3A_893 = arith.constant 48 : index
        %parallel_loop3A_894 = tpu.vector_load %arg7[%parallel_loop3A_892, %parallel_loop3A_893] {strides = array<i32>} : memref<128x128xf32, #tpu.memory_space<vmem>>, vector<16xf32>,
        %parallel_loop3A_895 = arith.subf %parallel_loop3A_894, %parallel_loop3A_76 : vector<16xf32>
        %parallel_loop3A_896 = arith.mulf %parallel_loop3A_895, %parallel_loop3A_895 : vector<16xf32>
        %parallel_loop3A_897 = arith.index_cast %parallel_loop3A_876 : i32 to index
        %parallel_loop3A_898 = arith.constant 64 : index
        %parallel_loop3A_899 = tpu.vector_load %arg7[%parallel_loop3A_897, %parallel_loop3A_898] {strides = array<i32>} : memref<128x128xf32, #tpu.memory_space<vmem>>, vector<16xf32>,
        %parallel_loop3A_900 = arith.subf %parallel_loop3A_899, %parallel_loop3A_79 : vector<16xf32>
        %parallel_loop3A_901 = arith.mulf %parallel_loop3A_900, %parallel_loop3A_900 : vector<16xf32>
        %parallel_loop3A_902 = arith.index_cast %parallel_loop3A_876 : i32 to index
        %parallel_loop3A_903 = arith.constant 80 : index
        %parallel_loop3A_904 = tpu.vector_load %arg7[%parallel_loop3A_902, %parallel_loop3A_903] {strides = array<i32>} : memref<128x128xf32, #tpu.memory_space<vmem>>, vector<16xf32>,
        %parallel_loop3A_905 = arith.subf %parallel_loop3A_904, %parallel_loop3A_82 : vector<16xf32>
        %parallel_loop3A_906 = arith.mulf %parallel_loop3A_905, %parallel_loop3A_905 : vector<16xf32>
        %parallel_loop3A_907 = arith.index_cast %parallel_loop3A_876 : i32 to index
        %parallel_loop3A_908 = arith.constant 96 : index
        %parallel_loop3A_909 = tpu.vector_load %arg7[%parallel_loop3A_907, %parallel_loop3A_908] {strides = array<i32>} : memref<128x128xf32, #tpu.memory_space<vmem>>, vector<16xf32>,
        %parallel_loop3A_910 = arith.subf %parallel_loop3A_909, %parallel_loop3A_85 : vector<16xf32>
        %parallel_loop3A_911 = arith.mulf %parallel_loop3A_910, %parallel_loop3A_910 : vector<16xf32>
        %parallel_loop3A_912 = arith.index_cast %parallel_loop3A_876 : i32 to index
        %parallel_loop3A_913 = arith.constant 112 : index
        %parallel_loop3A_914 = tpu.vector_load %arg7[%parallel_loop3A_912, %parallel_loop3A_913] {strides = array<i32>} : memref<128x128xf32, #tpu.memory_space<vmem>>, vector<16xf32>,
        %parallel_loop3A_915 = arith.subf %parallel_loop3A_914, %parallel_loop3A_88 : vector<16xf32>
        %parallel_loop3A_916 = arith.mulf %parallel_loop3A_915, %parallel_loop3A_915 : vector<16xf32>
        %parallel_loop3A_917 = arith.addf %parallel_loop3A_881, %parallel_loop3A_886 : vector<16xf32>
        %parallel_loop3A_918 = arith.addf %parallel_loop3A_891, %parallel_loop3A_896 : vector<16xf32>
        %parallel_loop3A_919 = arith.addf %parallel_loop3A_901, %parallel_loop3A_906 : vector<16xf32>
        %parallel_loop3A_920 = arith.addf %parallel_loop3A_911, %parallel_loop3A_916 : vector<16xf32>
        %parallel_loop3A_921 = arith.addf %parallel_loop3A_917, %parallel_loop3A_918 : vector<16xf32>
        %parallel_loop3A_922 = arith.addf %parallel_loop3A_919, %parallel_loop3A_920 : vector<16xf32>
        %parallel_loop3A_923 = arith.addf %parallel_loop3A_921, %parallel_loop3A_922 : vector<16xf32>
        %parallel_loop3A_924 = arith.constant 224 : i32
        %parallel_loop3A_925 = arith.addi %parallel_loop3A_64, %parallel_loop3A_924 : i32
        %parallel_loop3A_926 = tpu.assume_multiple %parallel_loop3A_925, 16 : i32
        %parallel_loop3A_927 = arith.index_cast %parallel_loop3A_926 : i32 to index
        %parallel_loop3A_928 = tpu.vector_load %arg9[%parallel_loop3A_927] {strides = array<i32>} : memref<2048xf32, #tpu.memory_space<vmem>>, vector<16xf32>,
        tpu.vector_store %arg9[%parallel_loop3A_927], %parallel_loop3A_923 {strides = array<i32>} : memref<2048xf32, #tpu.memory_space<vmem>>, vector<16xf32>,
        %parallel_loop3A_929 = arith.constant 16 : i32
        %parallel_loop3A_930 = arith.muli %parallel_loop3A_59, %parallel_loop3A_929 : i32
        %parallel_loop3A_931 = arith.constant 15 : i32
        %parallel_loop3A_932 = arith.addi %parallel_loop3A_930, %parallel_loop3A_931 : i32
        %parallel_loop3A_933 = arith.index_cast %parallel_loop3A_932 : i32 to index
        %parallel_loop3A_934 = arith.constant 0 : index
        %parallel_loop3A_935 = tpu.vector_load %arg7[%parallel_loop3A_933, %parallel_loop3A_934] {strides = array<i32>} : memref<128x128xf32, #tpu.memory_space<vmem>>, vector<16xf32>,
        %parallel_loop3A_936 = arith.subf %parallel_loop3A_935, %parallel_loop3A_67 : vector<16xf32>
        %parallel_loop3A_937 = arith.mulf %parallel_loop3A_936, %parallel_loop3A_936 : vector<16xf32>
        %parallel_loop3A_938 = arith.index_cast %parallel_loop3A_932 : i32 to index
        %parallel_loop3A_939 = arith.constant 16 : index
        %parallel_loop3A_940 = tpu.vector_load %arg7[%parallel_loop3A_938, %parallel_loop3A_939] {strides = array<i32>} : memref<128x128xf32, #tpu.memory_space<vmem>>, vector<16xf32>,
        %parallel_loop3A_941 = arith.subf %parallel_loop3A_940, %parallel_loop3A_70 : vector<16xf32>
        %parallel_loop3A_942 = arith.mulf %parallel_loop3A_941, %parallel_loop3A_941 : vector<16xf32>
        %parallel_loop3A_943 = arith.index_cast %parallel_loop3A_932 : i32 to index
        %parallel_loop3A_944 = arith.constant 32 : index
        %parallel_loop3A_945 = tpu.vector_load %arg7[%parallel_loop3A_943, %parallel_loop3A_944] {strides = array<i32>} : memref<128x128xf32, #tpu.memory_space<vmem>>, vector<16xf32>,
        %parallel_loop3A_946 = arith.subf %parallel_loop3A_945, %parallel_loop3A_73 : vector<16xf32>
        %parallel_loop3A_947 = arith.mulf %parallel_loop3A_946, %parallel_loop3A_946 : vector<16xf32>
        %parallel_loop3A_948 = arith.index_cast %parallel_loop3A_932 : i32 to index
        %parallel_loop3A_949 = arith.constant 48 : index
        %parallel_loop3A_950 = tpu.vector_load %arg7[%parallel_loop3A_948, %parallel_loop3A_949] {strides = array<i32>} : memref<128x128xf32, #tpu.memory_space<vmem>>, vector<16xf32>,
        %parallel_loop3A_951 = arith.subf %parallel_loop3A_950, %parallel_loop3A_76 : vector<16xf32>
        %parallel_loop3A_952 = arith.mulf %parallel_loop3A_951, %parallel_loop3A_951 : vector<16xf32>
        %parallel_loop3A_953 = arith.index_cast %parallel_loop3A_932 : i32 to index
        %parallel_loop3A_954 = arith.constant 64 : index
        %parallel_loop3A_955 = tpu.vector_load %arg7[%parallel_loop3A_953, %parallel_loop3A_954] {strides = array<i32>} : memref<128x128xf32, #tpu.memory_space<vmem>>, vector<16xf32>,
        %parallel_loop3A_956 = arith.subf %parallel_loop3A_955, %parallel_loop3A_79 : vector<16xf32>
        %parallel_loop3A_957 = arith.mulf %parallel_loop3A_956, %parallel_loop3A_956 : vector<16xf32>
        %parallel_loop3A_958 = arith.index_cast %parallel_loop3A_932 : i32 to index
        %parallel_loop3A_959 = arith.constant 80 : index
        %parallel_loop3A_960 = tpu.vector_load %arg7[%parallel_loop3A_958, %parallel_loop3A_959] {strides = array<i32>} : memref<128x128xf32, #tpu.memory_space<vmem>>, vector<16xf32>,
        %parallel_loop3A_961 = arith.subf %parallel_loop3A_960, %parallel_loop3A_82 : vector<16xf32>
        %parallel_loop3A_962 = arith.mulf %parallel_loop3A_961, %parallel_loop3A_961 : vector<16xf32>
        %parallel_loop3A_963 = arith.index_cast %parallel_loop3A_932 : i32 to index
        %parallel_loop3A_964 = arith.constant 96 : index
        %parallel_loop3A_965 = tpu.vector_load %arg7[%parallel_loop3A_963, %parallel_loop3A_964] {strides = array<i32>} : memref<128x128xf32, #tpu.memory_space<vmem>>, vector<16xf32>,
        %parallel_loop3A_966 = arith.subf %parallel_loop3A_965, %parallel_loop3A_85 : vector<16xf32>
        %parallel_loop3A_967 = arith.mulf %parallel_loop3A_966, %parallel_loop3A_966 : vector<16xf32>
        %parallel_loop3A_968 = arith.index_cast %parallel_loop3A_932 : i32 to index
        %parallel_loop3A_969 = arith.constant 112 : index
        %parallel_loop3A_970 = tpu.vector_load %arg7[%parallel_loop3A_968, %parallel_loop3A_969] {strides = array<i32>} : memref<128x128xf32, #tpu.memory_space<vmem>>, vector<16xf32>,
        %parallel_loop3A_971 = arith.subf %parallel_loop3A_970, %parallel_loop3A_88 : vector<16xf32>
        %parallel_loop3A_972 = arith.mulf %parallel_loop3A_971, %parallel_loop3A_971 : vector<16xf32>
        %parallel_loop3A_973 = arith.addf %parallel_loop3A_937, %parallel_loop3A_942 : vector<16xf32>
        %parallel_loop3A_974 = arith.addf %parallel_loop3A_947, %parallel_loop3A_952 : vector<16xf32>
        %parallel_loop3A_975 = arith.addf %parallel_loop3A_957, %parallel_loop3A_962 : vector<16xf32>
        %parallel_loop3A_976 = arith.addf %parallel_loop3A_967, %parallel_loop3A_972 : vector<16xf32>
        %parallel_loop3A_977 = arith.addf %parallel_loop3A_973, %parallel_loop3A_974 : vector<16xf32>
        %parallel_loop3A_978 = arith.addf %parallel_loop3A_975, %parallel_loop3A_976 : vector<16xf32>
        %parallel_loop3A_979 = arith.addf %parallel_loop3A_977, %parallel_loop3A_978 : vector<16xf32>
        %parallel_loop3A_980 = arith.constant 240 : i32
        %parallel_loop3A_981 = arith.addi %parallel_loop3A_64, %parallel_loop3A_980 : i32
        %parallel_loop3A_982 = tpu.assume_multiple %parallel_loop3A_981, 16 : i32
        %parallel_loop3A_983 = arith.index_cast %parallel_loop3A_982 : i32 to index
        %parallel_loop3A_984 = tpu.vector_load %arg9[%parallel_loop3A_983] {strides = array<i32>} : memref<2048xf32, #tpu.memory_space<vmem>>, vector<16xf32>,
        tpu.vector_store %arg9[%parallel_loop3A_983], %parallel_loop3A_979 {strides = array<i32>} : memref<2048xf32, #tpu.memory_space<vmem>>, vector<16xf32>,
        %parallel_loop3A_985 = arith.constant 16 : i32
        %parallel_loop3A_986 = vector.broadcast %parallel_loop3A_985 : i32 to vector<16xi32>
        %parallel_loop3A_987 = arith.muli %iota3A, %parallel_loop3A_986 : vector<16xi32>
        %parallel_loop3A_988 = vector.broadcast %parallel_loop3A_64 : i32 to vector<16xi32>
        %parallel_loop3A_989 = arith.addi %parallel_loop3A_988, %parallel_loop3A_987 : vector<16xi32>
        %parallel_loop3A_990 = arith.constant 0 : i32
        %parallel_loop3A_991 = vector.broadcast %parallel_loop3A_990 : i32 to vector<16xi32>
        %parallel_loop3A_992 = arith.addi %parallel_loop3A_989, %parallel_loop3A_991 : vector<16xi32>
        %parallel_loop3A_993 = tpu.vector_load_idx %arg9[%parallel_loop3A_992] : memref<2048xf32, #tpu.memory_space<vmem>>[vector<16xi32>], vector<16xf32>,
        %parallel_loop3A_994 = arith.constant 16 : i32
        %parallel_loop3A_995 = vector.broadcast %parallel_loop3A_994 : i32 to vector<16xi32>
        %parallel_loop3A_996 = arith.muli %iota3A, %parallel_loop3A_995 : vector<16xi32>
        %parallel_loop3A_997 = vector.broadcast %parallel_loop3A_64 : i32 to vector<16xi32>
        %parallel_loop3A_998 = arith.addi %parallel_loop3A_997, %parallel_loop3A_996 : vector<16xi32>
        %parallel_loop3A_999 = arith.constant 1 : i32
        %parallel_loop3A_1000 = vector.broadcast %parallel_loop3A_999 : i32 to vector<16xi32>
        %parallel_loop3A_1001 = arith.addi %parallel_loop3A_998, %parallel_loop3A_1000 : vector<16xi32>
        %parallel_loop3A_1002 = tpu.vector_load_idx %arg9[%parallel_loop3A_1001] : memref<2048xf32, #tpu.memory_space<vmem>>[vector<16xi32>], vector<16xf32>,
        %parallel_loop3A_1003 = arith.constant 16 : i32
        %parallel_loop3A_1004 = vector.broadcast %parallel_loop3A_1003 : i32 to vector<16xi32>
        %parallel_loop3A_1005 = arith.muli %iota3A, %parallel_loop3A_1004 : vector<16xi32>
        %parallel_loop3A_1006 = vector.broadcast %parallel_loop3A_64 : i32 to vector<16xi32>
        %parallel_loop3A_1007 = arith.addi %parallel_loop3A_1006, %parallel_loop3A_1005 : vector<16xi32>
        %parallel_loop3A_1008 = arith.constant 2 : i32
        %parallel_loop3A_1009 = vector.broadcast %parallel_loop3A_1008 : i32 to vector<16xi32>
        %parallel_loop3A_1010 = arith.addi %parallel_loop3A_1007, %parallel_loop3A_1009 : vector<16xi32>
        %parallel_loop3A_1011 = tpu.vector_load_idx %arg9[%parallel_loop3A_1010] : memref<2048xf32, #tpu.memory_space<vmem>>[vector<16xi32>], vector<16xf32>,
        %parallel_loop3A_1012 = arith.constant 16 : i32
        %parallel_loop3A_1013 = vector.broadcast %parallel_loop3A_1012 : i32 to vector<16xi32>
        %parallel_loop3A_1014 = arith.muli %iota3A, %parallel_loop3A_1013 : vector<16xi32>
        %parallel_loop3A_1015 = vector.broadcast %parallel_loop3A_64 : i32 to vector<16xi32>
        %parallel_loop3A_1016 = arith.addi %parallel_loop3A_1015, %parallel_loop3A_1014 : vector<16xi32>
        %parallel_loop3A_1017 = arith.constant 3 : i32
        %parallel_loop3A_1018 = vector.broadcast %parallel_loop3A_1017 : i32 to vector<16xi32>
        %parallel_loop3A_1019 = arith.addi %parallel_loop3A_1016, %parallel_loop3A_1018 : vector<16xi32>
        %parallel_loop3A_1020 = tpu.vector_load_idx %arg9[%parallel_loop3A_1019] : memref<2048xf32, #tpu.memory_space<vmem>>[vector<16xi32>], vector<16xf32>,
        %parallel_loop3A_1021 = arith.constant 16 : i32
        %parallel_loop3A_1022 = vector.broadcast %parallel_loop3A_1021 : i32 to vector<16xi32>
        %parallel_loop3A_1023 = arith.muli %iota3A, %parallel_loop3A_1022 : vector<16xi32>
        %parallel_loop3A_1024 = vector.broadcast %parallel_loop3A_64 : i32 to vector<16xi32>
        %parallel_loop3A_1025 = arith.addi %parallel_loop3A_1024, %parallel_loop3A_1023 : vector<16xi32>
        %parallel_loop3A_1026 = arith.constant 4 : i32
        %parallel_loop3A_1027 = vector.broadcast %parallel_loop3A_1026 : i32 to vector<16xi32>
        %parallel_loop3A_1028 = arith.addi %parallel_loop3A_1025, %parallel_loop3A_1027 : vector<16xi32>
        %parallel_loop3A_1029 = tpu.vector_load_idx %arg9[%parallel_loop3A_1028] : memref<2048xf32, #tpu.memory_space<vmem>>[vector<16xi32>], vector<16xf32>,
        %parallel_loop3A_1030 = arith.constant 16 : i32
        %parallel_loop3A_1031 = vector.broadcast %parallel_loop3A_1030 : i32 to vector<16xi32>
        %parallel_loop3A_1032 = arith.muli %iota3A, %parallel_loop3A_1031 : vector<16xi32>
        %parallel_loop3A_1033 = vector.broadcast %parallel_loop3A_64 : i32 to vector<16xi32>
        %parallel_loop3A_1034 = arith.addi %parallel_loop3A_1033, %parallel_loop3A_1032 : vector<16xi32>
        %parallel_loop3A_1035 = arith.constant 5 : i32
        %parallel_loop3A_1036 = vector.broadcast %parallel_loop3A_1035 : i32 to vector<16xi32>
        %parallel_loop3A_1037 = arith.addi %parallel_loop3A_1034, %parallel_loop3A_1036 : vector<16xi32>
        %parallel_loop3A_1038 = tpu.vector_load_idx %arg9[%parallel_loop3A_1037] : memref<2048xf32, #tpu.memory_space<vmem>>[vector<16xi32>], vector<16xf32>,
        %parallel_loop3A_1039 = arith.constant 16 : i32
        %parallel_loop3A_1040 = vector.broadcast %parallel_loop3A_1039 : i32 to vector<16xi32>
        %parallel_loop3A_1041 = arith.muli %iota3A, %parallel_loop3A_1040 : vector<16xi32>
        %parallel_loop3A_1042 = vector.broadcast %parallel_loop3A_64 : i32 to vector<16xi32>
        %parallel_loop3A_1043 = arith.addi %parallel_loop3A_1042, %parallel_loop3A_1041 : vector<16xi32>
        %parallel_loop3A_1044 = arith.constant 6 : i32
        %parallel_loop3A_1045 = vector.broadcast %parallel_loop3A_1044 : i32 to vector<16xi32>
        %parallel_loop3A_1046 = arith.addi %parallel_loop3A_1043, %parallel_loop3A_1045 : vector<16xi32>
        %parallel_loop3A_1047 = tpu.vector_load_idx %arg9[%parallel_loop3A_1046] : memref<2048xf32, #tpu.memory_space<vmem>>[vector<16xi32>], vector<16xf32>,
        %parallel_loop3A_1048 = arith.constant 16 : i32
        %parallel_loop3A_1049 = vector.broadcast %parallel_loop3A_1048 : i32 to vector<16xi32>
        %parallel_loop3A_1050 = arith.muli %iota3A, %parallel_loop3A_1049 : vector<16xi32>
        %parallel_loop3A_1051 = vector.broadcast %parallel_loop3A_64 : i32 to vector<16xi32>
        %parallel_loop3A_1052 = arith.addi %parallel_loop3A_1051, %parallel_loop3A_1050 : vector<16xi32>
        %parallel_loop3A_1053 = arith.constant 7 : i32
        %parallel_loop3A_1054 = vector.broadcast %parallel_loop3A_1053 : i32 to vector<16xi32>
        %parallel_loop3A_1055 = arith.addi %parallel_loop3A_1052, %parallel_loop3A_1054 : vector<16xi32>
        %parallel_loop3A_1056 = tpu.vector_load_idx %arg9[%parallel_loop3A_1055] : memref<2048xf32, #tpu.memory_space<vmem>>[vector<16xi32>], vector<16xf32>,
        %parallel_loop3A_1057 = arith.constant 16 : i32
        %parallel_loop3A_1058 = vector.broadcast %parallel_loop3A_1057 : i32 to vector<16xi32>
        %parallel_loop3A_1059 = arith.muli %iota3A, %parallel_loop3A_1058 : vector<16xi32>
        %parallel_loop3A_1060 = vector.broadcast %parallel_loop3A_64 : i32 to vector<16xi32>
        %parallel_loop3A_1061 = arith.addi %parallel_loop3A_1060, %parallel_loop3A_1059 : vector<16xi32>
        %parallel_loop3A_1062 = arith.constant 8 : i32
        %parallel_loop3A_1063 = vector.broadcast %parallel_loop3A_1062 : i32 to vector<16xi32>
        %parallel_loop3A_1064 = arith.addi %parallel_loop3A_1061, %parallel_loop3A_1063 : vector<16xi32>
        %parallel_loop3A_1065 = tpu.vector_load_idx %arg9[%parallel_loop3A_1064] : memref<2048xf32, #tpu.memory_space<vmem>>[vector<16xi32>], vector<16xf32>,
        %parallel_loop3A_1066 = arith.constant 16 : i32
        %parallel_loop3A_1067 = vector.broadcast %parallel_loop3A_1066 : i32 to vector<16xi32>
        %parallel_loop3A_1068 = arith.muli %iota3A, %parallel_loop3A_1067 : vector<16xi32>
        %parallel_loop3A_1069 = vector.broadcast %parallel_loop3A_64 : i32 to vector<16xi32>
        %parallel_loop3A_1070 = arith.addi %parallel_loop3A_1069, %parallel_loop3A_1068 : vector<16xi32>
        %parallel_loop3A_1071 = arith.constant 9 : i32
        %parallel_loop3A_1072 = vector.broadcast %parallel_loop3A_1071 : i32 to vector<16xi32>
        %parallel_loop3A_1073 = arith.addi %parallel_loop3A_1070, %parallel_loop3A_1072 : vector<16xi32>
        %parallel_loop3A_1074 = tpu.vector_load_idx %arg9[%parallel_loop3A_1073] : memref<2048xf32, #tpu.memory_space<vmem>>[vector<16xi32>], vector<16xf32>,
        %parallel_loop3A_1075 = arith.constant 16 : i32
        %parallel_loop3A_1076 = vector.broadcast %parallel_loop3A_1075 : i32 to vector<16xi32>
        %parallel_loop3A_1077 = arith.muli %iota3A, %parallel_loop3A_1076 : vector<16xi32>
        %parallel_loop3A_1078 = vector.broadcast %parallel_loop3A_64 : i32 to vector<16xi32>
        %parallel_loop3A_1079 = arith.addi %parallel_loop3A_1078, %parallel_loop3A_1077 : vector<16xi32>
        %parallel_loop3A_1080 = arith.constant 10 : i32
        %parallel_loop3A_1081 = vector.broadcast %parallel_loop3A_1080 : i32 to vector<16xi32>
        %parallel_loop3A_1082 = arith.addi %parallel_loop3A_1079, %parallel_loop3A_1081 : vector<16xi32>
        %parallel_loop3A_1083 = tpu.vector_load_idx %arg9[%parallel_loop3A_1082] : memref<2048xf32, #tpu.memory_space<vmem>>[vector<16xi32>], vector<16xf32>,
        %parallel_loop3A_1084 = arith.constant 16 : i32
        %parallel_loop3A_1085 = vector.broadcast %parallel_loop3A_1084 : i32 to vector<16xi32>
        %parallel_loop3A_1086 = arith.muli %iota3A, %parallel_loop3A_1085 : vector<16xi32>
        %parallel_loop3A_1087 = vector.broadcast %parallel_loop3A_64 : i32 to vector<16xi32>
        %parallel_loop3A_1088 = arith.addi %parallel_loop3A_1087, %parallel_loop3A_1086 : vector<16xi32>
        %parallel_loop3A_1089 = arith.constant 11 : i32
        %parallel_loop3A_1090 = vector.broadcast %parallel_loop3A_1089 : i32 to vector<16xi32>
        %parallel_loop3A_1091 = arith.addi %parallel_loop3A_1088, %parallel_loop3A_1090 : vector<16xi32>
        %parallel_loop3A_1092 = tpu.vector_load_idx %arg9[%parallel_loop3A_1091] : memref<2048xf32, #tpu.memory_space<vmem>>[vector<16xi32>], vector<16xf32>,
        %parallel_loop3A_1093 = arith.constant 16 : i32
        %parallel_loop3A_1094 = vector.broadcast %parallel_loop3A_1093 : i32 to vector<16xi32>
        %parallel_loop3A_1095 = arith.muli %iota3A, %parallel_loop3A_1094 : vector<16xi32>
        %parallel_loop3A_1096 = vector.broadcast %parallel_loop3A_64 : i32 to vector<16xi32>
        %parallel_loop3A_1097 = arith.addi %parallel_loop3A_1096, %parallel_loop3A_1095 : vector<16xi32>
        %parallel_loop3A_1098 = arith.constant 12 : i32
        %parallel_loop3A_1099 = vector.broadcast %parallel_loop3A_1098 : i32 to vector<16xi32>
        %parallel_loop3A_1100 = arith.addi %parallel_loop3A_1097, %parallel_loop3A_1099 : vector<16xi32>
        %parallel_loop3A_1101 = tpu.vector_load_idx %arg9[%parallel_loop3A_1100] : memref<2048xf32, #tpu.memory_space<vmem>>[vector<16xi32>], vector<16xf32>,
        %parallel_loop3A_1102 = arith.constant 16 : i32
        %parallel_loop3A_1103 = vector.broadcast %parallel_loop3A_1102 : i32 to vector<16xi32>
        %parallel_loop3A_1104 = arith.muli %iota3A, %parallel_loop3A_1103 : vector<16xi32>
        %parallel_loop3A_1105 = vector.broadcast %parallel_loop3A_64 : i32 to vector<16xi32>
        %parallel_loop3A_1106 = arith.addi %parallel_loop3A_1105, %parallel_loop3A_1104 : vector<16xi32>
        %parallel_loop3A_1107 = arith.constant 13 : i32
        %parallel_loop3A_1108 = vector.broadcast %parallel_loop3A_1107 : i32 to vector<16xi32>
        %parallel_loop3A_1109 = arith.addi %parallel_loop3A_1106, %parallel_loop3A_1108 : vector<16xi32>
        %parallel_loop3A_1110 = tpu.vector_load_idx %arg9[%parallel_loop3A_1109] : memref<2048xf32, #tpu.memory_space<vmem>>[vector<16xi32>], vector<16xf32>,
        %parallel_loop3A_1111 = arith.constant 16 : i32
        %parallel_loop3A_1112 = vector.broadcast %parallel_loop3A_1111 : i32 to vector<16xi32>
        %parallel_loop3A_1113 = arith.muli %iota3A, %parallel_loop3A_1112 : vector<16xi32>
        %parallel_loop3A_1114 = vector.broadcast %parallel_loop3A_64 : i32 to vector<16xi32>
        %parallel_loop3A_1115 = arith.addi %parallel_loop3A_1114, %parallel_loop3A_1113 : vector<16xi32>
        %parallel_loop3A_1116 = arith.constant 14 : i32
        %parallel_loop3A_1117 = vector.broadcast %parallel_loop3A_1116 : i32 to vector<16xi32>
        %parallel_loop3A_1118 = arith.addi %parallel_loop3A_1115, %parallel_loop3A_1117 : vector<16xi32>
        %parallel_loop3A_1119 = tpu.vector_load_idx %arg9[%parallel_loop3A_1118] : memref<2048xf32, #tpu.memory_space<vmem>>[vector<16xi32>], vector<16xf32>,
        %parallel_loop3A_1120 = arith.constant 16 : i32
        %parallel_loop3A_1121 = vector.broadcast %parallel_loop3A_1120 : i32 to vector<16xi32>
        %parallel_loop3A_1122 = arith.muli %iota3A, %parallel_loop3A_1121 : vector<16xi32>
        %parallel_loop3A_1123 = vector.broadcast %parallel_loop3A_64 : i32 to vector<16xi32>
        %parallel_loop3A_1124 = arith.addi %parallel_loop3A_1123, %parallel_loop3A_1122 : vector<16xi32>
        %parallel_loop3A_1125 = arith.constant 15 : i32
        %parallel_loop3A_1126 = vector.broadcast %parallel_loop3A_1125 : i32 to vector<16xi32>
        %parallel_loop3A_1127 = arith.addi %parallel_loop3A_1124, %parallel_loop3A_1126 : vector<16xi32>
        %parallel_loop3A_1128 = tpu.vector_load_idx %arg9[%parallel_loop3A_1127] : memref<2048xf32, #tpu.memory_space<vmem>>[vector<16xi32>], vector<16xf32>,
        %parallel_loop3A_1129 = arith.addf %parallel_loop3A_993, %parallel_loop3A_1002 : vector<16xf32>
        %parallel_loop3A_1130 = arith.addf %parallel_loop3A_1011, %parallel_loop3A_1020 : vector<16xf32>
        %parallel_loop3A_1131 = arith.addf %parallel_loop3A_1029, %parallel_loop3A_1038 : vector<16xf32>
        %parallel_loop3A_1132 = arith.addf %parallel_loop3A_1047, %parallel_loop3A_1056 : vector<16xf32>
        %parallel_loop3A_1133 = arith.addf %parallel_loop3A_1065, %parallel_loop3A_1074 : vector<16xf32>
        %parallel_loop3A_1134 = arith.addf %parallel_loop3A_1083, %parallel_loop3A_1092 : vector<16xf32>
        %parallel_loop3A_1135 = arith.addf %parallel_loop3A_1101, %parallel_loop3A_1110 : vector<16xf32>
        %parallel_loop3A_1136 = arith.addf %parallel_loop3A_1119, %parallel_loop3A_1128 : vector<16xf32>
        %parallel_loop3A_1137 = arith.addf %parallel_loop3A_1129, %parallel_loop3A_1130 : vector<16xf32>
        %parallel_loop3A_1138 = arith.addf %parallel_loop3A_1131, %parallel_loop3A_1132 : vector<16xf32>
        %parallel_loop3A_1139 = arith.addf %parallel_loop3A_1133, %parallel_loop3A_1134 : vector<16xf32>
        %parallel_loop3A_1140 = arith.addf %parallel_loop3A_1135, %parallel_loop3A_1136 : vector<16xf32>
        %parallel_loop3A_1141 = arith.addf %parallel_loop3A_1137, %parallel_loop3A_1138 : vector<16xf32>
        %parallel_loop3A_1142 = arith.addf %parallel_loop3A_1139, %parallel_loop3A_1140 : vector<16xf32>
        %parallel_loop3A_1143 = arith.addf %parallel_loop3A_1141, %parallel_loop3A_1142 : vector<16xf32>
        %parallel_loop3A_1144 = arith.constant 7.812500e-03 : f32
        %parallel_loop3A_1145 = vector.broadcast %parallel_loop3A_1144 : f32 to vector<16xf32>
        %parallel_loop3A_1146 = arith.mulf %parallel_loop3A_1143, %parallel_loop3A_1145 : vector<16xf32>
        %parallel_loop3A_1147 = arith.constant 9.99999971E-10 : f32
        %parallel_loop3A_1148 = vector.broadcast %parallel_loop3A_1147 : f32 to vector<16xf32>
        %parallel_loop3A_1149 = arith.addf %parallel_loop3A_1146, %parallel_loop3A_1148 : vector<16xf32>
        %parallel_loop3A_1150 = tpu.bitcast %parallel_loop3A_1149 : vector<16xf32> -> vector<16xi32>
        %parallel_loop3A_1151 = arith.constant 1 : i32
        %parallel_loop3A_1152 = vector.broadcast %parallel_loop3A_1151 : i32 to vector<16xi32>
        %parallel_loop3A_1153 = arith.shrui %parallel_loop3A_1150, %parallel_loop3A_1152 : vector<16xi32>
        %parallel_loop3A_1154 = arith.constant 1597463007 : i32
        %parallel_loop3A_1155 = vector.broadcast %parallel_loop3A_1154 : i32 to vector<16xi32>
        %parallel_loop3A_1156 = arith.subi %parallel_loop3A_1155, %parallel_loop3A_1153 : vector<16xi32>
        %parallel_loop3A_1157 = tpu.bitcast %parallel_loop3A_1156 : vector<16xi32> -> vector<16xf32>
        %parallel_loop3A_1158 = arith.constant 5.000000e-01 : f32
        %parallel_loop3A_1159 = vector.broadcast %parallel_loop3A_1158 : f32 to vector<16xf32>
        %parallel_loop3A_1160 = arith.mulf %parallel_loop3A_1159, %parallel_loop3A_1149 : vector<16xf32>
        %parallel_loop3A_1161 = arith.mulf %parallel_loop3A_1160, %parallel_loop3A_1157 : vector<16xf32>
        %parallel_loop3A_1162 = arith.mulf %parallel_loop3A_1161, %parallel_loop3A_1157 : vector<16xf32>
        %parallel_loop3A_1163 = arith.constant 1.500000e+00 : f32
        %parallel_loop3A_1164 = vector.broadcast %parallel_loop3A_1163 : f32 to vector<16xf32>
        %parallel_loop3A_1165 = arith.subf %parallel_loop3A_1164, %parallel_loop3A_1162 : vector<16xf32>
        %parallel_loop3A_1166 = arith.mulf %parallel_loop3A_1157, %parallel_loop3A_1165 : vector<16xf32>
        %parallel_loop3A_1167 = arith.constant 5.000000e-01 : f32
        %parallel_loop3A_1168 = vector.broadcast %parallel_loop3A_1167 : f32 to vector<16xf32>
        %parallel_loop3A_1169 = arith.mulf %parallel_loop3A_1168, %parallel_loop3A_1149 : vector<16xf32>
        %parallel_loop3A_1170 = arith.mulf %parallel_loop3A_1169, %parallel_loop3A_1166 : vector<16xf32>
        %parallel_loop3A_1171 = arith.mulf %parallel_loop3A_1170, %parallel_loop3A_1166 : vector<16xf32>
        %parallel_loop3A_1172 = arith.constant 1.500000e+00 : f32
        %parallel_loop3A_1173 = vector.broadcast %parallel_loop3A_1172 : f32 to vector<16xf32>
        %parallel_loop3A_1174 = arith.subf %parallel_loop3A_1173, %parallel_loop3A_1171 : vector<16xf32>
        %parallel_loop3A_1175 = arith.mulf %parallel_loop3A_1166, %parallel_loop3A_1174 : vector<16xf32>
        %parallel_loop3A_1176 = arith.constant 5.000000e-01 : f32
        %parallel_loop3A_1177 = vector.broadcast %parallel_loop3A_1176 : f32 to vector<16xf32>
        %parallel_loop3A_1178 = arith.mulf %parallel_loop3A_1177, %parallel_loop3A_1149 : vector<16xf32>
        %parallel_loop3A_1179 = arith.mulf %parallel_loop3A_1178, %parallel_loop3A_1175 : vector<16xf32>
        %parallel_loop3A_1180 = arith.mulf %parallel_loop3A_1179, %parallel_loop3A_1175 : vector<16xf32>
        %parallel_loop3A_1181 = arith.constant 1.500000e+00 : f32
        %parallel_loop3A_1182 = vector.broadcast %parallel_loop3A_1181 : f32 to vector<16xf32>
        %parallel_loop3A_1183 = arith.subf %parallel_loop3A_1182, %parallel_loop3A_1180 : vector<16xf32>
        %parallel_loop3A_1184 = arith.mulf %parallel_loop3A_1175, %parallel_loop3A_1183 : vector<16xf32>
        %parallel_loop3A_1185 = arith.mulf %parallel_loop3A_1149, %parallel_loop3A_1184 : vector<16xf32>
        %parallel_loop3A_1186 = arith.constant 0.000000e+00 : f32
        %parallel_loop3A_1187 = vector.broadcast %parallel_loop3A_1186 : f32 to vector<16xf32>
        %parallel_loop3A_1188 = arith.subf %parallel_loop3A_1187, %parallel_loop3A_1185 : vector<16xf32>
        %parallel_loop3A_1189 = arith.constant true
        %parallel_loop3A_1190 = vector.broadcast %parallel_loop3A_1189 : i1 to vector<16xi1>
        %parallel_loop3A_1191 = tpu.scan <max>, %parallel_loop3A_1188 masked %parallel_loop3A_1190 : vector<16xf32>, vector<16xi1> -> vector<16xf32>
        %parallel_loop3A_1192 = vector.extract %parallel_loop3A_1191[15] : f32 from vector<16xf32>
        %parallel_loop3A_1193 = vector.broadcast %parallel_loop3A_1192 : f32 to vector<16xf32>
        %parallel_loop3A_1194 = arith.subf %parallel_loop3A_1188, %parallel_loop3A_1193 : vector<16xf32>
        %parallel_loop3A_1195 = math.exp %parallel_loop3A_1194 : vector<16xf32>
        %parallel_loop3A_1196 = arith.constant true
        %parallel_loop3A_1197 = vector.broadcast %parallel_loop3A_1196 : i1 to vector<16xi1>
        %parallel_loop3A_1198 = tpu.scan <sum>, %parallel_loop3A_1195 masked %parallel_loop3A_1197 : vector<16xf32>, vector<16xi1> -> vector<16xf32>
        %parallel_loop3A_1199 = vector.extract %parallel_loop3A_1198[15] : f32 from vector<16xf32>
        %parallel_loop3A_1200 = vector.broadcast %parallel_loop3A_1199 : f32 to vector<16xf32>
        %parallel_loop3A_1201 = arith.divf %parallel_loop3A_1195, %parallel_loop3A_1200 : vector<16xf32>
        %parallel_loop3A_1202 = arith.constant 16 : i32
        %parallel_loop3A_1203 = arith.muli %parallel_loop3A_62, %parallel_loop3A_1202 : i32
        %parallel_loop3A_1204 = tpu.assume_multiple %parallel_loop3A_1203, 16 : i32
        %parallel_loop3A_1205 = arith.index_cast %parallel_loop3A_1204 : i32 to index
        %parallel_loop3A_1206 = tpu.vector_load %arg10[%parallel_loop3A_1205] {strides = array<i32>} : memref<8192xf32, #tpu.memory_space<vmem>>, vector<16xf32>,
        tpu.vector_store %arg10[%parallel_loop3A_1205], %parallel_loop3A_1201 {strides = array<i32>} : memref<8192xf32, #tpu.memory_space<vmem>>, vector<16xf32>,
      } {sc.loop_unroll_factor = 2 : i64, sc.parallel_access}
      %add3A_36 = arith.constant 2 : i32
      %add3A_37 = arith.addi %add3A_27, %add3A_36 : i32
      %lt3A = arith.constant 64 : i32
      %lt3A_38 = arith.cmpi slt, %add3A_37, %lt3A : i32
      %convert_element_type3A = arith.extui %lt3A_38 : i1 to i32
      %cond3A = arith.constant 0 : i32
      %cond3A_39 = arith.cmpi ne, %convert_element_type3A, %cond3A : i32
      scf.if %cond3A_39 {
        %add3A_59 = arith.constant 2 : i32
        %add3A_60 = arith.addi %add3A_27, %add3A_59 : i32
        %mul3A_61 = arith.constant 128 : i32
        %mul3A_62 = arith.muli %add3A_60, %mul3A_61 : i32
        %multiple_of3A_63 = tpu.assume_multiple %mul3A_62, 128 : i32
        %dma_start3A_64 = tpu.memref_slice %arg5[%multiple_of3A_63] : memref<8192xi32, #tpu.memory_space<vmem>> -> memref<128xi32, #tpu.memory_space<vmem>>
        %dma_start3A_65 = arith.constant 0 : i32
        %dma_start3A_66 = arith.constant 0 : i32
        %dma_start3A_67 = tpu.memref_slice %arg2[%dma_start3A_65, %dma_start3A_66] : memref<16384x128xf32, #tpu.memory_space<hbm>> -> memref<16384x128xf32, #tpu.memory_space<hbm>>
        tpu.enqueue_indirect_dma source(%dma_start3A_67 : memref<16384x128xf32, #tpu.memory_space<hbm>>) target(%arg7 : memref<128x128xf32, #tpu.memory_space<vmem>>) offsets(%dma_start3A_64 : memref<128xi32, #tpu.memory_space<vmem>>) semaphore(%arg11 : memref<!tpu.dma_semaphore, #tpu.memory_space<semaphore_mem>>)
      } else {
      }
      %add3A_40 = arith.constant 1 : i32
      %add3A_41 = arith.addi %add3A_25, %add3A_40 : i32
      %mul3A_42 = arith.constant 128 : i32
      %mul3A_43 = arith.muli %add3A_41, %mul3A_42 : i32
      %multiple_of3A_44 = tpu.assume_multiple %mul3A_43, 128 : i32
      %dma_wait3A_45 = tpu.memref_slice %arg5[%multiple_of3A_44] : memref<8192xi32, #tpu.memory_space<vmem>> -> memref<128xi32, #tpu.memory_space<vmem>>
      %dma_wait3A_46 = arith.constant 0 : i32
      %dma_wait3A_47 = arith.constant 0 : i32
      %dma_wait3A_48 = tpu.memref_slice %arg2[%dma_wait3A_46, %dma_wait3A_47] : memref<16384x128xf32, #tpu.memory_space<hbm>> -> memref<16384x128xf32, #tpu.memory_space<hbm>>
      tpu.wait_indirect_dma semaphore(%arg12 : memref<!tpu.dma_semaphore, #tpu.memory_space<semaphore_mem>>) src(%dma_wait3A_48 : memref<16384x128xf32, #tpu.memory_space<hbm>>) dst(%arg8 : memref<128x128xf32, #tpu.memory_space<vmem>>)
      %parallel_loop3A_49 = arith.constant 0 : i32
      %parallel_loop3A_50 = arith.constant 8 : i32
      %parallel_loop3A_51 = arith.constant 1 : i32
      scf.for %parallel_loop3A_59 = %parallel_loop3A_49 to %parallel_loop3A_50 step %parallel_loop3A_51  : i32 {
        %parallel_loop3A_60 = arith.constant 8 : i32
        %parallel_loop3A_61 = arith.muli %add3A_41, %parallel_loop3A_60 : i32
        %parallel_loop3A_62 = arith.addi %parallel_loop3A_61, %parallel_loop3A_59 : i32
        %parallel_loop3A_63 = arith.constant 256 : i32
        %parallel_loop3A_64 = arith.muli %parallel_loop3A_59, %parallel_loop3A_63 : i32
        %parallel_loop3A_65 = arith.index_cast %parallel_loop3A_62 : i32 to index
        %parallel_loop3A_66 = arith.constant 0 : index
        %parallel_loop3A_67 = tpu.vector_load %arg6[%parallel_loop3A_65, %parallel_loop3A_66] {strides = array<i32>} : memref<512x128xf32, #tpu.memory_space<vmem>>, vector<16xf32>,
        %parallel_loop3A_68 = arith.index_cast %parallel_loop3A_62 : i32 to index
        %parallel_loop3A_69 = arith.constant 16 : index
        %parallel_loop3A_70 = tpu.vector_load %arg6[%parallel_loop3A_68, %parallel_loop3A_69] {strides = array<i32>} : memref<512x128xf32, #tpu.memory_space<vmem>>, vector<16xf32>,
        %parallel_loop3A_71 = arith.index_cast %parallel_loop3A_62 : i32 to index
        %parallel_loop3A_72 = arith.constant 32 : index
        %parallel_loop3A_73 = tpu.vector_load %arg6[%parallel_loop3A_71, %parallel_loop3A_72] {strides = array<i32>} : memref<512x128xf32, #tpu.memory_space<vmem>>, vector<16xf32>,
        %parallel_loop3A_74 = arith.index_cast %parallel_loop3A_62 : i32 to index
        %parallel_loop3A_75 = arith.constant 48 : index
        %parallel_loop3A_76 = tpu.vector_load %arg6[%parallel_loop3A_74, %parallel_loop3A_75] {strides = array<i32>} : memref<512x128xf32, #tpu.memory_space<vmem>>, vector<16xf32>,
        %parallel_loop3A_77 = arith.index_cast %parallel_loop3A_62 : i32 to index
        %parallel_loop3A_78 = arith.constant 64 : index
        %parallel_loop3A_79 = tpu.vector_load %arg6[%parallel_loop3A_77, %parallel_loop3A_78] {strides = array<i32>} : memref<512x128xf32, #tpu.memory_space<vmem>>, vector<16xf32>,
        %parallel_loop3A_80 = arith.index_cast %parallel_loop3A_62 : i32 to index
        %parallel_loop3A_81 = arith.constant 80 : index
        %parallel_loop3A_82 = tpu.vector_load %arg6[%parallel_loop3A_80, %parallel_loop3A_81] {strides = array<i32>} : memref<512x128xf32, #tpu.memory_space<vmem>>, vector<16xf32>,
        %parallel_loop3A_83 = arith.index_cast %parallel_loop3A_62 : i32 to index
        %parallel_loop3A_84 = arith.constant 96 : index
        %parallel_loop3A_85 = tpu.vector_load %arg6[%parallel_loop3A_83, %parallel_loop3A_84] {strides = array<i32>} : memref<512x128xf32, #tpu.memory_space<vmem>>, vector<16xf32>,
        %parallel_loop3A_86 = arith.index_cast %parallel_loop3A_62 : i32 to index
        %parallel_loop3A_87 = arith.constant 112 : index
        %parallel_loop3A_88 = tpu.vector_load %arg6[%parallel_loop3A_86, %parallel_loop3A_87] {strides = array<i32>} : memref<512x128xf32, #tpu.memory_space<vmem>>, vector<16xf32>,
        %parallel_loop3A_89 = arith.constant 16 : i32
        %parallel_loop3A_90 = arith.muli %parallel_loop3A_59, %parallel_loop3A_89 : i32
        %parallel_loop3A_91 = arith.constant 0 : i32
        %parallel_loop3A_92 = arith.addi %parallel_loop3A_90, %parallel_loop3A_91 : i32
        %parallel_loop3A_93 = arith.index_cast %parallel_loop3A_92 : i32 to index
        %parallel_loop3A_94 = arith.constant 0 : index
        %parallel_loop3A_95 = tpu.vector_load %arg8[%parallel_loop3A_93, %parallel_loop3A_94] {strides = array<i32>} : memref<128x128xf32, #tpu.memory_space<vmem>>, vector<16xf32>,
        %parallel_loop3A_96 = arith.subf %parallel_loop3A_95, %parallel_loop3A_67 : vector<16xf32>
        %parallel_loop3A_97 = arith.mulf %parallel_loop3A_96, %parallel_loop3A_96 : vector<16xf32>
        %parallel_loop3A_98 = arith.index_cast %parallel_loop3A_92 : i32 to index
        %parallel_loop3A_99 = arith.constant 16 : index
        %parallel_loop3A_100 = tpu.vector_load %arg8[%parallel_loop3A_98, %parallel_loop3A_99] {strides = array<i32>} : memref<128x128xf32, #tpu.memory_space<vmem>>, vector<16xf32>,
        %parallel_loop3A_101 = arith.subf %parallel_loop3A_100, %parallel_loop3A_70 : vector<16xf32>
        %parallel_loop3A_102 = arith.mulf %parallel_loop3A_101, %parallel_loop3A_101 : vector<16xf32>
        %parallel_loop3A_103 = arith.index_cast %parallel_loop3A_92 : i32 to index
        %parallel_loop3A_104 = arith.constant 32 : index
        %parallel_loop3A_105 = tpu.vector_load %arg8[%parallel_loop3A_103, %parallel_loop3A_104] {strides = array<i32>} : memref<128x128xf32, #tpu.memory_space<vmem>>, vector<16xf32>,
        %parallel_loop3A_106 = arith.subf %parallel_loop3A_105, %parallel_loop3A_73 : vector<16xf32>
        %parallel_loop3A_107 = arith.mulf %parallel_loop3A_106, %parallel_loop3A_106 : vector<16xf32>
        %parallel_loop3A_108 = arith.index_cast %parallel_loop3A_92 : i32 to index
        %parallel_loop3A_109 = arith.constant 48 : index
        %parallel_loop3A_110 = tpu.vector_load %arg8[%parallel_loop3A_108, %parallel_loop3A_109] {strides = array<i32>} : memref<128x128xf32, #tpu.memory_space<vmem>>, vector<16xf32>,
        %parallel_loop3A_111 = arith.subf %parallel_loop3A_110, %parallel_loop3A_76 : vector<16xf32>
        %parallel_loop3A_112 = arith.mulf %parallel_loop3A_111, %parallel_loop3A_111 : vector<16xf32>
        %parallel_loop3A_113 = arith.index_cast %parallel_loop3A_92 : i32 to index
        %parallel_loop3A_114 = arith.constant 64 : index
        %parallel_loop3A_115 = tpu.vector_load %arg8[%parallel_loop3A_113, %parallel_loop3A_114] {strides = array<i32>} : memref<128x128xf32, #tpu.memory_space<vmem>>, vector<16xf32>,
        %parallel_loop3A_116 = arith.subf %parallel_loop3A_115, %parallel_loop3A_79 : vector<16xf32>
        %parallel_loop3A_117 = arith.mulf %parallel_loop3A_116, %parallel_loop3A_116 : vector<16xf32>
        %parallel_loop3A_118 = arith.index_cast %parallel_loop3A_92 : i32 to index
        %parallel_loop3A_119 = arith.constant 80 : index
        %parallel_loop3A_120 = tpu.vector_load %arg8[%parallel_loop3A_118, %parallel_loop3A_119] {strides = array<i32>} : memref<128x128xf32, #tpu.memory_space<vmem>>, vector<16xf32>,
        %parallel_loop3A_121 = arith.subf %parallel_loop3A_120, %parallel_loop3A_82 : vector<16xf32>
        %parallel_loop3A_122 = arith.mulf %parallel_loop3A_121, %parallel_loop3A_121 : vector<16xf32>
        %parallel_loop3A_123 = arith.index_cast %parallel_loop3A_92 : i32 to index
        %parallel_loop3A_124 = arith.constant 96 : index
        %parallel_loop3A_125 = tpu.vector_load %arg8[%parallel_loop3A_123, %parallel_loop3A_124] {strides = array<i32>} : memref<128x128xf32, #tpu.memory_space<vmem>>, vector<16xf32>,
        %parallel_loop3A_126 = arith.subf %parallel_loop3A_125, %parallel_loop3A_85 : vector<16xf32>
        %parallel_loop3A_127 = arith.mulf %parallel_loop3A_126, %parallel_loop3A_126 : vector<16xf32>
        %parallel_loop3A_128 = arith.index_cast %parallel_loop3A_92 : i32 to index
        %parallel_loop3A_129 = arith.constant 112 : index
        %parallel_loop3A_130 = tpu.vector_load %arg8[%parallel_loop3A_128, %parallel_loop3A_129] {strides = array<i32>} : memref<128x128xf32, #tpu.memory_space<vmem>>, vector<16xf32>,
        %parallel_loop3A_131 = arith.subf %parallel_loop3A_130, %parallel_loop3A_88 : vector<16xf32>
        %parallel_loop3A_132 = arith.mulf %parallel_loop3A_131, %parallel_loop3A_131 : vector<16xf32>
        %parallel_loop3A_133 = arith.addf %parallel_loop3A_97, %parallel_loop3A_102 : vector<16xf32>
        %parallel_loop3A_134 = arith.addf %parallel_loop3A_107, %parallel_loop3A_112 : vector<16xf32>
        %parallel_loop3A_135 = arith.addf %parallel_loop3A_117, %parallel_loop3A_122 : vector<16xf32>
        %parallel_loop3A_136 = arith.addf %parallel_loop3A_127, %parallel_loop3A_132 : vector<16xf32>
        %parallel_loop3A_137 = arith.addf %parallel_loop3A_133, %parallel_loop3A_134 : vector<16xf32>
        %parallel_loop3A_138 = arith.addf %parallel_loop3A_135, %parallel_loop3A_136 : vector<16xf32>
        %parallel_loop3A_139 = arith.addf %parallel_loop3A_137, %parallel_loop3A_138 : vector<16xf32>
        %parallel_loop3A_140 = arith.constant 0 : i32
        %parallel_loop3A_141 = arith.addi %parallel_loop3A_64, %parallel_loop3A_140 : i32
        %parallel_loop3A_142 = tpu.assume_multiple %parallel_loop3A_141, 16 : i32
        %parallel_loop3A_143 = arith.index_cast %parallel_loop3A_142 : i32 to index
        %parallel_loop3A_144 = tpu.vector_load %arg9[%parallel_loop3A_143] {strides = array<i32>} : memref<2048xf32, #tpu.memory_space<vmem>>, vector<16xf32>,
        tpu.vector_store %arg9[%parallel_loop3A_143], %parallel_loop3A_139 {strides = array<i32>} : memref<2048xf32, #tpu.memory_space<vmem>>, vector<16xf32>,
        %parallel_loop3A_145 = arith.constant 16 : i32
        %parallel_loop3A_146 = arith.muli %parallel_loop3A_59, %parallel_loop3A_145 : i32
        %parallel_loop3A_147 = arith.constant 1 : i32
        %parallel_loop3A_148 = arith.addi %parallel_loop3A_146, %parallel_loop3A_147 : i32
        %parallel_loop3A_149 = arith.index_cast %parallel_loop3A_148 : i32 to index
        %parallel_loop3A_150 = arith.constant 0 : index
        %parallel_loop3A_151 = tpu.vector_load %arg8[%parallel_loop3A_149, %parallel_loop3A_150] {strides = array<i32>} : memref<128x128xf32, #tpu.memory_space<vmem>>, vector<16xf32>,
        %parallel_loop3A_152 = arith.subf %parallel_loop3A_151, %parallel_loop3A_67 : vector<16xf32>
        %parallel_loop3A_153 = arith.mulf %parallel_loop3A_152, %parallel_loop3A_152 : vector<16xf32>
        %parallel_loop3A_154 = arith.index_cast %parallel_loop3A_148 : i32 to index
        %parallel_loop3A_155 = arith.constant 16 : index
        %parallel_loop3A_156 = tpu.vector_load %arg8[%parallel_loop3A_154, %parallel_loop3A_155] {strides = array<i32>} : memref<128x128xf32, #tpu.memory_space<vmem>>, vector<16xf32>,
        %parallel_loop3A_157 = arith.subf %parallel_loop3A_156, %parallel_loop3A_70 : vector<16xf32>
        %parallel_loop3A_158 = arith.mulf %parallel_loop3A_157, %parallel_loop3A_157 : vector<16xf32>
        %parallel_loop3A_159 = arith.index_cast %parallel_loop3A_148 : i32 to index
        %parallel_loop3A_160 = arith.constant 32 : index
        %parallel_loop3A_161 = tpu.vector_load %arg8[%parallel_loop3A_159, %parallel_loop3A_160] {strides = array<i32>} : memref<128x128xf32, #tpu.memory_space<vmem>>, vector<16xf32>,
        %parallel_loop3A_162 = arith.subf %parallel_loop3A_161, %parallel_loop3A_73 : vector<16xf32>
        %parallel_loop3A_163 = arith.mulf %parallel_loop3A_162, %parallel_loop3A_162 : vector<16xf32>
        %parallel_loop3A_164 = arith.index_cast %parallel_loop3A_148 : i32 to index
        %parallel_loop3A_165 = arith.constant 48 : index
        %parallel_loop3A_166 = tpu.vector_load %arg8[%parallel_loop3A_164, %parallel_loop3A_165] {strides = array<i32>} : memref<128x128xf32, #tpu.memory_space<vmem>>, vector<16xf32>,
        %parallel_loop3A_167 = arith.subf %parallel_loop3A_166, %parallel_loop3A_76 : vector<16xf32>
        %parallel_loop3A_168 = arith.mulf %parallel_loop3A_167, %parallel_loop3A_167 : vector<16xf32>
        %parallel_loop3A_169 = arith.index_cast %parallel_loop3A_148 : i32 to index
        %parallel_loop3A_170 = arith.constant 64 : index
        %parallel_loop3A_171 = tpu.vector_load %arg8[%parallel_loop3A_169, %parallel_loop3A_170] {strides = array<i32>} : memref<128x128xf32, #tpu.memory_space<vmem>>, vector<16xf32>,
        %parallel_loop3A_172 = arith.subf %parallel_loop3A_171, %parallel_loop3A_79 : vector<16xf32>
        %parallel_loop3A_173 = arith.mulf %parallel_loop3A_172, %parallel_loop3A_172 : vector<16xf32>
        %parallel_loop3A_174 = arith.index_cast %parallel_loop3A_148 : i32 to index
        %parallel_loop3A_175 = arith.constant 80 : index
        %parallel_loop3A_176 = tpu.vector_load %arg8[%parallel_loop3A_174, %parallel_loop3A_175] {strides = array<i32>} : memref<128x128xf32, #tpu.memory_space<vmem>>, vector<16xf32>,
        %parallel_loop3A_177 = arith.subf %parallel_loop3A_176, %parallel_loop3A_82 : vector<16xf32>
        %parallel_loop3A_178 = arith.mulf %parallel_loop3A_177, %parallel_loop3A_177 : vector<16xf32>
        %parallel_loop3A_179 = arith.index_cast %parallel_loop3A_148 : i32 to index
        %parallel_loop3A_180 = arith.constant 96 : index
        %parallel_loop3A_181 = tpu.vector_load %arg8[%parallel_loop3A_179, %parallel_loop3A_180] {strides = array<i32>} : memref<128x128xf32, #tpu.memory_space<vmem>>, vector<16xf32>,
        %parallel_loop3A_182 = arith.subf %parallel_loop3A_181, %parallel_loop3A_85 : vector<16xf32>
        %parallel_loop3A_183 = arith.mulf %parallel_loop3A_182, %parallel_loop3A_182 : vector<16xf32>
        %parallel_loop3A_184 = arith.index_cast %parallel_loop3A_148 : i32 to index
        %parallel_loop3A_185 = arith.constant 112 : index
        %parallel_loop3A_186 = tpu.vector_load %arg8[%parallel_loop3A_184, %parallel_loop3A_185] {strides = array<i32>} : memref<128x128xf32, #tpu.memory_space<vmem>>, vector<16xf32>,
        %parallel_loop3A_187 = arith.subf %parallel_loop3A_186, %parallel_loop3A_88 : vector<16xf32>
        %parallel_loop3A_188 = arith.mulf %parallel_loop3A_187, %parallel_loop3A_187 : vector<16xf32>
        %parallel_loop3A_189 = arith.addf %parallel_loop3A_153, %parallel_loop3A_158 : vector<16xf32>
        %parallel_loop3A_190 = arith.addf %parallel_loop3A_163, %parallel_loop3A_168 : vector<16xf32>
        %parallel_loop3A_191 = arith.addf %parallel_loop3A_173, %parallel_loop3A_178 : vector<16xf32>
        %parallel_loop3A_192 = arith.addf %parallel_loop3A_183, %parallel_loop3A_188 : vector<16xf32>
        %parallel_loop3A_193 = arith.addf %parallel_loop3A_189, %parallel_loop3A_190 : vector<16xf32>
        %parallel_loop3A_194 = arith.addf %parallel_loop3A_191, %parallel_loop3A_192 : vector<16xf32>
        %parallel_loop3A_195 = arith.addf %parallel_loop3A_193, %parallel_loop3A_194 : vector<16xf32>
        %parallel_loop3A_196 = arith.constant 16 : i32
        %parallel_loop3A_197 = arith.addi %parallel_loop3A_64, %parallel_loop3A_196 : i32
        %parallel_loop3A_198 = tpu.assume_multiple %parallel_loop3A_197, 16 : i32
        %parallel_loop3A_199 = arith.index_cast %parallel_loop3A_198 : i32 to index
        %parallel_loop3A_200 = tpu.vector_load %arg9[%parallel_loop3A_199] {strides = array<i32>} : memref<2048xf32, #tpu.memory_space<vmem>>, vector<16xf32>,
        tpu.vector_store %arg9[%parallel_loop3A_199], %parallel_loop3A_195 {strides = array<i32>} : memref<2048xf32, #tpu.memory_space<vmem>>, vector<16xf32>,
        %parallel_loop3A_201 = arith.constant 16 : i32
        %parallel_loop3A_202 = arith.muli %parallel_loop3A_59, %parallel_loop3A_201 : i32
        %parallel_loop3A_203 = arith.constant 2 : i32
        %parallel_loop3A_204 = arith.addi %parallel_loop3A_202, %parallel_loop3A_203 : i32
        %parallel_loop3A_205 = arith.index_cast %parallel_loop3A_204 : i32 to index
        %parallel_loop3A_206 = arith.constant 0 : index
        %parallel_loop3A_207 = tpu.vector_load %arg8[%parallel_loop3A_205, %parallel_loop3A_206] {strides = array<i32>} : memref<128x128xf32, #tpu.memory_space<vmem>>, vector<16xf32>,
        %parallel_loop3A_208 = arith.subf %parallel_loop3A_207, %parallel_loop3A_67 : vector<16xf32>
        %parallel_loop3A_209 = arith.mulf %parallel_loop3A_208, %parallel_loop3A_208 : vector<16xf32>
        %parallel_loop3A_210 = arith.index_cast %parallel_loop3A_204 : i32 to index
        %parallel_loop3A_211 = arith.constant 16 : index
        %parallel_loop3A_212 = tpu.vector_load %arg8[%parallel_loop3A_210, %parallel_loop3A_211] {strides = array<i32>} : memref<128x128xf32, #tpu.memory_space<vmem>>, vector<16xf32>,
        %parallel_loop3A_213 = arith.subf %parallel_loop3A_212, %parallel_loop3A_70 : vector<16xf32>
        %parallel_loop3A_214 = arith.mulf %parallel_loop3A_213, %parallel_loop3A_213 : vector<16xf32>
        %parallel_loop3A_215 = arith.index_cast %parallel_loop3A_204 : i32 to index
        %parallel_loop3A_216 = arith.constant 32 : index
        %parallel_loop3A_217 = tpu.vector_load %arg8[%parallel_loop3A_215, %parallel_loop3A_216] {strides = array<i32>} : memref<128x128xf32, #tpu.memory_space<vmem>>, vector<16xf32>,
        %parallel_loop3A_218 = arith.subf %parallel_loop3A_217, %parallel_loop3A_73 : vector<16xf32>
        %parallel_loop3A_219 = arith.mulf %parallel_loop3A_218, %parallel_loop3A_218 : vector<16xf32>
        %parallel_loop3A_220 = arith.index_cast %parallel_loop3A_204 : i32 to index
        %parallel_loop3A_221 = arith.constant 48 : index
        %parallel_loop3A_222 = tpu.vector_load %arg8[%parallel_loop3A_220, %parallel_loop3A_221] {strides = array<i32>} : memref<128x128xf32, #tpu.memory_space<vmem>>, vector<16xf32>,
        %parallel_loop3A_223 = arith.subf %parallel_loop3A_222, %parallel_loop3A_76 : vector<16xf32>
        %parallel_loop3A_224 = arith.mulf %parallel_loop3A_223, %parallel_loop3A_223 : vector<16xf32>
        %parallel_loop3A_225 = arith.index_cast %parallel_loop3A_204 : i32 to index
        %parallel_loop3A_226 = arith.constant 64 : index
        %parallel_loop3A_227 = tpu.vector_load %arg8[%parallel_loop3A_225, %parallel_loop3A_226] {strides = array<i32>} : memref<128x128xf32, #tpu.memory_space<vmem>>, vector<16xf32>,
        %parallel_loop3A_228 = arith.subf %parallel_loop3A_227, %parallel_loop3A_79 : vector<16xf32>
        %parallel_loop3A_229 = arith.mulf %parallel_loop3A_228, %parallel_loop3A_228 : vector<16xf32>
        %parallel_loop3A_230 = arith.index_cast %parallel_loop3A_204 : i32 to index
        %parallel_loop3A_231 = arith.constant 80 : index
        %parallel_loop3A_232 = tpu.vector_load %arg8[%parallel_loop3A_230, %parallel_loop3A_231] {strides = array<i32>} : memref<128x128xf32, #tpu.memory_space<vmem>>, vector<16xf32>,
        %parallel_loop3A_233 = arith.subf %parallel_loop3A_232, %parallel_loop3A_82 : vector<16xf32>
        %parallel_loop3A_234 = arith.mulf %parallel_loop3A_233, %parallel_loop3A_233 : vector<16xf32>
        %parallel_loop3A_235 = arith.index_cast %parallel_loop3A_204 : i32 to index
        %parallel_loop3A_236 = arith.constant 96 : index
        %parallel_loop3A_237 = tpu.vector_load %arg8[%parallel_loop3A_235, %parallel_loop3A_236] {strides = array<i32>} : memref<128x128xf32, #tpu.memory_space<vmem>>, vector<16xf32>,
        %parallel_loop3A_238 = arith.subf %parallel_loop3A_237, %parallel_loop3A_85 : vector<16xf32>
        %parallel_loop3A_239 = arith.mulf %parallel_loop3A_238, %parallel_loop3A_238 : vector<16xf32>
        %parallel_loop3A_240 = arith.index_cast %parallel_loop3A_204 : i32 to index
        %parallel_loop3A_241 = arith.constant 112 : index
        %parallel_loop3A_242 = tpu.vector_load %arg8[%parallel_loop3A_240, %parallel_loop3A_241] {strides = array<i32>} : memref<128x128xf32, #tpu.memory_space<vmem>>, vector<16xf32>,
        %parallel_loop3A_243 = arith.subf %parallel_loop3A_242, %parallel_loop3A_88 : vector<16xf32>
        %parallel_loop3A_244 = arith.mulf %parallel_loop3A_243, %parallel_loop3A_243 : vector<16xf32>
        %parallel_loop3A_245 = arith.addf %parallel_loop3A_209, %parallel_loop3A_214 : vector<16xf32>
        %parallel_loop3A_246 = arith.addf %parallel_loop3A_219, %parallel_loop3A_224 : vector<16xf32>
        %parallel_loop3A_247 = arith.addf %parallel_loop3A_229, %parallel_loop3A_234 : vector<16xf32>
        %parallel_loop3A_248 = arith.addf %parallel_loop3A_239, %parallel_loop3A_244 : vector<16xf32>
        %parallel_loop3A_249 = arith.addf %parallel_loop3A_245, %parallel_loop3A_246 : vector<16xf32>
        %parallel_loop3A_250 = arith.addf %parallel_loop3A_247, %parallel_loop3A_248 : vector<16xf32>
        %parallel_loop3A_251 = arith.addf %parallel_loop3A_249, %parallel_loop3A_250 : vector<16xf32>
        %parallel_loop3A_252 = arith.constant 32 : i32
        %parallel_loop3A_253 = arith.addi %parallel_loop3A_64, %parallel_loop3A_252 : i32
        %parallel_loop3A_254 = tpu.assume_multiple %parallel_loop3A_253, 16 : i32
        %parallel_loop3A_255 = arith.index_cast %parallel_loop3A_254 : i32 to index
        %parallel_loop3A_256 = tpu.vector_load %arg9[%parallel_loop3A_255] {strides = array<i32>} : memref<2048xf32, #tpu.memory_space<vmem>>, vector<16xf32>,
        tpu.vector_store %arg9[%parallel_loop3A_255], %parallel_loop3A_251 {strides = array<i32>} : memref<2048xf32, #tpu.memory_space<vmem>>, vector<16xf32>,
        %parallel_loop3A_257 = arith.constant 16 : i32
        %parallel_loop3A_258 = arith.muli %parallel_loop3A_59, %parallel_loop3A_257 : i32
        %parallel_loop3A_259 = arith.constant 3 : i32
        %parallel_loop3A_260 = arith.addi %parallel_loop3A_258, %parallel_loop3A_259 : i32
        %parallel_loop3A_261 = arith.index_cast %parallel_loop3A_260 : i32 to index
        %parallel_loop3A_262 = arith.constant 0 : index
        %parallel_loop3A_263 = tpu.vector_load %arg8[%parallel_loop3A_261, %parallel_loop3A_262] {strides = array<i32>} : memref<128x128xf32, #tpu.memory_space<vmem>>, vector<16xf32>,
        %parallel_loop3A_264 = arith.subf %parallel_loop3A_263, %parallel_loop3A_67 : vector<16xf32>
        %parallel_loop3A_265 = arith.mulf %parallel_loop3A_264, %parallel_loop3A_264 : vector<16xf32>
        %parallel_loop3A_266 = arith.index_cast %parallel_loop3A_260 : i32 to index
        %parallel_loop3A_267 = arith.constant 16 : index
        %parallel_loop3A_268 = tpu.vector_load %arg8[%parallel_loop3A_266, %parallel_loop3A_267] {strides = array<i32>} : memref<128x128xf32, #tpu.memory_space<vmem>>, vector<16xf32>,
        %parallel_loop3A_269 = arith.subf %parallel_loop3A_268, %parallel_loop3A_70 : vector<16xf32>
        %parallel_loop3A_270 = arith.mulf %parallel_loop3A_269, %parallel_loop3A_269 : vector<16xf32>
        %parallel_loop3A_271 = arith.index_cast %parallel_loop3A_260 : i32 to index
        %parallel_loop3A_272 = arith.constant 32 : index
        %parallel_loop3A_273 = tpu.vector_load %arg8[%parallel_loop3A_271, %parallel_loop3A_272] {strides = array<i32>} : memref<128x128xf32, #tpu.memory_space<vmem>>, vector<16xf32>,
        %parallel_loop3A_274 = arith.subf %parallel_loop3A_273, %parallel_loop3A_73 : vector<16xf32>
        %parallel_loop3A_275 = arith.mulf %parallel_loop3A_274, %parallel_loop3A_274 : vector<16xf32>
        %parallel_loop3A_276 = arith.index_cast %parallel_loop3A_260 : i32 to index
        %parallel_loop3A_277 = arith.constant 48 : index
        %parallel_loop3A_278 = tpu.vector_load %arg8[%parallel_loop3A_276, %parallel_loop3A_277] {strides = array<i32>} : memref<128x128xf32, #tpu.memory_space<vmem>>, vector<16xf32>,
        %parallel_loop3A_279 = arith.subf %parallel_loop3A_278, %parallel_loop3A_76 : vector<16xf32>
        %parallel_loop3A_280 = arith.mulf %parallel_loop3A_279, %parallel_loop3A_279 : vector<16xf32>
        %parallel_loop3A_281 = arith.index_cast %parallel_loop3A_260 : i32 to index
        %parallel_loop3A_282 = arith.constant 64 : index
        %parallel_loop3A_283 = tpu.vector_load %arg8[%parallel_loop3A_281, %parallel_loop3A_282] {strides = array<i32>} : memref<128x128xf32, #tpu.memory_space<vmem>>, vector<16xf32>,
        %parallel_loop3A_284 = arith.subf %parallel_loop3A_283, %parallel_loop3A_79 : vector<16xf32>
        %parallel_loop3A_285 = arith.mulf %parallel_loop3A_284, %parallel_loop3A_284 : vector<16xf32>
        %parallel_loop3A_286 = arith.index_cast %parallel_loop3A_260 : i32 to index
        %parallel_loop3A_287 = arith.constant 80 : index
        %parallel_loop3A_288 = tpu.vector_load %arg8[%parallel_loop3A_286, %parallel_loop3A_287] {strides = array<i32>} : memref<128x128xf32, #tpu.memory_space<vmem>>, vector<16xf32>,
        %parallel_loop3A_289 = arith.subf %parallel_loop3A_288, %parallel_loop3A_82 : vector<16xf32>
        %parallel_loop3A_290 = arith.mulf %parallel_loop3A_289, %parallel_loop3A_289 : vector<16xf32>
        %parallel_loop3A_291 = arith.index_cast %parallel_loop3A_260 : i32 to index
        %parallel_loop3A_292 = arith.constant 96 : index
        %parallel_loop3A_293 = tpu.vector_load %arg8[%parallel_loop3A_291, %parallel_loop3A_292] {strides = array<i32>} : memref<128x128xf32, #tpu.memory_space<vmem>>, vector<16xf32>,
        %parallel_loop3A_294 = arith.subf %parallel_loop3A_293, %parallel_loop3A_85 : vector<16xf32>
        %parallel_loop3A_295 = arith.mulf %parallel_loop3A_294, %parallel_loop3A_294 : vector<16xf32>
        %parallel_loop3A_296 = arith.index_cast %parallel_loop3A_260 : i32 to index
        %parallel_loop3A_297 = arith.constant 112 : index
        %parallel_loop3A_298 = tpu.vector_load %arg8[%parallel_loop3A_296, %parallel_loop3A_297] {strides = array<i32>} : memref<128x128xf32, #tpu.memory_space<vmem>>, vector<16xf32>,
        %parallel_loop3A_299 = arith.subf %parallel_loop3A_298, %parallel_loop3A_88 : vector<16xf32>
        %parallel_loop3A_300 = arith.mulf %parallel_loop3A_299, %parallel_loop3A_299 : vector<16xf32>
        %parallel_loop3A_301 = arith.addf %parallel_loop3A_265, %parallel_loop3A_270 : vector<16xf32>
        %parallel_loop3A_302 = arith.addf %parallel_loop3A_275, %parallel_loop3A_280 : vector<16xf32>
        %parallel_loop3A_303 = arith.addf %parallel_loop3A_285, %parallel_loop3A_290 : vector<16xf32>
        %parallel_loop3A_304 = arith.addf %parallel_loop3A_295, %parallel_loop3A_300 : vector<16xf32>
        %parallel_loop3A_305 = arith.addf %parallel_loop3A_301, %parallel_loop3A_302 : vector<16xf32>
        %parallel_loop3A_306 = arith.addf %parallel_loop3A_303, %parallel_loop3A_304 : vector<16xf32>
        %parallel_loop3A_307 = arith.addf %parallel_loop3A_305, %parallel_loop3A_306 : vector<16xf32>
        %parallel_loop3A_308 = arith.constant 48 : i32
        %parallel_loop3A_309 = arith.addi %parallel_loop3A_64, %parallel_loop3A_308 : i32
        %parallel_loop3A_310 = tpu.assume_multiple %parallel_loop3A_309, 16 : i32
        %parallel_loop3A_311 = arith.index_cast %parallel_loop3A_310 : i32 to index
        %parallel_loop3A_312 = tpu.vector_load %arg9[%parallel_loop3A_311] {strides = array<i32>} : memref<2048xf32, #tpu.memory_space<vmem>>, vector<16xf32>,
        tpu.vector_store %arg9[%parallel_loop3A_311], %parallel_loop3A_307 {strides = array<i32>} : memref<2048xf32, #tpu.memory_space<vmem>>, vector<16xf32>,
        %parallel_loop3A_313 = arith.constant 16 : i32
        %parallel_loop3A_314 = arith.muli %parallel_loop3A_59, %parallel_loop3A_313 : i32
        %parallel_loop3A_315 = arith.constant 4 : i32
        %parallel_loop3A_316 = arith.addi %parallel_loop3A_314, %parallel_loop3A_315 : i32
        %parallel_loop3A_317 = arith.index_cast %parallel_loop3A_316 : i32 to index
        %parallel_loop3A_318 = arith.constant 0 : index
        %parallel_loop3A_319 = tpu.vector_load %arg8[%parallel_loop3A_317, %parallel_loop3A_318] {strides = array<i32>} : memref<128x128xf32, #tpu.memory_space<vmem>>, vector<16xf32>,
        %parallel_loop3A_320 = arith.subf %parallel_loop3A_319, %parallel_loop3A_67 : vector<16xf32>
        %parallel_loop3A_321 = arith.mulf %parallel_loop3A_320, %parallel_loop3A_320 : vector<16xf32>
        %parallel_loop3A_322 = arith.index_cast %parallel_loop3A_316 : i32 to index
        %parallel_loop3A_323 = arith.constant 16 : index
        %parallel_loop3A_324 = tpu.vector_load %arg8[%parallel_loop3A_322, %parallel_loop3A_323] {strides = array<i32>} : memref<128x128xf32, #tpu.memory_space<vmem>>, vector<16xf32>,
        %parallel_loop3A_325 = arith.subf %parallel_loop3A_324, %parallel_loop3A_70 : vector<16xf32>
        %parallel_loop3A_326 = arith.mulf %parallel_loop3A_325, %parallel_loop3A_325 : vector<16xf32>
        %parallel_loop3A_327 = arith.index_cast %parallel_loop3A_316 : i32 to index
        %parallel_loop3A_328 = arith.constant 32 : index
        %parallel_loop3A_329 = tpu.vector_load %arg8[%parallel_loop3A_327, %parallel_loop3A_328] {strides = array<i32>} : memref<128x128xf32, #tpu.memory_space<vmem>>, vector<16xf32>,
        %parallel_loop3A_330 = arith.subf %parallel_loop3A_329, %parallel_loop3A_73 : vector<16xf32>
        %parallel_loop3A_331 = arith.mulf %parallel_loop3A_330, %parallel_loop3A_330 : vector<16xf32>
        %parallel_loop3A_332 = arith.index_cast %parallel_loop3A_316 : i32 to index
        %parallel_loop3A_333 = arith.constant 48 : index
        %parallel_loop3A_334 = tpu.vector_load %arg8[%parallel_loop3A_332, %parallel_loop3A_333] {strides = array<i32>} : memref<128x128xf32, #tpu.memory_space<vmem>>, vector<16xf32>,
        %parallel_loop3A_335 = arith.subf %parallel_loop3A_334, %parallel_loop3A_76 : vector<16xf32>
        %parallel_loop3A_336 = arith.mulf %parallel_loop3A_335, %parallel_loop3A_335 : vector<16xf32>
        %parallel_loop3A_337 = arith.index_cast %parallel_loop3A_316 : i32 to index
        %parallel_loop3A_338 = arith.constant 64 : index
        %parallel_loop3A_339 = tpu.vector_load %arg8[%parallel_loop3A_337, %parallel_loop3A_338] {strides = array<i32>} : memref<128x128xf32, #tpu.memory_space<vmem>>, vector<16xf32>,
        %parallel_loop3A_340 = arith.subf %parallel_loop3A_339, %parallel_loop3A_79 : vector<16xf32>
        %parallel_loop3A_341 = arith.mulf %parallel_loop3A_340, %parallel_loop3A_340 : vector<16xf32>
        %parallel_loop3A_342 = arith.index_cast %parallel_loop3A_316 : i32 to index
        %parallel_loop3A_343 = arith.constant 80 : index
        %parallel_loop3A_344 = tpu.vector_load %arg8[%parallel_loop3A_342, %parallel_loop3A_343] {strides = array<i32>} : memref<128x128xf32, #tpu.memory_space<vmem>>, vector<16xf32>,
        %parallel_loop3A_345 = arith.subf %parallel_loop3A_344, %parallel_loop3A_82 : vector<16xf32>
        %parallel_loop3A_346 = arith.mulf %parallel_loop3A_345, %parallel_loop3A_345 : vector<16xf32>
        %parallel_loop3A_347 = arith.index_cast %parallel_loop3A_316 : i32 to index
        %parallel_loop3A_348 = arith.constant 96 : index
        %parallel_loop3A_349 = tpu.vector_load %arg8[%parallel_loop3A_347, %parallel_loop3A_348] {strides = array<i32>} : memref<128x128xf32, #tpu.memory_space<vmem>>, vector<16xf32>,
        %parallel_loop3A_350 = arith.subf %parallel_loop3A_349, %parallel_loop3A_85 : vector<16xf32>
        %parallel_loop3A_351 = arith.mulf %parallel_loop3A_350, %parallel_loop3A_350 : vector<16xf32>
        %parallel_loop3A_352 = arith.index_cast %parallel_loop3A_316 : i32 to index
        %parallel_loop3A_353 = arith.constant 112 : index
        %parallel_loop3A_354 = tpu.vector_load %arg8[%parallel_loop3A_352, %parallel_loop3A_353] {strides = array<i32>} : memref<128x128xf32, #tpu.memory_space<vmem>>, vector<16xf32>,
        %parallel_loop3A_355 = arith.subf %parallel_loop3A_354, %parallel_loop3A_88 : vector<16xf32>
        %parallel_loop3A_356 = arith.mulf %parallel_loop3A_355, %parallel_loop3A_355 : vector<16xf32>
        %parallel_loop3A_357 = arith.addf %parallel_loop3A_321, %parallel_loop3A_326 : vector<16xf32>
        %parallel_loop3A_358 = arith.addf %parallel_loop3A_331, %parallel_loop3A_336 : vector<16xf32>
        %parallel_loop3A_359 = arith.addf %parallel_loop3A_341, %parallel_loop3A_346 : vector<16xf32>
        %parallel_loop3A_360 = arith.addf %parallel_loop3A_351, %parallel_loop3A_356 : vector<16xf32>
        %parallel_loop3A_361 = arith.addf %parallel_loop3A_357, %parallel_loop3A_358 : vector<16xf32>
        %parallel_loop3A_362 = arith.addf %parallel_loop3A_359, %parallel_loop3A_360 : vector<16xf32>
        %parallel_loop3A_363 = arith.addf %parallel_loop3A_361, %parallel_loop3A_362 : vector<16xf32>
        %parallel_loop3A_364 = arith.constant 64 : i32
        %parallel_loop3A_365 = arith.addi %parallel_loop3A_64, %parallel_loop3A_364 : i32
        %parallel_loop3A_366 = tpu.assume_multiple %parallel_loop3A_365, 16 : i32
        %parallel_loop3A_367 = arith.index_cast %parallel_loop3A_366 : i32 to index
        %parallel_loop3A_368 = tpu.vector_load %arg9[%parallel_loop3A_367] {strides = array<i32>} : memref<2048xf32, #tpu.memory_space<vmem>>, vector<16xf32>,
        tpu.vector_store %arg9[%parallel_loop3A_367], %parallel_loop3A_363 {strides = array<i32>} : memref<2048xf32, #tpu.memory_space<vmem>>, vector<16xf32>,
        %parallel_loop3A_369 = arith.constant 16 : i32
        %parallel_loop3A_370 = arith.muli %parallel_loop3A_59, %parallel_loop3A_369 : i32
        %parallel_loop3A_371 = arith.constant 5 : i32
        %parallel_loop3A_372 = arith.addi %parallel_loop3A_370, %parallel_loop3A_371 : i32
        %parallel_loop3A_373 = arith.index_cast %parallel_loop3A_372 : i32 to index
        %parallel_loop3A_374 = arith.constant 0 : index
        %parallel_loop3A_375 = tpu.vector_load %arg8[%parallel_loop3A_373, %parallel_loop3A_374] {strides = array<i32>} : memref<128x128xf32, #tpu.memory_space<vmem>>, vector<16xf32>,
        %parallel_loop3A_376 = arith.subf %parallel_loop3A_375, %parallel_loop3A_67 : vector<16xf32>
        %parallel_loop3A_377 = arith.mulf %parallel_loop3A_376, %parallel_loop3A_376 : vector<16xf32>
        %parallel_loop3A_378 = arith.index_cast %parallel_loop3A_372 : i32 to index
        %parallel_loop3A_379 = arith.constant 16 : index
        %parallel_loop3A_380 = tpu.vector_load %arg8[%parallel_loop3A_378, %parallel_loop3A_379] {strides = array<i32>} : memref<128x128xf32, #tpu.memory_space<vmem>>, vector<16xf32>,
        %parallel_loop3A_381 = arith.subf %parallel_loop3A_380, %parallel_loop3A_70 : vector<16xf32>
        %parallel_loop3A_382 = arith.mulf %parallel_loop3A_381, %parallel_loop3A_381 : vector<16xf32>
        %parallel_loop3A_383 = arith.index_cast %parallel_loop3A_372 : i32 to index
        %parallel_loop3A_384 = arith.constant 32 : index
        %parallel_loop3A_385 = tpu.vector_load %arg8[%parallel_loop3A_383, %parallel_loop3A_384] {strides = array<i32>} : memref<128x128xf32, #tpu.memory_space<vmem>>, vector<16xf32>,
        %parallel_loop3A_386 = arith.subf %parallel_loop3A_385, %parallel_loop3A_73 : vector<16xf32>
        %parallel_loop3A_387 = arith.mulf %parallel_loop3A_386, %parallel_loop3A_386 : vector<16xf32>
        %parallel_loop3A_388 = arith.index_cast %parallel_loop3A_372 : i32 to index
        %parallel_loop3A_389 = arith.constant 48 : index
        %parallel_loop3A_390 = tpu.vector_load %arg8[%parallel_loop3A_388, %parallel_loop3A_389] {strides = array<i32>} : memref<128x128xf32, #tpu.memory_space<vmem>>, vector<16xf32>,
        %parallel_loop3A_391 = arith.subf %parallel_loop3A_390, %parallel_loop3A_76 : vector<16xf32>
        %parallel_loop3A_392 = arith.mulf %parallel_loop3A_391, %parallel_loop3A_391 : vector<16xf32>
        %parallel_loop3A_393 = arith.index_cast %parallel_loop3A_372 : i32 to index
        %parallel_loop3A_394 = arith.constant 64 : index
        %parallel_loop3A_395 = tpu.vector_load %arg8[%parallel_loop3A_393, %parallel_loop3A_394] {strides = array<i32>} : memref<128x128xf32, #tpu.memory_space<vmem>>, vector<16xf32>,
        %parallel_loop3A_396 = arith.subf %parallel_loop3A_395, %parallel_loop3A_79 : vector<16xf32>
        %parallel_loop3A_397 = arith.mulf %parallel_loop3A_396, %parallel_loop3A_396 : vector<16xf32>
        %parallel_loop3A_398 = arith.index_cast %parallel_loop3A_372 : i32 to index
        %parallel_loop3A_399 = arith.constant 80 : index
        %parallel_loop3A_400 = tpu.vector_load %arg8[%parallel_loop3A_398, %parallel_loop3A_399] {strides = array<i32>} : memref<128x128xf32, #tpu.memory_space<vmem>>, vector<16xf32>,
        %parallel_loop3A_401 = arith.subf %parallel_loop3A_400, %parallel_loop3A_82 : vector<16xf32>
        %parallel_loop3A_402 = arith.mulf %parallel_loop3A_401, %parallel_loop3A_401 : vector<16xf32>
        %parallel_loop3A_403 = arith.index_cast %parallel_loop3A_372 : i32 to index
        %parallel_loop3A_404 = arith.constant 96 : index
        %parallel_loop3A_405 = tpu.vector_load %arg8[%parallel_loop3A_403, %parallel_loop3A_404] {strides = array<i32>} : memref<128x128xf32, #tpu.memory_space<vmem>>, vector<16xf32>,
        %parallel_loop3A_406 = arith.subf %parallel_loop3A_405, %parallel_loop3A_85 : vector<16xf32>
        %parallel_loop3A_407 = arith.mulf %parallel_loop3A_406, %parallel_loop3A_406 : vector<16xf32>
        %parallel_loop3A_408 = arith.index_cast %parallel_loop3A_372 : i32 to index
        %parallel_loop3A_409 = arith.constant 112 : index
        %parallel_loop3A_410 = tpu.vector_load %arg8[%parallel_loop3A_408, %parallel_loop3A_409] {strides = array<i32>} : memref<128x128xf32, #tpu.memory_space<vmem>>, vector<16xf32>,
        %parallel_loop3A_411 = arith.subf %parallel_loop3A_410, %parallel_loop3A_88 : vector<16xf32>
        %parallel_loop3A_412 = arith.mulf %parallel_loop3A_411, %parallel_loop3A_411 : vector<16xf32>
        %parallel_loop3A_413 = arith.addf %parallel_loop3A_377, %parallel_loop3A_382 : vector<16xf32>
        %parallel_loop3A_414 = arith.addf %parallel_loop3A_387, %parallel_loop3A_392 : vector<16xf32>
        %parallel_loop3A_415 = arith.addf %parallel_loop3A_397, %parallel_loop3A_402 : vector<16xf32>
        %parallel_loop3A_416 = arith.addf %parallel_loop3A_407, %parallel_loop3A_412 : vector<16xf32>
        %parallel_loop3A_417 = arith.addf %parallel_loop3A_413, %parallel_loop3A_414 : vector<16xf32>
        %parallel_loop3A_418 = arith.addf %parallel_loop3A_415, %parallel_loop3A_416 : vector<16xf32>
        %parallel_loop3A_419 = arith.addf %parallel_loop3A_417, %parallel_loop3A_418 : vector<16xf32>
        %parallel_loop3A_420 = arith.constant 80 : i32
        %parallel_loop3A_421 = arith.addi %parallel_loop3A_64, %parallel_loop3A_420 : i32
        %parallel_loop3A_422 = tpu.assume_multiple %parallel_loop3A_421, 16 : i32
        %parallel_loop3A_423 = arith.index_cast %parallel_loop3A_422 : i32 to index
        %parallel_loop3A_424 = tpu.vector_load %arg9[%parallel_loop3A_423] {strides = array<i32>} : memref<2048xf32, #tpu.memory_space<vmem>>, vector<16xf32>,
        tpu.vector_store %arg9[%parallel_loop3A_423], %parallel_loop3A_419 {strides = array<i32>} : memref<2048xf32, #tpu.memory_space<vmem>>, vector<16xf32>,
        %parallel_loop3A_425 = arith.constant 16 : i32
        %parallel_loop3A_426 = arith.muli %parallel_loop3A_59, %parallel_loop3A_425 : i32
        %parallel_loop3A_427 = arith.constant 6 : i32
        %parallel_loop3A_428 = arith.addi %parallel_loop3A_426, %parallel_loop3A_427 : i32
        %parallel_loop3A_429 = arith.index_cast %parallel_loop3A_428 : i32 to index
        %parallel_loop3A_430 = arith.constant 0 : index
        %parallel_loop3A_431 = tpu.vector_load %arg8[%parallel_loop3A_429, %parallel_loop3A_430] {strides = array<i32>} : memref<128x128xf32, #tpu.memory_space<vmem>>, vector<16xf32>,
        %parallel_loop3A_432 = arith.subf %parallel_loop3A_431, %parallel_loop3A_67 : vector<16xf32>
        %parallel_loop3A_433 = arith.mulf %parallel_loop3A_432, %parallel_loop3A_432 : vector<16xf32>
        %parallel_loop3A_434 = arith.index_cast %parallel_loop3A_428 : i32 to index
        %parallel_loop3A_435 = arith.constant 16 : index
        %parallel_loop3A_436 = tpu.vector_load %arg8[%parallel_loop3A_434, %parallel_loop3A_435] {strides = array<i32>} : memref<128x128xf32, #tpu.memory_space<vmem>>, vector<16xf32>,
        %parallel_loop3A_437 = arith.subf %parallel_loop3A_436, %parallel_loop3A_70 : vector<16xf32>
        %parallel_loop3A_438 = arith.mulf %parallel_loop3A_437, %parallel_loop3A_437 : vector<16xf32>
        %parallel_loop3A_439 = arith.index_cast %parallel_loop3A_428 : i32 to index
        %parallel_loop3A_440 = arith.constant 32 : index
        %parallel_loop3A_441 = tpu.vector_load %arg8[%parallel_loop3A_439, %parallel_loop3A_440] {strides = array<i32>} : memref<128x128xf32, #tpu.memory_space<vmem>>, vector<16xf32>,
        %parallel_loop3A_442 = arith.subf %parallel_loop3A_441, %parallel_loop3A_73 : vector<16xf32>
        %parallel_loop3A_443 = arith.mulf %parallel_loop3A_442, %parallel_loop3A_442 : vector<16xf32>
        %parallel_loop3A_444 = arith.index_cast %parallel_loop3A_428 : i32 to index
        %parallel_loop3A_445 = arith.constant 48 : index
        %parallel_loop3A_446 = tpu.vector_load %arg8[%parallel_loop3A_444, %parallel_loop3A_445] {strides = array<i32>} : memref<128x128xf32, #tpu.memory_space<vmem>>, vector<16xf32>,
        %parallel_loop3A_447 = arith.subf %parallel_loop3A_446, %parallel_loop3A_76 : vector<16xf32>
        %parallel_loop3A_448 = arith.mulf %parallel_loop3A_447, %parallel_loop3A_447 : vector<16xf32>
        %parallel_loop3A_449 = arith.index_cast %parallel_loop3A_428 : i32 to index
        %parallel_loop3A_450 = arith.constant 64 : index
        %parallel_loop3A_451 = tpu.vector_load %arg8[%parallel_loop3A_449, %parallel_loop3A_450] {strides = array<i32>} : memref<128x128xf32, #tpu.memory_space<vmem>>, vector<16xf32>,
        %parallel_loop3A_452 = arith.subf %parallel_loop3A_451, %parallel_loop3A_79 : vector<16xf32>
        %parallel_loop3A_453 = arith.mulf %parallel_loop3A_452, %parallel_loop3A_452 : vector<16xf32>
        %parallel_loop3A_454 = arith.index_cast %parallel_loop3A_428 : i32 to index
        %parallel_loop3A_455 = arith.constant 80 : index
        %parallel_loop3A_456 = tpu.vector_load %arg8[%parallel_loop3A_454, %parallel_loop3A_455] {strides = array<i32>} : memref<128x128xf32, #tpu.memory_space<vmem>>, vector<16xf32>,
        %parallel_loop3A_457 = arith.subf %parallel_loop3A_456, %parallel_loop3A_82 : vector<16xf32>
        %parallel_loop3A_458 = arith.mulf %parallel_loop3A_457, %parallel_loop3A_457 : vector<16xf32>
        %parallel_loop3A_459 = arith.index_cast %parallel_loop3A_428 : i32 to index
        %parallel_loop3A_460 = arith.constant 96 : index
        %parallel_loop3A_461 = tpu.vector_load %arg8[%parallel_loop3A_459, %parallel_loop3A_460] {strides = array<i32>} : memref<128x128xf32, #tpu.memory_space<vmem>>, vector<16xf32>,
        %parallel_loop3A_462 = arith.subf %parallel_loop3A_461, %parallel_loop3A_85 : vector<16xf32>
        %parallel_loop3A_463 = arith.mulf %parallel_loop3A_462, %parallel_loop3A_462 : vector<16xf32>
        %parallel_loop3A_464 = arith.index_cast %parallel_loop3A_428 : i32 to index
        %parallel_loop3A_465 = arith.constant 112 : index
        %parallel_loop3A_466 = tpu.vector_load %arg8[%parallel_loop3A_464, %parallel_loop3A_465] {strides = array<i32>} : memref<128x128xf32, #tpu.memory_space<vmem>>, vector<16xf32>,
        %parallel_loop3A_467 = arith.subf %parallel_loop3A_466, %parallel_loop3A_88 : vector<16xf32>
        %parallel_loop3A_468 = arith.mulf %parallel_loop3A_467, %parallel_loop3A_467 : vector<16xf32>
        %parallel_loop3A_469 = arith.addf %parallel_loop3A_433, %parallel_loop3A_438 : vector<16xf32>
        %parallel_loop3A_470 = arith.addf %parallel_loop3A_443, %parallel_loop3A_448 : vector<16xf32>
        %parallel_loop3A_471 = arith.addf %parallel_loop3A_453, %parallel_loop3A_458 : vector<16xf32>
        %parallel_loop3A_472 = arith.addf %parallel_loop3A_463, %parallel_loop3A_468 : vector<16xf32>
        %parallel_loop3A_473 = arith.addf %parallel_loop3A_469, %parallel_loop3A_470 : vector<16xf32>
        %parallel_loop3A_474 = arith.addf %parallel_loop3A_471, %parallel_loop3A_472 : vector<16xf32>
        %parallel_loop3A_475 = arith.addf %parallel_loop3A_473, %parallel_loop3A_474 : vector<16xf32>
        %parallel_loop3A_476 = arith.constant 96 : i32
        %parallel_loop3A_477 = arith.addi %parallel_loop3A_64, %parallel_loop3A_476 : i32
        %parallel_loop3A_478 = tpu.assume_multiple %parallel_loop3A_477, 16 : i32
        %parallel_loop3A_479 = arith.index_cast %parallel_loop3A_478 : i32 to index
        %parallel_loop3A_480 = tpu.vector_load %arg9[%parallel_loop3A_479] {strides = array<i32>} : memref<2048xf32, #tpu.memory_space<vmem>>, vector<16xf32>,
        tpu.vector_store %arg9[%parallel_loop3A_479], %parallel_loop3A_475 {strides = array<i32>} : memref<2048xf32, #tpu.memory_space<vmem>>, vector<16xf32>,
        %parallel_loop3A_481 = arith.constant 16 : i32
        %parallel_loop3A_482 = arith.muli %parallel_loop3A_59, %parallel_loop3A_481 : i32
        %parallel_loop3A_483 = arith.constant 7 : i32
        %parallel_loop3A_484 = arith.addi %parallel_loop3A_482, %parallel_loop3A_483 : i32
        %parallel_loop3A_485 = arith.index_cast %parallel_loop3A_484 : i32 to index
        %parallel_loop3A_486 = arith.constant 0 : index
        %parallel_loop3A_487 = tpu.vector_load %arg8[%parallel_loop3A_485, %parallel_loop3A_486] {strides = array<i32>} : memref<128x128xf32, #tpu.memory_space<vmem>>, vector<16xf32>,
        %parallel_loop3A_488 = arith.subf %parallel_loop3A_487, %parallel_loop3A_67 : vector<16xf32>
        %parallel_loop3A_489 = arith.mulf %parallel_loop3A_488, %parallel_loop3A_488 : vector<16xf32>
        %parallel_loop3A_490 = arith.index_cast %parallel_loop3A_484 : i32 to index
        %parallel_loop3A_491 = arith.constant 16 : index
        %parallel_loop3A_492 = tpu.vector_load %arg8[%parallel_loop3A_490, %parallel_loop3A_491] {strides = array<i32>} : memref<128x128xf32, #tpu.memory_space<vmem>>, vector<16xf32>,
        %parallel_loop3A_493 = arith.subf %parallel_loop3A_492, %parallel_loop3A_70 : vector<16xf32>
        %parallel_loop3A_494 = arith.mulf %parallel_loop3A_493, %parallel_loop3A_493 : vector<16xf32>
        %parallel_loop3A_495 = arith.index_cast %parallel_loop3A_484 : i32 to index
        %parallel_loop3A_496 = arith.constant 32 : index
        %parallel_loop3A_497 = tpu.vector_load %arg8[%parallel_loop3A_495, %parallel_loop3A_496] {strides = array<i32>} : memref<128x128xf32, #tpu.memory_space<vmem>>, vector<16xf32>,
        %parallel_loop3A_498 = arith.subf %parallel_loop3A_497, %parallel_loop3A_73 : vector<16xf32>
        %parallel_loop3A_499 = arith.mulf %parallel_loop3A_498, %parallel_loop3A_498 : vector<16xf32>
        %parallel_loop3A_500 = arith.index_cast %parallel_loop3A_484 : i32 to index
        %parallel_loop3A_501 = arith.constant 48 : index
        %parallel_loop3A_502 = tpu.vector_load %arg8[%parallel_loop3A_500, %parallel_loop3A_501] {strides = array<i32>} : memref<128x128xf32, #tpu.memory_space<vmem>>, vector<16xf32>,
        %parallel_loop3A_503 = arith.subf %parallel_loop3A_502, %parallel_loop3A_76 : vector<16xf32>
        %parallel_loop3A_504 = arith.mulf %parallel_loop3A_503, %parallel_loop3A_503 : vector<16xf32>
        %parallel_loop3A_505 = arith.index_cast %parallel_loop3A_484 : i32 to index
        %parallel_loop3A_506 = arith.constant 64 : index
        %parallel_loop3A_507 = tpu.vector_load %arg8[%parallel_loop3A_505, %parallel_loop3A_506] {strides = array<i32>} : memref<128x128xf32, #tpu.memory_space<vmem>>, vector<16xf32>,
        %parallel_loop3A_508 = arith.subf %parallel_loop3A_507, %parallel_loop3A_79 : vector<16xf32>
        %parallel_loop3A_509 = arith.mulf %parallel_loop3A_508, %parallel_loop3A_508 : vector<16xf32>
        %parallel_loop3A_510 = arith.index_cast %parallel_loop3A_484 : i32 to index
        %parallel_loop3A_511 = arith.constant 80 : index
        %parallel_loop3A_512 = tpu.vector_load %arg8[%parallel_loop3A_510, %parallel_loop3A_511] {strides = array<i32>} : memref<128x128xf32, #tpu.memory_space<vmem>>, vector<16xf32>,
        %parallel_loop3A_513 = arith.subf %parallel_loop3A_512, %parallel_loop3A_82 : vector<16xf32>
        %parallel_loop3A_514 = arith.mulf %parallel_loop3A_513, %parallel_loop3A_513 : vector<16xf32>
        %parallel_loop3A_515 = arith.index_cast %parallel_loop3A_484 : i32 to index
        %parallel_loop3A_516 = arith.constant 96 : index
        %parallel_loop3A_517 = tpu.vector_load %arg8[%parallel_loop3A_515, %parallel_loop3A_516] {strides = array<i32>} : memref<128x128xf32, #tpu.memory_space<vmem>>, vector<16xf32>,
        %parallel_loop3A_518 = arith.subf %parallel_loop3A_517, %parallel_loop3A_85 : vector<16xf32>
        %parallel_loop3A_519 = arith.mulf %parallel_loop3A_518, %parallel_loop3A_518 : vector<16xf32>
        %parallel_loop3A_520 = arith.index_cast %parallel_loop3A_484 : i32 to index
        %parallel_loop3A_521 = arith.constant 112 : index
        %parallel_loop3A_522 = tpu.vector_load %arg8[%parallel_loop3A_520, %parallel_loop3A_521] {strides = array<i32>} : memref<128x128xf32, #tpu.memory_space<vmem>>, vector<16xf32>,
        %parallel_loop3A_523 = arith.subf %parallel_loop3A_522, %parallel_loop3A_88 : vector<16xf32>
        %parallel_loop3A_524 = arith.mulf %parallel_loop3A_523, %parallel_loop3A_523 : vector<16xf32>
        %parallel_loop3A_525 = arith.addf %parallel_loop3A_489, %parallel_loop3A_494 : vector<16xf32>
        %parallel_loop3A_526 = arith.addf %parallel_loop3A_499, %parallel_loop3A_504 : vector<16xf32>
        %parallel_loop3A_527 = arith.addf %parallel_loop3A_509, %parallel_loop3A_514 : vector<16xf32>
        %parallel_loop3A_528 = arith.addf %parallel_loop3A_519, %parallel_loop3A_524 : vector<16xf32>
        %parallel_loop3A_529 = arith.addf %parallel_loop3A_525, %parallel_loop3A_526 : vector<16xf32>
        %parallel_loop3A_530 = arith.addf %parallel_loop3A_527, %parallel_loop3A_528 : vector<16xf32>
        %parallel_loop3A_531 = arith.addf %parallel_loop3A_529, %parallel_loop3A_530 : vector<16xf32>
        %parallel_loop3A_532 = arith.constant 112 : i32
        %parallel_loop3A_533 = arith.addi %parallel_loop3A_64, %parallel_loop3A_532 : i32
        %parallel_loop3A_534 = tpu.assume_multiple %parallel_loop3A_533, 16 : i32
        %parallel_loop3A_535 = arith.index_cast %parallel_loop3A_534 : i32 to index
        %parallel_loop3A_536 = tpu.vector_load %arg9[%parallel_loop3A_535] {strides = array<i32>} : memref<2048xf32, #tpu.memory_space<vmem>>, vector<16xf32>,
        tpu.vector_store %arg9[%parallel_loop3A_535], %parallel_loop3A_531 {strides = array<i32>} : memref<2048xf32, #tpu.memory_space<vmem>>, vector<16xf32>,
        %parallel_loop3A_537 = arith.constant 16 : i32
        %parallel_loop3A_538 = arith.muli %parallel_loop3A_59, %parallel_loop3A_537 : i32
        %parallel_loop3A_539 = arith.constant 8 : i32
        %parallel_loop3A_540 = arith.addi %parallel_loop3A_538, %parallel_loop3A_539 : i32
        %parallel_loop3A_541 = arith.index_cast %parallel_loop3A_540 : i32 to index
        %parallel_loop3A_542 = arith.constant 0 : index
        %parallel_loop3A_543 = tpu.vector_load %arg8[%parallel_loop3A_541, %parallel_loop3A_542] {strides = array<i32>} : memref<128x128xf32, #tpu.memory_space<vmem>>, vector<16xf32>,
        %parallel_loop3A_544 = arith.subf %parallel_loop3A_543, %parallel_loop3A_67 : vector<16xf32>
        %parallel_loop3A_545 = arith.mulf %parallel_loop3A_544, %parallel_loop3A_544 : vector<16xf32>
        %parallel_loop3A_546 = arith.index_cast %parallel_loop3A_540 : i32 to index
        %parallel_loop3A_547 = arith.constant 16 : index
        %parallel_loop3A_548 = tpu.vector_load %arg8[%parallel_loop3A_546, %parallel_loop3A_547] {strides = array<i32>} : memref<128x128xf32, #tpu.memory_space<vmem>>, vector<16xf32>,
        %parallel_loop3A_549 = arith.subf %parallel_loop3A_548, %parallel_loop3A_70 : vector<16xf32>
        %parallel_loop3A_550 = arith.mulf %parallel_loop3A_549, %parallel_loop3A_549 : vector<16xf32>
        %parallel_loop3A_551 = arith.index_cast %parallel_loop3A_540 : i32 to index
        %parallel_loop3A_552 = arith.constant 32 : index
        %parallel_loop3A_553 = tpu.vector_load %arg8[%parallel_loop3A_551, %parallel_loop3A_552] {strides = array<i32>} : memref<128x128xf32, #tpu.memory_space<vmem>>, vector<16xf32>,
        %parallel_loop3A_554 = arith.subf %parallel_loop3A_553, %parallel_loop3A_73 : vector<16xf32>
        %parallel_loop3A_555 = arith.mulf %parallel_loop3A_554, %parallel_loop3A_554 : vector<16xf32>
        %parallel_loop3A_556 = arith.index_cast %parallel_loop3A_540 : i32 to index
        %parallel_loop3A_557 = arith.constant 48 : index
        %parallel_loop3A_558 = tpu.vector_load %arg8[%parallel_loop3A_556, %parallel_loop3A_557] {strides = array<i32>} : memref<128x128xf32, #tpu.memory_space<vmem>>, vector<16xf32>,
        %parallel_loop3A_559 = arith.subf %parallel_loop3A_558, %parallel_loop3A_76 : vector<16xf32>
        %parallel_loop3A_560 = arith.mulf %parallel_loop3A_559, %parallel_loop3A_559 : vector<16xf32>
        %parallel_loop3A_561 = arith.index_cast %parallel_loop3A_540 : i32 to index
        %parallel_loop3A_562 = arith.constant 64 : index
        %parallel_loop3A_563 = tpu.vector_load %arg8[%parallel_loop3A_561, %parallel_loop3A_562] {strides = array<i32>} : memref<128x128xf32, #tpu.memory_space<vmem>>, vector<16xf32>,
        %parallel_loop3A_564 = arith.subf %parallel_loop3A_563, %parallel_loop3A_79 : vector<16xf32>
        %parallel_loop3A_565 = arith.mulf %parallel_loop3A_564, %parallel_loop3A_564 : vector<16xf32>
        %parallel_loop3A_566 = arith.index_cast %parallel_loop3A_540 : i32 to index
        %parallel_loop3A_567 = arith.constant 80 : index
        %parallel_loop3A_568 = tpu.vector_load %arg8[%parallel_loop3A_566, %parallel_loop3A_567] {strides = array<i32>} : memref<128x128xf32, #tpu.memory_space<vmem>>, vector<16xf32>,
        %parallel_loop3A_569 = arith.subf %parallel_loop3A_568, %parallel_loop3A_82 : vector<16xf32>
        %parallel_loop3A_570 = arith.mulf %parallel_loop3A_569, %parallel_loop3A_569 : vector<16xf32>
        %parallel_loop3A_571 = arith.index_cast %parallel_loop3A_540 : i32 to index
        %parallel_loop3A_572 = arith.constant 96 : index
        %parallel_loop3A_573 = tpu.vector_load %arg8[%parallel_loop3A_571, %parallel_loop3A_572] {strides = array<i32>} : memref<128x128xf32, #tpu.memory_space<vmem>>, vector<16xf32>,
        %parallel_loop3A_574 = arith.subf %parallel_loop3A_573, %parallel_loop3A_85 : vector<16xf32>
        %parallel_loop3A_575 = arith.mulf %parallel_loop3A_574, %parallel_loop3A_574 : vector<16xf32>
        %parallel_loop3A_576 = arith.index_cast %parallel_loop3A_540 : i32 to index
        %parallel_loop3A_577 = arith.constant 112 : index
        %parallel_loop3A_578 = tpu.vector_load %arg8[%parallel_loop3A_576, %parallel_loop3A_577] {strides = array<i32>} : memref<128x128xf32, #tpu.memory_space<vmem>>, vector<16xf32>,
        %parallel_loop3A_579 = arith.subf %parallel_loop3A_578, %parallel_loop3A_88 : vector<16xf32>
        %parallel_loop3A_580 = arith.mulf %parallel_loop3A_579, %parallel_loop3A_579 : vector<16xf32>
        %parallel_loop3A_581 = arith.addf %parallel_loop3A_545, %parallel_loop3A_550 : vector<16xf32>
        %parallel_loop3A_582 = arith.addf %parallel_loop3A_555, %parallel_loop3A_560 : vector<16xf32>
        %parallel_loop3A_583 = arith.addf %parallel_loop3A_565, %parallel_loop3A_570 : vector<16xf32>
        %parallel_loop3A_584 = arith.addf %parallel_loop3A_575, %parallel_loop3A_580 : vector<16xf32>
        %parallel_loop3A_585 = arith.addf %parallel_loop3A_581, %parallel_loop3A_582 : vector<16xf32>
        %parallel_loop3A_586 = arith.addf %parallel_loop3A_583, %parallel_loop3A_584 : vector<16xf32>
        %parallel_loop3A_587 = arith.addf %parallel_loop3A_585, %parallel_loop3A_586 : vector<16xf32>
        %parallel_loop3A_588 = arith.constant 128 : i32
        %parallel_loop3A_589 = arith.addi %parallel_loop3A_64, %parallel_loop3A_588 : i32
        %parallel_loop3A_590 = tpu.assume_multiple %parallel_loop3A_589, 16 : i32
        %parallel_loop3A_591 = arith.index_cast %parallel_loop3A_590 : i32 to index
        %parallel_loop3A_592 = tpu.vector_load %arg9[%parallel_loop3A_591] {strides = array<i32>} : memref<2048xf32, #tpu.memory_space<vmem>>, vector<16xf32>,
        tpu.vector_store %arg9[%parallel_loop3A_591], %parallel_loop3A_587 {strides = array<i32>} : memref<2048xf32, #tpu.memory_space<vmem>>, vector<16xf32>,
        %parallel_loop3A_593 = arith.constant 16 : i32
        %parallel_loop3A_594 = arith.muli %parallel_loop3A_59, %parallel_loop3A_593 : i32
        %parallel_loop3A_595 = arith.constant 9 : i32
        %parallel_loop3A_596 = arith.addi %parallel_loop3A_594, %parallel_loop3A_595 : i32
        %parallel_loop3A_597 = arith.index_cast %parallel_loop3A_596 : i32 to index
        %parallel_loop3A_598 = arith.constant 0 : index
        %parallel_loop3A_599 = tpu.vector_load %arg8[%parallel_loop3A_597, %parallel_loop3A_598] {strides = array<i32>} : memref<128x128xf32, #tpu.memory_space<vmem>>, vector<16xf32>,
        %parallel_loop3A_600 = arith.subf %parallel_loop3A_599, %parallel_loop3A_67 : vector<16xf32>
        %parallel_loop3A_601 = arith.mulf %parallel_loop3A_600, %parallel_loop3A_600 : vector<16xf32>
        %parallel_loop3A_602 = arith.index_cast %parallel_loop3A_596 : i32 to index
        %parallel_loop3A_603 = arith.constant 16 : index
        %parallel_loop3A_604 = tpu.vector_load %arg8[%parallel_loop3A_602, %parallel_loop3A_603] {strides = array<i32>} : memref<128x128xf32, #tpu.memory_space<vmem>>, vector<16xf32>,
        %parallel_loop3A_605 = arith.subf %parallel_loop3A_604, %parallel_loop3A_70 : vector<16xf32>
        %parallel_loop3A_606 = arith.mulf %parallel_loop3A_605, %parallel_loop3A_605 : vector<16xf32>
        %parallel_loop3A_607 = arith.index_cast %parallel_loop3A_596 : i32 to index
        %parallel_loop3A_608 = arith.constant 32 : index
        %parallel_loop3A_609 = tpu.vector_load %arg8[%parallel_loop3A_607, %parallel_loop3A_608] {strides = array<i32>} : memref<128x128xf32, #tpu.memory_space<vmem>>, vector<16xf32>,
        %parallel_loop3A_610 = arith.subf %parallel_loop3A_609, %parallel_loop3A_73 : vector<16xf32>
        %parallel_loop3A_611 = arith.mulf %parallel_loop3A_610, %parallel_loop3A_610 : vector<16xf32>
        %parallel_loop3A_612 = arith.index_cast %parallel_loop3A_596 : i32 to index
        %parallel_loop3A_613 = arith.constant 48 : index
        %parallel_loop3A_614 = tpu.vector_load %arg8[%parallel_loop3A_612, %parallel_loop3A_613] {strides = array<i32>} : memref<128x128xf32, #tpu.memory_space<vmem>>, vector<16xf32>,
        %parallel_loop3A_615 = arith.subf %parallel_loop3A_614, %parallel_loop3A_76 : vector<16xf32>
        %parallel_loop3A_616 = arith.mulf %parallel_loop3A_615, %parallel_loop3A_615 : vector<16xf32>
        %parallel_loop3A_617 = arith.index_cast %parallel_loop3A_596 : i32 to index
        %parallel_loop3A_618 = arith.constant 64 : index
        %parallel_loop3A_619 = tpu.vector_load %arg8[%parallel_loop3A_617, %parallel_loop3A_618] {strides = array<i32>} : memref<128x128xf32, #tpu.memory_space<vmem>>, vector<16xf32>,
        %parallel_loop3A_620 = arith.subf %parallel_loop3A_619, %parallel_loop3A_79 : vector<16xf32>
        %parallel_loop3A_621 = arith.mulf %parallel_loop3A_620, %parallel_loop3A_620 : vector<16xf32>
        %parallel_loop3A_622 = arith.index_cast %parallel_loop3A_596 : i32 to index
        %parallel_loop3A_623 = arith.constant 80 : index
        %parallel_loop3A_624 = tpu.vector_load %arg8[%parallel_loop3A_622, %parallel_loop3A_623] {strides = array<i32>} : memref<128x128xf32, #tpu.memory_space<vmem>>, vector<16xf32>,
        %parallel_loop3A_625 = arith.subf %parallel_loop3A_624, %parallel_loop3A_82 : vector<16xf32>
        %parallel_loop3A_626 = arith.mulf %parallel_loop3A_625, %parallel_loop3A_625 : vector<16xf32>
        %parallel_loop3A_627 = arith.index_cast %parallel_loop3A_596 : i32 to index
        %parallel_loop3A_628 = arith.constant 96 : index
        %parallel_loop3A_629 = tpu.vector_load %arg8[%parallel_loop3A_627, %parallel_loop3A_628] {strides = array<i32>} : memref<128x128xf32, #tpu.memory_space<vmem>>, vector<16xf32>,
        %parallel_loop3A_630 = arith.subf %parallel_loop3A_629, %parallel_loop3A_85 : vector<16xf32>
        %parallel_loop3A_631 = arith.mulf %parallel_loop3A_630, %parallel_loop3A_630 : vector<16xf32>
        %parallel_loop3A_632 = arith.index_cast %parallel_loop3A_596 : i32 to index
        %parallel_loop3A_633 = arith.constant 112 : index
        %parallel_loop3A_634 = tpu.vector_load %arg8[%parallel_loop3A_632, %parallel_loop3A_633] {strides = array<i32>} : memref<128x128xf32, #tpu.memory_space<vmem>>, vector<16xf32>,
        %parallel_loop3A_635 = arith.subf %parallel_loop3A_634, %parallel_loop3A_88 : vector<16xf32>
        %parallel_loop3A_636 = arith.mulf %parallel_loop3A_635, %parallel_loop3A_635 : vector<16xf32>
        %parallel_loop3A_637 = arith.addf %parallel_loop3A_601, %parallel_loop3A_606 : vector<16xf32>
        %parallel_loop3A_638 = arith.addf %parallel_loop3A_611, %parallel_loop3A_616 : vector<16xf32>
        %parallel_loop3A_639 = arith.addf %parallel_loop3A_621, %parallel_loop3A_626 : vector<16xf32>
        %parallel_loop3A_640 = arith.addf %parallel_loop3A_631, %parallel_loop3A_636 : vector<16xf32>
        %parallel_loop3A_641 = arith.addf %parallel_loop3A_637, %parallel_loop3A_638 : vector<16xf32>
        %parallel_loop3A_642 = arith.addf %parallel_loop3A_639, %parallel_loop3A_640 : vector<16xf32>
        %parallel_loop3A_643 = arith.addf %parallel_loop3A_641, %parallel_loop3A_642 : vector<16xf32>
        %parallel_loop3A_644 = arith.constant 144 : i32
        %parallel_loop3A_645 = arith.addi %parallel_loop3A_64, %parallel_loop3A_644 : i32
        %parallel_loop3A_646 = tpu.assume_multiple %parallel_loop3A_645, 16 : i32
        %parallel_loop3A_647 = arith.index_cast %parallel_loop3A_646 : i32 to index
        %parallel_loop3A_648 = tpu.vector_load %arg9[%parallel_loop3A_647] {strides = array<i32>} : memref<2048xf32, #tpu.memory_space<vmem>>, vector<16xf32>,
        tpu.vector_store %arg9[%parallel_loop3A_647], %parallel_loop3A_643 {strides = array<i32>} : memref<2048xf32, #tpu.memory_space<vmem>>, vector<16xf32>,
        %parallel_loop3A_649 = arith.constant 16 : i32
        %parallel_loop3A_650 = arith.muli %parallel_loop3A_59, %parallel_loop3A_649 : i32
        %parallel_loop3A_651 = arith.constant 10 : i32
        %parallel_loop3A_652 = arith.addi %parallel_loop3A_650, %parallel_loop3A_651 : i32
        %parallel_loop3A_653 = arith.index_cast %parallel_loop3A_652 : i32 to index
        %parallel_loop3A_654 = arith.constant 0 : index
        %parallel_loop3A_655 = tpu.vector_load %arg8[%parallel_loop3A_653, %parallel_loop3A_654] {strides = array<i32>} : memref<128x128xf32, #tpu.memory_space<vmem>>, vector<16xf32>,
        %parallel_loop3A_656 = arith.subf %parallel_loop3A_655, %parallel_loop3A_67 : vector<16xf32>
        %parallel_loop3A_657 = arith.mulf %parallel_loop3A_656, %parallel_loop3A_656 : vector<16xf32>
        %parallel_loop3A_658 = arith.index_cast %parallel_loop3A_652 : i32 to index
        %parallel_loop3A_659 = arith.constant 16 : index
        %parallel_loop3A_660 = tpu.vector_load %arg8[%parallel_loop3A_658, %parallel_loop3A_659] {strides = array<i32>} : memref<128x128xf32, #tpu.memory_space<vmem>>, vector<16xf32>,
        %parallel_loop3A_661 = arith.subf %parallel_loop3A_660, %parallel_loop3A_70 : vector<16xf32>
        %parallel_loop3A_662 = arith.mulf %parallel_loop3A_661, %parallel_loop3A_661 : vector<16xf32>
        %parallel_loop3A_663 = arith.index_cast %parallel_loop3A_652 : i32 to index
        %parallel_loop3A_664 = arith.constant 32 : index
        %parallel_loop3A_665 = tpu.vector_load %arg8[%parallel_loop3A_663, %parallel_loop3A_664] {strides = array<i32>} : memref<128x128xf32, #tpu.memory_space<vmem>>, vector<16xf32>,
        %parallel_loop3A_666 = arith.subf %parallel_loop3A_665, %parallel_loop3A_73 : vector<16xf32>
        %parallel_loop3A_667 = arith.mulf %parallel_loop3A_666, %parallel_loop3A_666 : vector<16xf32>
        %parallel_loop3A_668 = arith.index_cast %parallel_loop3A_652 : i32 to index
        %parallel_loop3A_669 = arith.constant 48 : index
        %parallel_loop3A_670 = tpu.vector_load %arg8[%parallel_loop3A_668, %parallel_loop3A_669] {strides = array<i32>} : memref<128x128xf32, #tpu.memory_space<vmem>>, vector<16xf32>,
        %parallel_loop3A_671 = arith.subf %parallel_loop3A_670, %parallel_loop3A_76 : vector<16xf32>
        %parallel_loop3A_672 = arith.mulf %parallel_loop3A_671, %parallel_loop3A_671 : vector<16xf32>
        %parallel_loop3A_673 = arith.index_cast %parallel_loop3A_652 : i32 to index
        %parallel_loop3A_674 = arith.constant 64 : index
        %parallel_loop3A_675 = tpu.vector_load %arg8[%parallel_loop3A_673, %parallel_loop3A_674] {strides = array<i32>} : memref<128x128xf32, #tpu.memory_space<vmem>>, vector<16xf32>,
        %parallel_loop3A_676 = arith.subf %parallel_loop3A_675, %parallel_loop3A_79 : vector<16xf32>
        %parallel_loop3A_677 = arith.mulf %parallel_loop3A_676, %parallel_loop3A_676 : vector<16xf32>
        %parallel_loop3A_678 = arith.index_cast %parallel_loop3A_652 : i32 to index
        %parallel_loop3A_679 = arith.constant 80 : index
        %parallel_loop3A_680 = tpu.vector_load %arg8[%parallel_loop3A_678, %parallel_loop3A_679] {strides = array<i32>} : memref<128x128xf32, #tpu.memory_space<vmem>>, vector<16xf32>,
        %parallel_loop3A_681 = arith.subf %parallel_loop3A_680, %parallel_loop3A_82 : vector<16xf32>
        %parallel_loop3A_682 = arith.mulf %parallel_loop3A_681, %parallel_loop3A_681 : vector<16xf32>
        %parallel_loop3A_683 = arith.index_cast %parallel_loop3A_652 : i32 to index
        %parallel_loop3A_684 = arith.constant 96 : index
        %parallel_loop3A_685 = tpu.vector_load %arg8[%parallel_loop3A_683, %parallel_loop3A_684] {strides = array<i32>} : memref<128x128xf32, #tpu.memory_space<vmem>>, vector<16xf32>,
        %parallel_loop3A_686 = arith.subf %parallel_loop3A_685, %parallel_loop3A_85 : vector<16xf32>
        %parallel_loop3A_687 = arith.mulf %parallel_loop3A_686, %parallel_loop3A_686 : vector<16xf32>
        %parallel_loop3A_688 = arith.index_cast %parallel_loop3A_652 : i32 to index
        %parallel_loop3A_689 = arith.constant 112 : index
        %parallel_loop3A_690 = tpu.vector_load %arg8[%parallel_loop3A_688, %parallel_loop3A_689] {strides = array<i32>} : memref<128x128xf32, #tpu.memory_space<vmem>>, vector<16xf32>,
        %parallel_loop3A_691 = arith.subf %parallel_loop3A_690, %parallel_loop3A_88 : vector<16xf32>
        %parallel_loop3A_692 = arith.mulf %parallel_loop3A_691, %parallel_loop3A_691 : vector<16xf32>
        %parallel_loop3A_693 = arith.addf %parallel_loop3A_657, %parallel_loop3A_662 : vector<16xf32>
        %parallel_loop3A_694 = arith.addf %parallel_loop3A_667, %parallel_loop3A_672 : vector<16xf32>
        %parallel_loop3A_695 = arith.addf %parallel_loop3A_677, %parallel_loop3A_682 : vector<16xf32>
        %parallel_loop3A_696 = arith.addf %parallel_loop3A_687, %parallel_loop3A_692 : vector<16xf32>
        %parallel_loop3A_697 = arith.addf %parallel_loop3A_693, %parallel_loop3A_694 : vector<16xf32>
        %parallel_loop3A_698 = arith.addf %parallel_loop3A_695, %parallel_loop3A_696 : vector<16xf32>
        %parallel_loop3A_699 = arith.addf %parallel_loop3A_697, %parallel_loop3A_698 : vector<16xf32>
        %parallel_loop3A_700 = arith.constant 160 : i32
        %parallel_loop3A_701 = arith.addi %parallel_loop3A_64, %parallel_loop3A_700 : i32
        %parallel_loop3A_702 = tpu.assume_multiple %parallel_loop3A_701, 16 : i32
        %parallel_loop3A_703 = arith.index_cast %parallel_loop3A_702 : i32 to index
        %parallel_loop3A_704 = tpu.vector_load %arg9[%parallel_loop3A_703] {strides = array<i32>} : memref<2048xf32, #tpu.memory_space<vmem>>, vector<16xf32>,
        tpu.vector_store %arg9[%parallel_loop3A_703], %parallel_loop3A_699 {strides = array<i32>} : memref<2048xf32, #tpu.memory_space<vmem>>, vector<16xf32>,
        %parallel_loop3A_705 = arith.constant 16 : i32
        %parallel_loop3A_706 = arith.muli %parallel_loop3A_59, %parallel_loop3A_705 : i32
        %parallel_loop3A_707 = arith.constant 11 : i32
        %parallel_loop3A_708 = arith.addi %parallel_loop3A_706, %parallel_loop3A_707 : i32
        %parallel_loop3A_709 = arith.index_cast %parallel_loop3A_708 : i32 to index
        %parallel_loop3A_710 = arith.constant 0 : index
        %parallel_loop3A_711 = tpu.vector_load %arg8[%parallel_loop3A_709, %parallel_loop3A_710] {strides = array<i32>} : memref<128x128xf32, #tpu.memory_space<vmem>>, vector<16xf32>,
        %parallel_loop3A_712 = arith.subf %parallel_loop3A_711, %parallel_loop3A_67 : vector<16xf32>
        %parallel_loop3A_713 = arith.mulf %parallel_loop3A_712, %parallel_loop3A_712 : vector<16xf32>
        %parallel_loop3A_714 = arith.index_cast %parallel_loop3A_708 : i32 to index
        %parallel_loop3A_715 = arith.constant 16 : index
        %parallel_loop3A_716 = tpu.vector_load %arg8[%parallel_loop3A_714, %parallel_loop3A_715] {strides = array<i32>} : memref<128x128xf32, #tpu.memory_space<vmem>>, vector<16xf32>,
        %parallel_loop3A_717 = arith.subf %parallel_loop3A_716, %parallel_loop3A_70 : vector<16xf32>
        %parallel_loop3A_718 = arith.mulf %parallel_loop3A_717, %parallel_loop3A_717 : vector<16xf32>
        %parallel_loop3A_719 = arith.index_cast %parallel_loop3A_708 : i32 to index
        %parallel_loop3A_720 = arith.constant 32 : index
        %parallel_loop3A_721 = tpu.vector_load %arg8[%parallel_loop3A_719, %parallel_loop3A_720] {strides = array<i32>} : memref<128x128xf32, #tpu.memory_space<vmem>>, vector<16xf32>,
        %parallel_loop3A_722 = arith.subf %parallel_loop3A_721, %parallel_loop3A_73 : vector<16xf32>
        %parallel_loop3A_723 = arith.mulf %parallel_loop3A_722, %parallel_loop3A_722 : vector<16xf32>
        %parallel_loop3A_724 = arith.index_cast %parallel_loop3A_708 : i32 to index
        %parallel_loop3A_725 = arith.constant 48 : index
        %parallel_loop3A_726 = tpu.vector_load %arg8[%parallel_loop3A_724, %parallel_loop3A_725] {strides = array<i32>} : memref<128x128xf32, #tpu.memory_space<vmem>>, vector<16xf32>,
        %parallel_loop3A_727 = arith.subf %parallel_loop3A_726, %parallel_loop3A_76 : vector<16xf32>
        %parallel_loop3A_728 = arith.mulf %parallel_loop3A_727, %parallel_loop3A_727 : vector<16xf32>
        %parallel_loop3A_729 = arith.index_cast %parallel_loop3A_708 : i32 to index
        %parallel_loop3A_730 = arith.constant 64 : index
        %parallel_loop3A_731 = tpu.vector_load %arg8[%parallel_loop3A_729, %parallel_loop3A_730] {strides = array<i32>} : memref<128x128xf32, #tpu.memory_space<vmem>>, vector<16xf32>,
        %parallel_loop3A_732 = arith.subf %parallel_loop3A_731, %parallel_loop3A_79 : vector<16xf32>
        %parallel_loop3A_733 = arith.mulf %parallel_loop3A_732, %parallel_loop3A_732 : vector<16xf32>
        %parallel_loop3A_734 = arith.index_cast %parallel_loop3A_708 : i32 to index
        %parallel_loop3A_735 = arith.constant 80 : index
        %parallel_loop3A_736 = tpu.vector_load %arg8[%parallel_loop3A_734, %parallel_loop3A_735] {strides = array<i32>} : memref<128x128xf32, #tpu.memory_space<vmem>>, vector<16xf32>,
        %parallel_loop3A_737 = arith.subf %parallel_loop3A_736, %parallel_loop3A_82 : vector<16xf32>
        %parallel_loop3A_738 = arith.mulf %parallel_loop3A_737, %parallel_loop3A_737 : vector<16xf32>
        %parallel_loop3A_739 = arith.index_cast %parallel_loop3A_708 : i32 to index
        %parallel_loop3A_740 = arith.constant 96 : index
        %parallel_loop3A_741 = tpu.vector_load %arg8[%parallel_loop3A_739, %parallel_loop3A_740] {strides = array<i32>} : memref<128x128xf32, #tpu.memory_space<vmem>>, vector<16xf32>,
        %parallel_loop3A_742 = arith.subf %parallel_loop3A_741, %parallel_loop3A_85 : vector<16xf32>
        %parallel_loop3A_743 = arith.mulf %parallel_loop3A_742, %parallel_loop3A_742 : vector<16xf32>
        %parallel_loop3A_744 = arith.index_cast %parallel_loop3A_708 : i32 to index
        %parallel_loop3A_745 = arith.constant 112 : index
        %parallel_loop3A_746 = tpu.vector_load %arg8[%parallel_loop3A_744, %parallel_loop3A_745] {strides = array<i32>} : memref<128x128xf32, #tpu.memory_space<vmem>>, vector<16xf32>,
        %parallel_loop3A_747 = arith.subf %parallel_loop3A_746, %parallel_loop3A_88 : vector<16xf32>
        %parallel_loop3A_748 = arith.mulf %parallel_loop3A_747, %parallel_loop3A_747 : vector<16xf32>
        %parallel_loop3A_749 = arith.addf %parallel_loop3A_713, %parallel_loop3A_718 : vector<16xf32>
        %parallel_loop3A_750 = arith.addf %parallel_loop3A_723, %parallel_loop3A_728 : vector<16xf32>
        %parallel_loop3A_751 = arith.addf %parallel_loop3A_733, %parallel_loop3A_738 : vector<16xf32>
        %parallel_loop3A_752 = arith.addf %parallel_loop3A_743, %parallel_loop3A_748 : vector<16xf32>
        %parallel_loop3A_753 = arith.addf %parallel_loop3A_749, %parallel_loop3A_750 : vector<16xf32>
        %parallel_loop3A_754 = arith.addf %parallel_loop3A_751, %parallel_loop3A_752 : vector<16xf32>
        %parallel_loop3A_755 = arith.addf %parallel_loop3A_753, %parallel_loop3A_754 : vector<16xf32>
        %parallel_loop3A_756 = arith.constant 176 : i32
        %parallel_loop3A_757 = arith.addi %parallel_loop3A_64, %parallel_loop3A_756 : i32
        %parallel_loop3A_758 = tpu.assume_multiple %parallel_loop3A_757, 16 : i32
        %parallel_loop3A_759 = arith.index_cast %parallel_loop3A_758 : i32 to index
        %parallel_loop3A_760 = tpu.vector_load %arg9[%parallel_loop3A_759] {strides = array<i32>} : memref<2048xf32, #tpu.memory_space<vmem>>, vector<16xf32>,
        tpu.vector_store %arg9[%parallel_loop3A_759], %parallel_loop3A_755 {strides = array<i32>} : memref<2048xf32, #tpu.memory_space<vmem>>, vector<16xf32>,
        %parallel_loop3A_761 = arith.constant 16 : i32
        %parallel_loop3A_762 = arith.muli %parallel_loop3A_59, %parallel_loop3A_761 : i32
        %parallel_loop3A_763 = arith.constant 12 : i32
        %parallel_loop3A_764 = arith.addi %parallel_loop3A_762, %parallel_loop3A_763 : i32
        %parallel_loop3A_765 = arith.index_cast %parallel_loop3A_764 : i32 to index
        %parallel_loop3A_766 = arith.constant 0 : index
        %parallel_loop3A_767 = tpu.vector_load %arg8[%parallel_loop3A_765, %parallel_loop3A_766] {strides = array<i32>} : memref<128x128xf32, #tpu.memory_space<vmem>>, vector<16xf32>,
        %parallel_loop3A_768 = arith.subf %parallel_loop3A_767, %parallel_loop3A_67 : vector<16xf32>
        %parallel_loop3A_769 = arith.mulf %parallel_loop3A_768, %parallel_loop3A_768 : vector<16xf32>
        %parallel_loop3A_770 = arith.index_cast %parallel_loop3A_764 : i32 to index
        %parallel_loop3A_771 = arith.constant 16 : index
        %parallel_loop3A_772 = tpu.vector_load %arg8[%parallel_loop3A_770, %parallel_loop3A_771] {strides = array<i32>} : memref<128x128xf32, #tpu.memory_space<vmem>>, vector<16xf32>,
        %parallel_loop3A_773 = arith.subf %parallel_loop3A_772, %parallel_loop3A_70 : vector<16xf32>
        %parallel_loop3A_774 = arith.mulf %parallel_loop3A_773, %parallel_loop3A_773 : vector<16xf32>
        %parallel_loop3A_775 = arith.index_cast %parallel_loop3A_764 : i32 to index
        %parallel_loop3A_776 = arith.constant 32 : index
        %parallel_loop3A_777 = tpu.vector_load %arg8[%parallel_loop3A_775, %parallel_loop3A_776] {strides = array<i32>} : memref<128x128xf32, #tpu.memory_space<vmem>>, vector<16xf32>,
        %parallel_loop3A_778 = arith.subf %parallel_loop3A_777, %parallel_loop3A_73 : vector<16xf32>
        %parallel_loop3A_779 = arith.mulf %parallel_loop3A_778, %parallel_loop3A_778 : vector<16xf32>
        %parallel_loop3A_780 = arith.index_cast %parallel_loop3A_764 : i32 to index
        %parallel_loop3A_781 = arith.constant 48 : index
        %parallel_loop3A_782 = tpu.vector_load %arg8[%parallel_loop3A_780, %parallel_loop3A_781] {strides = array<i32>} : memref<128x128xf32, #tpu.memory_space<vmem>>, vector<16xf32>,
        %parallel_loop3A_783 = arith.subf %parallel_loop3A_782, %parallel_loop3A_76 : vector<16xf32>
        %parallel_loop3A_784 = arith.mulf %parallel_loop3A_783, %parallel_loop3A_783 : vector<16xf32>
        %parallel_loop3A_785 = arith.index_cast %parallel_loop3A_764 : i32 to index
        %parallel_loop3A_786 = arith.constant 64 : index
        %parallel_loop3A_787 = tpu.vector_load %arg8[%parallel_loop3A_785, %parallel_loop3A_786] {strides = array<i32>} : memref<128x128xf32, #tpu.memory_space<vmem>>, vector<16xf32>,
        %parallel_loop3A_788 = arith.subf %parallel_loop3A_787, %parallel_loop3A_79 : vector<16xf32>
        %parallel_loop3A_789 = arith.mulf %parallel_loop3A_788, %parallel_loop3A_788 : vector<16xf32>
        %parallel_loop3A_790 = arith.index_cast %parallel_loop3A_764 : i32 to index
        %parallel_loop3A_791 = arith.constant 80 : index
        %parallel_loop3A_792 = tpu.vector_load %arg8[%parallel_loop3A_790, %parallel_loop3A_791] {strides = array<i32>} : memref<128x128xf32, #tpu.memory_space<vmem>>, vector<16xf32>,
        %parallel_loop3A_793 = arith.subf %parallel_loop3A_792, %parallel_loop3A_82 : vector<16xf32>
        %parallel_loop3A_794 = arith.mulf %parallel_loop3A_793, %parallel_loop3A_793 : vector<16xf32>
        %parallel_loop3A_795 = arith.index_cast %parallel_loop3A_764 : i32 to index
        %parallel_loop3A_796 = arith.constant 96 : index
        %parallel_loop3A_797 = tpu.vector_load %arg8[%parallel_loop3A_795, %parallel_loop3A_796] {strides = array<i32>} : memref<128x128xf32, #tpu.memory_space<vmem>>, vector<16xf32>,
        %parallel_loop3A_798 = arith.subf %parallel_loop3A_797, %parallel_loop3A_85 : vector<16xf32>
        %parallel_loop3A_799 = arith.mulf %parallel_loop3A_798, %parallel_loop3A_798 : vector<16xf32>
        %parallel_loop3A_800 = arith.index_cast %parallel_loop3A_764 : i32 to index
        %parallel_loop3A_801 = arith.constant 112 : index
        %parallel_loop3A_802 = tpu.vector_load %arg8[%parallel_loop3A_800, %parallel_loop3A_801] {strides = array<i32>} : memref<128x128xf32, #tpu.memory_space<vmem>>, vector<16xf32>,
        %parallel_loop3A_803 = arith.subf %parallel_loop3A_802, %parallel_loop3A_88 : vector<16xf32>
        %parallel_loop3A_804 = arith.mulf %parallel_loop3A_803, %parallel_loop3A_803 : vector<16xf32>
        %parallel_loop3A_805 = arith.addf %parallel_loop3A_769, %parallel_loop3A_774 : vector<16xf32>
        %parallel_loop3A_806 = arith.addf %parallel_loop3A_779, %parallel_loop3A_784 : vector<16xf32>
        %parallel_loop3A_807 = arith.addf %parallel_loop3A_789, %parallel_loop3A_794 : vector<16xf32>
        %parallel_loop3A_808 = arith.addf %parallel_loop3A_799, %parallel_loop3A_804 : vector<16xf32>
        %parallel_loop3A_809 = arith.addf %parallel_loop3A_805, %parallel_loop3A_806 : vector<16xf32>
        %parallel_loop3A_810 = arith.addf %parallel_loop3A_807, %parallel_loop3A_808 : vector<16xf32>
        %parallel_loop3A_811 = arith.addf %parallel_loop3A_809, %parallel_loop3A_810 : vector<16xf32>
        %parallel_loop3A_812 = arith.constant 192 : i32
        %parallel_loop3A_813 = arith.addi %parallel_loop3A_64, %parallel_loop3A_812 : i32
        %parallel_loop3A_814 = tpu.assume_multiple %parallel_loop3A_813, 16 : i32
        %parallel_loop3A_815 = arith.index_cast %parallel_loop3A_814 : i32 to index
        %parallel_loop3A_816 = tpu.vector_load %arg9[%parallel_loop3A_815] {strides = array<i32>} : memref<2048xf32, #tpu.memory_space<vmem>>, vector<16xf32>,
        tpu.vector_store %arg9[%parallel_loop3A_815], %parallel_loop3A_811 {strides = array<i32>} : memref<2048xf32, #tpu.memory_space<vmem>>, vector<16xf32>,
        %parallel_loop3A_817 = arith.constant 16 : i32
        %parallel_loop3A_818 = arith.muli %parallel_loop3A_59, %parallel_loop3A_817 : i32
        %parallel_loop3A_819 = arith.constant 13 : i32
        %parallel_loop3A_820 = arith.addi %parallel_loop3A_818, %parallel_loop3A_819 : i32
        %parallel_loop3A_821 = arith.index_cast %parallel_loop3A_820 : i32 to index
        %parallel_loop3A_822 = arith.constant 0 : index
        %parallel_loop3A_823 = tpu.vector_load %arg8[%parallel_loop3A_821, %parallel_loop3A_822] {strides = array<i32>} : memref<128x128xf32, #tpu.memory_space<vmem>>, vector<16xf32>,
        %parallel_loop3A_824 = arith.subf %parallel_loop3A_823, %parallel_loop3A_67 : vector<16xf32>
        %parallel_loop3A_825 = arith.mulf %parallel_loop3A_824, %parallel_loop3A_824 : vector<16xf32>
        %parallel_loop3A_826 = arith.index_cast %parallel_loop3A_820 : i32 to index
        %parallel_loop3A_827 = arith.constant 16 : index
        %parallel_loop3A_828 = tpu.vector_load %arg8[%parallel_loop3A_826, %parallel_loop3A_827] {strides = array<i32>} : memref<128x128xf32, #tpu.memory_space<vmem>>, vector<16xf32>,
        %parallel_loop3A_829 = arith.subf %parallel_loop3A_828, %parallel_loop3A_70 : vector<16xf32>
        %parallel_loop3A_830 = arith.mulf %parallel_loop3A_829, %parallel_loop3A_829 : vector<16xf32>
        %parallel_loop3A_831 = arith.index_cast %parallel_loop3A_820 : i32 to index
        %parallel_loop3A_832 = arith.constant 32 : index
        %parallel_loop3A_833 = tpu.vector_load %arg8[%parallel_loop3A_831, %parallel_loop3A_832] {strides = array<i32>} : memref<128x128xf32, #tpu.memory_space<vmem>>, vector<16xf32>,
        %parallel_loop3A_834 = arith.subf %parallel_loop3A_833, %parallel_loop3A_73 : vector<16xf32>
        %parallel_loop3A_835 = arith.mulf %parallel_loop3A_834, %parallel_loop3A_834 : vector<16xf32>
        %parallel_loop3A_836 = arith.index_cast %parallel_loop3A_820 : i32 to index
        %parallel_loop3A_837 = arith.constant 48 : index
        %parallel_loop3A_838 = tpu.vector_load %arg8[%parallel_loop3A_836, %parallel_loop3A_837] {strides = array<i32>} : memref<128x128xf32, #tpu.memory_space<vmem>>, vector<16xf32>,
        %parallel_loop3A_839 = arith.subf %parallel_loop3A_838, %parallel_loop3A_76 : vector<16xf32>
        %parallel_loop3A_840 = arith.mulf %parallel_loop3A_839, %parallel_loop3A_839 : vector<16xf32>
        %parallel_loop3A_841 = arith.index_cast %parallel_loop3A_820 : i32 to index
        %parallel_loop3A_842 = arith.constant 64 : index
        %parallel_loop3A_843 = tpu.vector_load %arg8[%parallel_loop3A_841, %parallel_loop3A_842] {strides = array<i32>} : memref<128x128xf32, #tpu.memory_space<vmem>>, vector<16xf32>,
        %parallel_loop3A_844 = arith.subf %parallel_loop3A_843, %parallel_loop3A_79 : vector<16xf32>
        %parallel_loop3A_845 = arith.mulf %parallel_loop3A_844, %parallel_loop3A_844 : vector<16xf32>
        %parallel_loop3A_846 = arith.index_cast %parallel_loop3A_820 : i32 to index
        %parallel_loop3A_847 = arith.constant 80 : index
        %parallel_loop3A_848 = tpu.vector_load %arg8[%parallel_loop3A_846, %parallel_loop3A_847] {strides = array<i32>} : memref<128x128xf32, #tpu.memory_space<vmem>>, vector<16xf32>,
        %parallel_loop3A_849 = arith.subf %parallel_loop3A_848, %parallel_loop3A_82 : vector<16xf32>
        %parallel_loop3A_850 = arith.mulf %parallel_loop3A_849, %parallel_loop3A_849 : vector<16xf32>
        %parallel_loop3A_851 = arith.index_cast %parallel_loop3A_820 : i32 to index
        %parallel_loop3A_852 = arith.constant 96 : index
        %parallel_loop3A_853 = tpu.vector_load %arg8[%parallel_loop3A_851, %parallel_loop3A_852] {strides = array<i32>} : memref<128x128xf32, #tpu.memory_space<vmem>>, vector<16xf32>,
        %parallel_loop3A_854 = arith.subf %parallel_loop3A_853, %parallel_loop3A_85 : vector<16xf32>
        %parallel_loop3A_855 = arith.mulf %parallel_loop3A_854, %parallel_loop3A_854 : vector<16xf32>
        %parallel_loop3A_856 = arith.index_cast %parallel_loop3A_820 : i32 to index
        %parallel_loop3A_857 = arith.constant 112 : index
        %parallel_loop3A_858 = tpu.vector_load %arg8[%parallel_loop3A_856, %parallel_loop3A_857] {strides = array<i32>} : memref<128x128xf32, #tpu.memory_space<vmem>>, vector<16xf32>,
        %parallel_loop3A_859 = arith.subf %parallel_loop3A_858, %parallel_loop3A_88 : vector<16xf32>
        %parallel_loop3A_860 = arith.mulf %parallel_loop3A_859, %parallel_loop3A_859 : vector<16xf32>
        %parallel_loop3A_861 = arith.addf %parallel_loop3A_825, %parallel_loop3A_830 : vector<16xf32>
        %parallel_loop3A_862 = arith.addf %parallel_loop3A_835, %parallel_loop3A_840 : vector<16xf32>
        %parallel_loop3A_863 = arith.addf %parallel_loop3A_845, %parallel_loop3A_850 : vector<16xf32>
        %parallel_loop3A_864 = arith.addf %parallel_loop3A_855, %parallel_loop3A_860 : vector<16xf32>
        %parallel_loop3A_865 = arith.addf %parallel_loop3A_861, %parallel_loop3A_862 : vector<16xf32>
        %parallel_loop3A_866 = arith.addf %parallel_loop3A_863, %parallel_loop3A_864 : vector<16xf32>
        %parallel_loop3A_867 = arith.addf %parallel_loop3A_865, %parallel_loop3A_866 : vector<16xf32>
        %parallel_loop3A_868 = arith.constant 208 : i32
        %parallel_loop3A_869 = arith.addi %parallel_loop3A_64, %parallel_loop3A_868 : i32
        %parallel_loop3A_870 = tpu.assume_multiple %parallel_loop3A_869, 16 : i32
        %parallel_loop3A_871 = arith.index_cast %parallel_loop3A_870 : i32 to index
        %parallel_loop3A_872 = tpu.vector_load %arg9[%parallel_loop3A_871] {strides = array<i32>} : memref<2048xf32, #tpu.memory_space<vmem>>, vector<16xf32>,
        tpu.vector_store %arg9[%parallel_loop3A_871], %parallel_loop3A_867 {strides = array<i32>} : memref<2048xf32, #tpu.memory_space<vmem>>, vector<16xf32>,
        %parallel_loop3A_873 = arith.constant 16 : i32
        %parallel_loop3A_874 = arith.muli %parallel_loop3A_59, %parallel_loop3A_873 : i32
        %parallel_loop3A_875 = arith.constant 14 : i32
        %parallel_loop3A_876 = arith.addi %parallel_loop3A_874, %parallel_loop3A_875 : i32
        %parallel_loop3A_877 = arith.index_cast %parallel_loop3A_876 : i32 to index
        %parallel_loop3A_878 = arith.constant 0 : index
        %parallel_loop3A_879 = tpu.vector_load %arg8[%parallel_loop3A_877, %parallel_loop3A_878] {strides = array<i32>} : memref<128x128xf32, #tpu.memory_space<vmem>>, vector<16xf32>,
        %parallel_loop3A_880 = arith.subf %parallel_loop3A_879, %parallel_loop3A_67 : vector<16xf32>
        %parallel_loop3A_881 = arith.mulf %parallel_loop3A_880, %parallel_loop3A_880 : vector<16xf32>
        %parallel_loop3A_882 = arith.index_cast %parallel_loop3A_876 : i32 to index
        %parallel_loop3A_883 = arith.constant 16 : index
        %parallel_loop3A_884 = tpu.vector_load %arg8[%parallel_loop3A_882, %parallel_loop3A_883] {strides = array<i32>} : memref<128x128xf32, #tpu.memory_space<vmem>>, vector<16xf32>,
        %parallel_loop3A_885 = arith.subf %parallel_loop3A_884, %parallel_loop3A_70 : vector<16xf32>
        %parallel_loop3A_886 = arith.mulf %parallel_loop3A_885, %parallel_loop3A_885 : vector<16xf32>
        %parallel_loop3A_887 = arith.index_cast %parallel_loop3A_876 : i32 to index
        %parallel_loop3A_888 = arith.constant 32 : index
        %parallel_loop3A_889 = tpu.vector_load %arg8[%parallel_loop3A_887, %parallel_loop3A_888] {strides = array<i32>} : memref<128x128xf32, #tpu.memory_space<vmem>>, vector<16xf32>,
        %parallel_loop3A_890 = arith.subf %parallel_loop3A_889, %parallel_loop3A_73 : vector<16xf32>
        %parallel_loop3A_891 = arith.mulf %parallel_loop3A_890, %parallel_loop3A_890 : vector<16xf32>
        %parallel_loop3A_892 = arith.index_cast %parallel_loop3A_876 : i32 to index
        %parallel_loop3A_893 = arith.constant 48 : index
        %parallel_loop3A_894 = tpu.vector_load %arg8[%parallel_loop3A_892, %parallel_loop3A_893] {strides = array<i32>} : memref<128x128xf32, #tpu.memory_space<vmem>>, vector<16xf32>,
        %parallel_loop3A_895 = arith.subf %parallel_loop3A_894, %parallel_loop3A_76 : vector<16xf32>
        %parallel_loop3A_896 = arith.mulf %parallel_loop3A_895, %parallel_loop3A_895 : vector<16xf32>
        %parallel_loop3A_897 = arith.index_cast %parallel_loop3A_876 : i32 to index
        %parallel_loop3A_898 = arith.constant 64 : index
        %parallel_loop3A_899 = tpu.vector_load %arg8[%parallel_loop3A_897, %parallel_loop3A_898] {strides = array<i32>} : memref<128x128xf32, #tpu.memory_space<vmem>>, vector<16xf32>,
        %parallel_loop3A_900 = arith.subf %parallel_loop3A_899, %parallel_loop3A_79 : vector<16xf32>
        %parallel_loop3A_901 = arith.mulf %parallel_loop3A_900, %parallel_loop3A_900 : vector<16xf32>
        %parallel_loop3A_902 = arith.index_cast %parallel_loop3A_876 : i32 to index
        %parallel_loop3A_903 = arith.constant 80 : index
        %parallel_loop3A_904 = tpu.vector_load %arg8[%parallel_loop3A_902, %parallel_loop3A_903] {strides = array<i32>} : memref<128x128xf32, #tpu.memory_space<vmem>>, vector<16xf32>,
        %parallel_loop3A_905 = arith.subf %parallel_loop3A_904, %parallel_loop3A_82 : vector<16xf32>
        %parallel_loop3A_906 = arith.mulf %parallel_loop3A_905, %parallel_loop3A_905 : vector<16xf32>
        %parallel_loop3A_907 = arith.index_cast %parallel_loop3A_876 : i32 to index
        %parallel_loop3A_908 = arith.constant 96 : index
        %parallel_loop3A_909 = tpu.vector_load %arg8[%parallel_loop3A_907, %parallel_loop3A_908] {strides = array<i32>} : memref<128x128xf32, #tpu.memory_space<vmem>>, vector<16xf32>,
        %parallel_loop3A_910 = arith.subf %parallel_loop3A_909, %parallel_loop3A_85 : vector<16xf32>
        %parallel_loop3A_911 = arith.mulf %parallel_loop3A_910, %parallel_loop3A_910 : vector<16xf32>
        %parallel_loop3A_912 = arith.index_cast %parallel_loop3A_876 : i32 to index
        %parallel_loop3A_913 = arith.constant 112 : index
        %parallel_loop3A_914 = tpu.vector_load %arg8[%parallel_loop3A_912, %parallel_loop3A_913] {strides = array<i32>} : memref<128x128xf32, #tpu.memory_space<vmem>>, vector<16xf32>,
        %parallel_loop3A_915 = arith.subf %parallel_loop3A_914, %parallel_loop3A_88 : vector<16xf32>
        %parallel_loop3A_916 = arith.mulf %parallel_loop3A_915, %parallel_loop3A_915 : vector<16xf32>
        %parallel_loop3A_917 = arith.addf %parallel_loop3A_881, %parallel_loop3A_886 : vector<16xf32>
        %parallel_loop3A_918 = arith.addf %parallel_loop3A_891, %parallel_loop3A_896 : vector<16xf32>
        %parallel_loop3A_919 = arith.addf %parallel_loop3A_901, %parallel_loop3A_906 : vector<16xf32>
        %parallel_loop3A_920 = arith.addf %parallel_loop3A_911, %parallel_loop3A_916 : vector<16xf32>
        %parallel_loop3A_921 = arith.addf %parallel_loop3A_917, %parallel_loop3A_918 : vector<16xf32>
        %parallel_loop3A_922 = arith.addf %parallel_loop3A_919, %parallel_loop3A_920 : vector<16xf32>
        %parallel_loop3A_923 = arith.addf %parallel_loop3A_921, %parallel_loop3A_922 : vector<16xf32>
        %parallel_loop3A_924 = arith.constant 224 : i32
        %parallel_loop3A_925 = arith.addi %parallel_loop3A_64, %parallel_loop3A_924 : i32
        %parallel_loop3A_926 = tpu.assume_multiple %parallel_loop3A_925, 16 : i32
        %parallel_loop3A_927 = arith.index_cast %parallel_loop3A_926 : i32 to index
        %parallel_loop3A_928 = tpu.vector_load %arg9[%parallel_loop3A_927] {strides = array<i32>} : memref<2048xf32, #tpu.memory_space<vmem>>, vector<16xf32>,
        tpu.vector_store %arg9[%parallel_loop3A_927], %parallel_loop3A_923 {strides = array<i32>} : memref<2048xf32, #tpu.memory_space<vmem>>, vector<16xf32>,
        %parallel_loop3A_929 = arith.constant 16 : i32
        %parallel_loop3A_930 = arith.muli %parallel_loop3A_59, %parallel_loop3A_929 : i32
        %parallel_loop3A_931 = arith.constant 15 : i32
        %parallel_loop3A_932 = arith.addi %parallel_loop3A_930, %parallel_loop3A_931 : i32
        %parallel_loop3A_933 = arith.index_cast %parallel_loop3A_932 : i32 to index
        %parallel_loop3A_934 = arith.constant 0 : index
        %parallel_loop3A_935 = tpu.vector_load %arg8[%parallel_loop3A_933, %parallel_loop3A_934] {strides = array<i32>} : memref<128x128xf32, #tpu.memory_space<vmem>>, vector<16xf32>,
        %parallel_loop3A_936 = arith.subf %parallel_loop3A_935, %parallel_loop3A_67 : vector<16xf32>
        %parallel_loop3A_937 = arith.mulf %parallel_loop3A_936, %parallel_loop3A_936 : vector<16xf32>
        %parallel_loop3A_938 = arith.index_cast %parallel_loop3A_932 : i32 to index
        %parallel_loop3A_939 = arith.constant 16 : index
        %parallel_loop3A_940 = tpu.vector_load %arg8[%parallel_loop3A_938, %parallel_loop3A_939] {strides = array<i32>} : memref<128x128xf32, #tpu.memory_space<vmem>>, vector<16xf32>,
        %parallel_loop3A_941 = arith.subf %parallel_loop3A_940, %parallel_loop3A_70 : vector<16xf32>
        %parallel_loop3A_942 = arith.mulf %parallel_loop3A_941, %parallel_loop3A_941 : vector<16xf32>
        %parallel_loop3A_943 = arith.index_cast %parallel_loop3A_932 : i32 to index
        %parallel_loop3A_944 = arith.constant 32 : index
        %parallel_loop3A_945 = tpu.vector_load %arg8[%parallel_loop3A_943, %parallel_loop3A_944] {strides = array<i32>} : memref<128x128xf32, #tpu.memory_space<vmem>>, vector<16xf32>,
        %parallel_loop3A_946 = arith.subf %parallel_loop3A_945, %parallel_loop3A_73 : vector<16xf32>
        %parallel_loop3A_947 = arith.mulf %parallel_loop3A_946, %parallel_loop3A_946 : vector<16xf32>
        %parallel_loop3A_948 = arith.index_cast %parallel_loop3A_932 : i32 to index
        %parallel_loop3A_949 = arith.constant 48 : index
        %parallel_loop3A_950 = tpu.vector_load %arg8[%parallel_loop3A_948, %parallel_loop3A_949] {strides = array<i32>} : memref<128x128xf32, #tpu.memory_space<vmem>>, vector<16xf32>,
        %parallel_loop3A_951 = arith.subf %parallel_loop3A_950, %parallel_loop3A_76 : vector<16xf32>
        %parallel_loop3A_952 = arith.mulf %parallel_loop3A_951, %parallel_loop3A_951 : vector<16xf32>
        %parallel_loop3A_953 = arith.index_cast %parallel_loop3A_932 : i32 to index
        %parallel_loop3A_954 = arith.constant 64 : index
        %parallel_loop3A_955 = tpu.vector_load %arg8[%parallel_loop3A_953, %parallel_loop3A_954] {strides = array<i32>} : memref<128x128xf32, #tpu.memory_space<vmem>>, vector<16xf32>,
        %parallel_loop3A_956 = arith.subf %parallel_loop3A_955, %parallel_loop3A_79 : vector<16xf32>
        %parallel_loop3A_957 = arith.mulf %parallel_loop3A_956, %parallel_loop3A_956 : vector<16xf32>
        %parallel_loop3A_958 = arith.index_cast %parallel_loop3A_932 : i32 to index
        %parallel_loop3A_959 = arith.constant 80 : index
        %parallel_loop3A_960 = tpu.vector_load %arg8[%parallel_loop3A_958, %parallel_loop3A_959] {strides = array<i32>} : memref<128x128xf32, #tpu.memory_space<vmem>>, vector<16xf32>,
        %parallel_loop3A_961 = arith.subf %parallel_loop3A_960, %parallel_loop3A_82 : vector<16xf32>
        %parallel_loop3A_962 = arith.mulf %parallel_loop3A_961, %parallel_loop3A_961 : vector<16xf32>
        %parallel_loop3A_963 = arith.index_cast %parallel_loop3A_932 : i32 to index
        %parallel_loop3A_964 = arith.constant 96 : index
        %parallel_loop3A_965 = tpu.vector_load %arg8[%parallel_loop3A_963, %parallel_loop3A_964] {strides = array<i32>} : memref<128x128xf32, #tpu.memory_space<vmem>>, vector<16xf32>,
        %parallel_loop3A_966 = arith.subf %parallel_loop3A_965, %parallel_loop3A_85 : vector<16xf32>
        %parallel_loop3A_967 = arith.mulf %parallel_loop3A_966, %parallel_loop3A_966 : vector<16xf32>
        %parallel_loop3A_968 = arith.index_cast %parallel_loop3A_932 : i32 to index
        %parallel_loop3A_969 = arith.constant 112 : index
        %parallel_loop3A_970 = tpu.vector_load %arg8[%parallel_loop3A_968, %parallel_loop3A_969] {strides = array<i32>} : memref<128x128xf32, #tpu.memory_space<vmem>>, vector<16xf32>,
        %parallel_loop3A_971 = arith.subf %parallel_loop3A_970, %parallel_loop3A_88 : vector<16xf32>
        %parallel_loop3A_972 = arith.mulf %parallel_loop3A_971, %parallel_loop3A_971 : vector<16xf32>
        %parallel_loop3A_973 = arith.addf %parallel_loop3A_937, %parallel_loop3A_942 : vector<16xf32>
        %parallel_loop3A_974 = arith.addf %parallel_loop3A_947, %parallel_loop3A_952 : vector<16xf32>
        %parallel_loop3A_975 = arith.addf %parallel_loop3A_957, %parallel_loop3A_962 : vector<16xf32>
        %parallel_loop3A_976 = arith.addf %parallel_loop3A_967, %parallel_loop3A_972 : vector<16xf32>
        %parallel_loop3A_977 = arith.addf %parallel_loop3A_973, %parallel_loop3A_974 : vector<16xf32>
        %parallel_loop3A_978 = arith.addf %parallel_loop3A_975, %parallel_loop3A_976 : vector<16xf32>
        %parallel_loop3A_979 = arith.addf %parallel_loop3A_977, %parallel_loop3A_978 : vector<16xf32>
        %parallel_loop3A_980 = arith.constant 240 : i32
        %parallel_loop3A_981 = arith.addi %parallel_loop3A_64, %parallel_loop3A_980 : i32
        %parallel_loop3A_982 = tpu.assume_multiple %parallel_loop3A_981, 16 : i32
        %parallel_loop3A_983 = arith.index_cast %parallel_loop3A_982 : i32 to index
        %parallel_loop3A_984 = tpu.vector_load %arg9[%parallel_loop3A_983] {strides = array<i32>} : memref<2048xf32, #tpu.memory_space<vmem>>, vector<16xf32>,
        tpu.vector_store %arg9[%parallel_loop3A_983], %parallel_loop3A_979 {strides = array<i32>} : memref<2048xf32, #tpu.memory_space<vmem>>, vector<16xf32>,
        %parallel_loop3A_985 = arith.constant 16 : i32
        %parallel_loop3A_986 = vector.broadcast %parallel_loop3A_985 : i32 to vector<16xi32>
        %parallel_loop3A_987 = arith.muli %iota3A, %parallel_loop3A_986 : vector<16xi32>
        %parallel_loop3A_988 = vector.broadcast %parallel_loop3A_64 : i32 to vector<16xi32>
        %parallel_loop3A_989 = arith.addi %parallel_loop3A_988, %parallel_loop3A_987 : vector<16xi32>
        %parallel_loop3A_990 = arith.constant 0 : i32
        %parallel_loop3A_991 = vector.broadcast %parallel_loop3A_990 : i32 to vector<16xi32>
        %parallel_loop3A_992 = arith.addi %parallel_loop3A_989, %parallel_loop3A_991 : vector<16xi32>
        %parallel_loop3A_993 = tpu.vector_load_idx %arg9[%parallel_loop3A_992] : memref<2048xf32, #tpu.memory_space<vmem>>[vector<16xi32>], vector<16xf32>,
        %parallel_loop3A_994 = arith.constant 16 : i32
        %parallel_loop3A_995 = vector.broadcast %parallel_loop3A_994 : i32 to vector<16xi32>
        %parallel_loop3A_996 = arith.muli %iota3A, %parallel_loop3A_995 : vector<16xi32>
        %parallel_loop3A_997 = vector.broadcast %parallel_loop3A_64 : i32 to vector<16xi32>
        %parallel_loop3A_998 = arith.addi %parallel_loop3A_997, %parallel_loop3A_996 : vector<16xi32>
        %parallel_loop3A_999 = arith.constant 1 : i32
        %parallel_loop3A_1000 = vector.broadcast %parallel_loop3A_999 : i32 to vector<16xi32>
        %parallel_loop3A_1001 = arith.addi %parallel_loop3A_998, %parallel_loop3A_1000 : vector<16xi32>
        %parallel_loop3A_1002 = tpu.vector_load_idx %arg9[%parallel_loop3A_1001] : memref<2048xf32, #tpu.memory_space<vmem>>[vector<16xi32>], vector<16xf32>,
        %parallel_loop3A_1003 = arith.constant 16 : i32
        %parallel_loop3A_1004 = vector.broadcast %parallel_loop3A_1003 : i32 to vector<16xi32>
        %parallel_loop3A_1005 = arith.muli %iota3A, %parallel_loop3A_1004 : vector<16xi32>
        %parallel_loop3A_1006 = vector.broadcast %parallel_loop3A_64 : i32 to vector<16xi32>
        %parallel_loop3A_1007 = arith.addi %parallel_loop3A_1006, %parallel_loop3A_1005 : vector<16xi32>
        %parallel_loop3A_1008 = arith.constant 2 : i32
        %parallel_loop3A_1009 = vector.broadcast %parallel_loop3A_1008 : i32 to vector<16xi32>
        %parallel_loop3A_1010 = arith.addi %parallel_loop3A_1007, %parallel_loop3A_1009 : vector<16xi32>
        %parallel_loop3A_1011 = tpu.vector_load_idx %arg9[%parallel_loop3A_1010] : memref<2048xf32, #tpu.memory_space<vmem>>[vector<16xi32>], vector<16xf32>,
        %parallel_loop3A_1012 = arith.constant 16 : i32
        %parallel_loop3A_1013 = vector.broadcast %parallel_loop3A_1012 : i32 to vector<16xi32>
        %parallel_loop3A_1014 = arith.muli %iota3A, %parallel_loop3A_1013 : vector<16xi32>
        %parallel_loop3A_1015 = vector.broadcast %parallel_loop3A_64 : i32 to vector<16xi32>
        %parallel_loop3A_1016 = arith.addi %parallel_loop3A_1015, %parallel_loop3A_1014 : vector<16xi32>
        %parallel_loop3A_1017 = arith.constant 3 : i32
        %parallel_loop3A_1018 = vector.broadcast %parallel_loop3A_1017 : i32 to vector<16xi32>
        %parallel_loop3A_1019 = arith.addi %parallel_loop3A_1016, %parallel_loop3A_1018 : vector<16xi32>
        %parallel_loop3A_1020 = tpu.vector_load_idx %arg9[%parallel_loop3A_1019] : memref<2048xf32, #tpu.memory_space<vmem>>[vector<16xi32>], vector<16xf32>,
        %parallel_loop3A_1021 = arith.constant 16 : i32
        %parallel_loop3A_1022 = vector.broadcast %parallel_loop3A_1021 : i32 to vector<16xi32>
        %parallel_loop3A_1023 = arith.muli %iota3A, %parallel_loop3A_1022 : vector<16xi32>
        %parallel_loop3A_1024 = vector.broadcast %parallel_loop3A_64 : i32 to vector<16xi32>
        %parallel_loop3A_1025 = arith.addi %parallel_loop3A_1024, %parallel_loop3A_1023 : vector<16xi32>
        %parallel_loop3A_1026 = arith.constant 4 : i32
        %parallel_loop3A_1027 = vector.broadcast %parallel_loop3A_1026 : i32 to vector<16xi32>
        %parallel_loop3A_1028 = arith.addi %parallel_loop3A_1025, %parallel_loop3A_1027 : vector<16xi32>
        %parallel_loop3A_1029 = tpu.vector_load_idx %arg9[%parallel_loop3A_1028] : memref<2048xf32, #tpu.memory_space<vmem>>[vector<16xi32>], vector<16xf32>,
        %parallel_loop3A_1030 = arith.constant 16 : i32
        %parallel_loop3A_1031 = vector.broadcast %parallel_loop3A_1030 : i32 to vector<16xi32>
        %parallel_loop3A_1032 = arith.muli %iota3A, %parallel_loop3A_1031 : vector<16xi32>
        %parallel_loop3A_1033 = vector.broadcast %parallel_loop3A_64 : i32 to vector<16xi32>
        %parallel_loop3A_1034 = arith.addi %parallel_loop3A_1033, %parallel_loop3A_1032 : vector<16xi32>
        %parallel_loop3A_1035 = arith.constant 5 : i32
        %parallel_loop3A_1036 = vector.broadcast %parallel_loop3A_1035 : i32 to vector<16xi32>
        %parallel_loop3A_1037 = arith.addi %parallel_loop3A_1034, %parallel_loop3A_1036 : vector<16xi32>
        %parallel_loop3A_1038 = tpu.vector_load_idx %arg9[%parallel_loop3A_1037] : memref<2048xf32, #tpu.memory_space<vmem>>[vector<16xi32>], vector<16xf32>,
        %parallel_loop3A_1039 = arith.constant 16 : i32
        %parallel_loop3A_1040 = vector.broadcast %parallel_loop3A_1039 : i32 to vector<16xi32>
        %parallel_loop3A_1041 = arith.muli %iota3A, %parallel_loop3A_1040 : vector<16xi32>
        %parallel_loop3A_1042 = vector.broadcast %parallel_loop3A_64 : i32 to vector<16xi32>
        %parallel_loop3A_1043 = arith.addi %parallel_loop3A_1042, %parallel_loop3A_1041 : vector<16xi32>
        %parallel_loop3A_1044 = arith.constant 6 : i32
        %parallel_loop3A_1045 = vector.broadcast %parallel_loop3A_1044 : i32 to vector<16xi32>
        %parallel_loop3A_1046 = arith.addi %parallel_loop3A_1043, %parallel_loop3A_1045 : vector<16xi32>
        %parallel_loop3A_1047 = tpu.vector_load_idx %arg9[%parallel_loop3A_1046] : memref<2048xf32, #tpu.memory_space<vmem>>[vector<16xi32>], vector<16xf32>,
        %parallel_loop3A_1048 = arith.constant 16 : i32
        %parallel_loop3A_1049 = vector.broadcast %parallel_loop3A_1048 : i32 to vector<16xi32>
        %parallel_loop3A_1050 = arith.muli %iota3A, %parallel_loop3A_1049 : vector<16xi32>
        %parallel_loop3A_1051 = vector.broadcast %parallel_loop3A_64 : i32 to vector<16xi32>
        %parallel_loop3A_1052 = arith.addi %parallel_loop3A_1051, %parallel_loop3A_1050 : vector<16xi32>
        %parallel_loop3A_1053 = arith.constant 7 : i32
        %parallel_loop3A_1054 = vector.broadcast %parallel_loop3A_1053 : i32 to vector<16xi32>
        %parallel_loop3A_1055 = arith.addi %parallel_loop3A_1052, %parallel_loop3A_1054 : vector<16xi32>
        %parallel_loop3A_1056 = tpu.vector_load_idx %arg9[%parallel_loop3A_1055] : memref<2048xf32, #tpu.memory_space<vmem>>[vector<16xi32>], vector<16xf32>,
        %parallel_loop3A_1057 = arith.constant 16 : i32
        %parallel_loop3A_1058 = vector.broadcast %parallel_loop3A_1057 : i32 to vector<16xi32>
        %parallel_loop3A_1059 = arith.muli %iota3A, %parallel_loop3A_1058 : vector<16xi32>
        %parallel_loop3A_1060 = vector.broadcast %parallel_loop3A_64 : i32 to vector<16xi32>
        %parallel_loop3A_1061 = arith.addi %parallel_loop3A_1060, %parallel_loop3A_1059 : vector<16xi32>
        %parallel_loop3A_1062 = arith.constant 8 : i32
        %parallel_loop3A_1063 = vector.broadcast %parallel_loop3A_1062 : i32 to vector<16xi32>
        %parallel_loop3A_1064 = arith.addi %parallel_loop3A_1061, %parallel_loop3A_1063 : vector<16xi32>
        %parallel_loop3A_1065 = tpu.vector_load_idx %arg9[%parallel_loop3A_1064] : memref<2048xf32, #tpu.memory_space<vmem>>[vector<16xi32>], vector<16xf32>,
        %parallel_loop3A_1066 = arith.constant 16 : i32
        %parallel_loop3A_1067 = vector.broadcast %parallel_loop3A_1066 : i32 to vector<16xi32>
        %parallel_loop3A_1068 = arith.muli %iota3A, %parallel_loop3A_1067 : vector<16xi32>
        %parallel_loop3A_1069 = vector.broadcast %parallel_loop3A_64 : i32 to vector<16xi32>
        %parallel_loop3A_1070 = arith.addi %parallel_loop3A_1069, %parallel_loop3A_1068 : vector<16xi32>
        %parallel_loop3A_1071 = arith.constant 9 : i32
        %parallel_loop3A_1072 = vector.broadcast %parallel_loop3A_1071 : i32 to vector<16xi32>
        %parallel_loop3A_1073 = arith.addi %parallel_loop3A_1070, %parallel_loop3A_1072 : vector<16xi32>
        %parallel_loop3A_1074 = tpu.vector_load_idx %arg9[%parallel_loop3A_1073] : memref<2048xf32, #tpu.memory_space<vmem>>[vector<16xi32>], vector<16xf32>,
        %parallel_loop3A_1075 = arith.constant 16 : i32
        %parallel_loop3A_1076 = vector.broadcast %parallel_loop3A_1075 : i32 to vector<16xi32>
        %parallel_loop3A_1077 = arith.muli %iota3A, %parallel_loop3A_1076 : vector<16xi32>
        %parallel_loop3A_1078 = vector.broadcast %parallel_loop3A_64 : i32 to vector<16xi32>
        %parallel_loop3A_1079 = arith.addi %parallel_loop3A_1078, %parallel_loop3A_1077 : vector<16xi32>
        %parallel_loop3A_1080 = arith.constant 10 : i32
        %parallel_loop3A_1081 = vector.broadcast %parallel_loop3A_1080 : i32 to vector<16xi32>
        %parallel_loop3A_1082 = arith.addi %parallel_loop3A_1079, %parallel_loop3A_1081 : vector<16xi32>
        %parallel_loop3A_1083 = tpu.vector_load_idx %arg9[%parallel_loop3A_1082] : memref<2048xf32, #tpu.memory_space<vmem>>[vector<16xi32>], vector<16xf32>,
        %parallel_loop3A_1084 = arith.constant 16 : i32
        %parallel_loop3A_1085 = vector.broadcast %parallel_loop3A_1084 : i32 to vector<16xi32>
        %parallel_loop3A_1086 = arith.muli %iota3A, %parallel_loop3A_1085 : vector<16xi32>
        %parallel_loop3A_1087 = vector.broadcast %parallel_loop3A_64 : i32 to vector<16xi32>
        %parallel_loop3A_1088 = arith.addi %parallel_loop3A_1087, %parallel_loop3A_1086 : vector<16xi32>
        %parallel_loop3A_1089 = arith.constant 11 : i32
        %parallel_loop3A_1090 = vector.broadcast %parallel_loop3A_1089 : i32 to vector<16xi32>
        %parallel_loop3A_1091 = arith.addi %parallel_loop3A_1088, %parallel_loop3A_1090 : vector<16xi32>
        %parallel_loop3A_1092 = tpu.vector_load_idx %arg9[%parallel_loop3A_1091] : memref<2048xf32, #tpu.memory_space<vmem>>[vector<16xi32>], vector<16xf32>,
        %parallel_loop3A_1093 = arith.constant 16 : i32
        %parallel_loop3A_1094 = vector.broadcast %parallel_loop3A_1093 : i32 to vector<16xi32>
        %parallel_loop3A_1095 = arith.muli %iota3A, %parallel_loop3A_1094 : vector<16xi32>
        %parallel_loop3A_1096 = vector.broadcast %parallel_loop3A_64 : i32 to vector<16xi32>
        %parallel_loop3A_1097 = arith.addi %parallel_loop3A_1096, %parallel_loop3A_1095 : vector<16xi32>
        %parallel_loop3A_1098 = arith.constant 12 : i32
        %parallel_loop3A_1099 = vector.broadcast %parallel_loop3A_1098 : i32 to vector<16xi32>
        %parallel_loop3A_1100 = arith.addi %parallel_loop3A_1097, %parallel_loop3A_1099 : vector<16xi32>
        %parallel_loop3A_1101 = tpu.vector_load_idx %arg9[%parallel_loop3A_1100] : memref<2048xf32, #tpu.memory_space<vmem>>[vector<16xi32>], vector<16xf32>,
        %parallel_loop3A_1102 = arith.constant 16 : i32
        %parallel_loop3A_1103 = vector.broadcast %parallel_loop3A_1102 : i32 to vector<16xi32>
        %parallel_loop3A_1104 = arith.muli %iota3A, %parallel_loop3A_1103 : vector<16xi32>
        %parallel_loop3A_1105 = vector.broadcast %parallel_loop3A_64 : i32 to vector<16xi32>
        %parallel_loop3A_1106 = arith.addi %parallel_loop3A_1105, %parallel_loop3A_1104 : vector<16xi32>
        %parallel_loop3A_1107 = arith.constant 13 : i32
        %parallel_loop3A_1108 = vector.broadcast %parallel_loop3A_1107 : i32 to vector<16xi32>
        %parallel_loop3A_1109 = arith.addi %parallel_loop3A_1106, %parallel_loop3A_1108 : vector<16xi32>
        %parallel_loop3A_1110 = tpu.vector_load_idx %arg9[%parallel_loop3A_1109] : memref<2048xf32, #tpu.memory_space<vmem>>[vector<16xi32>], vector<16xf32>,
        %parallel_loop3A_1111 = arith.constant 16 : i32
        %parallel_loop3A_1112 = vector.broadcast %parallel_loop3A_1111 : i32 to vector<16xi32>
        %parallel_loop3A_1113 = arith.muli %iota3A, %parallel_loop3A_1112 : vector<16xi32>
        %parallel_loop3A_1114 = vector.broadcast %parallel_loop3A_64 : i32 to vector<16xi32>
        %parallel_loop3A_1115 = arith.addi %parallel_loop3A_1114, %parallel_loop3A_1113 : vector<16xi32>
        %parallel_loop3A_1116 = arith.constant 14 : i32
        %parallel_loop3A_1117 = vector.broadcast %parallel_loop3A_1116 : i32 to vector<16xi32>
        %parallel_loop3A_1118 = arith.addi %parallel_loop3A_1115, %parallel_loop3A_1117 : vector<16xi32>
        %parallel_loop3A_1119 = tpu.vector_load_idx %arg9[%parallel_loop3A_1118] : memref<2048xf32, #tpu.memory_space<vmem>>[vector<16xi32>], vector<16xf32>,
        %parallel_loop3A_1120 = arith.constant 16 : i32
        %parallel_loop3A_1121 = vector.broadcast %parallel_loop3A_1120 : i32 to vector<16xi32>
        %parallel_loop3A_1122 = arith.muli %iota3A, %parallel_loop3A_1121 : vector<16xi32>
        %parallel_loop3A_1123 = vector.broadcast %parallel_loop3A_64 : i32 to vector<16xi32>
        %parallel_loop3A_1124 = arith.addi %parallel_loop3A_1123, %parallel_loop3A_1122 : vector<16xi32>
        %parallel_loop3A_1125 = arith.constant 15 : i32
        %parallel_loop3A_1126 = vector.broadcast %parallel_loop3A_1125 : i32 to vector<16xi32>
        %parallel_loop3A_1127 = arith.addi %parallel_loop3A_1124, %parallel_loop3A_1126 : vector<16xi32>
        %parallel_loop3A_1128 = tpu.vector_load_idx %arg9[%parallel_loop3A_1127] : memref<2048xf32, #tpu.memory_space<vmem>>[vector<16xi32>], vector<16xf32>,
        %parallel_loop3A_1129 = arith.addf %parallel_loop3A_993, %parallel_loop3A_1002 : vector<16xf32>
        %parallel_loop3A_1130 = arith.addf %parallel_loop3A_1011, %parallel_loop3A_1020 : vector<16xf32>
        %parallel_loop3A_1131 = arith.addf %parallel_loop3A_1029, %parallel_loop3A_1038 : vector<16xf32>
        %parallel_loop3A_1132 = arith.addf %parallel_loop3A_1047, %parallel_loop3A_1056 : vector<16xf32>
        %parallel_loop3A_1133 = arith.addf %parallel_loop3A_1065, %parallel_loop3A_1074 : vector<16xf32>
        %parallel_loop3A_1134 = arith.addf %parallel_loop3A_1083, %parallel_loop3A_1092 : vector<16xf32>
        %parallel_loop3A_1135 = arith.addf %parallel_loop3A_1101, %parallel_loop3A_1110 : vector<16xf32>
        %parallel_loop3A_1136 = arith.addf %parallel_loop3A_1119, %parallel_loop3A_1128 : vector<16xf32>
        %parallel_loop3A_1137 = arith.addf %parallel_loop3A_1129, %parallel_loop3A_1130 : vector<16xf32>
        %parallel_loop3A_1138 = arith.addf %parallel_loop3A_1131, %parallel_loop3A_1132 : vector<16xf32>
        %parallel_loop3A_1139 = arith.addf %parallel_loop3A_1133, %parallel_loop3A_1134 : vector<16xf32>
        %parallel_loop3A_1140 = arith.addf %parallel_loop3A_1135, %parallel_loop3A_1136 : vector<16xf32>
        %parallel_loop3A_1141 = arith.addf %parallel_loop3A_1137, %parallel_loop3A_1138 : vector<16xf32>
        %parallel_loop3A_1142 = arith.addf %parallel_loop3A_1139, %parallel_loop3A_1140 : vector<16xf32>
        %parallel_loop3A_1143 = arith.addf %parallel_loop3A_1141, %parallel_loop3A_1142 : vector<16xf32>
        %parallel_loop3A_1144 = arith.constant 7.812500e-03 : f32
        %parallel_loop3A_1145 = vector.broadcast %parallel_loop3A_1144 : f32 to vector<16xf32>
        %parallel_loop3A_1146 = arith.mulf %parallel_loop3A_1143, %parallel_loop3A_1145 : vector<16xf32>
        %parallel_loop3A_1147 = arith.constant 9.99999971E-10 : f32
        %parallel_loop3A_1148 = vector.broadcast %parallel_loop3A_1147 : f32 to vector<16xf32>
        %parallel_loop3A_1149 = arith.addf %parallel_loop3A_1146, %parallel_loop3A_1148 : vector<16xf32>
        %parallel_loop3A_1150 = tpu.bitcast %parallel_loop3A_1149 : vector<16xf32> -> vector<16xi32>
        %parallel_loop3A_1151 = arith.constant 1 : i32
        %parallel_loop3A_1152 = vector.broadcast %parallel_loop3A_1151 : i32 to vector<16xi32>
        %parallel_loop3A_1153 = arith.shrui %parallel_loop3A_1150, %parallel_loop3A_1152 : vector<16xi32>
        %parallel_loop3A_1154 = arith.constant 1597463007 : i32
        %parallel_loop3A_1155 = vector.broadcast %parallel_loop3A_1154 : i32 to vector<16xi32>
        %parallel_loop3A_1156 = arith.subi %parallel_loop3A_1155, %parallel_loop3A_1153 : vector<16xi32>
        %parallel_loop3A_1157 = tpu.bitcast %parallel_loop3A_1156 : vector<16xi32> -> vector<16xf32>
        %parallel_loop3A_1158 = arith.constant 5.000000e-01 : f32
        %parallel_loop3A_1159 = vector.broadcast %parallel_loop3A_1158 : f32 to vector<16xf32>
        %parallel_loop3A_1160 = arith.mulf %parallel_loop3A_1159, %parallel_loop3A_1149 : vector<16xf32>
        %parallel_loop3A_1161 = arith.mulf %parallel_loop3A_1160, %parallel_loop3A_1157 : vector<16xf32>
        %parallel_loop3A_1162 = arith.mulf %parallel_loop3A_1161, %parallel_loop3A_1157 : vector<16xf32>
        %parallel_loop3A_1163 = arith.constant 1.500000e+00 : f32
        %parallel_loop3A_1164 = vector.broadcast %parallel_loop3A_1163 : f32 to vector<16xf32>
        %parallel_loop3A_1165 = arith.subf %parallel_loop3A_1164, %parallel_loop3A_1162 : vector<16xf32>
        %parallel_loop3A_1166 = arith.mulf %parallel_loop3A_1157, %parallel_loop3A_1165 : vector<16xf32>
        %parallel_loop3A_1167 = arith.constant 5.000000e-01 : f32
        %parallel_loop3A_1168 = vector.broadcast %parallel_loop3A_1167 : f32 to vector<16xf32>
        %parallel_loop3A_1169 = arith.mulf %parallel_loop3A_1168, %parallel_loop3A_1149 : vector<16xf32>
        %parallel_loop3A_1170 = arith.mulf %parallel_loop3A_1169, %parallel_loop3A_1166 : vector<16xf32>
        %parallel_loop3A_1171 = arith.mulf %parallel_loop3A_1170, %parallel_loop3A_1166 : vector<16xf32>
        %parallel_loop3A_1172 = arith.constant 1.500000e+00 : f32
        %parallel_loop3A_1173 = vector.broadcast %parallel_loop3A_1172 : f32 to vector<16xf32>
        %parallel_loop3A_1174 = arith.subf %parallel_loop3A_1173, %parallel_loop3A_1171 : vector<16xf32>
        %parallel_loop3A_1175 = arith.mulf %parallel_loop3A_1166, %parallel_loop3A_1174 : vector<16xf32>
        %parallel_loop3A_1176 = arith.constant 5.000000e-01 : f32
        %parallel_loop3A_1177 = vector.broadcast %parallel_loop3A_1176 : f32 to vector<16xf32>
        %parallel_loop3A_1178 = arith.mulf %parallel_loop3A_1177, %parallel_loop3A_1149 : vector<16xf32>
        %parallel_loop3A_1179 = arith.mulf %parallel_loop3A_1178, %parallel_loop3A_1175 : vector<16xf32>
        %parallel_loop3A_1180 = arith.mulf %parallel_loop3A_1179, %parallel_loop3A_1175 : vector<16xf32>
        %parallel_loop3A_1181 = arith.constant 1.500000e+00 : f32
        %parallel_loop3A_1182 = vector.broadcast %parallel_loop3A_1181 : f32 to vector<16xf32>
        %parallel_loop3A_1183 = arith.subf %parallel_loop3A_1182, %parallel_loop3A_1180 : vector<16xf32>
        %parallel_loop3A_1184 = arith.mulf %parallel_loop3A_1175, %parallel_loop3A_1183 : vector<16xf32>
        %parallel_loop3A_1185 = arith.mulf %parallel_loop3A_1149, %parallel_loop3A_1184 : vector<16xf32>
        %parallel_loop3A_1186 = arith.constant 0.000000e+00 : f32
        %parallel_loop3A_1187 = vector.broadcast %parallel_loop3A_1186 : f32 to vector<16xf32>
        %parallel_loop3A_1188 = arith.subf %parallel_loop3A_1187, %parallel_loop3A_1185 : vector<16xf32>
        %parallel_loop3A_1189 = arith.constant true
        %parallel_loop3A_1190 = vector.broadcast %parallel_loop3A_1189 : i1 to vector<16xi1>
        %parallel_loop3A_1191 = tpu.scan <max>, %parallel_loop3A_1188 masked %parallel_loop3A_1190 : vector<16xf32>, vector<16xi1> -> vector<16xf32>
        %parallel_loop3A_1192 = vector.extract %parallel_loop3A_1191[15] : f32 from vector<16xf32>
        %parallel_loop3A_1193 = vector.broadcast %parallel_loop3A_1192 : f32 to vector<16xf32>
        %parallel_loop3A_1194 = arith.subf %parallel_loop3A_1188, %parallel_loop3A_1193 : vector<16xf32>
        %parallel_loop3A_1195 = math.exp %parallel_loop3A_1194 : vector<16xf32>
        %parallel_loop3A_1196 = arith.constant true
        %parallel_loop3A_1197 = vector.broadcast %parallel_loop3A_1196 : i1 to vector<16xi1>
        %parallel_loop3A_1198 = tpu.scan <sum>, %parallel_loop3A_1195 masked %parallel_loop3A_1197 : vector<16xf32>, vector<16xi1> -> vector<16xf32>
        %parallel_loop3A_1199 = vector.extract %parallel_loop3A_1198[15] : f32 from vector<16xf32>
        %parallel_loop3A_1200 = vector.broadcast %parallel_loop3A_1199 : f32 to vector<16xf32>
        %parallel_loop3A_1201 = arith.divf %parallel_loop3A_1195, %parallel_loop3A_1200 : vector<16xf32>
        %parallel_loop3A_1202 = arith.constant 16 : i32
        %parallel_loop3A_1203 = arith.muli %parallel_loop3A_62, %parallel_loop3A_1202 : i32
        %parallel_loop3A_1204 = tpu.assume_multiple %parallel_loop3A_1203, 16 : i32
        %parallel_loop3A_1205 = arith.index_cast %parallel_loop3A_1204 : i32 to index
        %parallel_loop3A_1206 = tpu.vector_load %arg10[%parallel_loop3A_1205] {strides = array<i32>} : memref<8192xf32, #tpu.memory_space<vmem>>, vector<16xf32>,
        tpu.vector_store %arg10[%parallel_loop3A_1205], %parallel_loop3A_1201 {strides = array<i32>} : memref<8192xf32, #tpu.memory_space<vmem>>, vector<16xf32>,
      } {sc.loop_unroll_factor = 2 : i64, sc.parallel_access}
      %add3A_52 = arith.constant 2 : i32
      %add3A_53 = arith.addi %add3A_41, %add3A_52 : i32
      %lt3A_54 = arith.constant 64 : i32
      %lt3A_55 = arith.cmpi slt, %add3A_53, %lt3A_54 : i32
      %convert_element_type3A_56 = arith.extui %lt3A_55 : i1 to i32
      %cond3A_57 = arith.constant 0 : i32
      %cond3A_58 = arith.cmpi ne, %convert_element_type3A_56, %cond3A_57 : i32
      scf.if %cond3A_58 {
        %add3A_59 = arith.constant 2 : i32
        %add3A_60 = arith.addi %add3A_41, %add3A_59 : i32
        %mul3A_61 = arith.constant 128 : i32
        %mul3A_62 = arith.muli %add3A_60, %mul3A_61 : i32
        %multiple_of3A_63 = tpu.assume_multiple %mul3A_62, 128 : i32
        %dma_start3A_64 = tpu.memref_slice %arg5[%multiple_of3A_63] : memref<8192xi32, #tpu.memory_space<vmem>> -> memref<128xi32, #tpu.memory_space<vmem>>
        %dma_start3A_65 = arith.constant 0 : i32
        %dma_start3A_66 = arith.constant 0 : i32
        %dma_start3A_67 = tpu.memref_slice %arg2[%dma_start3A_65, %dma_start3A_66] : memref<16384x128xf32, #tpu.memory_space<hbm>> -> memref<16384x128xf32, #tpu.memory_space<hbm>>
        tpu.enqueue_indirect_dma source(%dma_start3A_67 : memref<16384x128xf32, #tpu.memory_space<hbm>>) target(%arg8 : memref<128x128xf32, #tpu.memory_space<vmem>>) offsets(%dma_start3A_64 : memref<128xi32, #tpu.memory_space<vmem>>) semaphore(%arg12 : memref<!tpu.dma_semaphore, #tpu.memory_space<semaphore_mem>>)
      } else {
      }
    }
    %scan3A_18 = arith.constant 32 : i32
    %mul3A_19 = arith.constant 16 : i32
    %mul3A_20 = arith.muli %mul3A_2, %mul3A_19 : i32
    "tpu.region"() ({
      %run_scoped3A = tpu.sem_alloc : memref<!tpu.dma_semaphore, #tpu.memory_space<semaphore_mem>>
      %dma_start3A_21 = tpu.memref_slice %arg4[%mul3A_20] : memref<262144xf32, #tpu.memory_space<hbm>> -> memref<8192xf32, #tpu.memory_space<hbm>>
      %dma_start3A_22 = tpu.memref_slice %arg4[%mul3A_20] : memref<262144xf32, #tpu.memory_space<hbm>> -> memref<8192xf32, #tpu.memory_space<hbm>>
      tpu.enqueue_dma source(%arg10 : memref<8192xf32, #tpu.memory_space<vmem>>) target(%dma_start3A_22 : memref<8192xf32, #tpu.memory_space<hbm>>) target_semaphore(%run_scoped3A : memref<!tpu.dma_semaphore, #tpu.memory_space<semaphore_mem>>)
      %dma_wait3A = tpu.memref_slice %arg4[%mul3A_20] : memref<262144xf32, #tpu.memory_space<hbm>> -> memref<8192xf32, #tpu.memory_space<hbm>>
      %dma_wait3A_23 = tpu.memref_slice %arg4[%mul3A_20] : memref<262144xf32, #tpu.memory_space<hbm>> -> memref<8192xf32, #tpu.memory_space<hbm>>
      tpu.wait_dma2 semaphore(%run_scoped3A : memref<!tpu.dma_semaphore, #tpu.memory_space<semaphore_mem>>) src(%arg10 : memref<8192xf32, #tpu.memory_space<vmem>>) dst(%dma_wait3A_23 : memref<8192xf32, #tpu.memory_space<hbm>>)
      tpu.yield
    }) : () -> ()
    return
  }
}

</mosaic_0001>

<sc_bundles>
// kernel: kernel.3.cloned.1.call-start
scs
__scs_entry_jumppad:
0x0: {  	(pc) =	sbr.rel $0x88, $3  }
0x1: {  	(tag) =	ssettag $0x0;
	lr =	simm.s32 $0x1  }
0x2: {  	[smem:$0x3F9F] =	sst lr;
	_ =	strace $0xD0000000  }
0x3: {  	_ = 	snop  }
0x4: {  	_ = 	snop  }
0x5: {  	_ = 	snop  }
0x6: {  	_ = 	snop  }
0x7: {  	_ = 	snop  }
__scs_overlays_trampoline_lowered:
0x8: {  	[smem:$0x3FAE] =	sst s0  }
0x9: {  	[smem:$0x3FAF] =	sst s1  }
0xa: {  	[smem:$0x3FB0] =	sst s2  }
0xb: {  	[smem:$0x3FB1] =	sst s3  }
0xc: {  	[smem:$0x3FB2] =	sst s4  }
0xd: {  	[smem:$0x3FB3] =	sst s5  }
0xe: {  	[smem:$0x3FB4] =	sst s6  }
0xf: {  	[smem:$0x3FB5] =	sst s7  }
0x10: {  	[smem:$0x3FB6] =	sst s8  }
0x11: {  	[smem:$0x3FB7] =	sst s9;
	s0 =	simm.s32 @!p0 $0x0  }
0x12: {  	s1 =	sld [smem:$0x3F9D];
	s0 =	simm.s32 @p0 $0x1  }
0x13: {  	[smem:$0x3FB8] =	sst s0;
	s0 =	simm.s32 @!p1 $0x0  }
0x14: {  	s2 =	sld [smem:$0x3F9C];
	s0 =	simm.s32 @p1 $0x1  }
0x15: {  	[smem:$0x3FB9] =	sst s0;
	s0 =	simm.s32 @!p2 $0x0  }
0x16: {  	s3 =	sld [smem:$0x3FDB];
	s0 =	simm.s32 @p2 $0x1  }
0x17: {  	s4 =	simm.s32 $0x1BF5;
	[smem:$0x3FBB] =	sst s0  }
0x18: {  	s0 =	sld [smem:$0x3F9E];
	_ =	swait.ge [sflag:s4], $0x0  }
0x19: {  	s7 =	sld [smem:$0x3F9F]  }
0x1a: {  	s8 =	sadd.s32 $0xFFFFE003, lr  }
0x1b: {  	s9 =	sadd.s32 $0xFFFFFEF7, lr;
	s5 =	simm.s32 $0xFFFFFFFF;
	p2 =	slt.u32 s8, $0xFFFFF086  }
0x1c: {  	p1 =	slt.u32 s9, $0xF7A;
	s5 =	simm.s32 @!p2 $0x0  }
0x1d: {  	s5 =	simm.s32 @p1 $0x1;
	p0 =	seq.s32 s7, s2  }
0x1e: {  	s7 =	smul.u32 @!p0 $0xF7A, s2;
	p2 =	seq.s32 @!p0 s5, $0x0  }
0x1f: {  	s9 =	smul.u32 $0xF7A, s1;
	s8 =	simm.s32 @!p0 $0x1BF5;
	p2 =	por !p2, p0  }
0x20: {  	[sflag:s8] =	ssyncset.s32 @!p0 $0xFFFFF086;
	s6 =	sadd.s32 @!p0 s3, s7;
	s7 =	simm.s32 @!p0 $0x108  }
0x21: {  	s3 =	sadd.s32 s3, s9;
	s6 =	sadd.s32 @!p0 $0x88, s6;
	s7 =	simm.s32 @p2 $0x1082  }
0x22: {  	[simem:s7], [sflag:s8] =	dma.local @!p0 [hbm:s6], $0xF7A  }
0x23: {  	s9 =	sor.u32 $0xD0000000, s2;
	s6 =	simm.s32 $0x108;
	_ =	swait.ge @!p0 [sflag:s8], $0x0  }
0x24: {  	s3 =	sadd.s32 $0x88, s3;
	s6 =	simm.s32 @!p1 $0x1082;
	[sflag:s4] =	ssyncset.s32 $0xFFFFF086  }
0x25: {  	[simem:s6], [sflag:s4] =	dma.local [hbm:s3], $0xF7A  }
0x26: {  	[smem:$0x3F9F] =	sst s1;
	(tag) =	ssettag s2;
	_ =	strace s9  }
0x27: {  	s1 =	sld [smem:$0x3FAF]  }
0x28: {  	s2 =	sld [smem:$0x3FB0]  }
0x29: {  	s4 =	sld [smem:$0x3FB2]  }
0x2a: {  	p0 =	seq.s32 s5, $0x0;
	s5 =	sld [smem:$0x3FB3]  }
0x2b: {  	s6 =	sld [smem:$0x3FB4]  }
0x2c: {  	s7 =	sld [smem:$0x3FB5]  }
0x2d: {  	s3 =	simm.s32 $0x108;
	s8 =	sld [smem:$0x3FB6]  }
0x2e: {  	s3 =	simm.s32 @!p0 $0x1082;
	s9 =	sld [smem:$0x3FB7]  }
0x2f: {  	lr =	sadd.s32 s0, s3;
	s0 =	sld [smem:$0x3FAE]  }
0x30: {  	s3 =	sld [smem:$0x3FB1]  }
0x31: {  	[smem:$0x3FBA] =	sst s10  }
0x32: {  	s10 =	sld [smem:$0x3FB8];
	_ =	sdelay $0x3  }
0x33: {  	p0 =	seq.s32 s10, $0x1;
	s10 =	sld [smem:$0x3FBA];
	_ =	sdelay $0x3  }
0x34: {  	[smem:$0x3FBA] =	sst s10  }
0x35: {  	s10 =	sld [smem:$0x3FB9];
	_ =	sdelay $0x3  }
0x36: {  	p1 =	seq.s32 s10, $0x1;
	s10 =	sld [smem:$0x3FBA];
	_ =	sdelay $0x3  }
0x37: {  	[smem:$0x3FBA] =	sst s10  }
0x38: {  	s10 =	sld [smem:$0x3FBB]  }
0x39: {  	_ = 	snop;
	(pc) =	sbr.ind lr, $3  }
0x3a: {  	_ = 	snop  }
0x3b: {  	_ = 	snop  }
0x3c: {  	p2 =	seq.s32 s10, $0x1;
	s10 =	sld [smem:$0x3FBA]  }
0x3d: {  	_ =	shalt  }
0x3e: {  	_ =	shalt  }
0x3f: {  	_ =	shalt  }
0x40: {  	_ =	shalt  }
0x41: {  	_ =	shalt  }
0x42: {  	_ =	shalt  }
0x43: {  	_ =	shalt  }
0x44: {  	_ =	shalt  }
0x45: {  	_ =	shalt  }
0x46: {  	_ =	shalt  }
0x47: {  	_ =	shalt  }
0x48: {  	_ =	shalt  }
0x49: {  	_ =	shalt  }
0x4a: {  	_ =	shalt  }
0x4b: {  	_ =	shalt  }
0x4c: {  	_ =	shalt  }
0x4d: {  	_ =	shalt  }
0x4e: {  	_ =	shalt  }
0x4f: {  	_ =	shalt  }
0x50: {  	_ =	shalt  }
0x51: {  	_ =	shalt  }
0x52: {  	_ =	shalt  }
0x53: {  	_ =	shalt  }
0x54: {  	_ =	shalt  }
0x55: {  	_ =	shalt  }
0x56: {  	_ =	shalt  }
0x57: {  	_ =	shalt  }
0x58: {  	_ =	shalt  }
0x59: {  	_ =	shalt  }
0x5a: {  	_ =	shalt  }
0x5b: {  	_ =	shalt  }
0x5c: {  	_ =	shalt  }
0x5d: {  	_ =	shalt  }
0x5e: {  	_ =	shalt  }
0x5f: {  	_ =	shalt  }
0x60: {  	_ =	shalt  }
0x61: {  	_ =	shalt  }
0x62: {  	_ =	shalt  }
0x63: {  	_ =	shalt  }
0x64: {  	_ =	shalt  }
0x65: {  	_ =	shalt  }
0x66: {  	_ =	shalt  }
0x67: {  	_ =	shalt  }
0x68: {  	_ =	shalt  }
0x69: {  	_ =	shalt  }
0x6a: {  	_ =	shalt  }
0x6b: {  	_ =	shalt  }
0x6c: {  	_ =	shalt  }
0x6d: {  	_ =	shalt  }
0x6e: {  	_ =	shalt  }
0x6f: {  	_ =	shalt  }
0x70: {  	_ =	shalt  }
0x71: {  	_ =	shalt  }
0x72: {  	_ =	shalt  }
0x73: {  	_ =	shalt  }
0x74: {  	_ =	shalt  }
0x75: {  	_ =	shalt  }
0x76: {  	_ =	shalt  }
0x77: {  	_ =	shalt  }
0x78: {  	_ =	shalt  }
0x79: {  	_ =	shalt  }
0x7a: {  	_ =	shalt  }
0x7b: {  	_ =	shalt  }
0x7c: {  	_ =	shalt  }
0x7d: {  	_ =	shalt  }
0x7e: {  	_ =	shalt  }
0x7f: {  	_ =	shalt  }
0x80: {  	_ =	shalt  }
0x81: {  	_ =	shalt  }
0x82: {  	_ =	shalt  }
0x83: {  	_ =	shalt  }
0x84: {  	_ =	shalt  }
0x85: {  	_ =	shalt  }
0x86: {  	_ =	shalt  }
0x87: {  	_ =	shalt  }
.Lfunc_end0:
.L_simem_size_0:
called_computation_lowered:
.L_overlay_start_0:
0x88: {  	s2 =	sld [smem:$0x3FD9]  }
0x89: {  	s3 =	sld [smem:$0x3FFE];
	_ =	sdelay $0x1  }
0x8a: {  	s1 =	srdreg.scid  }
0x8b: {  	s0 =	sand.u32 $0x1, s1  }
0x8c: {  	s17 =	sshll.u32 s0, $0xA;
	s2 =	sadd.s32 s3, s2  }
0x8d: {  	s2 =	sadd.s32 s2, s17  }
0x8e: {  	[smem:$0x3FC6] =	sst s2  }
0x8f: {  	_ = 	snop  }
0x90: {  	s2 =	sld [smem:$0x3FD0];
	(tm) =	ssettm $0x1  }
0x91: {  	s18 =	sld [smem:$0x3FFB];
	_ =	sdelay $0x3  }
0x92: {  	_ =	strace s18  }
0x93: {  	s3 =	sld [smem:$0x3FFC];
	_ =	sdelay $0x3  }
0x94: {  	_ =	strace s3  }
0x95: {  	s3 =	sld [smem:$0x3FFD];
	_ =	sdelay $0x3  }
0x96: {  	_ =	strace s3  }
0x97: {  	_ =	strace $0x8FFFFFFF  }
0x98: {  	s19 =	sld [smem:$0x3FDB];
	_ =	sdelay $0x1  }
0x99: {  	s4 =	simm.s32 $_scs_section_size  }
0x9a: {  	s5 =	simm.s32 $_size__tile_overlayer_lowered;
	s6 =	simm.s32 $_tile_overlayer_lowered  }
0x9b: {  	s22 =	simm.s32 $0x1BFF;
	s21 =	sshll.u32 s6, $0x1;
	s3 =	sadd.s32 s4, s19  }
0x9c: {  	s7 =	simm.s32 $0x0;
	s20 =	sshll.u32 s5, $0x1;
	s5 =	sadd.s32 s21, s3  }
0x9d: {  	[timem:s7], [sflag:s22] =	dma.local [hbm:s5], s20  }
0x9e: {  	_ =	swait.ge [sflag:s22], s20  }
0x9f: {  	s4 =	ssub.s32 $0x0, s20;
	[sflag:s22] =	ssyncset.done $0x0  }
0xa0: {  	[sflag:s22] =	ssyncadd.s32 s4;
	_ =	sdelay $0x1  }
0xa1: {  	s23 =	simm.s32 $0x1B8B  }
0xa2: {  	_ =	swait.ge [sflag:s23], $0x1  }
0xa3: {  	[sflag:s23] =	ssyncset.done $0x0  }
0xa4: {  	s25 =	simm.s32 $0x1B8E;
	s24 =	sld [smem:$0x3FFE];
	[sflag:s23] =	ssyncadd.s32 $0xFFFFFFFF  }
0xa5: {  	s26 =	simm.s32 $execute0_lowered;
	[smem:$0x3FD2] =	sst s25  }
0xa6: {  	s5 =	sshll.u32 s26, $0x1;
	_ =	strace $0x80000046;
	[dreg:$0x1] =	wrdreg $0xFFFFFFFF  }
0xa7: {  	s28 =	simm.s32 $_size_execute0_lowered;
	s3 =	sadd.s32 s3, s5;
	[dreg:$0x0] =	wrdreg $0x0  }
0xa8: {  	s5 =	sshll.u32 s28, $0x1;
	[dreg:$0x2] =	wrdreg s3  }
0xa9: {  	[dreg:$0x3] =	wrdreg s5  }
0xaa: {  	[dreg:$0x4] =	wrdreg $0xC0  }
0xab: {  	_ =	task [dreg:s7], $0x5FFFF  }
0xac: {  	[dreg:$0x1] =	wrdreg $0xFFFFFFFF  }
0xad: {  	[dreg:$0x0] =	wrdreg $0x60  }
0xae: {  	[dreg:$0x2] =	wrdreg s24  }
0xaf: {  	[dreg:$0x3] =	wrdreg s2  }
0xb0: {  	[dreg:$0x4] =	wrdreg $0x9  }
0xb1: {  	_ =	task.clear_ibuf [dreg:s7], $0x5FFFF;
	_ =	strace $0x90000046  }
0xb2: {  	s29 =	simm.s32 $0x9;
	_ =	strace $0x80000048  }
0xb3: {  	_ =	swait.ge [sflag:s29], $0x1  }
0xb4: {  	[sflag:s29] =	ssyncadd.s32 $0xFFFFFFFF  }
0xb5: {  	_ =	strace $0x90000048  }
0xb6: {  	_ =	sfence  }
0xb7: {  	s30 =	sld [smem:$0x0];
	_ =	sdelay $0x2  }
0xb8: {  	s31 =	sshll.u32 s1, $0xD;
	s1 =	sshrl.u32 s1, $0x2  }
0xb9: {  	s3 =	sand.u32 $0x4000, s31;
	s1 =	sadd.s32 s1, s30  }
0xba: {  	s0 =	sor.u32 s3, s0;
	s1 =	sshll.u32 s1, $0x11  }
0xbb: {  	s0 =	sor.u32 s1, s0  }
0xbc: {  	s0 =	sadd.s32 $0x8F2B, s0  }
0xbd: {  	[sflag:s0] =	ssyncadd.remote.s32 $0x1  }
0xbe: {  	_ =	sfence.sel $0xFFFF  }
0xbf: {  	[dreg:$0x0] =	wrdreg $0xFFFFFFFF;
	(pc) =	sbr.abs _section_cstart, $3  }
0xc0: {  	[dreg:$0x1] =	wrdreg $0xFFFFFFFF  }
0xc1: {  	_ =	task.clear_ibuf [dreg:s7], $0x2FFFF;
	_ =	strace $0x9FFFFFFF  }
0xc2: {  	(tm) =	ssettm $0x7FFFFFFF  }
0xc3: {  	_ =	shalt  }
tec
execute0_lowered:
.L_overlay_start_1:
0x0: {  	(tag) =	ssettag $0x1  }
0x1: {  	s4 =	rddreg [dreg:$0x0]  }
0x2: {  	s5 =	rddreg [dreg:$0x1]  }
0x3: {  	s0 =	rddreg [dreg:$0x2]  }
0x4: {  	s2 =	simm.s32 $0x0;
	s3 =	srdreg.scid;
	s1 =	stileid.u32  }
0x5: {  	v0 =	vlaneseq.u32;
	s11 =	simm.s32 $0x12000;
	s12 =	simm.s32 $0x16000;
	s13 =	simm.s32 $0x1  }
0x6: {  	s14 =	simm.s32 $0x1A000;
	s15 =	simm.s32 $0x2;
	s16 =	simm.s32 $0x1A800;
	v1 =	vand.u32 $0x7, v0;
	v0 =	vmul.u32 $0x10, v0  }
0x7: {  	s17 =	simm.s32 $0x0;
	[smem:$0x7FF] =	sst s2;
	s6 =	sand.u32 $0x1, s3  }
0x8: {  	s30 =	sshll.u32 s1, $0x1;
	s3 =	sadd.s32 $0xC00, s4;
	_ =	strace $0x80000047;
	v17 =	vmul.u32 $0x10, v1;
	v2 =	vor.u32 $0x1, v0;
	v3 =	vor.u32 $0x2, v0  }
.Ltmp0:
0x9: {  	s7 =	sor.u32 s6, s30;
	s6 =	ssub.s32 $0x2, s6;
	v4 =	vor.u32 $0x3, v0;
	v5 =	vor.u32 $0x4, v0;
	v6 =	vor.u32 $0x5, v0;
	(pc) =	sbr.rel .LBB2_1-.Ltmp0, $4  }
0xa: {  	s8 =	sshll.u32 s7, $0xA;
	s31 =	sshrl.u32 s6, $0x1;
	s7 =	sshll.u32 s7, $0xD;
	v7 =	vor.u32 $0x6, v0;
	v8 =	vor.u32 $0x7, v0;
	v9 =	vor.u32 $0x8, v0  }
0xb: {  	v10 =	vor.u32 $0x9, v0;
	v11 =	vor.u32 $0xA, v0;
	v12 =	vor.u32 $0xB, v0;
	s9 =	sadd.s32 s8, s4;
	s10 =	ssub.s32 s6, s31;
	s4 =	sadd.s32 s5, s8  }
0xc: {  	v13 =	vor.u32 $0xC, v0;
	v14 =	vor.u32 $0xD, v0;
	v15 =	vor.u32 $0xE, v0;
	s5 =	sadd.s32 s3, s7;
	s8 =	simm.s32 $0x3;
	s6 =	sadd.s32 $0x40C00, s9  }
0xd: {  	v16 =	vor.u32 $0xF, v0;
	v1 =	vor.u32 $0xFFFFFE80, v17;
	v17 =	vor.u32 $0xFFFFFF80, v17;
	s7 =	smax.u32 s10, $0x1;
	s9 =	simm.s32 $0x2000;
	s10 =	simm.s32 $0x80  }
.LBB2_8:
0xe: {  	s17 =	sadd.s32 $0x1, s17  }
0xf: {  	p0 =	sne.s32 s17, s7  }
.Ltmp1:
0x10: {  	_ = 	snop;
	(pc) =	sbr.rel @!p0 .LBB2_9-.Ltmp1, $4  }
0x11: {  	[hbm4b:s6+s2] =	stream.linear.scatter [tilespmem:s16], [sflag:$0x3], $0x2000, $0x38;
	[tilespmem:$0x1C800] =	vst v63  }
0x12: {  	_ =	swait.ge [sflag:s8], $0x2000  }
0x13: {  	[sflag:s8] =	ssyncset.done $0x0  }
0x14: {  	[sflag:s8] =	ssyncadd.s32 $0xFFFFE000  }
.LBB2_1:
0x15: {  	[tilespmem:s2], [sflag:$0x3] =	stream.linear.gather [hbm4b:s4+s2], $0x2000, $0x38;
	[tilespmem:$0x1C800] =	vst v63  }
0x16: {  	_ =	swait.ge [sflag:s8], $0x2000  }
0x17: {  	[sflag:s8] =	ssyncset.done $0x0  }
0x18: {  	[sflag:s8] =	ssyncadd.s32 $0xFFFFE000  }
0x19: {  	[tilespmem:s9], [sflag:$0x3] =	stream.linear.gather [hbm4b:s5+s2], $0x10000, $0x38;
	[tilespmem:$0x1C800] =	vst v63  }
0x1a: {  	_ =	swait.ge [sflag:s8], $0x10000  }
0x1b: {  	[sflag:s8] =	ssyncset.done $0x0  }
0x1c: {  	[sflag:s8] =	ssyncadd.s32 $0xFFFF0000  }
0x1d: {  	[tilespmem:s11], [sflag:$0x1] =	stream.indirect.gather [hbm4b:s3+s10], $0x80, s2, s10, $0xb8;
	[tilespmem:$0x1C800] =	vst v63  }
0x1e: {  	s18 =	simm.s32 $0x0  }
0x1f: {  	[tilespmem:s12], [sflag:$0x2] =	stream.indirect.gather [hbm4b:s3+s10], $0x80, s10, s10, $0xb8;
	[tilespmem:$0x1C800] =	vst v63  }
.LBB2_2:
0x20: {  	_ =	swait.ge [sflag:s13], $0x4000  }
0x21: {  	[sflag:s13] =	ssyncset.done $0x0  }
0x22: {  	s20 =	sshll.u32 s18, $0x4;
	s19 =	simm.s32 $0x0;
	[sflag:s13] =	ssyncadd.s32 $0xFFFFC000  }
.LBB2_3:
0x23: {  	s23 =	sshll.u32 s19, $0xB  }
0x24: {  	s26 =	sand.u32 $0x3FFFF800, s23  }
0x25: {  	v18 =	vld [tilespmem:s26+$0x12000]  }
0x26: {  	v19 =	vld [tilespmem:s26+$0x12010]  }
0x27: {  	v20 =	vld [tilespmem:s26+$0x12020]  }
0x28: {  	v21 =	vld [tilespmem:s26+$0x12030]  }
0x29: {  	v22 =	vld [tilespmem:s26+$0x12040]  }
0x2a: {  	s21 =	sor.u32 s20, s19;
	v23 =	vld [tilespmem:s26+$0x12050]  }
0x2b: {  	s22 =	sshll.u32 s21, $0x7;
	v24 =	vld [tilespmem:s26+$0x12060]  }
0x2c: {  	s22 =	sand.u32 $0x3FFFFF80, s22;
	v25 =	vld [tilespmem:s26+$0x12070]  }
0x2d: {  	v33 =	vld [tilespmem:s22+$0x2000]  }
0x2e: {  	v31 =	vld [tilespmem:s22+$0x2010]  }
0x2f: {  	v32 =	vld [tilespmem:s22+$0x2020]  }
0x30: {  	v29 =	vld [tilespmem:s22+$0x2030]  }
0x31: {  	v30 =	vld [tilespmem:s22+$0x2040]  }
0x32: {  	v28 =	vld [tilespmem:s22+$0x2050]  }
0x33: {  	v27 =	vld [tilespmem:s22+$0x2060]  }
0x34: {  	v26 =	vld [tilespmem:s22+$0x2070]  }
0x35: {  	v18 =	vsub.f32 v18, v33;
	v19 =	vsub.f32 v19, v31  }
0x36: {  	v20 =	vsub.f32 v20, v32;
	v21 =	vsub.f32 v21, v29  }
0x37: {  	v22 =	vsub.f32 v22, v30;
	v23 =	vsub.f32 v23, v28  }
0x38: {  	v24 =	vsub.f32 v24, v27;
	v18 =	vmul.f32 v18, v18;
	v19 =	vmul.f32 v19, v19  }
0x39: {  	v25 =	vsub.f32 v25, v26;
	v20 =	vmul.f32 v20, v20;
	v21 =	vmul.f32 v21, v21  }
0x3a: {  	v22 =	vmul.f32 v22, v22;
	v23 =	vmul.f32 v23, v23  }
0x3b: {  	v24 =	vmul.f32 v24, v24;
	v25 =	vmul.f32 v25, v25  }
0x3c: {  	v18 =	vadd.f32 v19, v18;
	v19 =	vadd.f32 v21, v20  }
0x3d: {  	v35 =	vadd.f32 v23, v22;
	v36 =	vadd.f32 v25, v24;
	_ =	sdelay $0x1  }
0x3e: {  	v18 =	vadd.f32 v19, v18;
	v19 =	vadd.f32 v36, v35;
	_ =	sdelay $0x1  }
0x3f: {  	v18 =	vadd.f32 v19, v18  }
0x40: {  	s30 =	sshll.u32 s19, $0x8  }
0x41: {  	[tilespmem:s30+$0x1A000] =	vst v18  }
0x42: {  	v18 =	vld [tilespmem:s26+$0x12080]  }
0x43: {  	v19 =	vld [tilespmem:s26+$0x12090]  }
0x44: {  	v37 =	vld [tilespmem:s26+$0x120A0]  }
0x45: {  	v38 =	vld [tilespmem:s26+$0x120B0]  }
0x46: {  	v39 =	vld [tilespmem:s26+$0x120C0]  }
0x47: {  	v40 =	vld [tilespmem:s26+$0x120D0]  }
0x48: {  	v41 =	vld [tilespmem:s26+$0x120E0]  }
0x49: {  	v42 =	vld [tilespmem:s26+$0x120F0]  }
0x4a: {  	v18 =	vsub.f32 v18, v33;
	v19 =	vsub.f32 v19, v31  }
0x4b: {  	v20 =	vsub.f32 v37, v32;
	v21 =	vsub.f32 v38, v29  }
0x4c: {  	v22 =	vsub.f32 v39, v30;
	v23 =	vsub.f32 v40, v28  }
0x4d: {  	v24 =	vsub.f32 v41, v27;
	v18 =	vmul.f32 v18, v18;
	v19 =	vmul.f32 v19, v19  }
0x4e: {  	v25 =	vsub.f32 v42, v26;
	v20 =	vmul.f32 v20, v20;
	v21 =	vmul.f32 v21, v21  }
0x4f: {  	v22 =	vmul.f32 v22, v22;
	v23 =	vmul.f32 v23, v23  }
0x50: {  	s24 =	sor.u32 $0x1, s19;
	v24 =	vmul.f32 v24, v24;
	v25 =	vmul.f32 v25, v25  }
0x51: {  	s28 =	sshll.u32 s24, $0xB;
	v18 =	vadd.f32 v19, v18;
	v19 =	vadd.f32 v21, v20  }
0x52: {  	s29 =	sand.u32 $0x3FFFF800, s28;
	v43 =	vadd.f32 v23, v22;
	v44 =	vadd.f32 v25, v24  }
0x53: {  	v47 =	vld [tilespmem:s29+$0x12040]  }
0x54: {  	v49 =	vld [tilespmem:s29+$0x12050];
	v18 =	vadd.f32 v19, v18;
	v19 =	vadd.f32 v44, v43  }
0x55: {  	s31 =	sor.u32 s20, s24;
	v50 =	vld [tilespmem:s29+$0x12060]  }
0x56: {  	s25 =	sshll.u32 s31, $0x7;
	v51 =	vld [tilespmem:s29+$0x12070];
	v18 =	vadd.f32 v19, v18  }
0x57: {  	s25 =	sand.u32 $0x3FFFFF80, s25;
	v42 =	vld [tilespmem:s29+$0x12000]  }
0x58: {  	v24 =	vld [tilespmem:s25+$0x2000];
	[tilespmem:s30+$0x1A010] =	vst v18  }
0x59: {  	v19 =	vld [tilespmem:s26+$0x12100]  }
0x5a: {  	v45 =	vld [tilespmem:s26+$0x12110]  }
0x5b: {  	v46 =	vld [tilespmem:s26+$0x12120]  }
0x5c: {  	v34 =	vld [tilespmem:s26+$0x12130]  }
0x5d: {  	v35 =	vld [tilespmem:s26+$0x12140]  }
0x5e: {  	v36 =	vld [tilespmem:s26+$0x12150]  }
0x5f: {  	v37 =	vld [tilespmem:s26+$0x12160]  }
0x60: {  	v38 =	vld [tilespmem:s26+$0x12170]  }
0x61: {  	v25 =	vld [tilespmem:s25+$0x2010];
	v39 =	vsub.f32 v19, v33;
	v40 =	vsub.f32 v45, v31  }
0x62: {  	v21 =	vld [tilespmem:s25+$0x2020];
	v41 =	vsub.f32 v46, v32;
	v34 =	vsub.f32 v34, v29  }
0x63: {  	v22 =	vld [tilespmem:s25+$0x2030];
	v35 =	vsub.f32 v35, v30;
	v36 =	vsub.f32 v36, v28  }
0x64: {  	v20 =	vld [tilespmem:s25+$0x2060];
	v37 =	vsub.f32 v37, v27;
	v39 =	vmul.f32 v39, v39;
	v40 =	vmul.f32 v40, v40  }
0x65: {  	v44 =	vld [tilespmem:s29+$0x12020];
	v38 =	vsub.f32 v38, v26;
	v41 =	vmul.f32 v41, v41;
	v34 =	vmul.f32 v34, v34  }
0x66: {  	v43 =	vld [tilespmem:s29+$0x12010];
	v35 =	vmul.f32 v35, v35;
	v36 =	vmul.f32 v36, v36  }
0x67: {  	v18 =	vld [tilespmem:s25+$0x2040];
	v37 =	vmul.f32 v37, v37;
	v38 =	vmul.f32 v38, v38  }
0x68: {  	v23 =	vld [tilespmem:s25+$0x2070];
	v39 =	vadd.f32 v40, v39;
	v34 =	vadd.f32 v34, v41  }
0x69: {  	v45 =	vld [tilespmem:s29+$0x12030];
	v35 =	vadd.f32 v36, v35;
	v48 =	vadd.f32 v38, v37  }
0x6a: {  	v52 =	vsub.f32 v42, v24;
	v54 =	vsub.f32 v44, v21;
	v19 =	vld [tilespmem:s25+$0x2050]  }
0x6b: {  	v34 =	vadd.f32 v34, v39;
	v35 =	vadd.f32 v48, v35  }
0x6c: {  	v53 =	vsub.f32 v43, v25;
	v57 =	vsub.f32 v47, v18  }
0x6d: {  	v56 =	vmul.f32 v54, v54;
	v38 =	vsub.f32 v50, v20;
	v34 =	vadd.f32 v35, v34  }
0x6e: {  	v41 =	vmul.f32 v53, v53;
	v36 =	vsub.f32 v51, v23;
	v55 =	vsub.f32 v45, v22  }
0x6f: {  	v37 =	vsub.f32 v49, v19;
	v39 =	vmul.f32 v52, v52;
	v38 =	vmul.f32 v38, v38;
	[tilespmem:s30+$0x1A020] =	vst v34  }
0x70: {  	v36 =	vmul.f32 v36, v36;
	v42 =	vmul.f32 v55, v55;
	v58 =	vld [tilespmem:s26+$0x12180]  }
0x71: {  	v37 =	vmul.f32 v37, v37;
	v35 =	vmul.f32 v57, v57;
	v59 =	vld [tilespmem:s26+$0x12190]  }
0x72: {  	v39 =	vadd.f32 v41, v39;
	v36 =	vadd.f32 v36, v38;
	v60 =	vld [tilespmem:s26+$0x121A0]  }
0x73: {  	v34 =	vadd.f32 v42, v56;
	v35 =	vadd.f32 v37, v35;
	v61 =	vld [tilespmem:s26+$0x121B0]  }
0x74: {  	v62 =	vld [tilespmem:s26+$0x121C0]  }
0x75: {  	v63 =	vld [tilespmem:s26+$0x121D0];
	v34 =	vadd.f32 v34, v39;
	v35 =	vadd.f32 v36, v35  }
0x76: {  	v46 =	vld [tilespmem:s26+$0x121E0]  }
0x77: {  	v48 =	vld [tilespmem:s26+$0x121F0];
	v34 =	vadd.f32 v35, v34  }
0x78: {  	v47 =	vsub.f32 v58, v33;
	v49 =	vsub.f32 v59, v31  }
0x79: {  	s24 =	sshll.u32 s24, $0x8;
	v50 =	vsub.f32 v60, v32;
	v51 =	vsub.f32 v61, v29  }
0x7a: {  	[tilespmem:s24+$0x1A000] =	vst v34;
	v53 =	vsub.f32 v62, v30;
	v37 =	vsub.f32 v63, v28  }
0x7b: {  	v38 =	vsub.f32 v46, v27;
	v54 =	vld [tilespmem:s29+$0x12080];
	v36 =	vmul.f32 v47, v47;
	v40 =	vmul.f32 v49, v49  }
0x7c: {  	v39 =	vsub.f32 v48, v26;
	v55 =	vld [tilespmem:s29+$0x12090];
	v52 =	vmul.f32 v50, v50;
	v42 =	vmul.f32 v51, v51  }
0x7d: {  	v56 =	vld [tilespmem:s29+$0x120A0];
	v35 =	vmul.f32 v53, v53;
	v37 =	vmul.f32 v37, v37  }
0x7e: {  	v57 =	vld [tilespmem:s29+$0x120B0];
	v38 =	vmul.f32 v38, v38;
	v39 =	vmul.f32 v39, v39  }
0x7f: {  	v58 =	vld [tilespmem:s29+$0x120C0];
	v36 =	vadd.f32 v40, v36;
	v34 =	vadd.f32 v42, v52  }
0x80: {  	v60 =	vld [tilespmem:s29+$0x120D0];
	v35 =	vadd.f32 v37, v35;
	v59 =	vadd.f32 v39, v38  }
0x81: {  	v61 =	vld [tilespmem:s29+$0x120E0];
	v34 =	vadd.f32 v34, v36  }
0x82: {  	v62 =	vld [tilespmem:s29+$0x120F0];
	v35 =	vadd.f32 v59, v35;
	v63 =	vsub.f32 v54, v24  }
0x83: {  	v46 =	vsub.f32 v55, v25;
	v47 =	vsub.f32 v56, v21  }
0x84: {  	v48 =	vsub.f32 v57, v22;
	v50 =	vsub.f32 v58, v18  }
0x85: {  	v38 =	vsub.f32 v60, v19;
	v34 =	vadd.f32 v35, v34  }
0x86: {  	v39 =	vsub.f32 v61, v20;
	v37 =	vmul.f32 v63, v63;
	v41 =	vmul.f32 v46, v46  }
0x87: {  	v36 =	vsub.f32 v62, v23;
	v49 =	vmul.f32 v47, v47;
	v42 =	vmul.f32 v48, v48;
	[tilespmem:s30+$0x1A030] =	vst v34  }
0x88: {  	v35 =	vmul.f32 v50, v50;
	v38 =	vmul.f32 v38, v38;
	v51 =	vld [tilespmem:s26+$0x12200]  }
0x89: {  	v39 =	vmul.f32 v39, v39;
	v36 =	vmul.f32 v36, v36;
	v52 =	vld [tilespmem:s26+$0x12210]  }
0x8a: {  	v37 =	vadd.f32 v41, v37;
	v34 =	vadd.f32 v42, v49;
	v53 =	vld [tilespmem:s26+$0x12220]  }
0x8b: {  	v35 =	vadd.f32 v38, v35;
	v36 =	vadd.f32 v36, v39;
	v54 =	vld [tilespmem:s26+$0x12230]  }
0x8c: {  	v55 =	vld [tilespmem:s26+$0x12240]  }
0x8d: {  	v56 =	vld [tilespmem:s26+$0x12250];
	v34 =	vadd.f32 v34, v37;
	v35 =	vadd.f32 v36, v35  }
0x8e: {  	v57 =	vld [tilespmem:s26+$0x12260]  }
0x8f: {  	v59 =	vld [tilespmem:s26+$0x12270];
	v34 =	vadd.f32 v35, v34  }
0x90: {  	v58 =	vsub.f32 v51, v33;
	v60 =	vsub.f32 v52, v31  }
0x91: {  	v61 =	vsub.f32 v53, v32;
	v62 =	vsub.f32 v54, v29  }
0x92: {  	[tilespmem:s24+$0x1A010] =	vst v34;
	v48 =	vsub.f32 v55, v30;
	v38 =	vsub.f32 v56, v28  }
0x93: {  	v39 =	vsub.f32 v57, v27;
	v49 =	vld [tilespmem:s29+$0x12100];
	v36 =	vmul.f32 v58, v58;
	v40 =	vmul.f32 v60, v60  }
0x94: {  	v37 =	vsub.f32 v59, v26;
	v50 =	vld [tilespmem:s29+$0x12110];
	v63 =	vmul.f32 v61, v61;
	v42 =	vmul.f32 v62, v62  }
0x95: {  	v51 =	vld [tilespmem:s29+$0x12120];
	v35 =	vmul.f32 v48, v48;
	v38 =	vmul.f32 v38, v38  }
0x96: {  	v52 =	vld [tilespmem:s29+$0x12130];
	v39 =	vmul.f32 v39, v39;
	v37 =	vmul.f32 v37, v37  }
0x97: {  	v53 =	vld [tilespmem:s29+$0x12140];
	v36 =	vadd.f32 v40, v36;
	v34 =	vadd.f32 v42, v63  }
0x98: {  	v54 =	vld [tilespmem:s29+$0x12150];
	v35 =	vadd.f32 v38, v35;
	v37 =	vadd.f32 v37, v39  }
0x99: {  	v55 =	vld [tilespmem:s29+$0x12160];
	v34 =	vadd.f32 v34, v36  }
0x9a: {  	v56 =	vld [tilespmem:s29+$0x12170];
	v35 =	vadd.f32 v37, v35;
	v57 =	vsub.f32 v49, v24  }
0x9b: {  	v58 =	vsub.f32 v50, v25;
	v59 =	vsub.f32 v51, v21  }
0x9c: {  	v60 =	vsub.f32 v52, v22;
	v62 =	vsub.f32 v53, v18  }
0x9d: {  	v38 =	vsub.f32 v54, v19;
	v34 =	vadd.f32 v35, v34  }
0x9e: {  	v39 =	vsub.f32 v55, v20;
	v37 =	vmul.f32 v57, v57;
	v41 =	vmul.f32 v58, v58  }
0x9f: {  	v36 =	vsub.f32 v56, v23;
	v61 =	vmul.f32 v59, v59;
	v42 =	vmul.f32 v60, v60;
	[tilespmem:s30+$0x1A040] =	vst v34  }
0xa0: {  	v35 =	vmul.f32 v62, v62;
	v38 =	vmul.f32 v38, v38;
	v63 =	vld [tilespmem:s26+$0x12280]  }
0xa1: {  	v39 =	vmul.f32 v39, v39;
	v36 =	vmul.f32 v36, v36;
	v48 =	vld [tilespmem:s26+$0x12290]  }
0xa2: {  	v37 =	vadd.f32 v41, v37;
	v34 =	vadd.f32 v42, v61;
	v49 =	vld [tilespmem:s26+$0x122A0]  }
0xa3: {  	v35 =	vadd.f32 v38, v35;
	v36 =	vadd.f32 v36, v39;
	v50 =	vld [tilespmem:s26+$0x122B0]  }
0xa4: {  	v51 =	vld [tilespmem:s26+$0x122C0]  }
0xa5: {  	v52 =	vld [tilespmem:s26+$0x122D0];
	v34 =	vadd.f32 v34, v37;
	v35 =	vadd.f32 v36, v35  }
0xa6: {  	v53 =	vld [tilespmem:s26+$0x122E0]  }
0xa7: {  	v55 =	vld [tilespmem:s26+$0x122F0];
	v34 =	vadd.f32 v35, v34  }
0xa8: {  	v54 =	vsub.f32 v63, v33;
	v56 =	vsub.f32 v48, v31  }
0xa9: {  	v57 =	vsub.f32 v49, v32;
	v58 =	vsub.f32 v50, v29  }
0xaa: {  	[tilespmem:s24+$0x1A020] =	vst v34;
	v60 =	vsub.f32 v51, v30;
	v38 =	vsub.f32 v52, v28  }
0xab: {  	v39 =	vsub.f32 v53, v27;
	v61 =	vld [tilespmem:s29+$0x12180];
	v36 =	vmul.f32 v54, v54;
	v40 =	vmul.f32 v56, v56  }
0xac: {  	v37 =	vsub.f32 v55, v26;
	v62 =	vld [tilespmem:s29+$0x12190];
	v59 =	vmul.f32 v57, v57;
	v42 =	vmul.f32 v58, v58  }
0xad: {  	v63 =	vld [tilespmem:s29+$0x121A0];
	v35 =	vmul.f32 v60, v60;
	v38 =	vmul.f32 v38, v38  }
0xae: {  	v48 =	vld [tilespmem:s29+$0x121B0];
	v39 =	vmul.f32 v39, v39;
	v37 =	vmul.f32 v37, v37  }
0xaf: {  	v49 =	vld [tilespmem:s29+$0x121C0];
	v36 =	vadd.f32 v40, v36;
	v34 =	vadd.f32 v42, v59  }
0xb0: {  	v50 =	vld [tilespmem:s29+$0x121D0];
	v35 =	vadd.f32 v38, v35;
	v37 =	vadd.f32 v37, v39  }
0xb1: {  	v51 =	vld [tilespmem:s29+$0x121E0];
	v34 =	vadd.f32 v34, v36  }
0xb2: {  	v52 =	vld [tilespmem:s29+$0x121F0];
	v35 =	vadd.f32 v37, v35;
	v53 =	vsub.f32 v61, v24  }
0xb3: {  	v54 =	vsub.f32 v62, v25;
	v55 =	vsub.f32 v63, v21  }
0xb4: {  	v56 =	vsub.f32 v48, v22;
	v58 =	vsub.f32 v49, v18  }
0xb5: {  	v38 =	vsub.f32 v50, v19;
	v34 =	vadd.f32 v35, v34  }
0xb6: {  	v39 =	vsub.f32 v51, v20;
	v37 =	vmul.f32 v53, v53;
	v41 =	vmul.f32 v54, v54  }
0xb7: {  	v36 =	vsub.f32 v52, v23;
	v57 =	vmul.f32 v55, v55;
	v42 =	vmul.f32 v56, v56;
	[tilespmem:s30+$0x1A050] =	vst v34  }
0xb8: {  	v35 =	vmul.f32 v58, v58;
	v38 =	vmul.f32 v38, v38;
	v59 =	vld [tilespmem:s26+$0x12300]  }
0xb9: {  	v39 =	vmul.f32 v39, v39;
	v36 =	vmul.f32 v36, v36;
	v60 =	vld [tilespmem:s26+$0x12310]  }
0xba: {  	v37 =	vadd.f32 v41, v37;
	v34 =	vadd.f32 v42, v57;
	v61 =	vld [tilespmem:s26+$0x12320]  }
0xbb: {  	v35 =	vadd.f32 v38, v35;
	v36 =	vadd.f32 v36, v39;
	v62 =	vld [tilespmem:s26+$0x12330]  }
0xbc: {  	v63 =	vld [tilespmem:s26+$0x12340]  }
0xbd: {  	v46 =	vld [tilespmem:s26+$0x12350];
	v34 =	vadd.f32 v34, v37;
	v35 =	vadd.f32 v36, v35  }
0xbe: {  	v47 =	vld [tilespmem:s26+$0x12360]  }
0xbf: {  	v49 =	vld [tilespmem:s26+$0x12370];
	v34 =	vadd.f32 v35, v34  }
0xc0: {  	v48 =	vsub.f32 v59, v33;
	v50 =	vsub.f32 v60, v31  }
0xc1: {  	v51 =	vsub.f32 v61, v32;
	v52 =	vsub.f32 v62, v29  }
0xc2: {  	[tilespmem:s24+$0x1A030] =	vst v34;
	v54 =	vsub.f32 v63, v30;
	v38 =	vsub.f32 v46, v28  }
0xc3: {  	v39 =	vsub.f32 v47, v27;
	v55 =	vld [tilespmem:s29+$0x12200];
	v36 =	vmul.f32 v48, v48;
	v40 =	vmul.f32 v50, v50  }
0xc4: {  	v37 =	vsub.f32 v49, v26;
	v56 =	vld [tilespmem:s29+$0x12210];
	v53 =	vmul.f32 v51, v51;
	v42 =	vmul.f32 v52, v52  }
0xc5: {  	v57 =	vld [tilespmem:s29+$0x12220];
	v35 =	vmul.f32 v54, v54;
	v38 =	vmul.f32 v38, v38  }
0xc6: {  	v58 =	vld [tilespmem:s29+$0x12230];
	v39 =	vmul.f32 v39, v39;
	v37 =	vmul.f32 v37, v37  }
0xc7: {  	v59 =	vld [tilespmem:s29+$0x12240];
	v36 =	vadd.f32 v40, v36;
	v34 =	vadd.f32 v42, v53  }
0xc8: {  	v60 =	vld [tilespmem:s29+$0x12250];
	v35 =	vadd.f32 v38, v35;
	v37 =	vadd.f32 v37, v39  }
0xc9: {  	v61 =	vld [tilespmem:s29+$0x12260];
	v34 =	vadd.f32 v34, v36  }
0xca: {  	v62 =	vld [tilespmem:s29+$0x12270];
	v35 =	vadd.f32 v37, v35;
	v63 =	vsub.f32 v55, v24  }
0xcb: {  	v46 =	vsub.f32 v56, v25;
	v47 =	vsub.f32 v57, v21  }
0xcc: {  	v48 =	vsub.f32 v58, v22;
	v50 =	vsub.f32 v59, v18  }
0xcd: {  	v38 =	vsub.f32 v60, v19;
	v34 =	vadd.f32 v35, v34  }
0xce: {  	v39 =	vsub.f32 v61, v20;
	v37 =	vmul.f32 v63, v63;
	v41 =	vmul.f32 v46, v46  }
0xcf: {  	v36 =	vsub.f32 v62, v23;
	v49 =	vmul.f32 v47, v47;
	v42 =	vmul.f32 v48, v48;
	[tilespmem:s30+$0x1A060] =	vst v34  }
0xd0: {  	v35 =	vmul.f32 v50, v50;
	v38 =	vmul.f32 v38, v38;
	v51 =	vld [tilespmem:s26+$0x12380]  }
0xd1: {  	v39 =	vmul.f32 v39, v39;
	v36 =	vmul.f32 v36, v36;
	v52 =	vld [tilespmem:s26+$0x12390]  }
0xd2: {  	v37 =	vadd.f32 v41, v37;
	v34 =	vadd.f32 v42, v49;
	v53 =	vld [tilespmem:s26+$0x123A0]  }
0xd3: {  	v35 =	vadd.f32 v38, v35;
	v36 =	vadd.f32 v36, v39;
	v54 =	vld [tilespmem:s26+$0x123B0]  }
0xd4: {  	v55 =	vld [tilespmem:s26+$0x123C0]  }
0xd5: {  	v56 =	vld [tilespmem:s26+$0x123D0];
	v34 =	vadd.f32 v34, v37;
	v35 =	vadd.f32 v36, v35  }
0xd6: {  	v57 =	vld [tilespmem:s26+$0x123E0]  }
0xd7: {  	v59 =	vld [tilespmem:s26+$0x123F0];
	v34 =	vadd.f32 v35, v34  }
0xd8: {  	v58 =	vsub.f32 v51, v33;
	v60 =	vsub.f32 v52, v31  }
0xd9: {  	v61 =	vsub.f32 v53, v32;
	v62 =	vsub.f32 v54, v29  }
0xda: {  	[tilespmem:s24+$0x1A040] =	vst v34;
	v48 =	vsub.f32 v55, v30;
	v38 =	vsub.f32 v56, v28  }
0xdb: {  	v39 =	vsub.f32 v57, v27;
	v49 =	vld [tilespmem:s29+$0x12280];
	v36 =	vmul.f32 v58, v58;
	v40 =	vmul.f32 v60, v60  }
0xdc: {  	v37 =	vsub.f32 v59, v26;
	v50 =	vld [tilespmem:s29+$0x12290];
	v63 =	vmul.f32 v61, v61;
	v42 =	vmul.f32 v62, v62  }
0xdd: {  	v51 =	vld [tilespmem:s29+$0x122A0];
	v35 =	vmul.f32 v48, v48;
	v38 =	vmul.f32 v38, v38  }
0xde: {  	v52 =	vld [tilespmem:s29+$0x122B0];
	v39 =	vmul.f32 v39, v39;
	v37 =	vmul.f32 v37, v37  }
0xdf: {  	v53 =	vld [tilespmem:s29+$0x122C0];
	v36 =	vadd.f32 v40, v36;
	v34 =	vadd.f32 v42, v63  }
0xe0: {  	v54 =	vld [tilespmem:s29+$0x122D0];
	v35 =	vadd.f32 v38, v35;
	v37 =	vadd.f32 v37, v39  }
0xe1: {  	v55 =	vld [tilespmem:s29+$0x122E0];
	v34 =	vadd.f32 v34, v36  }
0xe2: {  	v56 =	vld [tilespmem:s29+$0x122F0];
	v35 =	vadd.f32 v37, v35;
	v57 =	vsub.f32 v49, v24  }
0xe3: {  	v58 =	vsub.f32 v50, v25;
	v59 =	vsub.f32 v51, v21  }
0xe4: {  	v60 =	vsub.f32 v52, v22;
	v62 =	vsub.f32 v53, v18  }
0xe5: {  	v38 =	vsub.f32 v54, v19;
	v34 =	vadd.f32 v35, v34  }
0xe6: {  	v39 =	vsub.f32 v55, v20;
	v37 =	vmul.f32 v57, v57;
	v41 =	vmul.f32 v58, v58  }
0xe7: {  	v36 =	vsub.f32 v56, v23;
	v61 =	vmul.f32 v59, v59;
	v42 =	vmul.f32 v60, v60;
	[tilespmem:s30+$0x1A070] =	vst v34  }
0xe8: {  	v35 =	vmul.f32 v62, v62;
	v38 =	vmul.f32 v38, v38;
	v63 =	vld [tilespmem:s26+$0x12400]  }
0xe9: {  	v39 =	vmul.f32 v39, v39;
	v36 =	vmul.f32 v36, v36;
	v48 =	vld [tilespmem:s26+$0x12410]  }
0xea: {  	v37 =	vadd.f32 v41, v37;
	v34 =	vadd.f32 v42, v61;
	v49 =	vld [tilespmem:s26+$0x12420]  }
0xeb: {  	v35 =	vadd.f32 v38, v35;
	v36 =	vadd.f32 v36, v39;
	v50 =	vld [tilespmem:s26+$0x12430]  }
0xec: {  	v51 =	vld [tilespmem:s26+$0x12440]  }
0xed: {  	v52 =	vld [tilespmem:s26+$0x12450];
	v34 =	vadd.f32 v34, v37;
	v35 =	vadd.f32 v36, v35  }
0xee: {  	v53 =	vld [tilespmem:s26+$0x12460]  }
0xef: {  	v55 =	vld [tilespmem:s26+$0x12470];
	v34 =	vadd.f32 v35, v34  }
0xf0: {  	v54 =	vsub.f32 v63, v33;
	v56 =	vsub.f32 v48, v31  }
0xf1: {  	v57 =	vsub.f32 v49, v32;
	v58 =	vsub.f32 v50, v29  }
0xf2: {  	[tilespmem:s24+$0x1A050] =	vst v34;
	v60 =	vsub.f32 v51, v30;
	v38 =	vsub.f32 v52, v28  }
0xf3: {  	v39 =	vsub.f32 v53, v27;
	v61 =	vld [tilespmem:s29+$0x12300];
	v36 =	vmul.f32 v54, v54;
	v40 =	vmul.f32 v56, v56  }
0xf4: {  	v37 =	vsub.f32 v55, v26;
	v62 =	vld [tilespmem:s29+$0x12310];
	v59 =	vmul.f32 v57, v57;
	v42 =	vmul.f32 v58, v58  }
0xf5: {  	v63 =	vld [tilespmem:s29+$0x12320];
	v35 =	vmul.f32 v60, v60;
	v38 =	vmul.f32 v38, v38  }
0xf6: {  	v48 =	vld [tilespmem:s29+$0x12330];
	v39 =	vmul.f32 v39, v39;
	v37 =	vmul.f32 v37, v37  }
0xf7: {  	v49 =	vld [tilespmem:s29+$0x12340];
	v36 =	vadd.f32 v40, v36;
	v34 =	vadd.f32 v42, v59  }
0xf8: {  	v50 =	vld [tilespmem:s29+$0x12350];
	v35 =	vadd.f32 v38, v35;
	v37 =	vadd.f32 v37, v39  }
0xf9: {  	v51 =	vld [tilespmem:s29+$0x12360];
	v34 =	vadd.f32 v34, v36  }
0xfa: {  	v52 =	vld [tilespmem:s29+$0x12370];
	v35 =	vadd.f32 v37, v35;
	v53 =	vsub.f32 v61, v24  }
0xfb: {  	v54 =	vsub.f32 v62, v25;
	v55 =	vsub.f32 v63, v21  }
0xfc: {  	v56 =	vsub.f32 v48, v22;
	v58 =	vsub.f32 v49, v18  }
0xfd: {  	v38 =	vsub.f32 v50, v19;
	v34 =	vadd.f32 v35, v34  }
0xfe: {  	v39 =	vsub.f32 v51, v20;
	v37 =	vmul.f32 v53, v53;
	v41 =	vmul.f32 v54, v54  }
0xff: {  	v36 =	vsub.f32 v52, v23;
	v57 =	vmul.f32 v55, v55;
	v42 =	vmul.f32 v56, v56;
	[tilespmem:s30+$0x1A080] =	vst v34  }
0x100: {  	v35 =	vmul.f32 v58, v58;
	v38 =	vmul.f32 v38, v38;
	v59 =	vld [tilespmem:s26+$0x12480]  }
0x101: {  	v39 =	vmul.f32 v39, v39;
	v36 =	vmul.f32 v36, v36;
	v60 =	vld [tilespmem:s26+$0x12490]  }
0x102: {  	v37 =	vadd.f32 v41, v37;
	v34 =	vadd.f32 v42, v57;
	v61 =	vld [tilespmem:s26+$0x124A0]  }
0x103: {  	v35 =	vadd.f32 v38, v35;
	v36 =	vadd.f32 v36, v39;
	v62 =	vld [tilespmem:s26+$0x124B0]  }
0x104: {  	v63 =	vld [tilespmem:s26+$0x124C0]  }
0x105: {  	v46 =	vld [tilespmem:s26+$0x124D0];
	v34 =	vadd.f32 v34, v37;
	v35 =	vadd.f32 v36, v35  }
0x106: {  	v47 =	vld [tilespmem:s26+$0x124E0]  }
0x107: {  	v49 =	vld [tilespmem:s26+$0x124F0];
	v34 =	vadd.f32 v35, v34  }
0x108: {  	v48 =	vsub.f32 v59, v33;
	v50 =	vsub.f32 v60, v31  }
0x109: {  	v51 =	vsub.f32 v61, v32;
	v52 =	vsub.f32 v62, v29  }
0x10a: {  	[tilespmem:s24+$0x1A060] =	vst v34;
	v54 =	vsub.f32 v63, v30;
	v38 =	vsub.f32 v46, v28  }
0x10b: {  	v39 =	vsub.f32 v47, v27;
	v55 =	vld [tilespmem:s29+$0x12380];
	v36 =	vmul.f32 v48, v48;
	v40 =	vmul.f32 v50, v50  }
0x10c: {  	v37 =	vsub.f32 v49, v26;
	v56 =	vld [tilespmem:s29+$0x12390];
	v53 =	vmul.f32 v51, v51;
	v42 =	vmul.f32 v52, v52  }
0x10d: {  	v57 =	vld [tilespmem:s29+$0x123A0];
	v35 =	vmul.f32 v54, v54;
	v38 =	vmul.f32 v38, v38  }
0x10e: {  	v58 =	vld [tilespmem:s29+$0x123B0];
	v39 =	vmul.f32 v39, v39;
	v37 =	vmul.f32 v37, v37  }
0x10f: {  	v59 =	vld [tilespmem:s29+$0x123C0];
	v36 =	vadd.f32 v40, v36;
	v34 =	vadd.f32 v42, v53  }
0x110: {  	v60 =	vld [tilespmem:s29+$0x123D0];
	v35 =	vadd.f32 v38, v35;
	v37 =	vadd.f32 v37, v39  }
0x111: {  	v61 =	vld [tilespmem:s29+$0x123E0];
	v34 =	vadd.f32 v34, v36  }
0x112: {  	v62 =	vld [tilespmem:s29+$0x123F0];
	v35 =	vadd.f32 v37, v35;
	v63 =	vsub.f32 v55, v24  }
0x113: {  	v46 =	vsub.f32 v56, v25;
	v47 =	vsub.f32 v57, v21  }
0x114: {  	v48 =	vsub.f32 v58, v22;
	v50 =	vsub.f32 v59, v18  }
0x115: {  	v38 =	vsub.f32 v60, v19;
	v34 =	vadd.f32 v35, v34  }
0x116: {  	v39 =	vsub.f32 v61, v20;
	v37 =	vmul.f32 v63, v63;
	v41 =	vmul.f32 v46, v46  }
0x117: {  	v36 =	vsub.f32 v62, v23;
	v49 =	vmul.f32 v47, v47;
	v42 =	vmul.f32 v48, v48;
	[tilespmem:s30+$0x1A090] =	vst v34  }
0x118: {  	v35 =	vmul.f32 v50, v50;
	v38 =	vmul.f32 v38, v38;
	v51 =	vld [tilespmem:s26+$0x12500]  }
0x119: {  	v39 =	vmul.f32 v39, v39;
	v36 =	vmul.f32 v36, v36;
	v52 =	vld [tilespmem:s26+$0x12510]  }
0x11a: {  	v37 =	vadd.f32 v41, v37;
	v34 =	vadd.f32 v42, v49;
	v53 =	vld [tilespmem:s26+$0x12520]  }
0x11b: {  	v35 =	vadd.f32 v38, v35;
	v36 =	vadd.f32 v36, v39;
	v54 =	vld [tilespmem:s26+$0x12530]  }
0x11c: {  	v55 =	vld [tilespmem:s26+$0x12540]  }
0x11d: {  	v56 =	vld [tilespmem:s26+$0x12550];
	v34 =	vadd.f32 v34, v37;
	v35 =	vadd.f32 v36, v35  }
0x11e: {  	v57 =	vld [tilespmem:s26+$0x12560]  }
0x11f: {  	v59 =	vld [tilespmem:s26+$0x12570];
	v34 =	vadd.f32 v35, v34  }
0x120: {  	v58 =	vsub.f32 v51, v33;
	v60 =	vsub.f32 v52, v31  }
0x121: {  	v61 =	vsub.f32 v53, v32;
	v62 =	vsub.f32 v54, v29  }
0x122: {  	[tilespmem:s24+$0x1A070] =	vst v34;
	v48 =	vsub.f32 v55, v30;
	v38 =	vsub.f32 v56, v28  }
0x123: {  	v39 =	vsub.f32 v57, v27;
	v49 =	vld [tilespmem:s29+$0x12400];
	v36 =	vmul.f32 v58, v58;
	v40 =	vmul.f32 v60, v60  }
0x124: {  	v37 =	vsub.f32 v59, v26;
	v50 =	vld [tilespmem:s29+$0x12410];
	v63 =	vmul.f32 v61, v61;
	v42 =	vmul.f32 v62, v62  }
0x125: {  	v51 =	vld [tilespmem:s29+$0x12420];
	v35 =	vmul.f32 v48, v48;
	v38 =	vmul.f32 v38, v38  }
0x126: {  	v52 =	vld [tilespmem:s29+$0x12430];
	v39 =	vmul.f32 v39, v39;
	v37 =	vmul.f32 v37, v37  }
0x127: {  	v53 =	vld [tilespmem:s29+$0x12440];
	v36 =	vadd.f32 v40, v36;
	v34 =	vadd.f32 v42, v63  }
0x128: {  	v54 =	vld [tilespmem:s29+$0x12450];
	v35 =	vadd.f32 v38, v35;
	v37 =	vadd.f32 v37, v39  }
0x129: {  	v55 =	vld [tilespmem:s29+$0x12460];
	v34 =	vadd.f32 v34, v36  }
0x12a: {  	v56 =	vld [tilespmem:s29+$0x12470];
	v35 =	vadd.f32 v37, v35;
	v57 =	vsub.f32 v49, v24  }
0x12b: {  	v58 =	vsub.f32 v50, v25;
	v59 =	vsub.f32 v51, v21  }
0x12c: {  	v60 =	vsub.f32 v52, v22;
	v62 =	vsub.f32 v53, v18  }
0x12d: {  	v38 =	vsub.f32 v54, v19;
	v34 =	vadd.f32 v35, v34  }
0x12e: {  	v39 =	vsub.f32 v55, v20;
	v37 =	vmul.f32 v57, v57;
	v41 =	vmul.f32 v58, v58  }
0x12f: {  	v36 =	vsub.f32 v56, v23;
	v61 =	vmul.f32 v59, v59;
	v42 =	vmul.f32 v60, v60;
	[tilespmem:s30+$0x1A0A0] =	vst v34  }
0x130: {  	v35 =	vmul.f32 v62, v62;
	v38 =	vmul.f32 v38, v38;
	v63 =	vld [tilespmem:s26+$0x12580]  }
0x131: {  	v39 =	vmul.f32 v39, v39;
	v36 =	vmul.f32 v36, v36;
	v48 =	vld [tilespmem:s26+$0x12590]  }
0x132: {  	v37 =	vadd.f32 v41, v37;
	v34 =	vadd.f32 v42, v61;
	v49 =	vld [tilespmem:s26+$0x125A0]  }
0x133: {  	v35 =	vadd.f32 v38, v35;
	v36 =	vadd.f32 v36, v39;
	v50 =	vld [tilespmem:s26+$0x125B0]  }
0x134: {  	v51 =	vld [tilespmem:s26+$0x125C0]  }
0x135: {  	v52 =	vld [tilespmem:s26+$0x125D0];
	v34 =	vadd.f32 v34, v37;
	v35 =	vadd.f32 v36, v35  }
0x136: {  	v53 =	vld [tilespmem:s26+$0x125E0]  }
0x137: {  	v55 =	vld [tilespmem:s26+$0x125F0];
	v34 =	vadd.f32 v35, v34  }
0x138: {  	v54 =	vsub.f32 v63, v33;
	v56 =	vsub.f32 v48, v31  }
0x139: {  	v57 =	vsub.f32 v49, v32;
	v58 =	vsub.f32 v50, v29  }
0x13a: {  	[tilespmem:s24+$0x1A080] =	vst v34;
	v60 =	vsub.f32 v51, v30;
	v38 =	vsub.f32 v52, v28  }
0x13b: {  	v39 =	vsub.f32 v53, v27;
	v61 =	vld [tilespmem:s29+$0x12480];
	v36 =	vmul.f32 v54, v54;
	v40 =	vmul.f32 v56, v56  }
0x13c: {  	v37 =	vsub.f32 v55, v26;
	v62 =	vld [tilespmem:s29+$0x12490];
	v59 =	vmul.f32 v57, v57;
	v42 =	vmul.f32 v58, v58  }
0x13d: {  	v63 =	vld [tilespmem:s29+$0x124A0];
	v35 =	vmul.f32 v60, v60;
	v38 =	vmul.f32 v38, v38  }
0x13e: {  	v48 =	vld [tilespmem:s29+$0x124B0];
	v39 =	vmul.f32 v39, v39;
	v37 =	vmul.f32 v37, v37  }
0x13f: {  	v49 =	vld [tilespmem:s29+$0x124C0];
	v36 =	vadd.f32 v40, v36;
	v34 =	vadd.f32 v42, v59  }
0x140: {  	v50 =	vld [tilespmem:s29+$0x124D0];
	v35 =	vadd.f32 v38, v35;
	v37 =	vadd.f32 v37, v39  }
0x141: {  	v51 =	vld [tilespmem:s29+$0x124E0];
	v34 =	vadd.f32 v34, v36  }
0x142: {  	v52 =	vld [tilespmem:s29+$0x124F0];
	v35 =	vadd.f32 v37, v35;
	v53 =	vsub.f32 v61, v24  }
0x143: {  	v54 =	vsub.f32 v62, v25;
	v55 =	vsub.f32 v63, v21  }
0x144: {  	v56 =	vsub.f32 v48, v22;
	v58 =	vsub.f32 v49, v18  }
0x145: {  	v38 =	vsub.f32 v50, v19;
	v34 =	vadd.f32 v35, v34  }
0x146: {  	v39 =	vsub.f32 v51, v20;
	v37 =	vmul.f32 v53, v53;
	v41 =	vmul.f32 v54, v54  }
0x147: {  	v36 =	vsub.f32 v52, v23;
	v57 =	vmul.f32 v55, v55;
	v42 =	vmul.f32 v56, v56;
	[tilespmem:s30+$0x1A0B0] =	vst v34  }
0x148: {  	v35 =	vmul.f32 v58, v58;
	v38 =	vmul.f32 v38, v38;
	v59 =	vld [tilespmem:s26+$0x12600]  }
0x149: {  	v39 =	vmul.f32 v39, v39;
	v36 =	vmul.f32 v36, v36;
	v60 =	vld [tilespmem:s26+$0x12610]  }
0x14a: {  	v37 =	vadd.f32 v41, v37;
	v34 =	vadd.f32 v42, v57;
	v61 =	vld [tilespmem:s26+$0x12620]  }
0x14b: {  	v35 =	vadd.f32 v38, v35;
	v36 =	vadd.f32 v36, v39;
	v62 =	vld [tilespmem:s26+$0x12630]  }
0x14c: {  	v63 =	vld [tilespmem:s26+$0x12640]  }
0x14d: {  	v46 =	vld [tilespmem:s26+$0x12650];
	v34 =	vadd.f32 v34, v37;
	v35 =	vadd.f32 v36, v35  }
0x14e: {  	v47 =	vld [tilespmem:s26+$0x12660]  }
0x14f: {  	v49 =	vld [tilespmem:s26+$0x12670];
	v34 =	vadd.f32 v35, v34  }
0x150: {  	v48 =	vsub.f32 v59, v33;
	v50 =	vsub.f32 v60, v31  }
0x151: {  	v51 =	vsub.f32 v61, v32;
	v52 =	vsub.f32 v62, v29  }
0x152: {  	[tilespmem:s24+$0x1A090] =	vst v34;
	v54 =	vsub.f32 v63, v30;
	v38 =	vsub.f32 v46, v28  }
0x153: {  	v39 =	vsub.f32 v47, v27;
	v55 =	vld [tilespmem:s29+$0x12500];
	v36 =	vmul.f32 v48, v48;
	v40 =	vmul.f32 v50, v50  }
0x154: {  	v37 =	vsub.f32 v49, v26;
	v56 =	vld [tilespmem:s29+$0x12510];
	v53 =	vmul.f32 v51, v51;
	v42 =	vmul.f32 v52, v52  }
0x155: {  	v57 =	vld [tilespmem:s29+$0x12520];
	v35 =	vmul.f32 v54, v54;
	v38 =	vmul.f32 v38, v38  }
0x156: {  	v58 =	vld [tilespmem:s29+$0x12530];
	v39 =	vmul.f32 v39, v39;
	v37 =	vmul.f32 v37, v37  }
0x157: {  	v59 =	vld [tilespmem:s29+$0x12540];
	v36 =	vadd.f32 v40, v36;
	v34 =	vadd.f32 v42, v53  }
0x158: {  	v60 =	vld [tilespmem:s29+$0x12550];
	v35 =	vadd.f32 v38, v35;
	v37 =	vadd.f32 v37, v39  }
0x159: {  	v61 =	vld [tilespmem:s29+$0x12560];
	v34 =	vadd.f32 v34, v36  }
0x15a: {  	v62 =	vld [tilespmem:s29+$0x12570];
	v35 =	vadd.f32 v37, v35;
	v63 =	vsub.f32 v55, v24  }
0x15b: {  	v46 =	vsub.f32 v56, v25;
	v47 =	vsub.f32 v57, v21  }
0x15c: {  	v48 =	vsub.f32 v58, v22;
	v50 =	vsub.f32 v59, v18  }
0x15d: {  	v38 =	vsub.f32 v60, v19;
	v34 =	vadd.f32 v35, v34  }
0x15e: {  	v39 =	vsub.f32 v61, v20;
	v37 =	vmul.f32 v63, v63;
	v41 =	vmul.f32 v46, v46  }
0x15f: {  	v36 =	vsub.f32 v62, v23;
	v49 =	vmul.f32 v47, v47;
	v42 =	vmul.f32 v48, v48;
	[tilespmem:s30+$0x1A0C0] =	vst v34  }
0x160: {  	v35 =	vmul.f32 v50, v50;
	v38 =	vmul.f32 v38, v38;
	v51 =	vld [tilespmem:s26+$0x12680]  }
0x161: {  	v39 =	vmul.f32 v39, v39;
	v36 =	vmul.f32 v36, v36;
	v52 =	vld [tilespmem:s26+$0x12690]  }
0x162: {  	v37 =	vadd.f32 v41, v37;
	v34 =	vadd.f32 v42, v49;
	v53 =	vld [tilespmem:s26+$0x126A0]  }
0x163: {  	v35 =	vadd.f32 v38, v35;
	v36 =	vadd.f32 v36, v39;
	v54 =	vld [tilespmem:s26+$0x126B0]  }
0x164: {  	v55 =	vld [tilespmem:s26+$0x126C0]  }
0x165: {  	v56 =	vld [tilespmem:s26+$0x126D0];
	v34 =	vadd.f32 v34, v37;
	v35 =	vadd.f32 v36, v35  }
0x166: {  	v57 =	vld [tilespmem:s26+$0x126E0]  }
0x167: {  	v59 =	vld [tilespmem:s26+$0x126F0];
	v34 =	vadd.f32 v35, v34  }
0x168: {  	v58 =	vsub.f32 v51, v33;
	v60 =	vsub.f32 v52, v31  }
0x169: {  	v61 =	vsub.f32 v53, v32;
	v62 =	vsub.f32 v54, v29  }
0x16a: {  	[tilespmem:s24+$0x1A0A0] =	vst v34;
	v47 =	vsub.f32 v55, v30;
	v38 =	vsub.f32 v56, v28  }
0x16b: {  	v39 =	vsub.f32 v57, v27;
	v48 =	vld [tilespmem:s29+$0x12580];
	v36 =	vmul.f32 v58, v58;
	v40 =	vmul.f32 v60, v60  }
0x16c: {  	v37 =	vsub.f32 v59, v26;
	v49 =	vld [tilespmem:s29+$0x12590];
	v63 =	vmul.f32 v61, v61;
	v42 =	vmul.f32 v62, v62  }
0x16d: {  	v50 =	vld [tilespmem:s29+$0x125A0];
	v35 =	vmul.f32 v47, v47;
	v38 =	vmul.f32 v38, v38  }
0x16e: {  	v51 =	vld [tilespmem:s29+$0x125B0];
	v39 =	vmul.f32 v39, v39;
	v37 =	vmul.f32 v37, v37  }
0x16f: {  	v52 =	vld [tilespmem:s29+$0x125C0];
	v36 =	vadd.f32 v40, v36;
	v34 =	vadd.f32 v42, v63  }
0x170: {  	v53 =	vld [tilespmem:s29+$0x125D0];
	v35 =	vadd.f32 v38, v35;
	v37 =	vadd.f32 v37, v39  }
0x171: {  	v54 =	vld [tilespmem:s29+$0x125E0];
	v34 =	vadd.f32 v34, v36  }
0x172: {  	v55 =	vld [tilespmem:s29+$0x125F0];
	v35 =	vadd.f32 v37, v35;
	v56 =	vsub.f32 v48, v24  }
0x173: {  	v57 =	vsub.f32 v49, v25;
	v58 =	vsub.f32 v50, v21  }
0x174: {  	v59 =	vsub.f32 v51, v22;
	v61 =	vsub.f32 v52, v18  }
0x175: {  	v38 =	vsub.f32 v53, v19;
	v34 =	vadd.f32 v35, v34  }
0x176: {  	v39 =	vsub.f32 v54, v20;
	v37 =	vmul.f32 v56, v56;
	v41 =	vmul.f32 v57, v57  }
0x177: {  	v36 =	vsub.f32 v55, v23;
	v60 =	vmul.f32 v58, v58;
	v42 =	vmul.f32 v59, v59;
	[tilespmem:s30+$0x1A0D0] =	vst v34  }
0x178: {  	v35 =	vmul.f32 v61, v61;
	v38 =	vmul.f32 v38, v38;
	v62 =	vld [tilespmem:s26+$0x12700]  }
0x179: {  	v39 =	vmul.f32 v39, v39;
	v36 =	vmul.f32 v36, v36;
	v63 =	vld [tilespmem:s26+$0x12710]  }
0x17a: {  	v37 =	vadd.f32 v41, v37;
	v34 =	vadd.f32 v42, v60;
	v48 =	vld [tilespmem:s26+$0x12720]  }
0x17b: {  	v35 =	vadd.f32 v38, v35;
	v36 =	vadd.f32 v36, v39;
	v49 =	vld [tilespmem:s26+$0x12730]  }
0x17c: {  	v50 =	vld [tilespmem:s26+$0x12740]  }
0x17d: {  	v51 =	vld [tilespmem:s26+$0x12750];
	v34 =	vadd.f32 v34, v37;
	v35 =	vadd.f32 v36, v35  }
0x17e: {  	v52 =	vld [tilespmem:s26+$0x12760]  }
0x17f: {  	v54 =	vld [tilespmem:s26+$0x12770];
	v34 =	vadd.f32 v35, v34  }
0x180: {  	v53 =	vsub.f32 v62, v33;
	v55 =	vsub.f32 v63, v31  }
0x181: {  	v56 =	vsub.f32 v48, v32;
	v57 =	vsub.f32 v49, v29;
	[tilespmem:s24+$0x1A0B0] =	vst v34  }
0x182: {  	v59 =	vsub.f32 v50, v30;
	v38 =	vsub.f32 v51, v28;
	v60 =	vld [tilespmem:s29+$0x12600]  }
0x183: {  	v39 =	vsub.f32 v52, v27;
	v61 =	vld [tilespmem:s29+$0x12610];
	v36 =	vmul.f32 v53, v53;
	v40 =	vmul.f32 v55, v55  }
0x184: {  	v37 =	vsub.f32 v54, v26;
	v62 =	vld [tilespmem:s29+$0x12620];
	v58 =	vmul.f32 v56, v56;
	v42 =	vmul.f32 v57, v57  }
0x185: {  	v63 =	vld [tilespmem:s29+$0x12630];
	v35 =	vmul.f32 v59, v59;
	v38 =	vmul.f32 v38, v38  }
0x186: {  	v46 =	vld [tilespmem:s29+$0x12640];
	v39 =	vmul.f32 v39, v39;
	v37 =	vmul.f32 v37, v37  }
0x187: {  	v47 =	vld [tilespmem:s29+$0x12650];
	v36 =	vadd.f32 v40, v36;
	v34 =	vadd.f32 v42, v58  }
0x188: {  	v48 =	vld [tilespmem:s29+$0x12660];
	v35 =	vadd.f32 v38, v35;
	v37 =	vadd.f32 v37, v39  }
0x189: {  	v49 =	vld [tilespmem:s29+$0x12670];
	v34 =	vadd.f32 v34, v36  }
0x18a: {  	v35 =	vadd.f32 v37, v35;
	v50 =	vsub.f32 v60, v24  }
0x18b: {  	v51 =	vsub.f32 v61, v25;
	v52 =	vsub.f32 v62, v21  }
0x18c: {  	v53 =	vsub.f32 v63, v22;
	v40 =	vsub.f32 v46, v18  }
0x18d: {  	v38 =	vsub.f32 v47, v19;
	v39 =	vsub.f32 v48, v20  }
0x18e: {  	v36 =	vsub.f32 v49, v23;
	v37 =	vmul.f32 v50, v50;
	v41 =	vmul.f32 v51, v51  }
0x18f: {  	v34 =	vadd.f32 v35, v34;
	v35 =	vmul.f32 v52, v52;
	v42 =	vmul.f32 v53, v53  }
0x190: {  	v40 =	vmul.f32 v40, v40;
	v38 =	vmul.f32 v38, v38  }
0x191: {  	v54 =	vmul.f32 v39, v39;
	v36 =	vmul.f32 v36, v36;
	[tilespmem:s30+$0x1A0E0] =	vst v34  }
0x192: {  	v37 =	vadd.f32 v41, v37;
	v35 =	vadd.f32 v42, v35;
	v55 =	vld [tilespmem:s26+$0x12780]  }
0x193: {  	v38 =	vadd.f32 v38, v40;
	v34 =	vadd.f32 v36, v54;
	v56 =	vld [tilespmem:s26+$0x12790]  }
0x194: {  	v57 =	vld [tilespmem:s26+$0x127A0]  }
0x195: {  	v58 =	vld [tilespmem:s26+$0x127B0];
	v35 =	vadd.f32 v35, v37;
	v34 =	vadd.f32 v34, v38  }
0x196: {  	v59 =	vld [tilespmem:s26+$0x127C0]  }
0x197: {  	v60 =	vld [tilespmem:s26+$0x127D0];
	v34 =	vadd.f32 v34, v35  }
0x198: {  	v61 =	vld [tilespmem:s26+$0x127E0]  }
0x199: {  	v62 =	vld [tilespmem:s26+$0x127F0];
	[tilespmem:s24+$0x1A0C0] =	vst v34  }
0x19a: {  	v34 =	vld [tilespmem:s29+$0x12680]  }
0x19b: {  	v63 =	vld [tilespmem:s29+$0x12690]  }
0x19c: {  	v33 =	vsub.f32 v55, v33;
	v31 =	vsub.f32 v56, v31;
	v45 =	vld [tilespmem:s29+$0x126A0]  }
0x19d: {  	v32 =	vsub.f32 v57, v32;
	v29 =	vsub.f32 v58, v29;
	v46 =	vld [tilespmem:s29+$0x126B0]  }
0x19e: {  	v30 =	vsub.f32 v59, v30;
	v47 =	vld [tilespmem:s29+$0x126C0];
	v33 =	vmul.f32 v33, v33;
	v31 =	vmul.f32 v31, v31  }
0x19f: {  	v28 =	vsub.f32 v60, v28;
	v48 =	vld [tilespmem:s29+$0x126D0];
	v32 =	vmul.f32 v32, v32;
	v29 =	vmul.f32 v29, v29  }
0x1a0: {  	v27 =	vsub.f32 v61, v27;
	v26 =	vsub.f32 v62, v26;
	v49 =	vld [tilespmem:s29+$0x126E0]  }
0x1a1: {  	v50 =	vld [tilespmem:s29+$0x126F0];
	v30 =	vmul.f32 v30, v30;
	v31 =	vadd.f32 v31, v33;
	v29 =	vadd.f32 v29, v32  }
0x1a2: {  	v28 =	vmul.f32 v28, v28;
	v34 =	vsub.f32 v34, v24;
	v51 =	vsub.f32 v63, v25  }
0x1a3: {  	v27 =	vmul.f32 v27, v27;
	v52 =	vsub.f32 v45, v21;
	v36 =	vsub.f32 v46, v22  }
0x1a4: {  	v26 =	vmul.f32 v26, v26;
	v37 =	vsub.f32 v47, v18;
	v38 =	vsub.f32 v48, v19  }
0x1a5: {  	v35 =	vsub.f32 v49, v20;
	v34 =	vmul.f32 v34, v34;
	v53 =	vmul.f32 v51, v51  }
0x1a6: {  	v33 =	vsub.f32 v50, v23;
	v32 =	vmul.f32 v52, v52;
	v36 =	vmul.f32 v36, v36  }
0x1a7: {  	v28 =	vadd.f32 v28, v30;
	v54 =	vmul.f32 v37, v37;
	v55 =	vmul.f32 v38, v38  }
0x1a8: {  	v26 =	vadd.f32 v26, v27;
	v56 =	vmul.f32 v35, v35;
	v33 =	vmul.f32 v33, v33  }
0x1a9: {  	v34 =	vadd.f32 v53, v34;
	v32 =	vadd.f32 v36, v32  }
0x1aa: {  	v30 =	vadd.f32 v55, v54;
	v27 =	vadd.f32 v33, v56;
	_ =	sdelay $0x1  }
0x1ab: {  	v59 =	vadd.f32 v32, v34;
	v27 =	vadd.f32 v27, v30;
	_ =	sdelay $0x1  }
0x1ac: {  	v27 =	vadd.f32 v27, v59;
	_ =	sdelay $0x1  }
0x1ad: {  	[tilespmem:s24+$0x1A0D0] =	vst v27  }
0x1ae: {  	v27 =	vld [tilespmem:s29+$0x12700]  }
0x1af: {  	v60 =	vld [tilespmem:s29+$0x12710]  }
0x1b0: {  	v61 =	vld [tilespmem:s29+$0x12720]  }
0x1b1: {  	v63 =	vld [tilespmem:s29+$0x12730]  }
0x1b2: {  	v48 =	vld [tilespmem:s29+$0x12740]  }
0x1b3: {  	v29 =	vadd.f32 v29, v31;
	v26 =	vadd.f32 v26, v28;
	v50 =	vld [tilespmem:s29+$0x12750]  }
0x1b4: {  	v52 =	vld [tilespmem:s29+$0x12760]  }
0x1b5: {  	v57 =	vor.u32 s30, v0;
	v62 =	vor.u32 s30, v2;
	v26 =	vadd.f32 v26, v29;
	v56 =	vld [tilespmem:s29+$0x12770]  }
0x1b6: {  	v58 =	vand.u32 v1, v57;
	v27 =	vsub.f32 v27, v24;
	v28 =	vsub.f32 v60, v25  }
0x1b7: {  	v47 =	vor.u32 s30, v3;
	v29 =	vsub.f32 v61, v21;
	v31 =	vsub.f32 v63, v22  }
0x1b8: {  	v49 =	vor.u32 s30, v4;
	v33 =	vsub.f32 v48, v18;
	v35 =	vsub.f32 v50, v19  }
0x1b9: {  	v37 =	vsub.f32 v52, v20;
	v27 =	vmul.f32 v27, v27;
	v28 =	vmul.f32 v28, v28  }
0x1ba: {  	v41 =	vsub.f32 v56, v23;
	v29 =	vmul.f32 v29, v29;
	v31 =	vmul.f32 v31, v31  }
0x1bb: {  	v51 =	vor.u32 s30, v5;
	[tilespmem:s30+$0x1A0F0] =	vst v26;
	v33 =	vmul.f32 v33, v33;
	v35 =	vmul.f32 v35, v35  }
0x1bc: {  	v55 =	vor.u32 s30, v8;
	v26 =	vld.idx.msk [tilespmem:v58+s14+$0x0], $0xffff;
	v37 =	vmul.f32 v37, v37;
	v41 =	vmul.f32 v41, v41  }
0x1bd: {  	v58 =	vor.u32 s30, v10;
	v30 =	vld.idx.msk [tilespmem:v62+s14+$0x0], $0xffff;
	v27 =	vadd.f32 v28, v27;
	v29 =	vadd.f32 v31, v29  }
0x1be: {  	v57 =	vor.u32 s30, v9;
	v32 =	vld.idx.msk [tilespmem:v47+s14+$0x0], $0xffff;
	v33 =	vadd.f32 v35, v33;
	v37 =	vadd.f32 v41, v37  }
0x1bf: {  	v34 =	vld.idx.msk [tilespmem:v49+s14+$0x0], $0xffff;
	v60 =	vor.u32 s30, v12  }
0x1c0: {  	v36 =	vld.idx.msk [tilespmem:v51+s14+$0x0], $0xffff;
	v27 =	vadd.f32 v29, v27;
	v51 =	vadd.f32 v37, v33  }
0x1c1: {  	v40 =	vld.idx.msk [tilespmem:v55+s14+$0x0], $0xffff  }
0x1c2: {  	v62 =	vld.idx.msk [tilespmem:v58+s14+$0x0], $0xffff;
	v27 =	vadd.f32 v51, v27  }
0x1c3: {  	v28 =	vld.idx.msk [tilespmem:v57+s14+$0x0], $0xffff  }
0x1c4: {  	v50 =	vld.idx.msk [tilespmem:v60+s14+$0x0], $0xffff;
	[tilespmem:s24+$0x1A0E0] =	vst v27  }
0x1c5: {  	v27 =	vld [tilespmem:s29+$0x12780]  }
0x1c6: {  	v55 =	vld [tilespmem:s29+$0x12790]  }
0x1c7: {  	v56 =	vld [tilespmem:s29+$0x127A0]  }
0x1c8: {  	v53 =	vor.u32 s30, v6;
	v57 =	vld [tilespmem:s29+$0x127B0]  }
0x1c9: {  	v54 =	vor.u32 s30, v7;
	v58 =	vld [tilespmem:s29+$0x127C0]  }
0x1ca: {  	v59 =	vor.u32 s30, v11;
	v60 =	vld [tilespmem:s29+$0x127D0]  }
0x1cb: {  	v46 =	vor.u32 s30, v13;
	v28 =	vadd.f32 v62, v28;
	v62 =	vld [tilespmem:s29+$0x127E0]  }
0x1cc: {  	v26 =	vadd.f32 v30, v26;
	v32 =	vadd.f32 v34, v32;
	v61 =	vor.u32 s30, v14;
	v43 =	vld [tilespmem:s29+$0x127F0]  }
0x1cd: {  	v38 =	vld.idx.msk [tilespmem:v53+s14+$0x0], $0xffff;
	v63 =	vor.u32 s30, v15;
	v24 =	vsub.f32 v27, v24;
	v25 =	vsub.f32 v55, v25  }
0x1ce: {  	v39 =	vld.idx.msk [tilespmem:v54+s14+$0x0], $0xffff;
	v48 =	vor.u32 s30, v16;
	v21 =	vsub.f32 v56, v21;
	v22 =	vsub.f32 v57, v22  }
0x1cf: {  	v49 =	vld.idx.msk [tilespmem:v59+s14+$0x0], $0xffff;
	v18 =	vsub.f32 v58, v18;
	v19 =	vsub.f32 v60, v19  }
0x1d0: {  	v52 =	vld.idx.msk [tilespmem:v46+s14+$0x0], $0xffff;
	v20 =	vsub.f32 v62, v20;
	v24 =	vmul.f32 v24, v24;
	v25 =	vmul.f32 v25, v25  }
0x1d1: {  	v31 =	vld.idx.msk [tilespmem:v61+s14+$0x0], $0xffff;
	v23 =	vsub.f32 v43, v23;
	v21 =	vmul.f32 v21, v21;
	v22 =	vmul.f32 v22, v22  }
0x1d2: {  	v26 =	vadd.f32 v32, v26;
	v53 =	vld.idx.msk [tilespmem:v63+s14+$0x0], $0xffff;
	v18 =	vmul.f32 v18, v18;
	v19 =	vmul.f32 v19, v19  }
0x1d3: {  	v59 =	vadd.f32 v38, v36;
	v54 =	vld.idx.msk [tilespmem:v48+s14+$0x0], $0xffff;
	v20 =	vmul.f32 v20, v20;
	v23 =	vmul.f32 v23, v23  }
0x1d4: {  	v24 =	vadd.f32 v25, v24;
	v21 =	vadd.f32 v22, v21  }
0x1d5: {  	v18 =	vadd.f32 v19, v18;
	v19 =	vadd.f32 v23, v20  }
0x1d6: {  	v61 =	vadd.f32 v40, v39;
	v48 =	vor.u32 s24, v0;
	v63 =	vadd.f32 v50, v49  }
0x1d7: {  	v21 =	vadd.f32 v21, v24;
	v18 =	vadd.f32 v19, v18;
	v19 =	vand.u32 v17, v48  }
0x1d8: {  	v31 =	vadd.f32 v31, v52;
	v44 =	vadd.f32 v54, v53;
	v50 =	vor.u32 s24, v2  }
0x1d9: {  	v45 =	vadd.f32 v61, v59;
	v51 =	vor.u32 s24, v3;
	v18 =	vadd.f32 v18, v21  }
0x1da: {  	v52 =	vor.u32 s24, v4;
	v46 =	vadd.f32 v63, v28;
	v47 =	vadd.f32 v44, v31  }
0x1db: {  	v53 =	vor.u32 s24, v6;
	[tilespmem:s24+$0x1A0F0] =	vst v18  }
0x1dc: {  	v49 =	vadd.f32 v45, v26;
	v54 =	vor.u32 s24, v7;
	v20 =	vadd.f32 v47, v46;
	v19 =	vld.idx.msk [tilespmem:v19+s14+$0x0], $0xffff  }
0x1dd: {  	v55 =	vor.u32 s24, v8;
	v22 =	vld.idx.msk [tilespmem:v50+s14+$0x0], $0xffff  }
0x1de: {  	v56 =	vor.u32 s24, v9;
	v20 =	vadd.f32 v20, v49;
	v21 =	vld.idx.msk [tilespmem:v51+s14+$0x0], $0xffff  }
0x1df: {  	v59 =	vor.u32 s24, v10;
	v23 =	vld.idx.msk [tilespmem:v52+s14+$0x0], $0xffff  }
0x1e0: {  	v60 =	vor.u32 s24, v11;
	v20 =	vmul.f32 $7.812500000e-03, v20;
	v24 =	vld.idx.msk [tilespmem:v53+s14+$0x0], $0xffff  }
0x1e1: {  	v62 =	vor.u32 s24, v12;
	v25 =	vld.idx.msk [tilespmem:v54+s14+$0x0], $0xffff  }
0x1e2: {  	v63 =	vor.u32 s24, v13;
	v20 =	vadd.f32 $9.999999710e-10, v20;
	v26 =	vld.idx.msk [tilespmem:v55+s14+$0x0], $0xffff  }
0x1e3: {  	v40 =	vor.u32 s24, v14;
	v27 =	vld.idx.msk [tilespmem:v56+s14+$0x0], $0xffff  }
0x1e4: {  	v41 =	vor.u32 s24, v15;
	v30 =	vld.idx.msk [tilespmem:v59+s14+$0x0], $0xffff;
	v57 =	vshrl.u32 v20, $0x1;
	v58 =	vmul.f32 $5.000000000e-01, v20  }
0x1e5: {  	v42 =	vor.u32 s24, v16;
	v31 =	vld.idx.msk [tilespmem:v60+s14+$0x0], $0xffff;
	v28 =	vsub.s32 $0x5F3759DF, v57  }
0x1e6: {  	v18 =	vor.u32 s24, v5;
	v33 =	vld.idx.msk [tilespmem:v62+s14+$0x0], $0xffff;
	v61 =	vmul.f32 v28, v58  }
0x1e7: {  	v43 =	vld.idx.msk [tilespmem:v63+s14+$0x0], $0xffff  }
0x1e8: {  	v44 =	vld.idx.msk [tilespmem:v40+s14+$0x0], $0xffff;
	v32 =	vmul.f32 v28, v61  }
0x1e9: {  	v36 =	vld.idx.msk [tilespmem:v41+s14+$0x0], $0xffff  }
0x1ea: {  	v37 =	vld.idx.msk [tilespmem:v42+s14+$0x0], $0xffff;
	v32 =	vsub.f32 $1.500000000e+00, v32  }
0x1eb: {  	v18 =	vld.idx.msk [tilespmem:v18+s14+$0x0], $0xffff  }
0x1ec: {  	v19 =	vadd.f32 v22, v19;
	v28 =	vmul.f32 v28, v32  }
0x1ed: {  	v21 =	vadd.f32 v23, v21;
	v47 =	vadd.f32 v26, v25  }
0x1ee: {  	v48 =	vadd.f32 v30, v27;
	v49 =	vadd.f32 v33, v31;
	v45 =	vmul.f32 v28, v58  }
0x1ef: {  	v50 =	vadd.f32 v44, v43;
	v51 =	vadd.f32 v37, v36  }
0x1f0: {  	v19 =	vadd.f32 v21, v19;
	v18 =	vadd.f32 v24, v18;
	v46 =	vmul.f32 v45, v28  }
0x1f1: {  	v52 =	vadd.f32 v49, v48;
	v53 =	vadd.f32 v51, v50  }
0x1f2: {  	v18 =	vadd.f32 v47, v18;
	v22 =	vsub.f32 $1.500000000e+00, v46;
	_ =	sdelay $0x1  }
0x1f3: {  	v18 =	vadd.f32 v18, v19;
	v19 =	vadd.f32 v53, v52;
	v22 =	vmul.f32 v22, v28;
	_ =	sdelay $0x1  }
0x1f4: {  	v18 =	vadd.f32 v19, v18;
	v54 =	vmul.f32 v22, v58;
	_ =	sdelay $0x1  }
0x1f5: {  	v18 =	vmul.f32 $7.812500000e-03, v18;
	v19 =	vmul.f32 v54, v22;
	_ =	sdelay $0x1  }
0x1f6: {  	v18 =	vadd.f32 $9.999999710e-10, v18;
	v19 =	vsub.f32 $1.500000000e+00, v19;
	_ =	sdelay $0x1  }
0x1f7: {  	v55 =	vshrl.u32 v18, $0x1;
	v56 =	vmul.f32 $5.000000000e-01, v18;
	v19 =	vmul.f32 v19, v22  }
0x1f8: {  	v21 =	vsub.s32 $0x5F3759DF, v55  }
0x1f9: {  	v57 =	vmul.f32 v21, v56;
	v19 =	vmul.f32 v19, v20;
	_ =	sdelay $0x1  }
0x1fa: {  	v20 =	vmul.f32 v21, v57;
	v19 =	vsub.f32 $0.0e+00, v19;
	_ =	sdelay $0x1  }
0x1fb: {  	v20 =	vsub.f32 $1.500000000e+00, v20;
	(xrf0) =	vmax.scan.msk.f32 $0xffff, v19;
	_ =	sdelay $0x1  }
0x1fc: {  	v20 =	vmul.f32 v21, v20;
	_ =	sdelay $0x1  }
0x1fd: {  	v21 =	vmul.f32 v20, v56;
	_ =	sdelay $0x1  }
0x1fe: {  	v21 =	vmul.f32 v21, v20;
	v58, _, _ =	vpop (xrf0)  }
0x1ff: {  	v23 =	vbroadcast v58, $0xF  }
0x200: {  	v21 =	vsub.f32 $1.500000000e+00, v21  }
0x201: {  	v19 =	vsub.f32 v19, v23  }
0x202: {  	v20 =	vmul.f32 v21, v20  }
0x203: {  	v19 =	vmul.f32 $1.442695020e+00, v19  }
0x204: {  	v21 =	vmul.f32 v20, v56  }
0x205: {  	(erf) = vpow2.f32 v19  }
0x206: {  	v19 =	vmul.f32 v21, v20;
	_ =	sdelay $0x1  }
0x207: {  	v19 =	vsub.f32 $1.500000000e+00, v19;
	_ =	sdelay $0x1  }
0x208: {  	v19 =	vmul.f32 v19, v20;
	_ =	sdelay $0x1  }
0x209: {  	v18 =	vmul.f32 v19, v18;
	_ =	sdelay $0x1  }
0x20a: {  	v18 =	vsub.f32 $0.0e+00, v18;
	v19 =	vpop (erf)  }
0x20b: {  	(xrf2) =	vadd.scan.msk.f32 $0xffff, v19  }
0x20c: {  	(xrf0) =	vmax.scan.msk.f32 $0xffff, v18;
	_ =	sdelay $0x5  }
0x20d: {  	v59, _, _ =	vpop (xrf0)  }
0x20e: {  	v20 =	vbroadcast v59, $0xF;
	_ =	sdelay $0x1  }
0x20f: {  	v18 =	vsub.f32 v18, v20;
	v60, _, _ =	vpop (xrf2)  }
0x210: {  	v61 =	vbroadcast v60, $0xF  }
0x211: {  	v18 =	vmul.f32 $1.442695020e+00, v18  }
0x212: {  	(erf) = vrcp.f32 v61  }
0x213: {  	(erf) = vpow2.f32 v18;
	_ =	sdelay $0x7  }
0x214: {  	v18 =	vpop (erf)  }
0x215: {  	v62 =	vpop (erf)  }
0x216: {  	(xrf2) =	vadd.scan.msk.f32 $0xffff, v62;
	_ =	sdelay $0x9  }
0x217: {  	v63, _, _ =	vpop (xrf2)  }
0x218: {  	v21 =	vbroadcast v63, $0xF;
	_ =	sdelay $0x1  }
0x219: {  	(erf) = vrcp.f32 v21;
	_ =	sdelay $0x6  }
0x21a: {  	p0 =	slt.u32 s19, $0x6  }
.Ltmp2:
0x21b: {  	_ = 	snop;
	(pc) =	sbr.rel @p0 .LBB2_3-.Ltmp2, $4  }
0x21c: {  	s21 =	sshll.u32 s21, $0x4;
	v18 =	vmul.f32 v18, v19;
	v19 =	vpop (erf)  }
0x21d: {  	s21 =	sand.u32 $0x3FFFFFF0, s21;
	s22 =	sshll.u32 s31, $0x4;
	v19 =	vmul.f32 v19, v62  }
0x21e: {  	s31 =	sadd.s32 $0x2, s19;
	s30 =	sand.u32 $0x3FFFFFF0, s22;
	[tilespmem:s21+$0x1A800] =	vst v18  }
0x21f: {  	s19 =	smov.u32 s31;
	[tilespmem:s30+$0x1A800] =	vst v19  }
0x220: {  	s19 =	sshll.u32 s18, $0xA;
	p0 =	seq.s32 s18, $0x1F  }
0x221: {  	s21 =	sshrl.u32 @!p0 s19, $0x2  }
0x222: {  	s22 =	simm.s32 @!p0 $0x80;
	s23 =	simm.s32 @!p0 $0x12000;
	s21 =	sadd.s32 @!p0 $0x100, s21  }
0x223: {  	[tilespmem:s23], [sflag:$0x1] =	stream.indirect.gather @!p0 [hbm4b:s3+s22], $0x80, s21, s22, $0xb8;
	[tilespmem:$0x1C800] =	vst v63  }
0x224: {  	_ =	swait.ge [sflag:s15], $0x4000  }
0x225: {  	[sflag:s15] =	ssyncset.done $0x0  }
0x226: {  	s20 =	sor.u32 $0x8, s20;
	s21 =	simm.s32 $0x0;
	[sflag:s15] =	ssyncadd.s32 $0xFFFFC000  }
.LBB2_5:
0x227: {  	s24 =	sshll.u32 s21, $0xB  }
0x228: {  	s28 =	sand.u32 $0x3FFFF800, s24  }
0x229: {  	v18 =	vld [tilespmem:s28+$0x16000]  }
0x22a: {  	v19 =	vld [tilespmem:s28+$0x16010]  }
0x22b: {  	v20 =	vld [tilespmem:s28+$0x16020]  }
0x22c: {  	v21 =	vld [tilespmem:s28+$0x16030]  }
0x22d: {  	v22 =	vld [tilespmem:s28+$0x16040]  }
0x22e: {  	s22 =	sor.u32 s20, s21;
	v23 =	vld [tilespmem:s28+$0x16050]  }
0x22f: {  	s23 =	sshll.u32 s22, $0x7;
	v24 =	vld [tilespmem:s28+$0x16060]  }
0x230: {  	s23 =	sand.u32 $0x3FFFFF80, s23;
	v25 =	vld [tilespmem:s28+$0x16070]  }
0x231: {  	v33 =	vld [tilespmem:s23+$0x2000]  }
0x232: {  	v31 =	vld [tilespmem:s23+$0x2010]  }
0x233: {  	v32 =	vld [tilespmem:s23+$0x2020]  }
0x234: {  	v29 =	vld [tilespmem:s23+$0x2030]  }
0x235: {  	v30 =	vld [tilespmem:s23+$0x2040]  }
0x236: {  	v28 =	vld [tilespmem:s23+$0x2050]  }
0x237: {  	v27 =	vld [tilespmem:s23+$0x2060]  }
0x238: {  	v26 =	vld [tilespmem:s23+$0x2070]  }
0x239: {  	v18 =	vsub.f32 v18, v33;
	v19 =	vsub.f32 v19, v31  }
0x23a: {  	v20 =	vsub.f32 v20, v32;
	v21 =	vsub.f32 v21, v29  }
0x23b: {  	v22 =	vsub.f32 v22, v30;
	v23 =	vsub.f32 v23, v28  }
0x23c: {  	v24 =	vsub.f32 v24, v27;
	v18 =	vmul.f32 v18, v18;
	v19 =	vmul.f32 v19, v19  }
0x23d: {  	v25 =	vsub.f32 v25, v26;
	v20 =	vmul.f32 v20, v20;
	v21 =	vmul.f32 v21, v21  }
0x23e: {  	v22 =	vmul.f32 v22, v22;
	v23 =	vmul.f32 v23, v23  }
0x23f: {  	v24 =	vmul.f32 v24, v24;
	v25 =	vmul.f32 v25, v25  }
0x240: {  	v18 =	vadd.f32 v19, v18;
	v19 =	vadd.f32 v21, v20  }
0x241: {  	v35 =	vadd.f32 v23, v22;
	v36 =	vadd.f32 v25, v24;
	_ =	sdelay $0x1  }
0x242: {  	v18 =	vadd.f32 v19, v18;
	v19 =	vadd.f32 v36, v35;
	_ =	sdelay $0x1  }
0x243: {  	v18 =	vadd.f32 v19, v18  }
0x244: {  	s30 =	sshll.u32 s21, $0x8  }
0x245: {  	[tilespmem:s30+$0x1A000] =	vst v18  }
0x246: {  	v18 =	vld [tilespmem:s28+$0x16080]  }
0x247: {  	v19 =	vld [tilespmem:s28+$0x16090]  }
0x248: {  	v37 =	vld [tilespmem:s28+$0x160A0]  }
0x249: {  	v38 =	vld [tilespmem:s28+$0x160B0]  }
0x24a: {  	v39 =	vld [tilespmem:s28+$0x160C0]  }
0x24b: {  	v40 =	vld [tilespmem:s28+$0x160D0]  }
0x24c: {  	v41 =	vld [tilespmem:s28+$0x160E0]  }
0x24d: {  	v42 =	vld [tilespmem:s28+$0x160F0]  }
0x24e: {  	v18 =	vsub.f32 v18, v33;
	v19 =	vsub.f32 v19, v31  }
0x24f: {  	v20 =	vsub.f32 v37, v32;
	v21 =	vsub.f32 v38, v29  }
0x250: {  	v22 =	vsub.f32 v39, v30;
	v23 =	vsub.f32 v40, v28  }
0x251: {  	v24 =	vsub.f32 v41, v27;
	v18 =	vmul.f32 v18, v18;
	v19 =	vmul.f32 v19, v19  }
0x252: {  	v25 =	vsub.f32 v42, v26;
	v20 =	vmul.f32 v20, v20;
	v21 =	vmul.f32 v21, v21  }
0x253: {  	v22 =	vmul.f32 v22, v22;
	v23 =	vmul.f32 v23, v23  }
0x254: {  	s25 =	sor.u32 $0x1, s21;
	v24 =	vmul.f32 v24, v24;
	v25 =	vmul.f32 v25, v25  }
0x255: {  	s29 =	sshll.u32 s25, $0xB;
	v18 =	vadd.f32 v19, v18;
	v19 =	vadd.f32 v21, v20  }
0x256: {  	s29 =	sand.u32 $0x3FFFF800, s29;
	v43 =	vadd.f32 v23, v22;
	v44 =	vadd.f32 v25, v24  }
0x257: {  	v47 =	vld [tilespmem:s29+$0x16040]  }
0x258: {  	v49 =	vld [tilespmem:s29+$0x16050];
	v18 =	vadd.f32 v19, v18;
	v19 =	vadd.f32 v44, v43  }
0x259: {  	s31 =	sor.u32 s20, s25;
	v50 =	vld [tilespmem:s29+$0x16060]  }
0x25a: {  	s26 =	sshll.u32 s31, $0x7;
	v51 =	vld [tilespmem:s29+$0x16070];
	v18 =	vadd.f32 v19, v18  }
0x25b: {  	s26 =	sand.u32 $0x3FFFFF80, s26;
	v42 =	vld [tilespmem:s29+$0x16000]  }
0x25c: {  	v24 =	vld [tilespmem:s26+$0x2000];
	[tilespmem:s30+$0x1A010] =	vst v18  }
0x25d: {  	v19 =	vld [tilespmem:s28+$0x16100]  }
0x25e: {  	v45 =	vld [tilespmem:s28+$0x16110]  }
0x25f: {  	v46 =	vld [tilespmem:s28+$0x16120]  }
0x260: {  	v34 =	vld [tilespmem:s28+$0x16130]  }
0x261: {  	v35 =	vld [tilespmem:s28+$0x16140]  }
0x262: {  	v36 =	vld [tilespmem:s28+$0x16150]  }
0x263: {  	v37 =	vld [tilespmem:s28+$0x16160]  }
0x264: {  	v38 =	vld [tilespmem:s28+$0x16170]  }
0x265: {  	v25 =	vld [tilespmem:s26+$0x2010];
	v39 =	vsub.f32 v19, v33;
	v40 =	vsub.f32 v45, v31  }
0x266: {  	v21 =	vld [tilespmem:s26+$0x2020];
	v41 =	vsub.f32 v46, v32;
	v34 =	vsub.f32 v34, v29  }
0x267: {  	v22 =	vld [tilespmem:s26+$0x2030];
	v35 =	vsub.f32 v35, v30;
	v36 =	vsub.f32 v36, v28  }
0x268: {  	v20 =	vld [tilespmem:s26+$0x2060];
	v37 =	vsub.f32 v37, v27;
	v39 =	vmul.f32 v39, v39;
	v40 =	vmul.f32 v40, v40  }
0x269: {  	v44 =	vld [tilespmem:s29+$0x16020];
	v38 =	vsub.f32 v38, v26;
	v41 =	vmul.f32 v41, v41;
	v34 =	vmul.f32 v34, v34  }
0x26a: {  	v43 =	vld [tilespmem:s29+$0x16010];
	v35 =	vmul.f32 v35, v35;
	v36 =	vmul.f32 v36, v36  }
0x26b: {  	v18 =	vld [tilespmem:s26+$0x2040];
	v37 =	vmul.f32 v37, v37;
	v38 =	vmul.f32 v38, v38  }
0x26c: {  	v23 =	vld [tilespmem:s26+$0x2070];
	v39 =	vadd.f32 v40, v39;
	v34 =	vadd.f32 v34, v41  }
0x26d: {  	v45 =	vld [tilespmem:s29+$0x16030];
	v35 =	vadd.f32 v36, v35;
	v48 =	vadd.f32 v38, v37  }
0x26e: {  	v52 =	vsub.f32 v42, v24;
	v54 =	vsub.f32 v44, v21;
	v19 =	vld [tilespmem:s26+$0x2050]  }
0x26f: {  	v34 =	vadd.f32 v34, v39;
	v35 =	vadd.f32 v48, v35  }
0x270: {  	v53 =	vsub.f32 v43, v25;
	v57 =	vsub.f32 v47, v18  }
0x271: {  	v56 =	vmul.f32 v54, v54;
	v38 =	vsub.f32 v50, v20;
	v34 =	vadd.f32 v35, v34  }
0x272: {  	v41 =	vmul.f32 v53, v53;
	v36 =	vsub.f32 v51, v23;
	v55 =	vsub.f32 v45, v22  }
0x273: {  	v37 =	vsub.f32 v49, v19;
	v39 =	vmul.f32 v52, v52;
	v38 =	vmul.f32 v38, v38;
	[tilespmem:s30+$0x1A020] =	vst v34  }
0x274: {  	v36 =	vmul.f32 v36, v36;
	v42 =	vmul.f32 v55, v55;
	v58 =	vld [tilespmem:s28+$0x16180]  }
0x275: {  	v37 =	vmul.f32 v37, v37;
	v35 =	vmul.f32 v57, v57;
	v59 =	vld [tilespmem:s28+$0x16190]  }
0x276: {  	v39 =	vadd.f32 v41, v39;
	v36 =	vadd.f32 v36, v38;
	v60 =	vld [tilespmem:s28+$0x161A0]  }
0x277: {  	v34 =	vadd.f32 v42, v56;
	v35 =	vadd.f32 v37, v35;
	v61 =	vld [tilespmem:s28+$0x161B0]  }
0x278: {  	v62 =	vld [tilespmem:s28+$0x161C0]  }
0x279: {  	v63 =	vld [tilespmem:s28+$0x161D0];
	v34 =	vadd.f32 v34, v39;
	v35 =	vadd.f32 v36, v35  }
0x27a: {  	v46 =	vld [tilespmem:s28+$0x161E0]  }
0x27b: {  	v48 =	vld [tilespmem:s28+$0x161F0];
	v34 =	vadd.f32 v35, v34  }
0x27c: {  	v47 =	vsub.f32 v58, v33;
	v49 =	vsub.f32 v59, v31  }
0x27d: {  	s25 =	sshll.u32 s25, $0x8;
	v50 =	vsub.f32 v60, v32;
	v51 =	vsub.f32 v61, v29  }
0x27e: {  	[tilespmem:s25+$0x1A000] =	vst v34;
	v53 =	vsub.f32 v62, v30;
	v37 =	vsub.f32 v63, v28  }
0x27f: {  	v38 =	vsub.f32 v46, v27;
	v54 =	vld [tilespmem:s29+$0x16080];
	v36 =	vmul.f32 v47, v47;
	v40 =	vmul.f32 v49, v49  }
0x280: {  	v39 =	vsub.f32 v48, v26;
	v55 =	vld [tilespmem:s29+$0x16090];
	v52 =	vmul.f32 v50, v50;
	v42 =	vmul.f32 v51, v51  }
0x281: {  	v56 =	vld [tilespmem:s29+$0x160A0];
	v35 =	vmul.f32 v53, v53;
	v37 =	vmul.f32 v37, v37  }
0x282: {  	v57 =	vld [tilespmem:s29+$0x160B0];
	v38 =	vmul.f32 v38, v38;
	v39 =	vmul.f32 v39, v39  }
0x283: {  	v58 =	vld [tilespmem:s29+$0x160C0];
	v36 =	vadd.f32 v40, v36;
	v34 =	vadd.f32 v42, v52  }
0x284: {  	v60 =	vld [tilespmem:s29+$0x160D0];
	v35 =	vadd.f32 v37, v35;
	v59 =	vadd.f32 v39, v38  }
0x285: {  	v61 =	vld [tilespmem:s29+$0x160E0];
	v34 =	vadd.f32 v34, v36  }
0x286: {  	v62 =	vld [tilespmem:s29+$0x160F0];
	v35 =	vadd.f32 v59, v35;
	v63 =	vsub.f32 v54, v24  }
0x287: {  	v46 =	vsub.f32 v55, v25;
	v47 =	vsub.f32 v56, v21  }
0x288: {  	v48 =	vsub.f32 v57, v22;
	v50 =	vsub.f32 v58, v18  }
0x289: {  	v38 =	vsub.f32 v60, v19;
	v34 =	vadd.f32 v35, v34  }
0x28a: {  	v39 =	vsub.f32 v61, v20;
	v37 =	vmul.f32 v63, v63;
	v41 =	vmul.f32 v46, v46  }
0x28b: {  	v36 =	vsub.f32 v62, v23;
	v49 =	vmul.f32 v47, v47;
	v42 =	vmul.f32 v48, v48;
	[tilespmem:s30+$0x1A030] =	vst v34  }
0x28c: {  	v35 =	vmul.f32 v50, v50;
	v38 =	vmul.f32 v38, v38;
	v51 =	vld [tilespmem:s28+$0x16200]  }
0x28d: {  	v39 =	vmul.f32 v39, v39;
	v36 =	vmul.f32 v36, v36;
	v52 =	vld [tilespmem:s28+$0x16210]  }
0x28e: {  	v37 =	vadd.f32 v41, v37;
	v34 =	vadd.f32 v42, v49;
	v53 =	vld [tilespmem:s28+$0x16220]  }
0x28f: {  	v35 =	vadd.f32 v38, v35;
	v36 =	vadd.f32 v36, v39;
	v54 =	vld [tilespmem:s28+$0x16230]  }
0x290: {  	v55 =	vld [tilespmem:s28+$0x16240]  }
0x291: {  	v56 =	vld [tilespmem:s28+$0x16250];
	v34 =	vadd.f32 v34, v37;
	v35 =	vadd.f32 v36, v35  }
0x292: {  	v57 =	vld [tilespmem:s28+$0x16260]  }
0x293: {  	v59 =	vld [tilespmem:s28+$0x16270];
	v34 =	vadd.f32 v35, v34  }
0x294: {  	v58 =	vsub.f32 v51, v33;
	v60 =	vsub.f32 v52, v31  }
0x295: {  	v61 =	vsub.f32 v53, v32;
	v62 =	vsub.f32 v54, v29  }
0x296: {  	[tilespmem:s25+$0x1A010] =	vst v34;
	v48 =	vsub.f32 v55, v30;
	v38 =	vsub.f32 v56, v28  }
0x297: {  	v39 =	vsub.f32 v57, v27;
	v49 =	vld [tilespmem:s29+$0x16100];
	v36 =	vmul.f32 v58, v58;
	v40 =	vmul.f32 v60, v60  }
0x298: {  	v37 =	vsub.f32 v59, v26;
	v50 =	vld [tilespmem:s29+$0x16110];
	v63 =	vmul.f32 v61, v61;
	v42 =	vmul.f32 v62, v62  }
0x299: {  	v51 =	vld [tilespmem:s29+$0x16120];
	v35 =	vmul.f32 v48, v48;
	v38 =	vmul.f32 v38, v38  }
0x29a: {  	v52 =	vld [tilespmem:s29+$0x16130];
	v39 =	vmul.f32 v39, v39;
	v37 =	vmul.f32 v37, v37  }
0x29b: {  	v53 =	vld [tilespmem:s29+$0x16140];
	v36 =	vadd.f32 v40, v36;
	v34 =	vadd.f32 v42, v63  }
0x29c: {  	v54 =	vld [tilespmem:s29+$0x16150];
	v35 =	vadd.f32 v38, v35;
	v37 =	vadd.f32 v37, v39  }
0x29d: {  	v55 =	vld [tilespmem:s29+$0x16160];
	v34 =	vadd.f32 v34, v36  }
0x29e: {  	v56 =	vld [tilespmem:s29+$0x16170];
	v35 =	vadd.f32 v37, v35;
	v57 =	vsub.f32 v49, v24  }
0x29f: {  	v58 =	vsub.f32 v50, v25;
	v59 =	vsub.f32 v51, v21  }
0x2a0: {  	v60 =	vsub.f32 v52, v22;
	v62 =	vsub.f32 v53, v18  }
0x2a1: {  	v38 =	vsub.f32 v54, v19;
	v34 =	vadd.f32 v35, v34  }
0x2a2: {  	v39 =	vsub.f32 v55, v20;
	v37 =	vmul.f32 v57, v57;
	v41 =	vmul.f32 v58, v58  }
0x2a3: {  	v36 =	vsub.f32 v56, v23;
	v61 =	vmul.f32 v59, v59;
	v42 =	vmul.f32 v60, v60;
	[tilespmem:s30+$0x1A040] =	vst v34  }
0x2a4: {  	v35 =	vmul.f32 v62, v62;
	v38 =	vmul.f32 v38, v38;
	v63 =	vld [tilespmem:s28+$0x16280]  }
0x2a5: {  	v39 =	vmul.f32 v39, v39;
	v36 =	vmul.f32 v36, v36;
	v48 =	vld [tilespmem:s28+$0x16290]  }
0x2a6: {  	v37 =	vadd.f32 v41, v37;
	v34 =	vadd.f32 v42, v61;
	v49 =	vld [tilespmem:s28+$0x162A0]  }
0x2a7: {  	v35 =	vadd.f32 v38, v35;
	v36 =	vadd.f32 v36, v39;
	v50 =	vld [tilespmem:s28+$0x162B0]  }
0x2a8: {  	v51 =	vld [tilespmem:s28+$0x162C0]  }
0x2a9: {  	v52 =	vld [tilespmem:s28+$0x162D0];
	v34 =	vadd.f32 v34, v37;
	v35 =	vadd.f32 v36, v35  }
0x2aa: {  	v53 =	vld [tilespmem:s28+$0x162E0]  }
0x2ab: {  	v55 =	vld [tilespmem:s28+$0x162F0];
	v34 =	vadd.f32 v35, v34  }
0x2ac: {  	v54 =	vsub.f32 v63, v33;
	v56 =	vsub.f32 v48, v31  }
0x2ad: {  	v57 =	vsub.f32 v49, v32;
	v58 =	vsub.f32 v50, v29  }
0x2ae: {  	[tilespmem:s25+$0x1A020] =	vst v34;
	v60 =	vsub.f32 v51, v30;
	v38 =	vsub.f32 v52, v28  }
0x2af: {  	v39 =	vsub.f32 v53, v27;
	v61 =	vld [tilespmem:s29+$0x16180];
	v36 =	vmul.f32 v54, v54;
	v40 =	vmul.f32 v56, v56  }
0x2b0: {  	v37 =	vsub.f32 v55, v26;
	v62 =	vld [tilespmem:s29+$0x16190];
	v59 =	vmul.f32 v57, v57;
	v42 =	vmul.f32 v58, v58  }
0x2b1: {  	v63 =	vld [tilespmem:s29+$0x161A0];
	v35 =	vmul.f32 v60, v60;
	v38 =	vmul.f32 v38, v38  }
0x2b2: {  	v48 =	vld [tilespmem:s29+$0x161B0];
	v39 =	vmul.f32 v39, v39;
	v37 =	vmul.f32 v37, v37  }
0x2b3: {  	v49 =	vld [tilespmem:s29+$0x161C0];
	v36 =	vadd.f32 v40, v36;
	v34 =	vadd.f32 v42, v59  }
0x2b4: {  	v50 =	vld [tilespmem:s29+$0x161D0];
	v35 =	vadd.f32 v38, v35;
	v37 =	vadd.f32 v37, v39  }
0x2b5: {  	v51 =	vld [tilespmem:s29+$0x161E0];
	v34 =	vadd.f32 v34, v36  }
0x2b6: {  	v52 =	vld [tilespmem:s29+$0x161F0];
	v35 =	vadd.f32 v37, v35;
	v53 =	vsub.f32 v61, v24  }
0x2b7: {  	v54 =	vsub.f32 v62, v25;
	v55 =	vsub.f32 v63, v21  }
0x2b8: {  	v56 =	vsub.f32 v48, v22;
	v58 =	vsub.f32 v49, v18  }
0x2b9: {  	v38 =	vsub.f32 v50, v19;
	v34 =	vadd.f32 v35, v34  }
0x2ba: {  	v39 =	vsub.f32 v51, v20;
	v37 =	vmul.f32 v53, v53;
	v41 =	vmul.f32 v54, v54  }
0x2bb: {  	v36 =	vsub.f32 v52, v23;
	v57 =	vmul.f32 v55, v55;
	v42 =	vmul.f32 v56, v56;
	[tilespmem:s30+$0x1A050] =	vst v34  }
0x2bc: {  	v35 =	vmul.f32 v58, v58;
	v38 =	vmul.f32 v38, v38;
	v59 =	vld [tilespmem:s28+$0x16300]  }
0x2bd: {  	v39 =	vmul.f32 v39, v39;
	v36 =	vmul.f32 v36, v36;
	v60 =	vld [tilespmem:s28+$0x16310]  }
0x2be: {  	v37 =	vadd.f32 v41, v37;
	v34 =	vadd.f32 v42, v57;
	v61 =	vld [tilespmem:s28+$0x16320]  }
0x2bf: {  	v35 =	vadd.f32 v38, v35;
	v36 =	vadd.f32 v36, v39;
	v62 =	vld [tilespmem:s28+$0x16330]  }
0x2c0: {  	v63 =	vld [tilespmem:s28+$0x16340]  }
0x2c1: {  	v46 =	vld [tilespmem:s28+$0x16350];
	v34 =	vadd.f32 v34, v37;
	v35 =	vadd.f32 v36, v35  }
0x2c2: {  	v47 =	vld [tilespmem:s28+$0x16360]  }
0x2c3: {  	v49 =	vld [tilespmem:s28+$0x16370];
	v34 =	vadd.f32 v35, v34  }
0x2c4: {  	v48 =	vsub.f32 v59, v33;
	v50 =	vsub.f32 v60, v31  }
0x2c5: {  	v51 =	vsub.f32 v61, v32;
	v52 =	vsub.f32 v62, v29  }
0x2c6: {  	[tilespmem:s25+$0x1A030] =	vst v34;
	v54 =	vsub.f32 v63, v30;
	v38 =	vsub.f32 v46, v28  }
0x2c7: {  	v39 =	vsub.f32 v47, v27;
	v55 =	vld [tilespmem:s29+$0x16200];
	v36 =	vmul.f32 v48, v48;
	v40 =	vmul.f32 v50, v50  }
0x2c8: {  	v37 =	vsub.f32 v49, v26;
	v56 =	vld [tilespmem:s29+$0x16210];
	v53 =	vmul.f32 v51, v51;
	v42 =	vmul.f32 v52, v52  }
0x2c9: {  	v57 =	vld [tilespmem:s29+$0x16220];
	v35 =	vmul.f32 v54, v54;
	v38 =	vmul.f32 v38, v38  }
0x2ca: {  	v58 =	vld [tilespmem:s29+$0x16230];
	v39 =	vmul.f32 v39, v39;
	v37 =	vmul.f32 v37, v37  }
0x2cb: {  	v59 =	vld [tilespmem:s29+$0x16240];
	v36 =	vadd.f32 v40, v36;
	v34 =	vadd.f32 v42, v53  }
0x2cc: {  	v60 =	vld [tilespmem:s29+$0x16250];
	v35 =	vadd.f32 v38, v35;
	v37 =	vadd.f32 v37, v39  }
0x2cd: {  	v61 =	vld [tilespmem:s29+$0x16260];
	v34 =	vadd.f32 v34, v36  }
0x2ce: {  	v62 =	vld [tilespmem:s29+$0x16270];
	v35 =	vadd.f32 v37, v35;
	v63 =	vsub.f32 v55, v24  }
0x2cf: {  	v46 =	vsub.f32 v56, v25;
	v47 =	vsub.f32 v57, v21  }
0x2d0: {  	v48 =	vsub.f32 v58, v22;
	v50 =	vsub.f32 v59, v18  }
0x2d1: {  	v38 =	vsub.f32 v60, v19;
	v34 =	vadd.f32 v35, v34  }
0x2d2: {  	v39 =	vsub.f32 v61, v20;
	v37 =	vmul.f32 v63, v63;
	v41 =	vmul.f32 v46, v46  }
0x2d3: {  	v36 =	vsub.f32 v62, v23;
	v49 =	vmul.f32 v47, v47;
	v42 =	vmul.f32 v48, v48;
	[tilespmem:s30+$0x1A060] =	vst v34  }
0x2d4: {  	v35 =	vmul.f32 v50, v50;
	v38 =	vmul.f32 v38, v38;
	v51 =	vld [tilespmem:s28+$0x16380]  }
0x2d5: {  	v39 =	vmul.f32 v39, v39;
	v36 =	vmul.f32 v36, v36;
	v52 =	vld [tilespmem:s28+$0x16390]  }
0x2d6: {  	v37 =	vadd.f32 v41, v37;
	v34 =	vadd.f32 v42, v49;
	v53 =	vld [tilespmem:s28+$0x163A0]  }
0x2d7: {  	v35 =	vadd.f32 v38, v35;
	v36 =	vadd.f32 v36, v39;
	v54 =	vld [tilespmem:s28+$0x163B0]  }
0x2d8: {  	v55 =	vld [tilespmem:s28+$0x163C0]  }
0x2d9: {  	v56 =	vld [tilespmem:s28+$0x163D0];
	v34 =	vadd.f32 v34, v37;
	v35 =	vadd.f32 v36, v35  }
0x2da: {  	v57 =	vld [tilespmem:s28+$0x163E0]  }
0x2db: {  	v59 =	vld [tilespmem:s28+$0x163F0];
	v34 =	vadd.f32 v35, v34  }
0x2dc: {  	v58 =	vsub.f32 v51, v33;
	v60 =	vsub.f32 v52, v31  }
0x2dd: {  	v61 =	vsub.f32 v53, v32;
	v62 =	vsub.f32 v54, v29  }
0x2de: {  	[tilespmem:s25+$0x1A040] =	vst v34;
	v48 =	vsub.f32 v55, v30;
	v38 =	vsub.f32 v56, v28  }
0x2df: {  	v39 =	vsub.f32 v57, v27;
	v49 =	vld [tilespmem:s29+$0x16280];
	v36 =	vmul.f32 v58, v58;
	v40 =	vmul.f32 v60, v60  }
0x2e0: {  	v37 =	vsub.f32 v59, v26;
	v50 =	vld [tilespmem:s29+$0x16290];
	v63 =	vmul.f32 v61, v61;
	v42 =	vmul.f32 v62, v62  }
0x2e1: {  	v51 =	vld [tilespmem:s29+$0x162A0];
	v35 =	vmul.f32 v48, v48;
	v38 =	vmul.f32 v38, v38  }
0x2e2: {  	v52 =	vld [tilespmem:s29+$0x162B0];
	v39 =	vmul.f32 v39, v39;
	v37 =	vmul.f32 v37, v37  }
0x2e3: {  	v53 =	vld [tilespmem:s29+$0x162C0];
	v36 =	vadd.f32 v40, v36;
	v34 =	vadd.f32 v42, v63  }
0x2e4: {  	v54 =	vld [tilespmem:s29+$0x162D0];
	v35 =	vadd.f32 v38, v35;
	v37 =	vadd.f32 v37, v39  }
0x2e5: {  	v55 =	vld [tilespmem:s29+$0x162E0];
	v34 =	vadd.f32 v34, v36  }
0x2e6: {  	v56 =	vld [tilespmem:s29+$0x162F0];
	v35 =	vadd.f32 v37, v35;
	v57 =	vsub.f32 v49, v24  }
0x2e7: {  	v58 =	vsub.f32 v50, v25;
	v59 =	vsub.f32 v51, v21  }
0x2e8: {  	v60 =	vsub.f32 v52, v22;
	v62 =	vsub.f32 v53, v18  }
0x2e9: {  	v38 =	vsub.f32 v54, v19;
	v34 =	vadd.f32 v35, v34  }
0x2ea: {  	v39 =	vsub.f32 v55, v20;
	v37 =	vmul.f32 v57, v57;
	v41 =	vmul.f32 v58, v58  }
0x2eb: {  	v36 =	vsub.f32 v56, v23;
	v61 =	vmul.f32 v59, v59;
	v42 =	vmul.f32 v60, v60;
	[tilespmem:s30+$0x1A070] =	vst v34  }
0x2ec: {  	v35 =	vmul.f32 v62, v62;
	v38 =	vmul.f32 v38, v38;
	v63 =	vld [tilespmem:s28+$0x16400]  }
0x2ed: {  	v39 =	vmul.f32 v39, v39;
	v36 =	vmul.f32 v36, v36;
	v48 =	vld [tilespmem:s28+$0x16410]  }
0x2ee: {  	v37 =	vadd.f32 v41, v37;
	v34 =	vadd.f32 v42, v61;
	v49 =	vld [tilespmem:s28+$0x16420]  }
0x2ef: {  	v35 =	vadd.f32 v38, v35;
	v36 =	vadd.f32 v36, v39;
	v50 =	vld [tilespmem:s28+$0x16430]  }
0x2f0: {  	v51 =	vld [tilespmem:s28+$0x16440]  }
0x2f1: {  	v52 =	vld [tilespmem:s28+$0x16450];
	v34 =	vadd.f32 v34, v37;
	v35 =	vadd.f32 v36, v35  }
0x2f2: {  	v53 =	vld [tilespmem:s28+$0x16460]  }
0x2f3: {  	v55 =	vld [tilespmem:s28+$0x16470];
	v34 =	vadd.f32 v35, v34  }
0x2f4: {  	v54 =	vsub.f32 v63, v33;
	v56 =	vsub.f32 v48, v31  }
0x2f5: {  	v57 =	vsub.f32 v49, v32;
	v58 =	vsub.f32 v50, v29  }
0x2f6: {  	[tilespmem:s25+$0x1A050] =	vst v34;
	v60 =	vsub.f32 v51, v30;
	v38 =	vsub.f32 v52, v28  }
0x2f7: {  	v39 =	vsub.f32 v53, v27;
	v61 =	vld [tilespmem:s29+$0x16300];
	v36 =	vmul.f32 v54, v54;
	v40 =	vmul.f32 v56, v56  }
0x2f8: {  	v37 =	vsub.f32 v55, v26;
	v62 =	vld [tilespmem:s29+$0x16310];
	v59 =	vmul.f32 v57, v57;
	v42 =	vmul.f32 v58, v58  }
0x2f9: {  	v63 =	vld [tilespmem:s29+$0x16320];
	v35 =	vmul.f32 v60, v60;
	v38 =	vmul.f32 v38, v38  }
0x2fa: {  	v48 =	vld [tilespmem:s29+$0x16330];
	v39 =	vmul.f32 v39, v39;
	v37 =	vmul.f32 v37, v37  }
0x2fb: {  	v49 =	vld [tilespmem:s29+$0x16340];
	v36 =	vadd.f32 v40, v36;
	v34 =	vadd.f32 v42, v59  }
0x2fc: {  	v50 =	vld [tilespmem:s29+$0x16350];
	v35 =	vadd.f32 v38, v35;
	v37 =	vadd.f32 v37, v39  }
0x2fd: {  	v51 =	vld [tilespmem:s29+$0x16360];
	v34 =	vadd.f32 v34, v36  }
0x2fe: {  	v52 =	vld [tilespmem:s29+$0x16370];
	v35 =	vadd.f32 v37, v35;
	v53 =	vsub.f32 v61, v24  }
0x2ff: {  	v54 =	vsub.f32 v62, v25;
	v55 =	vsub.f32 v63, v21  }
0x300: {  	v56 =	vsub.f32 v48, v22;
	v58 =	vsub.f32 v49, v18  }
0x301: {  	v38 =	vsub.f32 v50, v19;
	v34 =	vadd.f32 v35, v34  }
0x302: {  	v39 =	vsub.f32 v51, v20;
	v37 =	vmul.f32 v53, v53;
	v41 =	vmul.f32 v54, v54  }
0x303: {  	v36 =	vsub.f32 v52, v23;
	v57 =	vmul.f32 v55, v55;
	v42 =	vmul.f32 v56, v56;
	[tilespmem:s30+$0x1A080] =	vst v34  }
0x304: {  	v35 =	vmul.f32 v58, v58;
	v38 =	vmul.f32 v38, v38;
	v59 =	vld [tilespmem:s28+$0x16480]  }
0x305: {  	v39 =	vmul.f32 v39, v39;
	v36 =	vmul.f32 v36, v36;
	v60 =	vld [tilespmem:s28+$0x16490]  }
0x306: {  	v37 =	vadd.f32 v41, v37;
	v34 =	vadd.f32 v42, v57;
	v61 =	vld [tilespmem:s28+$0x164A0]  }
0x307: {  	v35 =	vadd.f32 v38, v35;
	v36 =	vadd.f32 v36, v39;
	v62 =	vld [tilespmem:s28+$0x164B0]  }
0x308: {  	v63 =	vld [tilespmem:s28+$0x164C0]  }
0x309: {  	v46 =	vld [tilespmem:s28+$0x164D0];
	v34 =	vadd.f32 v34, v37;
	v35 =	vadd.f32 v36, v35  }
0x30a: {  	v47 =	vld [tilespmem:s28+$0x164E0]  }
0x30b: {  	v49 =	vld [tilespmem:s28+$0x164F0];
	v34 =	vadd.f32 v35, v34  }
0x30c: {  	v48 =	vsub.f32 v59, v33;
	v50 =	vsub.f32 v60, v31  }
0x30d: {  	v51 =	vsub.f32 v61, v32;
	v52 =	vsub.f32 v62, v29  }
0x30e: {  	[tilespmem:s25+$0x1A060] =	vst v34;
	v54 =	vsub.f32 v63, v30;
	v38 =	vsub.f32 v46, v28  }
0x30f: {  	v39 =	vsub.f32 v47, v27;
	v55 =	vld [tilespmem:s29+$0x16380];
	v36 =	vmul.f32 v48, v48;
	v40 =	vmul.f32 v50, v50  }
0x310: {  	v37 =	vsub.f32 v49, v26;
	v56 =	vld [tilespmem:s29+$0x16390];
	v53 =	vmul.f32 v51, v51;
	v42 =	vmul.f32 v52, v52  }
0x311: {  	v57 =	vld [tilespmem:s29+$0x163A0];
	v35 =	vmul.f32 v54, v54;
	v38 =	vmul.f32 v38, v38  }
0x312: {  	v58 =	vld [tilespmem:s29+$0x163B0];
	v39 =	vmul.f32 v39, v39;
	v37 =	vmul.f32 v37, v37  }
0x313: {  	v59 =	vld [tilespmem:s29+$0x163C0];
	v36 =	vadd.f32 v40, v36;
	v34 =	vadd.f32 v42, v53  }
0x314: {  	v60 =	vld [tilespmem:s29+$0x163D0];
	v35 =	vadd.f32 v38, v35;
	v37 =	vadd.f32 v37, v39  }
0x315: {  	v61 =	vld [tilespmem:s29+$0x163E0];
	v34 =	vadd.f32 v34, v36  }
0x316: {  	v62 =	vld [tilespmem:s29+$0x163F0];
	v35 =	vadd.f32 v37, v35;
	v63 =	vsub.f32 v55, v24  }
0x317: {  	v46 =	vsub.f32 v56, v25;
	v47 =	vsub.f32 v57, v21  }
0x318: {  	v48 =	vsub.f32 v58, v22;
	v50 =	vsub.f32 v59, v18  }
0x319: {  	v38 =	vsub.f32 v60, v19;
	v34 =	vadd.f32 v35, v34  }
0x31a: {  	v39 =	vsub.f32 v61, v20;
	v37 =	vmul.f32 v63, v63;
	v41 =	vmul.f32 v46, v46  }
0x31b: {  	v36 =	vsub.f32 v62, v23;
	v49 =	vmul.f32 v47, v47;
	v42 =	vmul.f32 v48, v48;
	[tilespmem:s30+$0x1A090] =	vst v34  }
0x31c: {  	v35 =	vmul.f32 v50, v50;
	v38 =	vmul.f32 v38, v38;
	v51 =	vld [tilespmem:s28+$0x16500]  }
0x31d: {  	v39 =	vmul.f32 v39, v39;
	v36 =	vmul.f32 v36, v36;
	v52 =	vld [tilespmem:s28+$0x16510]  }
0x31e: {  	v37 =	vadd.f32 v41, v37;
	v34 =	vadd.f32 v42, v49;
	v53 =	vld [tilespmem:s28+$0x16520]  }
0x31f: {  	v35 =	vadd.f32 v38, v35;
	v36 =	vadd.f32 v36, v39;
	v54 =	vld [tilespmem:s28+$0x16530]  }
0x320: {  	v55 =	vld [tilespmem:s28+$0x16540]  }
0x321: {  	v56 =	vld [tilespmem:s28+$0x16550];
	v34 =	vadd.f32 v34, v37;
	v35 =	vadd.f32 v36, v35  }
0x322: {  	v57 =	vld [tilespmem:s28+$0x16560]  }
0x323: {  	v59 =	vld [tilespmem:s28+$0x16570];
	v34 =	vadd.f32 v35, v34  }
0x324: {  	v58 =	vsub.f32 v51, v33;
	v60 =	vsub.f32 v52, v31  }
0x325: {  	v61 =	vsub.f32 v53, v32;
	v62 =	vsub.f32 v54, v29  }
0x326: {  	[tilespmem:s25+$0x1A070] =	vst v34;
	v48 =	vsub.f32 v55, v30;
	v38 =	vsub.f32 v56, v28  }
0x327: {  	v39 =	vsub.f32 v57, v27;
	v49 =	vld [tilespmem:s29+$0x16400];
	v36 =	vmul.f32 v58, v58;
	v40 =	vmul.f32 v60, v60  }
0x328: {  	v37 =	vsub.f32 v59, v26;
	v50 =	vld [tilespmem:s29+$0x16410];
	v63 =	vmul.f32 v61, v61;
	v42 =	vmul.f32 v62, v62  }
0x329: {  	v51 =	vld [tilespmem:s29+$0x16420];
	v35 =	vmul.f32 v48, v48;
	v38 =	vmul.f32 v38, v38  }
0x32a: {  	v52 =	vld [tilespmem:s29+$0x16430];
	v39 =	vmul.f32 v39, v39;
	v37 =	vmul.f32 v37, v37  }
0x32b: {  	v53 =	vld [tilespmem:s29+$0x16440];
	v36 =	vadd.f32 v40, v36;
	v34 =	vadd.f32 v42, v63  }
0x32c: {  	v54 =	vld [tilespmem:s29+$0x16450];
	v35 =	vadd.f32 v38, v35;
	v37 =	vadd.f32 v37, v39  }
0x32d: {  	v55 =	vld [tilespmem:s29+$0x16460];
	v34 =	vadd.f32 v34, v36  }
0x32e: {  	v56 =	vld [tilespmem:s29+$0x16470];
	v35 =	vadd.f32 v37, v35;
	v57 =	vsub.f32 v49, v24  }
0x32f: {  	v58 =	vsub.f32 v50, v25;
	v59 =	vsub.f32 v51, v21  }
0x330: {  	v60 =	vsub.f32 v52, v22;
	v62 =	vsub.f32 v53, v18  }
0x331: {  	v38 =	vsub.f32 v54, v19;
	v34 =	vadd.f32 v35, v34  }
0x332: {  	v39 =	vsub.f32 v55, v20;
	v37 =	vmul.f32 v57, v57;
	v41 =	vmul.f32 v58, v58  }
0x333: {  	v36 =	vsub.f32 v56, v23;
	v61 =	vmul.f32 v59, v59;
	v42 =	vmul.f32 v60, v60;
	[tilespmem:s30+$0x1A0A0] =	vst v34  }
0x334: {  	v35 =	vmul.f32 v62, v62;
	v38 =	vmul.f32 v38, v38;
	v63 =	vld [tilespmem:s28+$0x16580]  }
0x335: {  	v39 =	vmul.f32 v39, v39;
	v36 =	vmul.f32 v36, v36;
	v48 =	vld [tilespmem:s28+$0x16590]  }
0x336: {  	v37 =	vadd.f32 v41, v37;
	v34 =	vadd.f32 v42, v61;
	v49 =	vld [tilespmem:s28+$0x165A0]  }
0x337: {  	v35 =	vadd.f32 v38, v35;
	v36 =	vadd.f32 v36, v39;
	v50 =	vld [tilespmem:s28+$0x165B0]  }
0x338: {  	v51 =	vld [tilespmem:s28+$0x165C0]  }
0x339: {  	v52 =	vld [tilespmem:s28+$0x165D0];
	v34 =	vadd.f32 v34, v37;
	v35 =	vadd.f32 v36, v35  }
0x33a: {  	v53 =	vld [tilespmem:s28+$0x165E0]  }
0x33b: {  	v55 =	vld [tilespmem:s28+$0x165F0];
	v34 =	vadd.f32 v35, v34  }
0x33c: {  	v54 =	vsub.f32 v63, v33;
	v56 =	vsub.f32 v48, v31  }
0x33d: {  	v57 =	vsub.f32 v49, v32;
	v58 =	vsub.f32 v50, v29  }
0x33e: {  	[tilespmem:s25+$0x1A080] =	vst v34;
	v60 =	vsub.f32 v51, v30;
	v38 =	vsub.f32 v52, v28  }
0x33f: {  	v39 =	vsub.f32 v53, v27;
	v61 =	vld [tilespmem:s29+$0x16480];
	v36 =	vmul.f32 v54, v54;
	v40 =	vmul.f32 v56, v56  }
0x340: {  	v37 =	vsub.f32 v55, v26;
	v62 =	vld [tilespmem:s29+$0x16490];
	v59 =	vmul.f32 v57, v57;
	v42 =	vmul.f32 v58, v58  }
0x341: {  	v63 =	vld [tilespmem:s29+$0x164A0];
	v35 =	vmul.f32 v60, v60;
	v38 =	vmul.f32 v38, v38  }
0x342: {  	v48 =	vld [tilespmem:s29+$0x164B0];
	v39 =	vmul.f32 v39, v39;
	v37 =	vmul.f32 v37, v37  }
0x343: {  	v49 =	vld [tilespmem:s29+$0x164C0];
	v36 =	vadd.f32 v40, v36;
	v34 =	vadd.f32 v42, v59  }
0x344: {  	v50 =	vld [tilespmem:s29+$0x164D0];
	v35 =	vadd.f32 v38, v35;
	v37 =	vadd.f32 v37, v39  }
0x345: {  	v51 =	vld [tilespmem:s29+$0x164E0];
	v34 =	vadd.f32 v34, v36  }
0x346: {  	v52 =	vld [tilespmem:s29+$0x164F0];
	v35 =	vadd.f32 v37, v35;
	v53 =	vsub.f32 v61, v24  }
0x347: {  	v54 =	vsub.f32 v62, v25;
	v55 =	vsub.f32 v63, v21  }
0x348: {  	v56 =	vsub.f32 v48, v22;
	v58 =	vsub.f32 v49, v18  }
0x349: {  	v38 =	vsub.f32 v50, v19;
	v34 =	vadd.f32 v35, v34  }
0x34a: {  	v39 =	vsub.f32 v51, v20;
	v37 =	vmul.f32 v53, v53;
	v41 =	vmul.f32 v54, v54  }
0x34b: {  	v36 =	vsub.f32 v52, v23;
	v57 =	vmul.f32 v55, v55;
	v42 =	vmul.f32 v56, v56;
	[tilespmem:s30+$0x1A0B0] =	vst v34  }
0x34c: {  	v35 =	vmul.f32 v58, v58;
	v38 =	vmul.f32 v38, v38;
	v59 =	vld [tilespmem:s28+$0x16600]  }
0x34d: {  	v39 =	vmul.f32 v39, v39;
	v36 =	vmul.f32 v36, v36;
	v60 =	vld [tilespmem:s28+$0x16610]  }
0x34e: {  	v37 =	vadd.f32 v41, v37;
	v34 =	vadd.f32 v42, v57;
	v61 =	vld [tilespmem:s28+$0x16620]  }
0x34f: {  	v35 =	vadd.f32 v38, v35;
	v36 =	vadd.f32 v36, v39;
	v62 =	vld [tilespmem:s28+$0x16630]  }
0x350: {  	v63 =	vld [tilespmem:s28+$0x16640]  }
0x351: {  	v46 =	vld [tilespmem:s28+$0x16650];
	v34 =	vadd.f32 v34, v37;
	v35 =	vadd.f32 v36, v35  }
0x352: {  	v47 =	vld [tilespmem:s28+$0x16660]  }
0x353: {  	v49 =	vld [tilespmem:s28+$0x16670];
	v34 =	vadd.f32 v35, v34  }
0x354: {  	v48 =	vsub.f32 v59, v33;
	v50 =	vsub.f32 v60, v31  }
0x355: {  	v51 =	vsub.f32 v61, v32;
	v52 =	vsub.f32 v62, v29  }
0x356: {  	[tilespmem:s25+$0x1A090] =	vst v34;
	v54 =	vsub.f32 v63, v30;
	v38 =	vsub.f32 v46, v28  }
0x357: {  	v39 =	vsub.f32 v47, v27;
	v55 =	vld [tilespmem:s29+$0x16500];
	v36 =	vmul.f32 v48, v48;
	v40 =	vmul.f32 v50, v50  }
0x358: {  	v37 =	vsub.f32 v49, v26;
	v56 =	vld [tilespmem:s29+$0x16510];
	v53 =	vmul.f32 v51, v51;
	v42 =	vmul.f32 v52, v52  }
0x359: {  	v57 =	vld [tilespmem:s29+$0x16520];
	v35 =	vmul.f32 v54, v54;
	v38 =	vmul.f32 v38, v38  }
0x35a: {  	v58 =	vld [tilespmem:s29+$0x16530];
	v39 =	vmul.f32 v39, v39;
	v37 =	vmul.f32 v37, v37  }
0x35b: {  	v59 =	vld [tilespmem:s29+$0x16540];
	v36 =	vadd.f32 v40, v36;
	v34 =	vadd.f32 v42, v53  }
0x35c: {  	v60 =	vld [tilespmem:s29+$0x16550];
	v35 =	vadd.f32 v38, v35;
	v37 =	vadd.f32 v37, v39  }
0x35d: {  	v61 =	vld [tilespmem:s29+$0x16560];
	v34 =	vadd.f32 v34, v36  }
0x35e: {  	v62 =	vld [tilespmem:s29+$0x16570];
	v35 =	vadd.f32 v37, v35;
	v63 =	vsub.f32 v55, v24  }
0x35f: {  	v46 =	vsub.f32 v56, v25;
	v47 =	vsub.f32 v57, v21  }
0x360: {  	v48 =	vsub.f32 v58, v22;
	v50 =	vsub.f32 v59, v18  }
0x361: {  	v38 =	vsub.f32 v60, v19;
	v34 =	vadd.f32 v35, v34  }
0x362: {  	v39 =	vsub.f32 v61, v20;
	v37 =	vmul.f32 v63, v63;
	v41 =	vmul.f32 v46, v46  }
0x363: {  	v36 =	vsub.f32 v62, v23;
	v49 =	vmul.f32 v47, v47;
	v42 =	vmul.f32 v48, v48;
	[tilespmem:s30+$0x1A0C0] =	vst v34  }
0x364: {  	v35 =	vmul.f32 v50, v50;
	v38 =	vmul.f32 v38, v38;
	v51 =	vld [tilespmem:s28+$0x16680]  }
0x365: {  	v39 =	vmul.f32 v39, v39;
	v36 =	vmul.f32 v36, v36;
	v52 =	vld [tilespmem:s28+$0x16690]  }
0x366: {  	v37 =	vadd.f32 v41, v37;
	v34 =	vadd.f32 v42, v49;
	v53 =	vld [tilespmem:s28+$0x166A0]  }
0x367: {  	v35 =	vadd.f32 v38, v35;
	v36 =	vadd.f32 v36, v39;
	v54 =	vld [tilespmem:s28+$0x166B0]  }
0x368: {  	v55 =	vld [tilespmem:s28+$0x166C0]  }
0x369: {  	v56 =	vld [tilespmem:s28+$0x166D0];
	v34 =	vadd.f32 v34, v37;
	v35 =	vadd.f32 v36, v35  }
0x36a: {  	v57 =	vld [tilespmem:s28+$0x166E0]  }
0x36b: {  	v59 =	vld [tilespmem:s28+$0x166F0];
	v34 =	vadd.f32 v35, v34  }
0x36c: {  	v58 =	vsub.f32 v51, v33;
	v60 =	vsub.f32 v52, v31  }
0x36d: {  	v61 =	vsub.f32 v53, v32;
	v62 =	vsub.f32 v54, v29  }
0x36e: {  	[tilespmem:s25+$0x1A0A0] =	vst v34;
	v47 =	vsub.f32 v55, v30;
	v38 =	vsub.f32 v56, v28  }
0x36f: {  	v39 =	vsub.f32 v57, v27;
	v48 =	vld [tilespmem:s29+$0x16580];
	v36 =	vmul.f32 v58, v58;
	v40 =	vmul.f32 v60, v60  }
0x370: {  	v37 =	vsub.f32 v59, v26;
	v49 =	vld [tilespmem:s29+$0x16590];
	v63 =	vmul.f32 v61, v61;
	v42 =	vmul.f32 v62, v62  }
0x371: {  	v50 =	vld [tilespmem:s29+$0x165A0];
	v35 =	vmul.f32 v47, v47;
	v38 =	vmul.f32 v38, v38  }
0x372: {  	v51 =	vld [tilespmem:s29+$0x165B0];
	v39 =	vmul.f32 v39, v39;
	v37 =	vmul.f32 v37, v37  }
0x373: {  	v52 =	vld [tilespmem:s29+$0x165C0];
	v36 =	vadd.f32 v40, v36;
	v34 =	vadd.f32 v42, v63  }
0x374: {  	v53 =	vld [tilespmem:s29+$0x165D0];
	v35 =	vadd.f32 v38, v35;
	v37 =	vadd.f32 v37, v39  }
0x375: {  	v54 =	vld [tilespmem:s29+$0x165E0];
	v34 =	vadd.f32 v34, v36  }
0x376: {  	v55 =	vld [tilespmem:s29+$0x165F0];
	v35 =	vadd.f32 v37, v35;
	v56 =	vsub.f32 v48, v24  }
0x377: {  	v57 =	vsub.f32 v49, v25;
	v58 =	vsub.f32 v50, v21  }
0x378: {  	v59 =	vsub.f32 v51, v22;
	v61 =	vsub.f32 v52, v18  }
0x379: {  	v38 =	vsub.f32 v53, v19;
	v34 =	vadd.f32 v35, v34  }
0x37a: {  	v39 =	vsub.f32 v54, v20;
	v37 =	vmul.f32 v56, v56;
	v41 =	vmul.f32 v57, v57  }
0x37b: {  	v36 =	vsub.f32 v55, v23;
	v60 =	vmul.f32 v58, v58;
	v42 =	vmul.f32 v59, v59;
	[tilespmem:s30+$0x1A0D0] =	vst v34  }
0x37c: {  	v35 =	vmul.f32 v61, v61;
	v38 =	vmul.f32 v38, v38;
	v62 =	vld [tilespmem:s28+$0x16700]  }
0x37d: {  	v39 =	vmul.f32 v39, v39;
	v36 =	vmul.f32 v36, v36;
	v63 =	vld [tilespmem:s28+$0x16710]  }
0x37e: {  	v37 =	vadd.f32 v41, v37;
	v34 =	vadd.f32 v42, v60;
	v48 =	vld [tilespmem:s28+$0x16720]  }
0x37f: {  	v35 =	vadd.f32 v38, v35;
	v36 =	vadd.f32 v36, v39;
	v49 =	vld [tilespmem:s28+$0x16730]  }
0x380: {  	v50 =	vld [tilespmem:s28+$0x16740]  }
0x381: {  	v51 =	vld [tilespmem:s28+$0x16750];
	v34 =	vadd.f32 v34, v37;
	v35 =	vadd.f32 v36, v35  }
0x382: {  	v52 =	vld [tilespmem:s28+$0x16760]  }
0x383: {  	v54 =	vld [tilespmem:s28+$0x16770];
	v34 =	vadd.f32 v35, v34  }
0x384: {  	v53 =	vsub.f32 v62, v33;
	v55 =	vsub.f32 v63, v31  }
0x385: {  	v56 =	vsub.f32 v48, v32;
	v57 =	vsub.f32 v49, v29;
	[tilespmem:s25+$0x1A0B0] =	vst v34  }
0x386: {  	v59 =	vsub.f32 v50, v30;
	v38 =	vsub.f32 v51, v28;
	v60 =	vld [tilespmem:s29+$0x16600]  }
0x387: {  	v39 =	vsub.f32 v52, v27;
	v61 =	vld [tilespmem:s29+$0x16610];
	v36 =	vmul.f32 v53, v53;
	v40 =	vmul.f32 v55, v55  }
0x388: {  	v37 =	vsub.f32 v54, v26;
	v62 =	vld [tilespmem:s29+$0x16620];
	v58 =	vmul.f32 v56, v56;
	v42 =	vmul.f32 v57, v57  }
0x389: {  	v63 =	vld [tilespmem:s29+$0x16630];
	v35 =	vmul.f32 v59, v59;
	v38 =	vmul.f32 v38, v38  }
0x38a: {  	v46 =	vld [tilespmem:s29+$0x16640];
	v39 =	vmul.f32 v39, v39;
	v37 =	vmul.f32 v37, v37  }
0x38b: {  	v47 =	vld [tilespmem:s29+$0x16650];
	v36 =	vadd.f32 v40, v36;
	v34 =	vadd.f32 v42, v58  }
0x38c: {  	v48 =	vld [tilespmem:s29+$0x16660];
	v35 =	vadd.f32 v38, v35;
	v37 =	vadd.f32 v37, v39  }
0x38d: {  	v49 =	vld [tilespmem:s29+$0x16670];
	v34 =	vadd.f32 v34, v36  }
0x38e: {  	v35 =	vadd.f32 v37, v35;
	v50 =	vsub.f32 v60, v24  }
0x38f: {  	v51 =	vsub.f32 v61, v25;
	v52 =	vsub.f32 v62, v21  }
0x390: {  	v53 =	vsub.f32 v63, v22;
	v40 =	vsub.f32 v46, v18  }
0x391: {  	v38 =	vsub.f32 v47, v19;
	v39 =	vsub.f32 v48, v20  }
0x392: {  	v36 =	vsub.f32 v49, v23;
	v37 =	vmul.f32 v50, v50;
	v41 =	vmul.f32 v51, v51  }
0x393: {  	v34 =	vadd.f32 v35, v34;
	v35 =	vmul.f32 v52, v52;
	v42 =	vmul.f32 v53, v53  }
0x394: {  	v40 =	vmul.f32 v40, v40;
	v38 =	vmul.f32 v38, v38  }
0x395: {  	v54 =	vmul.f32 v39, v39;
	v36 =	vmul.f32 v36, v36;
	[tilespmem:s30+$0x1A0E0] =	vst v34  }
0x396: {  	v37 =	vadd.f32 v41, v37;
	v35 =	vadd.f32 v42, v35;
	v55 =	vld [tilespmem:s28+$0x16780]  }
0x397: {  	v38 =	vadd.f32 v38, v40;
	v34 =	vadd.f32 v36, v54;
	v56 =	vld [tilespmem:s28+$0x16790]  }
0x398: {  	v57 =	vld [tilespmem:s28+$0x167A0]  }
0x399: {  	v58 =	vld [tilespmem:s28+$0x167B0];
	v35 =	vadd.f32 v35, v37;
	v34 =	vadd.f32 v34, v38  }
0x39a: {  	v59 =	vld [tilespmem:s28+$0x167C0]  }
0x39b: {  	v60 =	vld [tilespmem:s28+$0x167D0];
	v34 =	vadd.f32 v34, v35  }
0x39c: {  	v61 =	vld [tilespmem:s28+$0x167E0]  }
0x39d: {  	v62 =	vld [tilespmem:s28+$0x167F0];
	[tilespmem:s25+$0x1A0C0] =	vst v34  }
0x39e: {  	v34 =	vld [tilespmem:s29+$0x16680]  }
0x39f: {  	v63 =	vld [tilespmem:s29+$0x16690]  }
0x3a0: {  	v33 =	vsub.f32 v55, v33;
	v31 =	vsub.f32 v56, v31;
	v45 =	vld [tilespmem:s29+$0x166A0]  }
0x3a1: {  	v32 =	vsub.f32 v57, v32;
	v29 =	vsub.f32 v58, v29;
	v46 =	vld [tilespmem:s29+$0x166B0]  }
0x3a2: {  	v30 =	vsub.f32 v59, v30;
	v47 =	vld [tilespmem:s29+$0x166C0];
	v33 =	vmul.f32 v33, v33;
	v31 =	vmul.f32 v31, v31  }
0x3a3: {  	v28 =	vsub.f32 v60, v28;
	v48 =	vld [tilespmem:s29+$0x166D0];
	v32 =	vmul.f32 v32, v32;
	v29 =	vmul.f32 v29, v29  }
0x3a4: {  	v27 =	vsub.f32 v61, v27;
	v26 =	vsub.f32 v62, v26;
	v49 =	vld [tilespmem:s29+$0x166E0]  }
0x3a5: {  	v50 =	vld [tilespmem:s29+$0x166F0];
	v30 =	vmul.f32 v30, v30;
	v31 =	vadd.f32 v31, v33;
	v29 =	vadd.f32 v29, v32  }
0x3a6: {  	v28 =	vmul.f32 v28, v28;
	v34 =	vsub.f32 v34, v24;
	v51 =	vsub.f32 v63, v25  }
0x3a7: {  	v27 =	vmul.f32 v27, v27;
	v52 =	vsub.f32 v45, v21;
	v36 =	vsub.f32 v46, v22  }
0x3a8: {  	v26 =	vmul.f32 v26, v26;
	v37 =	vsub.f32 v47, v18;
	v38 =	vsub.f32 v48, v19  }
0x3a9: {  	v35 =	vsub.f32 v49, v20;
	v34 =	vmul.f32 v34, v34;
	v53 =	vmul.f32 v51, v51  }
0x3aa: {  	v33 =	vsub.f32 v50, v23;
	v32 =	vmul.f32 v52, v52;
	v36 =	vmul.f32 v36, v36  }
0x3ab: {  	v28 =	vadd.f32 v28, v30;
	v54 =	vmul.f32 v37, v37;
	v55 =	vmul.f32 v38, v38  }
0x3ac: {  	v26 =	vadd.f32 v26, v27;
	v56 =	vmul.f32 v35, v35;
	v33 =	vmul.f32 v33, v33  }
0x3ad: {  	v34 =	vadd.f32 v53, v34;
	v32 =	vadd.f32 v36, v32  }
0x3ae: {  	v30 =	vadd.f32 v55, v54;
	v27 =	vadd.f32 v33, v56;
	_ =	sdelay $0x1  }
0x3af: {  	v59 =	vadd.f32 v32, v34;
	v27 =	vadd.f32 v27, v30;
	_ =	sdelay $0x1  }
0x3b0: {  	v27 =	vadd.f32 v27, v59;
	_ =	sdelay $0x1  }
0x3b1: {  	[tilespmem:s25+$0x1A0D0] =	vst v27  }
0x3b2: {  	v27 =	vld [tilespmem:s29+$0x16700]  }
0x3b3: {  	v60 =	vld [tilespmem:s29+$0x16710]  }
0x3b4: {  	v61 =	vld [tilespmem:s29+$0x16720]  }
0x3b5: {  	v63 =	vld [tilespmem:s29+$0x16730]  }
0x3b6: {  	v48 =	vld [tilespmem:s29+$0x16740]  }
0x3b7: {  	v29 =	vadd.f32 v29, v31;
	v26 =	vadd.f32 v26, v28;
	v50 =	vld [tilespmem:s29+$0x16750]  }
0x3b8: {  	v52 =	vld [tilespmem:s29+$0x16760]  }
0x3b9: {  	v57 =	vor.u32 s30, v0;
	v62 =	vor.u32 s30, v2;
	v26 =	vadd.f32 v26, v29;
	v56 =	vld [tilespmem:s29+$0x16770]  }
0x3ba: {  	v58 =	vand.u32 v1, v57;
	v27 =	vsub.f32 v27, v24;
	v28 =	vsub.f32 v60, v25  }
0x3bb: {  	v47 =	vor.u32 s30, v3;
	v29 =	vsub.f32 v61, v21;
	v31 =	vsub.f32 v63, v22  }
0x3bc: {  	v49 =	vor.u32 s30, v4;
	v33 =	vsub.f32 v48, v18;
	v35 =	vsub.f32 v50, v19  }
0x3bd: {  	v37 =	vsub.f32 v52, v20;
	v27 =	vmul.f32 v27, v27;
	v28 =	vmul.f32 v28, v28  }
0x3be: {  	v41 =	vsub.f32 v56, v23;
	v29 =	vmul.f32 v29, v29;
	v31 =	vmul.f32 v31, v31  }
0x3bf: {  	v51 =	vor.u32 s30, v5;
	[tilespmem:s30+$0x1A0F0] =	vst v26;
	v33 =	vmul.f32 v33, v33;
	v35 =	vmul.f32 v35, v35  }
0x3c0: {  	v55 =	vor.u32 s30, v8;
	v26 =	vld.idx.msk [tilespmem:v58+s14+$0x0], $0xffff;
	v37 =	vmul.f32 v37, v37;
	v41 =	vmul.f32 v41, v41  }
0x3c1: {  	v58 =	vor.u32 s30, v10;
	v30 =	vld.idx.msk [tilespmem:v62+s14+$0x0], $0xffff;
	v27 =	vadd.f32 v28, v27;
	v29 =	vadd.f32 v31, v29  }
0x3c2: {  	v57 =	vor.u32 s30, v9;
	v32 =	vld.idx.msk [tilespmem:v47+s14+$0x0], $0xffff;
	v33 =	vadd.f32 v35, v33;
	v37 =	vadd.f32 v41, v37  }
0x3c3: {  	v34 =	vld.idx.msk [tilespmem:v49+s14+$0x0], $0xffff;
	v60 =	vor.u32 s30, v12  }
0x3c4: {  	v36 =	vld.idx.msk [tilespmem:v51+s14+$0x0], $0xffff;
	v27 =	vadd.f32 v29, v27;
	v51 =	vadd.f32 v37, v33  }
0x3c5: {  	v40 =	vld.idx.msk [tilespmem:v55+s14+$0x0], $0xffff  }
0x3c6: {  	v62 =	vld.idx.msk [tilespmem:v58+s14+$0x0], $0xffff;
	v27 =	vadd.f32 v51, v27  }
0x3c7: {  	v28 =	vld.idx.msk [tilespmem:v57+s14+$0x0], $0xffff  }
0x3c8: {  	v50 =	vld.idx.msk [tilespmem:v60+s14+$0x0], $0xffff;
	[tilespmem:s25+$0x1A0E0] =	vst v27  }
0x3c9: {  	v27 =	vld [tilespmem:s29+$0x16780]  }
0x3ca: {  	v55 =	vld [tilespmem:s29+$0x16790]  }
0x3cb: {  	v56 =	vld [tilespmem:s29+$0x167A0]  }
0x3cc: {  	v53 =	vor.u32 s30, v6;
	v57 =	vld [tilespmem:s29+$0x167B0]  }
0x3cd: {  	v54 =	vor.u32 s30, v7;
	v58 =	vld [tilespmem:s29+$0x167C0]  }
0x3ce: {  	v59 =	vor.u32 s30, v11;
	v60 =	vld [tilespmem:s29+$0x167D0]  }
0x3cf: {  	v46 =	vor.u32 s30, v13;
	v28 =	vadd.f32 v62, v28;
	v62 =	vld [tilespmem:s29+$0x167E0]  }
0x3d0: {  	v26 =	vadd.f32 v30, v26;
	v32 =	vadd.f32 v34, v32;
	v61 =	vor.u32 s30, v14;
	v43 =	vld [tilespmem:s29+$0x167F0]  }
0x3d1: {  	v38 =	vld.idx.msk [tilespmem:v53+s14+$0x0], $0xffff;
	v63 =	vor.u32 s30, v15;
	v24 =	vsub.f32 v27, v24;
	v25 =	vsub.f32 v55, v25  }
0x3d2: {  	v39 =	vld.idx.msk [tilespmem:v54+s14+$0x0], $0xffff;
	v48 =	vor.u32 s30, v16;
	v21 =	vsub.f32 v56, v21;
	v22 =	vsub.f32 v57, v22  }
0x3d3: {  	v49 =	vld.idx.msk [tilespmem:v59+s14+$0x0], $0xffff;
	v18 =	vsub.f32 v58, v18;
	v19 =	vsub.f32 v60, v19  }
0x3d4: {  	v52 =	vld.idx.msk [tilespmem:v46+s14+$0x0], $0xffff;
	v20 =	vsub.f32 v62, v20;
	v24 =	vmul.f32 v24, v24;
	v25 =	vmul.f32 v25, v25  }
0x3d5: {  	v31 =	vld.idx.msk [tilespmem:v61+s14+$0x0], $0xffff;
	v23 =	vsub.f32 v43, v23;
	v21 =	vmul.f32 v21, v21;
	v22 =	vmul.f32 v22, v22  }
0x3d6: {  	v26 =	vadd.f32 v32, v26;
	v53 =	vld.idx.msk [tilespmem:v63+s14+$0x0], $0xffff;
	v18 =	vmul.f32 v18, v18;
	v19 =	vmul.f32 v19, v19  }
0x3d7: {  	v59 =	vadd.f32 v38, v36;
	v54 =	vld.idx.msk [tilespmem:v48+s14+$0x0], $0xffff;
	v20 =	vmul.f32 v20, v20;
	v23 =	vmul.f32 v23, v23  }
0x3d8: {  	v24 =	vadd.f32 v25, v24;
	v21 =	vadd.f32 v22, v21  }
0x3d9: {  	v18 =	vadd.f32 v19, v18;
	v19 =	vadd.f32 v23, v20  }
0x3da: {  	v61 =	vadd.f32 v40, v39;
	v48 =	vor.u32 s25, v0;
	v63 =	vadd.f32 v50, v49  }
0x3db: {  	v21 =	vadd.f32 v21, v24;
	v18 =	vadd.f32 v19, v18;
	v19 =	vand.u32 v17, v48  }
0x3dc: {  	v31 =	vadd.f32 v31, v52;
	v44 =	vadd.f32 v54, v53;
	v50 =	vor.u32 s25, v2  }
0x3dd: {  	v45 =	vadd.f32 v61, v59;
	v51 =	vor.u32 s25, v3;
	v18 =	vadd.f32 v18, v21  }
0x3de: {  	v52 =	vor.u32 s25, v4;
	v46 =	vadd.f32 v63, v28;
	v47 =	vadd.f32 v44, v31  }
0x3df: {  	v53 =	vor.u32 s25, v6;
	[tilespmem:s25+$0x1A0F0] =	vst v18  }
0x3e0: {  	v49 =	vadd.f32 v45, v26;
	v54 =	vor.u32 s25, v7;
	v20 =	vadd.f32 v47, v46;
	v19 =	vld.idx.msk [tilespmem:v19+s14+$0x0], $0xffff  }
0x3e1: {  	v55 =	vor.u32 s25, v8;
	v22 =	vld.idx.msk [tilespmem:v50+s14+$0x0], $0xffff  }
0x3e2: {  	v56 =	vor.u32 s25, v9;
	v20 =	vadd.f32 v20, v49;
	v21 =	vld.idx.msk [tilespmem:v51+s14+$0x0], $0xffff  }
0x3e3: {  	v59 =	vor.u32 s25, v10;
	v23 =	vld.idx.msk [tilespmem:v52+s14+$0x0], $0xffff  }
0x3e4: {  	v60 =	vor.u32 s25, v11;
	v20 =	vmul.f32 $7.812500000e-03, v20;
	v24 =	vld.idx.msk [tilespmem:v53+s14+$0x0], $0xffff  }
0x3e5: {  	v62 =	vor.u32 s25, v12;
	v25 =	vld.idx.msk [tilespmem:v54+s14+$0x0], $0xffff  }
0x3e6: {  	v63 =	vor.u32 s25, v13;
	v20 =	vadd.f32 $9.999999710e-10, v20;
	v26 =	vld.idx.msk [tilespmem:v55+s14+$0x0], $0xffff  }
0x3e7: {  	v40 =	vor.u32 s25, v14;
	v27 =	vld.idx.msk [tilespmem:v56+s14+$0x0], $0xffff  }
0x3e8: {  	v41 =	vor.u32 s25, v15;
	v30 =	vld.idx.msk [tilespmem:v59+s14+$0x0], $0xffff;
	v57 =	vshrl.u32 v20, $0x1;
	v58 =	vmul.f32 $5.000000000e-01, v20  }
0x3e9: {  	v42 =	vor.u32 s25, v16;
	v31 =	vld.idx.msk [tilespmem:v60+s14+$0x0], $0xffff;
	v28 =	vsub.s32 $0x5F3759DF, v57  }
0x3ea: {  	v18 =	vor.u32 s25, v5;
	v33 =	vld.idx.msk [tilespmem:v62+s14+$0x0], $0xffff;
	v61 =	vmul.f32 v28, v58  }
0x3eb: {  	v43 =	vld.idx.msk [tilespmem:v63+s14+$0x0], $0xffff  }
0x3ec: {  	v44 =	vld.idx.msk [tilespmem:v40+s14+$0x0], $0xffff;
	v32 =	vmul.f32 v28, v61  }
0x3ed: {  	v36 =	vld.idx.msk [tilespmem:v41+s14+$0x0], $0xffff  }
0x3ee: {  	v37 =	vld.idx.msk [tilespmem:v42+s14+$0x0], $0xffff;
	v32 =	vsub.f32 $1.500000000e+00, v32  }
0x3ef: {  	v18 =	vld.idx.msk [tilespmem:v18+s14+$0x0], $0xffff  }
0x3f0: {  	v19 =	vadd.f32 v22, v19;
	v28 =	vmul.f32 v28, v32  }
0x3f1: {  	v21 =	vadd.f32 v23, v21;
	v47 =	vadd.f32 v26, v25  }
0x3f2: {  	v48 =	vadd.f32 v30, v27;
	v49 =	vadd.f32 v33, v31;
	v45 =	vmul.f32 v28, v58  }
0x3f3: {  	v50 =	vadd.f32 v44, v43;
	v51 =	vadd.f32 v37, v36  }
0x3f4: {  	v19 =	vadd.f32 v21, v19;
	v18 =	vadd.f32 v24, v18;
	v46 =	vmul.f32 v45, v28  }
0x3f5: {  	v52 =	vadd.f32 v49, v48;
	v53 =	vadd.f32 v51, v50  }
0x3f6: {  	v18 =	vadd.f32 v47, v18;
	v22 =	vsub.f32 $1.500000000e+00, v46;
	_ =	sdelay $0x1  }
0x3f7: {  	v18 =	vadd.f32 v18, v19;
	v19 =	vadd.f32 v53, v52;
	v22 =	vmul.f32 v22, v28;
	_ =	sdelay $0x1  }
0x3f8: {  	v18 =	vadd.f32 v19, v18;
	v54 =	vmul.f32 v22, v58;
	_ =	sdelay $0x1  }
0x3f9: {  	v18 =	vmul.f32 $7.812500000e-03, v18;
	v19 =	vmul.f32 v54, v22;
	_ =	sdelay $0x1  }
0x3fa: {  	v18 =	vadd.f32 $9.999999710e-10, v18;
	v19 =	vsub.f32 $1.500000000e+00, v19;
	_ =	sdelay $0x1  }
0x3fb: {  	v55 =	vshrl.u32 v18, $0x1;
	v56 =	vmul.f32 $5.000000000e-01, v18;
	v19 =	vmul.f32 v19, v22  }
0x3fc: {  	v21 =	vsub.s32 $0x5F3759DF, v55  }
0x3fd: {  	v57 =	vmul.f32 v21, v56;
	v19 =	vmul.f32 v19, v20;
	_ =	sdelay $0x1  }
0x3fe: {  	v20 =	vmul.f32 v21, v57;
	v19 =	vsub.f32 $0.0e+00, v19;
	_ =	sdelay $0x1  }
0x3ff: {  	v20 =	vsub.f32 $1.500000000e+00, v20;
	(xrf0) =	vmax.scan.msk.f32 $0xffff, v19;
	_ =	sdelay $0x1  }
0x400: {  	v20 =	vmul.f32 v21, v20;
	_ =	sdelay $0x1  }
0x401: {  	v21 =	vmul.f32 v20, v56;
	_ =	sdelay $0x1  }
0x402: {  	v21 =	vmul.f32 v21, v20;
	v58, _, _ =	vpop (xrf0)  }
0x403: {  	v23 =	vbroadcast v58, $0xF  }
0x404: {  	v21 =	vsub.f32 $1.500000000e+00, v21  }
0x405: {  	v19 =	vsub.f32 v19, v23  }
0x406: {  	v20 =	vmul.f32 v21, v20  }
0x407: {  	v19 =	vmul.f32 $1.442695020e+00, v19  }
0x408: {  	v21 =	vmul.f32 v20, v56  }
0x409: {  	(erf) = vpow2.f32 v19  }
0x40a: {  	v19 =	vmul.f32 v21, v20;
	_ =	sdelay $0x1  }
0x40b: {  	v19 =	vsub.f32 $1.500000000e+00, v19;
	_ =	sdelay $0x1  }
0x40c: {  	v19 =	vmul.f32 v19, v20;
	_ =	sdelay $0x1  }
0x40d: {  	v18 =	vmul.f32 v19, v18;
	_ =	sdelay $0x1  }
0x40e: {  	v18 =	vsub.f32 $0.0e+00, v18;
	v19 =	vpop (erf)  }
0x40f: {  	(xrf2) =	vadd.scan.msk.f32 $0xffff, v19  }
0x410: {  	(xrf0) =	vmax.scan.msk.f32 $0xffff, v18;
	_ =	sdelay $0x5  }
0x411: {  	v59, _, _ =	vpop (xrf0)  }
0x412: {  	v20 =	vbroadcast v59, $0xF;
	_ =	sdelay $0x1  }
0x413: {  	v18 =	vsub.f32 v18, v20;
	v60, _, _ =	vpop (xrf2)  }
0x414: {  	v61 =	vbroadcast v60, $0xF  }
0x415: {  	v18 =	vmul.f32 $1.442695020e+00, v18  }
0x416: {  	(erf) = vrcp.f32 v61  }
0x417: {  	(erf) = vpow2.f32 v18;
	_ =	sdelay $0x7  }
0x418: {  	v18 =	vpop (erf)  }
0x419: {  	v62 =	vpop (erf)  }
0x41a: {  	(xrf2) =	vadd.scan.msk.f32 $0xffff, v62;
	_ =	sdelay $0x9  }
0x41b: {  	v63, _, _ =	vpop (xrf2)  }
0x41c: {  	v21 =	vbroadcast v63, $0xF;
	_ =	sdelay $0x1  }
0x41d: {  	(erf) = vrcp.f32 v21;
	_ =	sdelay $0x6  }
0x41e: {  	p1 =	slt.u32 s21, $0x6  }
.Ltmp3:
0x41f: {  	_ = 	snop;
	(pc) =	sbr.rel @p1 .LBB2_5-.Ltmp3, $4  }
0x420: {  	s22 =	sshll.u32 s22, $0x4;
	v18 =	vmul.f32 v18, v19;
	v19 =	vpop (erf)  }
0x421: {  	s22 =	sand.u32 $0x3FFFFFF0, s22;
	s23 =	sshll.u32 s31, $0x4;
	v19 =	vmul.f32 v19, v62  }
0x422: {  	s31 =	sadd.s32 $0x2, s21;
	s30 =	sand.u32 $0x3FFFFFF0, s23;
	[tilespmem:s22+$0x1A800] =	vst v18  }
0x423: {  	s21 =	smov.u32 s31;
	[tilespmem:s30+$0x1A800] =	vst v19  }
.Ltmp4:
0x424: {  	(pc) =	sbr.rel @p0 .LBB2_8-.Ltmp4, $1  }
0x425: {  	_ =	sdelay $0x3  }
.Ltmp5:
0x426: {  	(pc) =	sbr.rel .LBB2_2-.Ltmp5, $4  }
0x427: {  	_ = 	snop  }
0x428: {  	s19 =	sshrl.u32 s19, $0x2  }
0x429: {  	s18 =	sadd.s32 $0x1, s18;
	s19 =	sadd.s32 $0x180, s19  }
0x42a: {  	[tilespmem:s12], [sflag:$0x2] =	stream.indirect.gather [hbm4b:s3+s10], $0x80, s19, s10, $0xb8;
	[tilespmem:$0x1C800] =	vst v63  }
.LBB2_9:
0x42b: {  	_ =	sfence.sel $0x180000  }
0x42c: {  	[bflag:$0x0] =	sbarrier.arrive $0xFFFF  }
0x42d: {  	p0 =	sne.s32 s1, $0x0;
	_ =	strace $0x90000047  }
0x42e: {  	s0 =	sadd.s32 @!p0 $0x100000, s0;
	[bflag:$0x2] =	sbarrier.arrive $0xFFFF  }
0x42f: {  	[sflag:s0] =	ssyncadd.tile.s32 @!p0 $0x1;
	_ =	shalt  }
.Lfunc_end2:
_tile_overlayer_lowered:
.L_overlay_start_2:
0x430: {  	(tag) =	ssettag $0x2  }
0x431: {  	s0 =	rddreg [dreg:$0x0];
	s2 =	stileid.u32  }
0x432: {  	s1 =	rddreg [dreg:$0x1];
	p0 =	sne.s32 s2, $0x0  }
0x433: {  	s3 =	rddreg [dreg:$0x2];
	[bflag:$0x3] =	sbarrier.arrive $0xFFFF;
	s2 =	simm.s32 @!p0 $0x1C03  }
0x434: {  	[timem:s3], [sflag:s2] =	dma.local @!p0 [hbm:s0], s1  }
0x435: {  	s0 =	simm.s32 @!p0 $0x3  }
0x436: {  	_ =	swait.ge @!p0 [sflag:s0], s1  }
0x437: {  	s1 =	ssub.s32 @!p0 $0x0, s1;
	[sflag:s0] =	ssyncset.done @!p0 $0x0  }
0x438: {  	[sflag:s0] =	ssyncadd.s32 @!p0 s1  }
0x439: {  	[bflag:$0x3] =	sbarrier.arrive $0xFFFF  }
0x43a: {  	_ =	shalt  }

</sc_bundles>
